<compile_context>
chip_gen: v7x
topology: tpu7x:2x2x1
jax: 0.10.2.dev20260603
libtpu: 0.0.44.dev20260713+nightly
codegen_flags: <defaults>
</compile_context>

<pallas_src>
import functools

import jax
import jax.numpy as jnp
import numpy as np
from jax import lax
from jax.experimental import pallas as pl
from jax.experimental.pallas import tpu as pltpu

EPS = 1e-5
KNN_K = 20
SQRT1P = np.float32(np.sqrt(np.float32(1.0 + EPS)))
CW = 128


def _lrelu(y):
    return jnp.where(y >= 0.0, y, y * 0.2)



def _knn_body(xall_ref, xt_ref, idx_ref, *, n, k, tn):
    b = pl.program_id(0)
    x_all = xall_ref[0]
    xt = xt_ref[0]
    xx_all = jnp.sum(x_all * x_all, axis=1)
    xx_t = jnp.sum(xt * xt, axis=1)
    dot = lax.dot_general(xt, x_all, (((1,), (1,)), ((), ())),
                          preferred_element_type=jnp.float32)
    dist = 2.0 * dot - xx_t[:, None] - xx_all[None, :]
    iota = lax.broadcasted_iota(jnp.int32, (tn, n), 1)

    cols = []
    for t in range(k):
        idxc = jnp.argmax(dist, axis=1).astype(jnp.int32)[:, None]
        cols.append(idxc)
        if t < k - 1:
            dist = jnp.where(iota == idxc, -jnp.inf, dist)
    idx_ref[0] = jnp.concatenate(cols, axis=1) + b * n


def _knn_layer(x, *, tn=256):
    B, N, C = x.shape
    nt = N // tn
    return pl.pallas_call(
        functools.partial(_knn_body, n=N, k=KNN_K, tn=tn),
        grid=(B, nt),
        in_specs=[
            pl.BlockSpec((1, N, C), lambda b, t: (b, 0, 0)),
            pl.BlockSpec((1, tn, C), lambda b, t: (b, t, 0)),
        ],
        out_specs=pl.BlockSpec((1, tn, KNN_K), lambda b, t: (b, t, 0)),
        out_shape=jax.ShapeDtypeStruct((B, N, KNN_K), jnp.int32),
    )(x, x)



def _sc_gather(x_pad, idx_km):
    from jax.experimental.pallas import tpu_sc as plsc

    R, _ = x_pad.shape
    E = idx_km.shape[0]
    info = plsc.get_sparse_core_info()
    NW = info.num_cores * info.num_subcores
    NC = info.num_cores
    EW = E // NW
    G = 128
    NCH = EW // G
    mesh = plsc.VectorSubcoreMesh(core_axis_name="c", subcore_axis_name="s")

    @functools.partial(
        pl.kernel, mesh=mesh,
        out_type=jax.ShapeDtypeStruct((E, CW), jnp.float32),
        scratch_types=[
            pltpu.VMEM((EW,), jnp.int32),
            pltpu.VMEM((G, CW), jnp.float32),
            pltpu.VMEM((G, CW), jnp.float32),
            pltpu.SemaphoreType.DMA,
            pltpu.SemaphoreType.DMA,
        ],
    )
    def kb(x_hbm, idx_hbm, out_hbm, idx_v, buf0, buf1, sem0, sem1):
        wid = lax.axis_index("s") * NC + lax.axis_index("c")
        base = wid * EW
        pltpu.sync_copy(idx_hbm.at[pl.ds(base, EW)], idx_v)

        def start(c, buf, sem):
            pltpu.make_async_copy(
                x_hbm.at[idx_v.at[pl.ds(c * G, G)]], buf, sem).start()

        def wait(c, buf, sem):
            pltpu.make_async_copy(
                x_hbm.at[idx_v.at[pl.ds(c * G, G)]], buf, sem).wait()

        def flush(c, buf):
            pltpu.sync_copy(buf, out_hbm.at[pl.ds(base + c * G, G)])

        start(0, buf0, sem0)
        start(1, buf1, sem1)

        def step(i, carry):
            c0 = 2 * i
            wait(c0, buf0, sem0)
            flush(c0, buf0)

            @pl.when(c0 + 2 < NCH)
            def _():
                start(c0 + 2, buf0, sem0)

            wait(c0 + 1, buf1, sem1)
            flush(c0 + 1, buf1)

            @pl.when(c0 + 3 < NCH)
            def _():
                start(c0 + 3, buf1, sem1)
            return carry

        lax.fori_loop(0, NCH // 2, step, 0)

    return kb(x_pad, idx_km)



def _edge_body(xt_ref, g_ref, w_ref, gam_ref, bet_ref, out_ref, *, k, c):
    xi = xt_ref[0]
    acc = None
    for j in range(k):
        gk = g_ref[j][:, :c]
        e = jnp.concatenate([gk - xi, xi], axis=1)
        yk = lax.dot_general(e, w_ref[...], (((1,), (1,)), ((), ())),
                             preferred_element_type=jnp.float32)
        acc = yk if acc is None else jnp.maximum(acc, yk)
    y = acc / SQRT1P * gam_ref[...] + bet_ref[...]
    out_ref[0] = _lrelu(y)


def _edge_conv(x, gathered, W, gam, bet, *, tn=256):
    B, N, C = x.shape
    CO = W.shape[0]
    nt = N // tn
    return pl.pallas_call(
        functools.partial(_edge_body, k=KNN_K, c=C),
        grid=(B, nt),
        in_specs=[
            pl.BlockSpec((1, tn, C), lambda b, t: (b, t, 0)),
            pl.BlockSpec((KNN_K, tn, CW), lambda b, t, _nt=nt: (0, b * _nt + t, 0)),
            pl.BlockSpec((CO, 2 * C), lambda b, t: (0, 0)),
            pl.BlockSpec((1, CO), lambda b, t: (0, 0)),
            pl.BlockSpec((1, CO), lambda b, t: (0, 0)),
        ],
        out_specs=pl.BlockSpec((1, tn, CO), lambda b, t: (b, t, 0)),
        out_shape=jax.ShapeDtypeStruct((B, N, CO), jnp.float32),
    )(x, gathered, W, gam.reshape(1, CO), bet.reshape(1, CO))


def _edge_layer(x, W, gam, bet):
    B, N, C = x.shape
    idx = _knn_layer(x)
    idx_km = jnp.transpose(idx, (2, 0, 1)).reshape(-1)
    x_pad = jnp.pad(x.reshape(B * N, C), ((0, 0), (0, CW - C)))
    gathered = _sc_gather(x_pad, idx_km)
    return _edge_conv(x, gathered.reshape(KNN_K, B * N, CW), W, gam, bet)



def _head_body(xc_ref, w5_ref, g5_ref, b5_ref, wemb_ref, out_ref, p_scr, *, nt):
    t = pl.program_id(1)
    y = lax.dot_general(xc_ref[0], w5_ref[...], (((1,), (1,)), ((), ())),
                        preferred_element_type=jnp.float32)
    tmax = jnp.max(y, axis=0, keepdims=True)

    @pl.when(t == 0)
    def _():
        p_scr[...] = tmax

    @pl.when(t > 0)
    def _():
        p_scr[...] = jnp.maximum(p_scr[...], tmax)

    @pl.when(t == nt - 1)
    def _():
        act = _lrelu(p_scr[...] / SQRT1P * g5_ref[...] + b5_ref[...])
        out_ref[0] = lax.dot_general(act, wemb_ref[...],
                                     (((1,), (1,)), ((), ())),
                                     preferred_element_type=jnp.float32)


def _head(x_cat, W5, g5, b5, Wemb, *, tn=512):
    B, N, CAT = x_cat.shape
    F5 = W5.shape[0]
    NF = Wemb.shape[0]
    nt = N // tn
    return pl.pallas_call(
        functools.partial(_head_body, nt=nt),
        grid=(B, nt),
        in_specs=[
            pl.BlockSpec((1, tn, CAT), lambda b, t: (b, t, 0)),
            pl.BlockSpec((F5, CAT), lambda b, t: (0, 0)),
            pl.BlockSpec((1, F5), lambda b, t: (0, 0)),
            pl.BlockSpec((1, F5), lambda b, t: (0, 0)),
            pl.BlockSpec((NF, F5), lambda b, t: (0, 0)),
        ],
        out_specs=pl.BlockSpec((1, 1, NF), lambda b, t: (b, 0, 0)),
        out_shape=jax.ShapeDtypeStruct((B, 1, NF), jnp.float32),
        scratch_shapes=[pltpu.VMEM((1, F5), jnp.float32)],
    )(x_cat, W5, g5.reshape(1, F5), b5.reshape(1, F5), Wemb).reshape(B, NF)



def kernel(x, W1, W2, W3, W4, W5, g1, b1, g2, b2, g3, b3, g4, b4, g5, b5, Wemb):
    B = x.shape[0]
    cats = []
    for b in range(B):
        xb = x[b:b + 1]
        x1 = _edge_layer(xb, W1, g1, b1)
        x2 = _edge_layer(x1, W2, g2, b2)
        x3 = _edge_layer(x2, W3, g3, b3)
        x4 = _edge_layer(x3, W4, g4, b4)
        cats.append(jnp.concatenate([x1, x2, x3, x4], axis=-1))
    x_cat = jnp.concatenate(cats, axis=0)
    return _head(x_cat, W5, g5, b5, Wemb)

# --- scband reference (transcript-rebuilt; emitter-appended) ---
"""Pipeline reference for scband-dgcnn-52347061404124 (READ-ONLY COPY).

The authoritative reference and input builder live on the scoring server;
editing this copy changes nothing except your own understanding.
"""

import jax, jax.numpy as jnp
import numpy as np

EPS = 1e-5
K = 20


def knn(x, k):
    # x: [B, C, N]
    inner = -2.0 * jnp.einsum('bcn,bcm->bnm', x, x)
    xx = jnp.sum(x * x, axis=1)  # [B, N]
    pairwise = -xx[:, :, None] - inner - xx[:, None, :]
    _, idx = jax.lax.top_k(pairwise, k)  # [B, N, k]
    return idx


def get_graph_feature(x, k):
    # x: [B, C, N] -> [B, 2C, N, k]
    B, C, N = x.shape
    idx = knn(x, k)
    x_t = jnp.transpose(x, (0, 2, 1))  # [B, N, C]
    b = jnp.arange(B)[:, None, None]
    feature = x_t[b, idx]  # [B, N, k, C]
    xc = jnp.broadcast_to(x_t[:, :, None, :], (B, N, k, C))
    feature = jnp.concatenate([feature - xc, xc], axis=-1)  # [B, N, k, 2C]
    return jnp.transpose(feature, (0, 3, 1, 2))


def conv_block2d(x, W, g, b):
    # 1x1 Conv2d (no bias) + BatchNorm2d(eval, running mean 0 / var 1) + LeakyReLU(0.2)
    y = jnp.einsum('oc,bcnk->bonk', W, x)
    y = y / jnp.sqrt(1.0 + EPS) * g[None, :, None, None] + b[None, :, None, None]
    return jax.nn.leaky_relu(y, negative_slope=0.2)


def conv_block1d(x, W, g, b):
    y = jnp.einsum('oc,bcn->bon', W, x)
    y = y / jnp.sqrt(1.0 + EPS) * g[None, :, None] + b[None, :, None]
    return jax.nn.leaky_relu(y, negative_slope=0.2)


def setup_inputs(seed: int = 0) -> dict:
    key = jax.random.key(seed)
    ks = jax.random.split(key, 8)
    B, N = 2, 4096
    hidden = [64, 64, 64, 64]
    x = jax.random.normal(ks[0], (B, N, 3), dtype=jnp.float32)
    W1 = jax.random.normal(ks[1], (hidden[0], 2 * 3), dtype=jnp.float32) / np.sqrt(6.0)
    W2 = jax.random.normal(ks[2], (hidden[1], 2 * hidden[0]), dtype=jnp.float32) / np.sqrt(2.0 * hidden[0])
    W3 = jax.random.normal(ks[3], (hidden[2], 2 * hidden[1]), dtype=jnp.float32) / np.sqrt(2.0 * hidden[1])
    W4 = jax.random.normal(ks[4], (hidden[3], 2 * hidden[2]), dtype=jnp.float32) / np.sqrt(2.0 * hidden[2])
    cat_ch = sum(hidden)
    W5 = jax.random.normal(ks[5], (512, cat_ch), dtype=jnp.float32) / np.sqrt(cat_ch)
    Wemb = jax.random.normal(ks[6], (128, 512), dtype=jnp.float32) / np.sqrt(512.0)
    g1 = jnp.ones((hidden[0],), jnp.float32); b1 = jnp.zeros((hidden[0],), jnp.float32)
    g2 = jnp.ones((hidden[1],), jnp.float32); b2 = jnp.zeros((hidden[1],), jnp.float32)
    g3 = jnp.ones((hidden[2],), jnp.float32); b3 = jnp.zeros((hidden[2],), jnp.float32)
    g4 = jnp.ones((hidden[3],), jnp.float32); b4 = jnp.zeros((hidden[3],), jnp.float32)
    g5 = jnp.ones((512,), jnp.float32); b5 = jnp.zeros((512,), jnp.float32)
    return {'x': x, 'W1': W1, 'W2': W2, 'W3': W3, 'W4': W4, 'W5': W5,
            'g1': g1, 'b1': b1, 'g2': g2, 'b2': b2, 'g3': g3, 'b3': b3,
            'g4': g4, 'b4': b4, 'g5': g5, 'b5': b5, 'Wemb': Wemb}


def reference(x, W1, W2, W3, W4, W5, g1, b1, g2, b2, g3, b3, g4, b4, g5, b5, Wemb):
    # x: [B, N, 3]
    xc = jnp.transpose(x, (0, 2, 1))  # [B, 3, N]
    f = get_graph_feature(xc, K)
    x1 = jnp.max(conv_block2d(f, W1, g1, b1), axis=-1)
    f = get_graph_feature(x1, K)
    x2 = jnp.max(conv_block2d(f, W2, g2, b2), axis=-1)
    f = get_graph_feature(x2, K)
    x3 = jnp.max(conv_block2d(f, W3, g3, b3), axis=-1)
    f = get_graph_feature(x3, K)
    x4 = jnp.max(conv_block2d(f, W4, g4, b4), axis=-1)
    cat = jnp.concatenate([x1, x2, x3, x4], axis=1)  # [B, 256, N]
    x0 = conv_block1d(cat, W5, g5, b5)  # [B, 512, N]
    pooled = jnp.max(x0, axis=-1)  # [B, 512]
    features = pooled @ Wemb.T  # Linear(512 -> num_features), no bias
    return features

if __name__ == "__main__":
    import jax
    _d = setup_inputs()
    print(jax.jit(kernel)(*tuple(_d.values())))

</pallas_src>

<mosaic_0001>
#map = affine_map<(d0, d1) -> (0, 0)>
#map1 = affine_map<(d0, d1) -> (0)>
module attributes {stable_mosaic.version = 14 : i64} {
  func.func @kb(%arg0: i32, %arg1: i32, %arg2: memref<4096x128xf32, #tpu.memory_space<hbm>>, %arg3: memref<81920xi32, #tpu.memory_space<hbm>>, %arg4: memref<81920x128xf32, #tpu.memory_space<hbm>>, %arg5: memref<2560xi32, #tpu.memory_space<vmem>>, %arg6: memref<128x128xf32, #tpu.memory_space<vmem>>, %arg7: memref<128x128xf32, #tpu.memory_space<vmem>>, %arg8: memref<!tpu.dma_semaphore, #tpu.memory_space<semaphore_mem>>, %arg9: memref<!tpu.dma_semaphore, #tpu.memory_space<semaphore_mem>>) attributes {dimension_semantics = [#tpu.dimension_semantics<core_parallel>, #tpu.dimension_semantics<subcore_parallel>], iteration_bounds = array<i64: 2, 16>, scalar_prefetch = 0 : i64, scratch_operands = 5 : i64, tpu.core_type = #tpu.core_type<sc_vector_subcore>, window_params = [{transform_indices = #map}, {transform_indices = #map1}, {transform_indices = #map}]} {
    %mul3A = arith.constant 2 : i32
    %mul3A_0 = arith.muli %arg1, %mul3A : i32
    %add3A = arith.addi %mul3A_0, %arg0 : i32
    %mul3A_1 = arith.constant 2560 : i32
    %mul3A_2 = arith.muli %add3A, %mul3A_1 : i32
    "tpu.region"() ({
      %run_scoped3A = tpu.sem_alloc : memref<!tpu.dma_semaphore, #tpu.memory_space<semaphore_mem>>
      %dma_start3A_17 = tpu.memref_slice %arg3[%mul3A_2] : memref<81920xi32, #tpu.memory_space<hbm>> -> memref<2560xi32, #tpu.memory_space<hbm>>
      %dma_start3A_18 = tpu.memref_slice %arg3[%mul3A_2] : memref<81920xi32, #tpu.memory_space<hbm>> -> memref<2560xi32, #tpu.memory_space<hbm>>
      tpu.enqueue_dma source(%dma_start3A_18 : memref<2560xi32, #tpu.memory_space<hbm>>) target(%arg5 : memref<2560xi32, #tpu.memory_space<vmem>>) target_semaphore(%run_scoped3A : memref<!tpu.dma_semaphore, #tpu.memory_space<semaphore_mem>>)
      %dma_wait3A = tpu.memref_slice %arg3[%mul3A_2] : memref<81920xi32, #tpu.memory_space<hbm>> -> memref<2560xi32, #tpu.memory_space<hbm>>
      %dma_wait3A_19 = tpu.memref_slice %arg3[%mul3A_2] : memref<81920xi32, #tpu.memory_space<hbm>> -> memref<2560xi32, #tpu.memory_space<hbm>>
      tpu.wait_dma2 semaphore(%run_scoped3A : memref<!tpu.dma_semaphore, #tpu.memory_space<semaphore_mem>>) src(%dma_wait3A_19 : memref<2560xi32, #tpu.memory_space<hbm>>) dst(%arg5 : memref<2560xi32, #tpu.memory_space<vmem>>)
      tpu.yield
    }) : () -> ()
    %dma_start3A = arith.constant 0 : i32
    %dma_start3A_3 = tpu.memref_slice %arg5[%dma_start3A] : memref<2560xi32, #tpu.memory_space<vmem>> -> memref<128xi32, #tpu.memory_space<vmem>>
    %dma_start3A_4 = arith.constant 0 : i32
    %dma_start3A_5 = arith.constant 0 : i32
    %dma_start3A_6 = tpu.memref_slice %arg2[%dma_start3A_4, %dma_start3A_5] : memref<4096x128xf32, #tpu.memory_space<hbm>> -> memref<4096x128xf32, #tpu.memory_space<hbm>>
    tpu.enqueue_indirect_dma source(%dma_start3A_6 : memref<4096x128xf32, #tpu.memory_space<hbm>>) target(%arg6 : memref<128x128xf32, #tpu.memory_space<vmem>>) offsets(%dma_start3A_3 : memref<128xi32, #tpu.memory_space<vmem>>) semaphore(%arg8 : memref<!tpu.dma_semaphore, #tpu.memory_space<semaphore_mem>>)
    %dma_start3A_7 = arith.constant 128 : i32
    %dma_start3A_8 = tpu.memref_slice %arg5[%dma_start3A_7] : memref<2560xi32, #tpu.memory_space<vmem>> -> memref<128xi32, #tpu.memory_space<vmem>>
    %dma_start3A_9 = arith.constant 0 : i32
    %dma_start3A_10 = arith.constant 0 : i32
    %dma_start3A_11 = tpu.memref_slice %arg2[%dma_start3A_9, %dma_start3A_10] : memref<4096x128xf32, #tpu.memory_space<hbm>> -> memref<4096x128xf32, #tpu.memory_space<hbm>>
    tpu.enqueue_indirect_dma source(%dma_start3A_11 : memref<4096x128xf32, #tpu.memory_space<hbm>>) target(%arg7 : memref<128x128xf32, #tpu.memory_space<vmem>>) offsets(%dma_start3A_8 : memref<128xi32, #tpu.memory_space<vmem>>) semaphore(%arg9 : memref<!tpu.dma_semaphore, #tpu.memory_space<semaphore_mem>>)
    %scan3A = arith.constant 0 : i32
    %scan3A_12 = arith.constant 0 : i32
    %scan3A_13 = arith.constant 10 : i32
    %scan3A_14 = arith.addi %scan3A_12, %scan3A_13 : i32
    %scan3A_15 = arith.constant 1 : i32
    scf.for %scan3A_17 = %scan3A_12 to %scan3A_14 step %scan3A_15  : i32 {
      %mul3A_18 = arith.constant 2 : i32
      %mul3A_19 = arith.muli %mul3A_18, %scan3A_17 : i32
      %mul3A_20 = arith.constant 128 : i32
      %mul3A_21 = arith.muli %mul3A_19, %mul3A_20 : i32
      %dma_wait3A = tpu.memref_slice %arg5[%mul3A_21] : memref<2560xi32, #tpu.memory_space<vmem>> -> memref<128xi32, #tpu.memory_space<vmem>>
      %dma_wait3A_22 = arith.constant 0 : i32
      %dma_wait3A_23 = arith.constant 0 : i32
      %dma_wait3A_24 = tpu.memref_slice %arg2[%dma_wait3A_22, %dma_wait3A_23] : memref<4096x128xf32, #tpu.memory_space<hbm>> -> memref<4096x128xf32, #tpu.memory_space<hbm>>
      tpu.wait_indirect_dma semaphore(%arg8 : memref<!tpu.dma_semaphore, #tpu.memory_space<semaphore_mem>>) src(%dma_wait3A_24 : memref<4096x128xf32, #tpu.memory_space<hbm>>) dst(%arg6 : memref<128x128xf32, #tpu.memory_space<vmem>>)
      %mul3A_25 = arith.constant 128 : i32
      %mul3A_26 = arith.muli %mul3A_19, %mul3A_25 : i32
      %add3A_27 = arith.addi %mul3A_2, %mul3A_26 : i32
      "tpu.region"() ({
        %run_scoped3A = tpu.sem_alloc : memref<!tpu.dma_semaphore, #tpu.memory_space<semaphore_mem>>
        %dma_start3A_52 = arith.constant 0 : i32
        %dma_start3A_53 = tpu.memref_slice %arg4[%add3A_27, %dma_start3A_52] : memref<81920x128xf32, #tpu.memory_space<hbm>> -> memref<128x128xf32, #tpu.memory_space<hbm>>
        %dma_start3A_54 = arith.constant 0 : i32
        %dma_start3A_55 = tpu.memref_slice %arg4[%add3A_27, %dma_start3A_54] : memref<81920x128xf32, #tpu.memory_space<hbm>> -> memref<128x128xf32, #tpu.memory_space<hbm>>
        tpu.enqueue_dma source(%arg6 : memref<128x128xf32, #tpu.memory_space<vmem>>) target(%dma_start3A_55 : memref<128x128xf32, #tpu.memory_space<hbm>>) target_semaphore(%run_scoped3A : memref<!tpu.dma_semaphore, #tpu.memory_space<semaphore_mem>>)
        %dma_wait3A_56 = arith.constant 0 : i32
        %dma_wait3A_57 = tpu.memref_slice %arg4[%add3A_27, %dma_wait3A_56] : memref<81920x128xf32, #tpu.memory_space<hbm>> -> memref<128x128xf32, #tpu.memory_space<hbm>>
        %dma_wait3A_58 = arith.constant 0 : i32
        %dma_wait3A_59 = tpu.memref_slice %arg4[%add3A_27, %dma_wait3A_58] : memref<81920x128xf32, #tpu.memory_space<hbm>> -> memref<128x128xf32, #tpu.memory_space<hbm>>
        tpu.wait_dma2 semaphore(%run_scoped3A : memref<!tpu.dma_semaphore, #tpu.memory_space<semaphore_mem>>) src(%arg6 : memref<128x128xf32, #tpu.memory_space<vmem>>) dst(%dma_wait3A_59 : memref<128x128xf32, #tpu.memory_space<hbm>>)
        tpu.yield
      }) : () -> ()
      %add3A_28 = arith.constant 2 : i32
      %add3A_29 = arith.addi %mul3A_19, %add3A_28 : i32
      %lt3A = arith.constant 20 : i32
      %lt3A_30 = arith.cmpi slt, %add3A_29, %lt3A : i32
      %convert_element_type3A = arith.extui %lt3A_30 : i1 to i32
      %cond3A = arith.constant 0 : i32
      %cond3A_31 = arith.cmpi ne, %convert_element_type3A, %cond3A : i32
      scf.if %cond3A_31 {
        %add3A_52 = arith.constant 2 : i32
        %add3A_53 = arith.addi %mul3A_19, %add3A_52 : i32
        %mul3A_54 = arith.constant 128 : i32
        %mul3A_55 = arith.muli %add3A_53, %mul3A_54 : i32
        %dma_start3A_56 = tpu.memref_slice %arg5[%mul3A_55] : memref<2560xi32, #tpu.memory_space<vmem>> -> memref<128xi32, #tpu.memory_space<vmem>>
        %dma_start3A_57 = arith.constant 0 : i32
        %dma_start3A_58 = arith.constant 0 : i32
        %dma_start3A_59 = tpu.memref_slice %arg2[%dma_start3A_57, %dma_start3A_58] : memref<4096x128xf32, #tpu.memory_space<hbm>> -> memref<4096x128xf32, #tpu.memory_space<hbm>>
        tpu.enqueue_indirect_dma source(%dma_start3A_59 : memref<4096x128xf32, #tpu.memory_space<hbm>>) target(%arg6 : memref<128x128xf32, #tpu.memory_space<vmem>>) offsets(%dma_start3A_56 : memref<128xi32, #tpu.memory_space<vmem>>) semaphore(%arg8 : memref<!tpu.dma_semaphore, #tpu.memory_space<semaphore_mem>>)
      } else {
      }
      %add3A_32 = arith.constant 1 : i32
      %add3A_33 = arith.addi %mul3A_19, %add3A_32 : i32
      %mul3A_34 = arith.constant 128 : i32
      %mul3A_35 = arith.muli %add3A_33, %mul3A_34 : i32
      %dma_wait3A_36 = tpu.memref_slice %arg5[%mul3A_35] : memref<2560xi32, #tpu.memory_space<vmem>> -> memref<128xi32, #tpu.memory_space<vmem>>
      %dma_wait3A_37 = arith.constant 0 : i32
      %dma_wait3A_38 = arith.constant 0 : i32
      %dma_wait3A_39 = tpu.memref_slice %arg2[%dma_wait3A_37, %dma_wait3A_38] : memref<4096x128xf32, #tpu.memory_space<hbm>> -> memref<4096x128xf32, #tpu.memory_space<hbm>>
      tpu.wait_indirect_dma semaphore(%arg9 : memref<!tpu.dma_semaphore, #tpu.memory_space<semaphore_mem>>) src(%dma_wait3A_39 : memref<4096x128xf32, #tpu.memory_space<hbm>>) dst(%arg7 : memref<128x128xf32, #tpu.memory_space<vmem>>)
      %add3A_40 = arith.constant 1 : i32
      %add3A_41 = arith.addi %mul3A_19, %add3A_40 : i32
      %mul3A_42 = arith.constant 128 : i32
      %mul3A_43 = arith.muli %add3A_41, %mul3A_42 : i32
      %add3A_44 = arith.addi %mul3A_2, %mul3A_43 : i32
      "tpu.region"() ({
        %run_scoped3A = tpu.sem_alloc : memref<!tpu.dma_semaphore, #tpu.memory_space<semaphore_mem>>
        %dma_start3A_52 = arith.constant 0 : i32
        %dma_start3A_53 = tpu.memref_slice %arg4[%add3A_44, %dma_start3A_52] : memref<81920x128xf32, #tpu.memory_space<hbm>> -> memref<128x128xf32, #tpu.memory_space<hbm>>
        %dma_start3A_54 = arith.constant 0 : i32
        %dma_start3A_55 = tpu.memref_slice %arg4[%add3A_44, %dma_start3A_54] : memref<81920x128xf32, #tpu.memory_space<hbm>> -> memref<128x128xf32, #tpu.memory_space<hbm>>
        tpu.enqueue_dma source(%arg7 : memref<128x128xf32, #tpu.memory_space<vmem>>) target(%dma_start3A_55 : memref<128x128xf32, #tpu.memory_space<hbm>>) target_semaphore(%run_scoped3A : memref<!tpu.dma_semaphore, #tpu.memory_space<semaphore_mem>>)
        %dma_wait3A_56 = arith.constant 0 : i32
        %dma_wait3A_57 = tpu.memref_slice %arg4[%add3A_44, %dma_wait3A_56] : memref<81920x128xf32, #tpu.memory_space<hbm>> -> memref<128x128xf32, #tpu.memory_space<hbm>>
        %dma_wait3A_58 = arith.constant 0 : i32
        %dma_wait3A_59 = tpu.memref_slice %arg4[%add3A_44, %dma_wait3A_58] : memref<81920x128xf32, #tpu.memory_space<hbm>> -> memref<128x128xf32, #tpu.memory_space<hbm>>
        tpu.wait_dma2 semaphore(%run_scoped3A : memref<!tpu.dma_semaphore, #tpu.memory_space<semaphore_mem>>) src(%arg7 : memref<128x128xf32, #tpu.memory_space<vmem>>) dst(%dma_wait3A_59 : memref<128x128xf32, #tpu.memory_space<hbm>>)
        tpu.yield
      }) : () -> ()
      %add3A_45 = arith.constant 3 : i32
      %add3A_46 = arith.addi %mul3A_19, %add3A_45 : i32
      %lt3A_47 = arith.constant 20 : i32
      %lt3A_48 = arith.cmpi slt, %add3A_46, %lt3A_47 : i32
      %convert_element_type3A_49 = arith.extui %lt3A_48 : i1 to i32
      %cond3A_50 = arith.constant 0 : i32
      %cond3A_51 = arith.cmpi ne, %convert_element_type3A_49, %cond3A_50 : i32
      scf.if %cond3A_51 {
        %add3A_52 = arith.constant 3 : i32
        %add3A_53 = arith.addi %mul3A_19, %add3A_52 : i32
        %mul3A_54 = arith.constant 128 : i32
        %mul3A_55 = arith.muli %add3A_53, %mul3A_54 : i32
        %dma_start3A_56 = tpu.memref_slice %arg5[%mul3A_55] : memref<2560xi32, #tpu.memory_space<vmem>> -> memref<128xi32, #tpu.memory_space<vmem>>
        %dma_start3A_57 = arith.constant 0 : i32
        %dma_start3A_58 = arith.constant 0 : i32
        %dma_start3A_59 = tpu.memref_slice %arg2[%dma_start3A_57, %dma_start3A_58] : memref<4096x128xf32, #tpu.memory_space<hbm>> -> memref<4096x128xf32, #tpu.memory_space<hbm>>
        tpu.enqueue_indirect_dma source(%dma_start3A_59 : memref<4096x128xf32, #tpu.memory_space<hbm>>) target(%arg7 : memref<128x128xf32, #tpu.memory_space<vmem>>) offsets(%dma_start3A_56 : memref<128xi32, #tpu.memory_space<vmem>>) semaphore(%arg9 : memref<!tpu.dma_semaphore, #tpu.memory_space<semaphore_mem>>)
      } else {
      }
    }
    %scan3A_16 = arith.constant 10 : i32
    return
  }
}

#map = affine_map<(d0, d1) -> (0, 0)>
#map1 = affine_map<(d0, d1) -> (0)>
module attributes {stable_mosaic.version = 14 : i64} {
  func.func @kb(%arg0: i32, %arg1: i32, %arg2: memref<4096x128xf32, #tpu.memory_space<hbm>>, %arg3: memref<81920xi32, #tpu.memory_space<hbm>>, %arg4: memref<81920x128xf32, #tpu.memory_space<hbm>>, %arg5: memref<2560xi32, #tpu.memory_space<vmem>>, %arg6: memref<128x128xf32, #tpu.memory_space<vmem>>, %arg7: memref<128x128xf32, #tpu.memory_space<vmem>>, %arg8: memref<!tpu.dma_semaphore, #tpu.memory_space<semaphore_mem>>, %arg9: memref<!tpu.dma_semaphore, #tpu.memory_space<semaphore_mem>>) attributes {dimension_semantics = [#tpu.dimension_semantics<core_parallel>, #tpu.dimension_semantics<subcore_parallel>], iteration_bounds = array<i64: 2, 16>, scalar_prefetch = 0 : i64, scratch_operands = 5 : i64, tpu.core_type = #tpu.core_type<sc_vector_subcore>, window_params = [{transform_indices = #map}, {transform_indices = #map1}, {transform_indices = #map}]} {
    %mul3A = arith.constant 2 : i32
    %mul3A_0 = arith.muli %arg1, %mul3A : i32
    %add3A = arith.addi %mul3A_0, %arg0 : i32
    %mul3A_1 = arith.constant 2560 : i32
    %mul3A_2 = arith.muli %add3A, %mul3A_1 : i32
    "tpu.region"() ({
      %run_scoped3A = tpu.sem_alloc : memref<!tpu.dma_semaphore, #tpu.memory_space<semaphore_mem>>
      %dma_start3A_17 = tpu.memref_slice %arg3[%mul3A_2] : memref<81920xi32, #tpu.memory_space<hbm>> -> memref<2560xi32, #tpu.memory_space<hbm>>
      %dma_start3A_18 = tpu.memref_slice %arg3[%mul3A_2] : memref<81920xi32, #tpu.memory_space<hbm>> -> memref<2560xi32, #tpu.memory_space<hbm>>
      tpu.enqueue_dma source(%dma_start3A_18 : memref<2560xi32, #tpu.memory_space<hbm>>) target(%arg5 : memref<2560xi32, #tpu.memory_space<vmem>>) target_semaphore(%run_scoped3A : memref<!tpu.dma_semaphore, #tpu.memory_space<semaphore_mem>>)
      %dma_wait3A = tpu.memref_slice %arg3[%mul3A_2] : memref<81920xi32, #tpu.memory_space<hbm>> -> memref<2560xi32, #tpu.memory_space<hbm>>
      %dma_wait3A_19 = tpu.memref_slice %arg3[%mul3A_2] : memref<81920xi32, #tpu.memory_space<hbm>> -> memref<2560xi32, #tpu.memory_space<hbm>>
      tpu.wait_dma2 semaphore(%run_scoped3A : memref<!tpu.dma_semaphore, #tpu.memory_space<semaphore_mem>>) src(%dma_wait3A_19 : memref<2560xi32, #tpu.memory_space<hbm>>) dst(%arg5 : memref<2560xi32, #tpu.memory_space<vmem>>)
      tpu.yield
    }) : () -> ()
    %dma_start3A = arith.constant 0 : i32
    %dma_start3A_3 = tpu.memref_slice %arg5[%dma_start3A] : memref<2560xi32, #tpu.memory_space<vmem>> -> memref<128xi32, #tpu.memory_space<vmem>>
    %dma_start3A_4 = arith.constant 0 : i32
    %dma_start3A_5 = arith.constant 0 : i32
    %dma_start3A_6 = tpu.memref_slice %arg2[%dma_start3A_4, %dma_start3A_5] : memref<4096x128xf32, #tpu.memory_space<hbm>> -> memref<4096x128xf32, #tpu.memory_space<hbm>>
    tpu.enqueue_indirect_dma source(%dma_start3A_6 : memref<4096x128xf32, #tpu.memory_space<hbm>>) target(%arg6 : memref<128x128xf32, #tpu.memory_space<vmem>>) offsets(%dma_start3A_3 : memref<128xi32, #tpu.memory_space<vmem>>) semaphore(%arg8 : memref<!tpu.dma_semaphore, #tpu.memory_space<semaphore_mem>>)
    %dma_start3A_7 = arith.constant 128 : i32
    %dma_start3A_8 = tpu.memref_slice %arg5[%dma_start3A_7] : memref<2560xi32, #tpu.memory_space<vmem>> -> memref<128xi32, #tpu.memory_space<vmem>>
    %dma_start3A_9 = arith.constant 0 : i32
    %dma_start3A_10 = arith.constant 0 : i32
    %dma_start3A_11 = tpu.memref_slice %arg2[%dma_start3A_9, %dma_start3A_10] : memref<4096x128xf32, #tpu.memory_space<hbm>> -> memref<4096x128xf32, #tpu.memory_space<hbm>>
    tpu.enqueue_indirect_dma source(%dma_start3A_11 : memref<4096x128xf32, #tpu.memory_space<hbm>>) target(%arg7 : memref<128x128xf32, #tpu.memory_space<vmem>>) offsets(%dma_start3A_8 : memref<128xi32, #tpu.memory_space<vmem>>) semaphore(%arg9 : memref<!tpu.dma_semaphore, #tpu.memory_space<semaphore_mem>>)
    %scan3A = arith.constant 0 : i32
    %scan3A_12 = arith.constant 0 : i32
    %scan3A_13 = arith.constant 10 : i32
    %scan3A_14 = arith.addi %scan3A_12, %scan3A_13 : i32
    %scan3A_15 = arith.constant 1 : i32
    scf.for %scan3A_17 = %scan3A_12 to %scan3A_14 step %scan3A_15  : i32 {
      %mul3A_18 = arith.constant 2 : i32
      %mul3A_19 = arith.muli %mul3A_18, %scan3A_17 : i32
      %mul3A_20 = arith.constant 128 : i32
      %mul3A_21 = arith.muli %mul3A_19, %mul3A_20 : i32
      %dma_wait3A = tpu.memref_slice %arg5[%mul3A_21] : memref<2560xi32, #tpu.memory_space<vmem>> -> memref<128xi32, #tpu.memory_space<vmem>>
      %dma_wait3A_22 = arith.constant 0 : i32
      %dma_wait3A_23 = arith.constant 0 : i32
      %dma_wait3A_24 = tpu.memref_slice %arg2[%dma_wait3A_22, %dma_wait3A_23] : memref<4096x128xf32, #tpu.memory_space<hbm>> -> memref<4096x128xf32, #tpu.memory_space<hbm>>
      tpu.wait_indirect_dma semaphore(%arg8 : memref<!tpu.dma_semaphore, #tpu.memory_space<semaphore_mem>>) src(%dma_wait3A_24 : memref<4096x128xf32, #tpu.memory_space<hbm>>) dst(%arg6 : memref<128x128xf32, #tpu.memory_space<vmem>>)
      %mul3A_25 = arith.constant 128 : i32
      %mul3A_26 = arith.muli %mul3A_19, %mul3A_25 : i32
      %add3A_27 = arith.addi %mul3A_2, %mul3A_26 : i32
      "tpu.region"() ({
        %run_scoped3A = tpu.sem_alloc : memref<!tpu.dma_semaphore, #tpu.memory_space<semaphore_mem>>
        %dma_start3A_52 = arith.constant 0 : i32
        %dma_start3A_53 = tpu.memref_slice %arg4[%add3A_27, %dma_start3A_52] : memref<81920x128xf32, #tpu.memory_space<hbm>> -> memref<128x128xf32, #tpu.memory_space<hbm>>
        %dma_start3A_54 = arith.constant 0 : i32
        %dma_start3A_55 = tpu.memref_slice %arg4[%add3A_27, %dma_start3A_54] : memref<81920x128xf32, #tpu.memory_space<hbm>> -> memref<128x128xf32, #tpu.memory_space<hbm>>
        tpu.enqueue_dma source(%arg6 : memref<128x128xf32, #tpu.memory_space<vmem>>) target(%dma_start3A_55 : memref<128x128xf32, #tpu.memory_space<hbm>>) target_semaphore(%run_scoped3A : memref<!tpu.dma_semaphore, #tpu.memory_space<semaphore_mem>>)
        %dma_wait3A_56 = arith.constant 0 : i32
        %dma_wait3A_57 = tpu.memref_slice %arg4[%add3A_27, %dma_wait3A_56] : memref<81920x128xf32, #tpu.memory_space<hbm>> -> memref<128x128xf32, #tpu.memory_space<hbm>>
        %dma_wait3A_58 = arith.constant 0 : i32
        %dma_wait3A_59 = tpu.memref_slice %arg4[%add3A_27, %dma_wait3A_58] : memref<81920x128xf32, #tpu.memory_space<hbm>> -> memref<128x128xf32, #tpu.memory_space<hbm>>
        tpu.wait_dma2 semaphore(%run_scoped3A : memref<!tpu.dma_semaphore, #tpu.memory_space<semaphore_mem>>) src(%arg6 : memref<128x128xf32, #tpu.memory_space<vmem>>) dst(%dma_wait3A_59 : memref<128x128xf32, #tpu.memory_space<hbm>>)
        tpu.yield
      }) : () -> ()
      %add3A_28 = arith.constant 2 : i32
      %add3A_29 = arith.addi %mul3A_19, %add3A_28 : i32
      %lt3A = arith.constant 20 : i32
      %lt3A_30 = arith.cmpi slt, %add3A_29, %lt3A : i32
      %convert_element_type3A = arith.extui %lt3A_30 : i1 to i32
      %cond3A = arith.constant 0 : i32
      %cond3A_31 = arith.cmpi ne, %convert_element_type3A, %cond3A : i32
      scf.if %cond3A_31 {
        %add3A_52 = arith.constant 2 : i32
        %add3A_53 = arith.addi %mul3A_19, %add3A_52 : i32
        %mul3A_54 = arith.constant 128 : i32
        %mul3A_55 = arith.muli %add3A_53, %mul3A_54 : i32
        %dma_start3A_56 = tpu.memref_slice %arg5[%mul3A_55] : memref<2560xi32, #tpu.memory_space<vmem>> -> memref<128xi32, #tpu.memory_space<vmem>>
        %dma_start3A_57 = arith.constant 0 : i32
        %dma_start3A_58 = arith.constant 0 : i32
        %dma_start3A_59 = tpu.memref_slice %arg2[%dma_start3A_57, %dma_start3A_58] : memref<4096x128xf32, #tpu.memory_space<hbm>> -> memref<4096x128xf32, #tpu.memory_space<hbm>>
        tpu.enqueue_indirect_dma source(%dma_start3A_59 : memref<4096x128xf32, #tpu.memory_space<hbm>>) target(%arg6 : memref<128x128xf32, #tpu.memory_space<vmem>>) offsets(%dma_start3A_56 : memref<128xi32, #tpu.memory_space<vmem>>) semaphore(%arg8 : memref<!tpu.dma_semaphore, #tpu.memory_space<semaphore_mem>>)
      } else {
      }
      %add3A_32 = arith.constant 1 : i32
      %add3A_33 = arith.addi %mul3A_19, %add3A_32 : i32
      %mul3A_34 = arith.constant 128 : i32
      %mul3A_35 = arith.muli %add3A_33, %mul3A_34 : i32
      %dma_wait3A_36 = tpu.memref_slice %arg5[%mul3A_35] : memref<2560xi32, #tpu.memory_space<vmem>> -> memref<128xi32, #tpu.memory_space<vmem>>
      %dma_wait3A_37 = arith.constant 0 : i32
      %dma_wait3A_38 = arith.constant 0 : i32
      %dma_wait3A_39 = tpu.memref_slice %arg2[%dma_wait3A_37, %dma_wait3A_38] : memref<4096x128xf32, #tpu.memory_space<hbm>> -> memref<4096x128xf32, #tpu.memory_space<hbm>>
      tpu.wait_indirect_dma semaphore(%arg9 : memref<!tpu.dma_semaphore, #tpu.memory_space<semaphore_mem>>) src(%dma_wait3A_39 : memref<4096x128xf32, #tpu.memory_space<hbm>>) dst(%arg7 : memref<128x128xf32, #tpu.memory_space<vmem>>)
      %add3A_40 = arith.constant 1 : i32
      %add3A_41 = arith.addi %mul3A_19, %add3A_40 : i32
      %mul3A_42 = arith.constant 128 : i32
      %mul3A_43 = arith.muli %add3A_41, %mul3A_42 : i32
      %add3A_44 = arith.addi %mul3A_2, %mul3A_43 : i32
      "tpu.region"() ({
        %run_scoped3A = tpu.sem_alloc : memref<!tpu.dma_semaphore, #tpu.memory_space<semaphore_mem>>
        %dma_start3A_52 = arith.constant 0 : i32
        %dma_start3A_53 = tpu.memref_slice %arg4[%add3A_44, %dma_start3A_52] : memref<81920x128xf32, #tpu.memory_space<hbm>> -> memref<128x128xf32, #tpu.memory_space<hbm>>
        %dma_start3A_54 = arith.constant 0 : i32
        %dma_start3A_55 = tpu.memref_slice %arg4[%add3A_44, %dma_start3A_54] : memref<81920x128xf32, #tpu.memory_space<hbm>> -> memref<128x128xf32, #tpu.memory_space<hbm>>
        tpu.enqueue_dma source(%arg7 : memref<128x128xf32, #tpu.memory_space<vmem>>) target(%dma_start3A_55 : memref<128x128xf32, #tpu.memory_space<hbm>>) target_semaphore(%run_scoped3A : memref<!tpu.dma_semaphore, #tpu.memory_space<semaphore_mem>>)
        %dma_wait3A_56 = arith.constant 0 : i32
        %dma_wait3A_57 = tpu.memref_slice %arg4[%add3A_44, %dma_wait3A_56] : memref<81920x128xf32, #tpu.memory_space<hbm>> -> memref<128x128xf32, #tpu.memory_space<hbm>>
        %dma_wait3A_58 = arith.constant 0 : i32
        %dma_wait3A_59 = tpu.memref_slice %arg4[%add3A_44, %dma_wait3A_58] : memref<81920x128xf32, #tpu.memory_space<hbm>> -> memref<128x128xf32, #tpu.memory_space<hbm>>
        tpu.wait_dma2 semaphore(%run_scoped3A : memref<!tpu.dma_semaphore, #tpu.memory_space<semaphore_mem>>) src(%arg7 : memref<128x128xf32, #tpu.memory_space<vmem>>) dst(%dma_wait3A_59 : memref<128x128xf32, #tpu.memory_space<hbm>>)
        tpu.yield
      }) : () -> ()
      %add3A_45 = arith.constant 3 : i32
      %add3A_46 = arith.addi %mul3A_19, %add3A_45 : i32
      %lt3A_47 = arith.constant 20 : i32
      %lt3A_48 = arith.cmpi slt, %add3A_46, %lt3A_47 : i32
      %convert_element_type3A_49 = arith.extui %lt3A_48 : i1 to i32
      %cond3A_50 = arith.constant 0 : i32
      %cond3A_51 = arith.cmpi ne, %convert_element_type3A_49, %cond3A_50 : i32
      scf.if %cond3A_51 {
        %add3A_52 = arith.constant 3 : i32
        %add3A_53 = arith.addi %mul3A_19, %add3A_52 : i32
        %mul3A_54 = arith.constant 128 : i32
        %mul3A_55 = arith.muli %add3A_53, %mul3A_54 : i32
        %dma_start3A_56 = tpu.memref_slice %arg5[%mul3A_55] : memref<2560xi32, #tpu.memory_space<vmem>> -> memref<128xi32, #tpu.memory_space<vmem>>
        %dma_start3A_57 = arith.constant 0 : i32
        %dma_start3A_58 = arith.constant 0 : i32
        %dma_start3A_59 = tpu.memref_slice %arg2[%dma_start3A_57, %dma_start3A_58] : memref<4096x128xf32, #tpu.memory_space<hbm>> -> memref<4096x128xf32, #tpu.memory_space<hbm>>
        tpu.enqueue_indirect_dma source(%dma_start3A_59 : memref<4096x128xf32, #tpu.memory_space<hbm>>) target(%arg7 : memref<128x128xf32, #tpu.memory_space<vmem>>) offsets(%dma_start3A_56 : memref<128xi32, #tpu.memory_space<vmem>>) semaphore(%arg9 : memref<!tpu.dma_semaphore, #tpu.memory_space<semaphore_mem>>)
      } else {
      }
    }
    %scan3A_16 = arith.constant 10 : i32
    return
  }
}

#map = affine_map<(d0, d1) -> (0, 0)>
#map1 = affine_map<(d0, d1) -> (0)>
module attributes {stable_mosaic.version = 14 : i64} {
  func.func @kb(%arg0: i32, %arg1: i32, %arg2: memref<4096x128xf32, #tpu.memory_space<hbm>>, %arg3: memref<81920xi32, #tpu.memory_space<hbm>>, %arg4: memref<81920x128xf32, #tpu.memory_space<hbm>>, %arg5: memref<2560xi32, #tpu.memory_space<vmem>>, %arg6: memref<128x128xf32, #tpu.memory_space<vmem>>, %arg7: memref<128x128xf32, #tpu.memory_space<vmem>>, %arg8: memref<!tpu.dma_semaphore, #tpu.memory_space<semaphore_mem>>, %arg9: memref<!tpu.dma_semaphore, #tpu.memory_space<semaphore_mem>>) attributes {dimension_semantics = [#tpu.dimension_semantics<core_parallel>, #tpu.dimension_semantics<subcore_parallel>], iteration_bounds = array<i64: 2, 16>, scalar_prefetch = 0 : i64, scratch_operands = 5 : i64, tpu.core_type = #tpu.core_type<sc_vector_subcore>, window_params = [{transform_indices = #map}, {transform_indices = #map1}, {transform_indices = #map}]} {
    %mul3A = arith.constant 2 : i32
    %mul3A_0 = arith.muli %arg1, %mul3A : i32
    %add3A = arith.addi %mul3A_0, %arg0 : i32
    %mul3A_1 = arith.constant 2560 : i32
    %mul3A_2 = arith.muli %add3A, %mul3A_1 : i32
    "tpu.region"() ({
      %run_scoped3A = tpu.sem_alloc : memref<!tpu.dma_semaphore, #tpu.memory_space<semaphore_mem>>
      %dma_start3A_17 = tpu.memref_slice %arg3[%mul3A_2] : memref<81920xi32, #tpu.memory_space<hbm>> -> memref<2560xi32, #tpu.memory_space<hbm>>
      %dma_start3A_18 = tpu.memref_slice %arg3[%mul3A_2] : memref<81920xi32, #tpu.memory_space<hbm>> -> memref<2560xi32, #tpu.memory_space<hbm>>
      tpu.enqueue_dma source(%dma_start3A_18 : memref<2560xi32, #tpu.memory_space<hbm>>) target(%arg5 : memref<2560xi32, #tpu.memory_space<vmem>>) target_semaphore(%run_scoped3A : memref<!tpu.dma_semaphore, #tpu.memory_space<semaphore_mem>>)
      %dma_wait3A = tpu.memref_slice %arg3[%mul3A_2] : memref<81920xi32, #tpu.memory_space<hbm>> -> memref<2560xi32, #tpu.memory_space<hbm>>
      %dma_wait3A_19 = tpu.memref_slice %arg3[%mul3A_2] : memref<81920xi32, #tpu.memory_space<hbm>> -> memref<2560xi32, #tpu.memory_space<hbm>>
      tpu.wait_dma2 semaphore(%run_scoped3A : memref<!tpu.dma_semaphore, #tpu.memory_space<semaphore_mem>>) src(%dma_wait3A_19 : memref<2560xi32, #tpu.memory_space<hbm>>) dst(%arg5 : memref<2560xi32, #tpu.memory_space<vmem>>)
      tpu.yield
    }) : () -> ()
    %dma_start3A = arith.constant 0 : i32
    %dma_start3A_3 = tpu.memref_slice %arg5[%dma_start3A] : memref<2560xi32, #tpu.memory_space<vmem>> -> memref<128xi32, #tpu.memory_space<vmem>>
    %dma_start3A_4 = arith.constant 0 : i32
    %dma_start3A_5 = arith.constant 0 : i32
    %dma_start3A_6 = tpu.memref_slice %arg2[%dma_start3A_4, %dma_start3A_5] : memref<4096x128xf32, #tpu.memory_space<hbm>> -> memref<4096x128xf32, #tpu.memory_space<hbm>>
    tpu.enqueue_indirect_dma source(%dma_start3A_6 : memref<4096x128xf32, #tpu.memory_space<hbm>>) target(%arg6 : memref<128x128xf32, #tpu.memory_space<vmem>>) offsets(%dma_start3A_3 : memref<128xi32, #tpu.memory_space<vmem>>) semaphore(%arg8 : memref<!tpu.dma_semaphore, #tpu.memory_space<semaphore_mem>>)
    %dma_start3A_7 = arith.constant 128 : i32
    %dma_start3A_8 = tpu.memref_slice %arg5[%dma_start3A_7] : memref<2560xi32, #tpu.memory_space<vmem>> -> memref<128xi32, #tpu.memory_space<vmem>>
    %dma_start3A_9 = arith.constant 0 : i32
    %dma_start3A_10 = arith.constant 0 : i32
    %dma_start3A_11 = tpu.memref_slice %arg2[%dma_start3A_9, %dma_start3A_10] : memref<4096x128xf32, #tpu.memory_space<hbm>> -> memref<4096x128xf32, #tpu.memory_space<hbm>>
    tpu.enqueue_indirect_dma source(%dma_start3A_11 : memref<4096x128xf32, #tpu.memory_space<hbm>>) target(%arg7 : memref<128x128xf32, #tpu.memory_space<vmem>>) offsets(%dma_start3A_8 : memref<128xi32, #tpu.memory_space<vmem>>) semaphore(%arg9 : memref<!tpu.dma_semaphore, #tpu.memory_space<semaphore_mem>>)
    %scan3A = arith.constant 0 : i32
    %scan3A_12 = arith.constant 0 : i32
    %scan3A_13 = arith.constant 10 : i32
    %scan3A_14 = arith.addi %scan3A_12, %scan3A_13 : i32
    %scan3A_15 = arith.constant 1 : i32
    scf.for %scan3A_17 = %scan3A_12 to %scan3A_14 step %scan3A_15  : i32 {
      %mul3A_18 = arith.constant 2 : i32
      %mul3A_19 = arith.muli %mul3A_18, %scan3A_17 : i32
      %mul3A_20 = arith.constant 128 : i32
      %mul3A_21 = arith.muli %mul3A_19, %mul3A_20 : i32
      %dma_wait3A = tpu.memref_slice %arg5[%mul3A_21] : memref<2560xi32, #tpu.memory_space<vmem>> -> memref<128xi32, #tpu.memory_space<vmem>>
      %dma_wait3A_22 = arith.constant 0 : i32
      %dma_wait3A_23 = arith.constant 0 : i32
      %dma_wait3A_24 = tpu.memref_slice %arg2[%dma_wait3A_22, %dma_wait3A_23] : memref<4096x128xf32, #tpu.memory_space<hbm>> -> memref<4096x128xf32, #tpu.memory_space<hbm>>
      tpu.wait_indirect_dma semaphore(%arg8 : memref<!tpu.dma_semaphore, #tpu.memory_space<semaphore_mem>>) src(%dma_wait3A_24 : memref<4096x128xf32, #tpu.memory_space<hbm>>) dst(%arg6 : memref<128x128xf32, #tpu.memory_space<vmem>>)
      %mul3A_25 = arith.constant 128 : i32
      %mul3A_26 = arith.muli %mul3A_19, %mul3A_25 : i32
      %add3A_27 = arith.addi %mul3A_2, %mul3A_26 : i32
      "tpu.region"() ({
        %run_scoped3A = tpu.sem_alloc : memref<!tpu.dma_semaphore, #tpu.memory_space<semaphore_mem>>
        %dma_start3A_52 = arith.constant 0 : i32
        %dma_start3A_53 = tpu.memref_slice %arg4[%add3A_27, %dma_start3A_52] : memref<81920x128xf32, #tpu.memory_space<hbm>> -> memref<128x128xf32, #tpu.memory_space<hbm>>
        %dma_start3A_54 = arith.constant 0 : i32
        %dma_start3A_55 = tpu.memref_slice %arg4[%add3A_27, %dma_start3A_54] : memref<81920x128xf32, #tpu.memory_space<hbm>> -> memref<128x128xf32, #tpu.memory_space<hbm>>
        tpu.enqueue_dma source(%arg6 : memref<128x128xf32, #tpu.memory_space<vmem>>) target(%dma_start3A_55 : memref<128x128xf32, #tpu.memory_space<hbm>>) target_semaphore(%run_scoped3A : memref<!tpu.dma_semaphore, #tpu.memory_space<semaphore_mem>>)
        %dma_wait3A_56 = arith.constant 0 : i32
        %dma_wait3A_57 = tpu.memref_slice %arg4[%add3A_27, %dma_wait3A_56] : memref<81920x128xf32, #tpu.memory_space<hbm>> -> memref<128x128xf32, #tpu.memory_space<hbm>>
        %dma_wait3A_58 = arith.constant 0 : i32
        %dma_wait3A_59 = tpu.memref_slice %arg4[%add3A_27, %dma_wait3A_58] : memref<81920x128xf32, #tpu.memory_space<hbm>> -> memref<128x128xf32, #tpu.memory_space<hbm>>
        tpu.wait_dma2 semaphore(%run_scoped3A : memref<!tpu.dma_semaphore, #tpu.memory_space<semaphore_mem>>) src(%arg6 : memref<128x128xf32, #tpu.memory_space<vmem>>) dst(%dma_wait3A_59 : memref<128x128xf32, #tpu.memory_space<hbm>>)
        tpu.yield
      }) : () -> ()
      %add3A_28 = arith.constant 2 : i32
      %add3A_29 = arith.addi %mul3A_19, %add3A_28 : i32
      %lt3A = arith.constant 20 : i32
      %lt3A_30 = arith.cmpi slt, %add3A_29, %lt3A : i32
      %convert_element_type3A = arith.extui %lt3A_30 : i1 to i32
      %cond3A = arith.constant 0 : i32
      %cond3A_31 = arith.cmpi ne, %convert_element_type3A, %cond3A : i32
      scf.if %cond3A_31 {
        %add3A_52 = arith.constant 2 : i32
        %add3A_53 = arith.addi %mul3A_19, %add3A_52 : i32
        %mul3A_54 = arith.constant 128 : i32
        %mul3A_55 = arith.muli %add3A_53, %mul3A_54 : i32
        %dma_start3A_56 = tpu.memref_slice %arg5[%mul3A_55] : memref<2560xi32, #tpu.memory_space<vmem>> -> memref<128xi32, #tpu.memory_space<vmem>>
        %dma_start3A_57 = arith.constant 0 : i32
        %dma_start3A_58 = arith.constant 0 : i32
        %dma_start3A_59 = tpu.memref_slice %arg2[%dma_start3A_57, %dma_start3A_58] : memref<4096x128xf32, #tpu.memory_space<hbm>> -> memref<4096x128xf32, #tpu.memory_space<hbm>>
        tpu.enqueue_indirect_dma source(%dma_start3A_59 : memref<4096x128xf32, #tpu.memory_space<hbm>>) target(%arg6 : memref<128x128xf32, #tpu.memory_space<vmem>>) offsets(%dma_start3A_56 : memref<128xi32, #tpu.memory_space<vmem>>) semaphore(%arg8 : memref<!tpu.dma_semaphore, #tpu.memory_space<semaphore_mem>>)
      } else {
      }
      %add3A_32 = arith.constant 1 : i32
      %add3A_33 = arith.addi %mul3A_19, %add3A_32 : i32
      %mul3A_34 = arith.constant 128 : i32
      %mul3A_35 = arith.muli %add3A_33, %mul3A_34 : i32
      %dma_wait3A_36 = tpu.memref_slice %arg5[%mul3A_35] : memref<2560xi32, #tpu.memory_space<vmem>> -> memref<128xi32, #tpu.memory_space<vmem>>
      %dma_wait3A_37 = arith.constant 0 : i32
      %dma_wait3A_38 = arith.constant 0 : i32
      %dma_wait3A_39 = tpu.memref_slice %arg2[%dma_wait3A_37, %dma_wait3A_38] : memref<4096x128xf32, #tpu.memory_space<hbm>> -> memref<4096x128xf32, #tpu.memory_space<hbm>>
      tpu.wait_indirect_dma semaphore(%arg9 : memref<!tpu.dma_semaphore, #tpu.memory_space<semaphore_mem>>) src(%dma_wait3A_39 : memref<4096x128xf32, #tpu.memory_space<hbm>>) dst(%arg7 : memref<128x128xf32, #tpu.memory_space<vmem>>)
      %add3A_40 = arith.constant 1 : i32
      %add3A_41 = arith.addi %mul3A_19, %add3A_40 : i32
      %mul3A_42 = arith.constant 128 : i32
      %mul3A_43 = arith.muli %add3A_41, %mul3A_42 : i32
      %add3A_44 = arith.addi %mul3A_2, %mul3A_43 : i32
      "tpu.region"() ({
        %run_scoped3A = tpu.sem_alloc : memref<!tpu.dma_semaphore, #tpu.memory_space<semaphore_mem>>
        %dma_start3A_52 = arith.constant 0 : i32
        %dma_start3A_53 = tpu.memref_slice %arg4[%add3A_44, %dma_start3A_52] : memref<81920x128xf32, #tpu.memory_space<hbm>> -> memref<128x128xf32, #tpu.memory_space<hbm>>
        %dma_start3A_54 = arith.constant 0 : i32
        %dma_start3A_55 = tpu.memref_slice %arg4[%add3A_44, %dma_start3A_54] : memref<81920x128xf32, #tpu.memory_space<hbm>> -> memref<128x128xf32, #tpu.memory_space<hbm>>
        tpu.enqueue_dma source(%arg7 : memref<128x128xf32, #tpu.memory_space<vmem>>) target(%dma_start3A_55 : memref<128x128xf32, #tpu.memory_space<hbm>>) target_semaphore(%run_scoped3A : memref<!tpu.dma_semaphore, #tpu.memory_space<semaphore_mem>>)
        %dma_wait3A_56 = arith.constant 0 : i32
        %dma_wait3A_57 = tpu.memref_slice %arg4[%add3A_44, %dma_wait3A_56] : memref<81920x128xf32, #tpu.memory_space<hbm>> -> memref<128x128xf32, #tpu.memory_space<hbm>>
        %dma_wait3A_58 = arith.constant 0 : i32
        %dma_wait3A_59 = tpu.memref_slice %arg4[%add3A_44, %dma_wait3A_58] : memref<81920x128xf32, #tpu.memory_space<hbm>> -> memref<128x128xf32, #tpu.memory_space<hbm>>
        tpu.wait_dma2 semaphore(%run_scoped3A : memref<!tpu.dma_semaphore, #tpu.memory_space<semaphore_mem>>) src(%arg7 : memref<128x128xf32, #tpu.memory_space<vmem>>) dst(%dma_wait3A_59 : memref<128x128xf32, #tpu.memory_space<hbm>>)
        tpu.yield
      }) : () -> ()
      %add3A_45 = arith.constant 3 : i32
      %add3A_46 = arith.addi %mul3A_19, %add3A_45 : i32
      %lt3A_47 = arith.constant 20 : i32
      %lt3A_48 = arith.cmpi slt, %add3A_46, %lt3A_47 : i32
      %convert_element_type3A_49 = arith.extui %lt3A_48 : i1 to i32
      %cond3A_50 = arith.constant 0 : i32
      %cond3A_51 = arith.cmpi ne, %convert_element_type3A_49, %cond3A_50 : i32
      scf.if %cond3A_51 {
        %add3A_52 = arith.constant 3 : i32
        %add3A_53 = arith.addi %mul3A_19, %add3A_52 : i32
        %mul3A_54 = arith.constant 128 : i32
        %mul3A_55 = arith.muli %add3A_53, %mul3A_54 : i32
        %dma_start3A_56 = tpu.memref_slice %arg5[%mul3A_55] : memref<2560xi32, #tpu.memory_space<vmem>> -> memref<128xi32, #tpu.memory_space<vmem>>
        %dma_start3A_57 = arith.constant 0 : i32
        %dma_start3A_58 = arith.constant 0 : i32
        %dma_start3A_59 = tpu.memref_slice %arg2[%dma_start3A_57, %dma_start3A_58] : memref<4096x128xf32, #tpu.memory_space<hbm>> -> memref<4096x128xf32, #tpu.memory_space<hbm>>
        tpu.enqueue_indirect_dma source(%dma_start3A_59 : memref<4096x128xf32, #tpu.memory_space<hbm>>) target(%arg7 : memref<128x128xf32, #tpu.memory_space<vmem>>) offsets(%dma_start3A_56 : memref<128xi32, #tpu.memory_space<vmem>>) semaphore(%arg9 : memref<!tpu.dma_semaphore, #tpu.memory_space<semaphore_mem>>)
      } else {
      }
    }
    %scan3A_16 = arith.constant 10 : i32
    return
  }
}

#map = affine_map<(d0, d1) -> (0, 0)>
#map1 = affine_map<(d0, d1) -> (0)>
module attributes {stable_mosaic.version = 14 : i64} {
  func.func @kb(%arg0: i32, %arg1: i32, %arg2: memref<4096x128xf32, #tpu.memory_space<hbm>>, %arg3: memref<81920xi32, #tpu.memory_space<hbm>>, %arg4: memref<81920x128xf32, #tpu.memory_space<hbm>>, %arg5: memref<2560xi32, #tpu.memory_space<vmem>>, %arg6: memref<128x128xf32, #tpu.memory_space<vmem>>, %arg7: memref<128x128xf32, #tpu.memory_space<vmem>>, %arg8: memref<!tpu.dma_semaphore, #tpu.memory_space<semaphore_mem>>, %arg9: memref<!tpu.dma_semaphore, #tpu.memory_space<semaphore_mem>>) attributes {dimension_semantics = [#tpu.dimension_semantics<core_parallel>, #tpu.dimension_semantics<subcore_parallel>], iteration_bounds = array<i64: 2, 16>, scalar_prefetch = 0 : i64, scratch_operands = 5 : i64, tpu.core_type = #tpu.core_type<sc_vector_subcore>, window_params = [{transform_indices = #map}, {transform_indices = #map1}, {transform_indices = #map}]} {
    %mul3A = arith.constant 2 : i32
    %mul3A_0 = arith.muli %arg1, %mul3A : i32
    %add3A = arith.addi %mul3A_0, %arg0 : i32
    %mul3A_1 = arith.constant 2560 : i32
    %mul3A_2 = arith.muli %add3A, %mul3A_1 : i32
    "tpu.region"() ({
      %run_scoped3A = tpu.sem_alloc : memref<!tpu.dma_semaphore, #tpu.memory_space<semaphore_mem>>
      %dma_start3A_17 = tpu.memref_slice %arg3[%mul3A_2] : memref<81920xi32, #tpu.memory_space<hbm>> -> memref<2560xi32, #tpu.memory_space<hbm>>
      %dma_start3A_18 = tpu.memref_slice %arg3[%mul3A_2] : memref<81920xi32, #tpu.memory_space<hbm>> -> memref<2560xi32, #tpu.memory_space<hbm>>
      tpu.enqueue_dma source(%dma_start3A_18 : memref<2560xi32, #tpu.memory_space<hbm>>) target(%arg5 : memref<2560xi32, #tpu.memory_space<vmem>>) target_semaphore(%run_scoped3A : memref<!tpu.dma_semaphore, #tpu.memory_space<semaphore_mem>>)
      %dma_wait3A = tpu.memref_slice %arg3[%mul3A_2] : memref<81920xi32, #tpu.memory_space<hbm>> -> memref<2560xi32, #tpu.memory_space<hbm>>
      %dma_wait3A_19 = tpu.memref_slice %arg3[%mul3A_2] : memref<81920xi32, #tpu.memory_space<hbm>> -> memref<2560xi32, #tpu.memory_space<hbm>>
      tpu.wait_dma2 semaphore(%run_scoped3A : memref<!tpu.dma_semaphore, #tpu.memory_space<semaphore_mem>>) src(%dma_wait3A_19 : memref<2560xi32, #tpu.memory_space<hbm>>) dst(%arg5 : memref<2560xi32, #tpu.memory_space<vmem>>)
      tpu.yield
    }) : () -> ()
    %dma_start3A = arith.constant 0 : i32
    %dma_start3A_3 = tpu.memref_slice %arg5[%dma_start3A] : memref<2560xi32, #tpu.memory_space<vmem>> -> memref<128xi32, #tpu.memory_space<vmem>>
    %dma_start3A_4 = arith.constant 0 : i32
    %dma_start3A_5 = arith.constant 0 : i32
    %dma_start3A_6 = tpu.memref_slice %arg2[%dma_start3A_4, %dma_start3A_5] : memref<4096x128xf32, #tpu.memory_space<hbm>> -> memref<4096x128xf32, #tpu.memory_space<hbm>>
    tpu.enqueue_indirect_dma source(%dma_start3A_6 : memref<4096x128xf32, #tpu.memory_space<hbm>>) target(%arg6 : memref<128x128xf32, #tpu.memory_space<vmem>>) offsets(%dma_start3A_3 : memref<128xi32, #tpu.memory_space<vmem>>) semaphore(%arg8 : memref<!tpu.dma_semaphore, #tpu.memory_space<semaphore_mem>>)
    %dma_start3A_7 = arith.constant 128 : i32
    %dma_start3A_8 = tpu.memref_slice %arg5[%dma_start3A_7] : memref<2560xi32, #tpu.memory_space<vmem>> -> memref<128xi32, #tpu.memory_space<vmem>>
    %dma_start3A_9 = arith.constant 0 : i32
    %dma_start3A_10 = arith.constant 0 : i32
    %dma_start3A_11 = tpu.memref_slice %arg2[%dma_start3A_9, %dma_start3A_10] : memref<4096x128xf32, #tpu.memory_space<hbm>> -> memref<4096x128xf32, #tpu.memory_space<hbm>>
    tpu.enqueue_indirect_dma source(%dma_start3A_11 : memref<4096x128xf32, #tpu.memory_space<hbm>>) target(%arg7 : memref<128x128xf32, #tpu.memory_space<vmem>>) offsets(%dma_start3A_8 : memref<128xi32, #tpu.memory_space<vmem>>) semaphore(%arg9 : memref<!tpu.dma_semaphore, #tpu.memory_space<semaphore_mem>>)
    %scan3A = arith.constant 0 : i32
    %scan3A_12 = arith.constant 0 : i32
    %scan3A_13 = arith.constant 10 : i32
    %scan3A_14 = arith.addi %scan3A_12, %scan3A_13 : i32
    %scan3A_15 = arith.constant 1 : i32
    scf.for %scan3A_17 = %scan3A_12 to %scan3A_14 step %scan3A_15  : i32 {
      %mul3A_18 = arith.constant 2 : i32
      %mul3A_19 = arith.muli %mul3A_18, %scan3A_17 : i32
      %mul3A_20 = arith.constant 128 : i32
      %mul3A_21 = arith.muli %mul3A_19, %mul3A_20 : i32
      %dma_wait3A = tpu.memref_slice %arg5[%mul3A_21] : memref<2560xi32, #tpu.memory_space<vmem>> -> memref<128xi32, #tpu.memory_space<vmem>>
      %dma_wait3A_22 = arith.constant 0 : i32
      %dma_wait3A_23 = arith.constant 0 : i32
      %dma_wait3A_24 = tpu.memref_slice %arg2[%dma_wait3A_22, %dma_wait3A_23] : memref<4096x128xf32, #tpu.memory_space<hbm>> -> memref<4096x128xf32, #tpu.memory_space<hbm>>
      tpu.wait_indirect_dma semaphore(%arg8 : memref<!tpu.dma_semaphore, #tpu.memory_space<semaphore_mem>>) src(%dma_wait3A_24 : memref<4096x128xf32, #tpu.memory_space<hbm>>) dst(%arg6 : memref<128x128xf32, #tpu.memory_space<vmem>>)
      %mul3A_25 = arith.constant 128 : i32
      %mul3A_26 = arith.muli %mul3A_19, %mul3A_25 : i32
      %add3A_27 = arith.addi %mul3A_2, %mul3A_26 : i32
      "tpu.region"() ({
        %run_scoped3A = tpu.sem_alloc : memref<!tpu.dma_semaphore, #tpu.memory_space<semaphore_mem>>
        %dma_start3A_52 = arith.constant 0 : i32
        %dma_start3A_53 = tpu.memref_slice %arg4[%add3A_27, %dma_start3A_52] : memref<81920x128xf32, #tpu.memory_space<hbm>> -> memref<128x128xf32, #tpu.memory_space<hbm>>
        %dma_start3A_54 = arith.constant 0 : i32
        %dma_start3A_55 = tpu.memref_slice %arg4[%add3A_27, %dma_start3A_54] : memref<81920x128xf32, #tpu.memory_space<hbm>> -> memref<128x128xf32, #tpu.memory_space<hbm>>
        tpu.enqueue_dma source(%arg6 : memref<128x128xf32, #tpu.memory_space<vmem>>) target(%dma_start3A_55 : memref<128x128xf32, #tpu.memory_space<hbm>>) target_semaphore(%run_scoped3A : memref<!tpu.dma_semaphore, #tpu.memory_space<semaphore_mem>>)
        %dma_wait3A_56 = arith.constant 0 : i32
        %dma_wait3A_57 = tpu.memref_slice %arg4[%add3A_27, %dma_wait3A_56] : memref<81920x128xf32, #tpu.memory_space<hbm>> -> memref<128x128xf32, #tpu.memory_space<hbm>>
        %dma_wait3A_58 = arith.constant 0 : i32
        %dma_wait3A_59 = tpu.memref_slice %arg4[%add3A_27, %dma_wait3A_58] : memref<81920x128xf32, #tpu.memory_space<hbm>> -> memref<128x128xf32, #tpu.memory_space<hbm>>
        tpu.wait_dma2 semaphore(%run_scoped3A : memref<!tpu.dma_semaphore, #tpu.memory_space<semaphore_mem>>) src(%arg6 : memref<128x128xf32, #tpu.memory_space<vmem>>) dst(%dma_wait3A_59 : memref<128x128xf32, #tpu.memory_space<hbm>>)
        tpu.yield
      }) : () -> ()
      %add3A_28 = arith.constant 2 : i32
      %add3A_29 = arith.addi %mul3A_19, %add3A_28 : i32
      %lt3A = arith.constant 20 : i32
      %lt3A_30 = arith.cmpi slt, %add3A_29, %lt3A : i32
      %convert_element_type3A = arith.extui %lt3A_30 : i1 to i32
      %cond3A = arith.constant 0 : i32
      %cond3A_31 = arith.cmpi ne, %convert_element_type3A, %cond3A : i32
      scf.if %cond3A_31 {
        %add3A_52 = arith.constant 2 : i32
        %add3A_53 = arith.addi %mul3A_19, %add3A_52 : i32
        %mul3A_54 = arith.constant 128 : i32
        %mul3A_55 = arith.muli %add3A_53, %mul3A_54 : i32
        %dma_start3A_56 = tpu.memref_slice %arg5[%mul3A_55] : memref<2560xi32, #tpu.memory_space<vmem>> -> memref<128xi32, #tpu.memory_space<vmem>>
        %dma_start3A_57 = arith.constant 0 : i32
        %dma_start3A_58 = arith.constant 0 : i32
        %dma_start3A_59 = tpu.memref_slice %arg2[%dma_start3A_57, %dma_start3A_58] : memref<4096x128xf32, #tpu.memory_space<hbm>> -> memref<4096x128xf32, #tpu.memory_space<hbm>>
        tpu.enqueue_indirect_dma source(%dma_start3A_59 : memref<4096x128xf32, #tpu.memory_space<hbm>>) target(%arg6 : memref<128x128xf32, #tpu.memory_space<vmem>>) offsets(%dma_start3A_56 : memref<128xi32, #tpu.memory_space<vmem>>) semaphore(%arg8 : memref<!tpu.dma_semaphore, #tpu.memory_space<semaphore_mem>>)
      } else {
      }
      %add3A_32 = arith.constant 1 : i32
      %add3A_33 = arith.addi %mul3A_19, %add3A_32 : i32
      %mul3A_34 = arith.constant 128 : i32
      %mul3A_35 = arith.muli %add3A_33, %mul3A_34 : i32
      %dma_wait3A_36 = tpu.memref_slice %arg5[%mul3A_35] : memref<2560xi32, #tpu.memory_space<vmem>> -> memref<128xi32, #tpu.memory_space<vmem>>
      %dma_wait3A_37 = arith.constant 0 : i32
      %dma_wait3A_38 = arith.constant 0 : i32
      %dma_wait3A_39 = tpu.memref_slice %arg2[%dma_wait3A_37, %dma_wait3A_38] : memref<4096x128xf32, #tpu.memory_space<hbm>> -> memref<4096x128xf32, #tpu.memory_space<hbm>>
      tpu.wait_indirect_dma semaphore(%arg9 : memref<!tpu.dma_semaphore, #tpu.memory_space<semaphore_mem>>) src(%dma_wait3A_39 : memref<4096x128xf32, #tpu.memory_space<hbm>>) dst(%arg7 : memref<128x128xf32, #tpu.memory_space<vmem>>)
      %add3A_40 = arith.constant 1 : i32
      %add3A_41 = arith.addi %mul3A_19, %add3A_40 : i32
      %mul3A_42 = arith.constant 128 : i32
      %mul3A_43 = arith.muli %add3A_41, %mul3A_42 : i32
      %add3A_44 = arith.addi %mul3A_2, %mul3A_43 : i32
      "tpu.region"() ({
        %run_scoped3A = tpu.sem_alloc : memref<!tpu.dma_semaphore, #tpu.memory_space<semaphore_mem>>
        %dma_start3A_52 = arith.constant 0 : i32
        %dma_start3A_53 = tpu.memref_slice %arg4[%add3A_44, %dma_start3A_52] : memref<81920x128xf32, #tpu.memory_space<hbm>> -> memref<128x128xf32, #tpu.memory_space<hbm>>
        %dma_start3A_54 = arith.constant 0 : i32
        %dma_start3A_55 = tpu.memref_slice %arg4[%add3A_44, %dma_start3A_54] : memref<81920x128xf32, #tpu.memory_space<hbm>> -> memref<128x128xf32, #tpu.memory_space<hbm>>
        tpu.enqueue_dma source(%arg7 : memref<128x128xf32, #tpu.memory_space<vmem>>) target(%dma_start3A_55 : memref<128x128xf32, #tpu.memory_space<hbm>>) target_semaphore(%run_scoped3A : memref<!tpu.dma_semaphore, #tpu.memory_space<semaphore_mem>>)
        %dma_wait3A_56 = arith.constant 0 : i32
        %dma_wait3A_57 = tpu.memref_slice %arg4[%add3A_44, %dma_wait3A_56] : memref<81920x128xf32, #tpu.memory_space<hbm>> -> memref<128x128xf32, #tpu.memory_space<hbm>>
        %dma_wait3A_58 = arith.constant 0 : i32
        %dma_wait3A_59 = tpu.memref_slice %arg4[%add3A_44, %dma_wait3A_58] : memref<81920x128xf32, #tpu.memory_space<hbm>> -> memref<128x128xf32, #tpu.memory_space<hbm>>
        tpu.wait_dma2 semaphore(%run_scoped3A : memref<!tpu.dma_semaphore, #tpu.memory_space<semaphore_mem>>) src(%arg7 : memref<128x128xf32, #tpu.memory_space<vmem>>) dst(%dma_wait3A_59 : memref<128x128xf32, #tpu.memory_space<hbm>>)
        tpu.yield
      }) : () -> ()
      %add3A_45 = arith.constant 3 : i32
      %add3A_46 = arith.addi %mul3A_19, %add3A_45 : i32
      %lt3A_47 = arith.constant 20 : i32
      %lt3A_48 = arith.cmpi slt, %add3A_46, %lt3A_47 : i32
      %convert_element_type3A_49 = arith.extui %lt3A_48 : i1 to i32
      %cond3A_50 = arith.constant 0 : i32
      %cond3A_51 = arith.cmpi ne, %convert_element_type3A_49, %cond3A_50 : i32
      scf.if %cond3A_51 {
        %add3A_52 = arith.constant 3 : i32
        %add3A_53 = arith.addi %mul3A_19, %add3A_52 : i32
        %mul3A_54 = arith.constant 128 : i32
        %mul3A_55 = arith.muli %add3A_53, %mul3A_54 : i32
        %dma_start3A_56 = tpu.memref_slice %arg5[%mul3A_55] : memref<2560xi32, #tpu.memory_space<vmem>> -> memref<128xi32, #tpu.memory_space<vmem>>
        %dma_start3A_57 = arith.constant 0 : i32
        %dma_start3A_58 = arith.constant 0 : i32
        %dma_start3A_59 = tpu.memref_slice %arg2[%dma_start3A_57, %dma_start3A_58] : memref<4096x128xf32, #tpu.memory_space<hbm>> -> memref<4096x128xf32, #tpu.memory_space<hbm>>
        tpu.enqueue_indirect_dma source(%dma_start3A_59 : memref<4096x128xf32, #tpu.memory_space<hbm>>) target(%arg7 : memref<128x128xf32, #tpu.memory_space<vmem>>) offsets(%dma_start3A_56 : memref<128xi32, #tpu.memory_space<vmem>>) semaphore(%arg9 : memref<!tpu.dma_semaphore, #tpu.memory_space<semaphore_mem>>)
      } else {
      }
    }
    %scan3A_16 = arith.constant 10 : i32
    return
  }
}

#map = affine_map<(d0, d1) -> (0, 0)>
#map1 = affine_map<(d0, d1) -> (0)>
module attributes {stable_mosaic.version = 14 : i64} {
  func.func @kb(%arg0: i32, %arg1: i32, %arg2: memref<4096x128xf32, #tpu.memory_space<hbm>>, %arg3: memref<81920xi32, #tpu.memory_space<hbm>>, %arg4: memref<81920x128xf32, #tpu.memory_space<hbm>>, %arg5: memref<2560xi32, #tpu.memory_space<vmem>>, %arg6: memref<128x128xf32, #tpu.memory_space<vmem>>, %arg7: memref<128x128xf32, #tpu.memory_space<vmem>>, %arg8: memref<!tpu.dma_semaphore, #tpu.memory_space<semaphore_mem>>, %arg9: memref<!tpu.dma_semaphore, #tpu.memory_space<semaphore_mem>>) attributes {dimension_semantics = [#tpu.dimension_semantics<core_parallel>, #tpu.dimension_semantics<subcore_parallel>], iteration_bounds = array<i64: 2, 16>, scalar_prefetch = 0 : i64, scratch_operands = 5 : i64, tpu.core_type = #tpu.core_type<sc_vector_subcore>, window_params = [{transform_indices = #map}, {transform_indices = #map1}, {transform_indices = #map}]} {
    %mul3A = arith.constant 2 : i32
    %mul3A_0 = arith.muli %arg1, %mul3A : i32
    %add3A = arith.addi %mul3A_0, %arg0 : i32
    %mul3A_1 = arith.constant 2560 : i32
    %mul3A_2 = arith.muli %add3A, %mul3A_1 : i32
    "tpu.region"() ({
      %run_scoped3A = tpu.sem_alloc : memref<!tpu.dma_semaphore, #tpu.memory_space<semaphore_mem>>
      %dma_start3A_17 = tpu.memref_slice %arg3[%mul3A_2] : memref<81920xi32, #tpu.memory_space<hbm>> -> memref<2560xi32, #tpu.memory_space<hbm>>
      %dma_start3A_18 = tpu.memref_slice %arg3[%mul3A_2] : memref<81920xi32, #tpu.memory_space<hbm>> -> memref<2560xi32, #tpu.memory_space<hbm>>
      tpu.enqueue_dma source(%dma_start3A_18 : memref<2560xi32, #tpu.memory_space<hbm>>) target(%arg5 : memref<2560xi32, #tpu.memory_space<vmem>>) target_semaphore(%run_scoped3A : memref<!tpu.dma_semaphore, #tpu.memory_space<semaphore_mem>>)
      %dma_wait3A = tpu.memref_slice %arg3[%mul3A_2] : memref<81920xi32, #tpu.memory_space<hbm>> -> memref<2560xi32, #tpu.memory_space<hbm>>
      %dma_wait3A_19 = tpu.memref_slice %arg3[%mul3A_2] : memref<81920xi32, #tpu.memory_space<hbm>> -> memref<2560xi32, #tpu.memory_space<hbm>>
      tpu.wait_dma2 semaphore(%run_scoped3A : memref<!tpu.dma_semaphore, #tpu.memory_space<semaphore_mem>>) src(%dma_wait3A_19 : memref<2560xi32, #tpu.memory_space<hbm>>) dst(%arg5 : memref<2560xi32, #tpu.memory_space<vmem>>)
      tpu.yield
    }) : () -> ()
    %dma_start3A = arith.constant 0 : i32
    %dma_start3A_3 = tpu.memref_slice %arg5[%dma_start3A] : memref<2560xi32, #tpu.memory_space<vmem>> -> memref<128xi32, #tpu.memory_space<vmem>>
    %dma_start3A_4 = arith.constant 0 : i32
    %dma_start3A_5 = arith.constant 0 : i32
    %dma_start3A_6 = tpu.memref_slice %arg2[%dma_start3A_4, %dma_start3A_5] : memref<4096x128xf32, #tpu.memory_space<hbm>> -> memref<4096x128xf32, #tpu.memory_space<hbm>>
    tpu.enqueue_indirect_dma source(%dma_start3A_6 : memref<4096x128xf32, #tpu.memory_space<hbm>>) target(%arg6 : memref<128x128xf32, #tpu.memory_space<vmem>>) offsets(%dma_start3A_3 : memref<128xi32, #tpu.memory_space<vmem>>) semaphore(%arg8 : memref<!tpu.dma_semaphore, #tpu.memory_space<semaphore_mem>>)
    %dma_start3A_7 = arith.constant 128 : i32
    %dma_start3A_8 = tpu.memref_slice %arg5[%dma_start3A_7] : memref<2560xi32, #tpu.memory_space<vmem>> -> memref<128xi32, #tpu.memory_space<vmem>>
    %dma_start3A_9 = arith.constant 0 : i32
    %dma_start3A_10 = arith.constant 0 : i32
    %dma_start3A_11 = tpu.memref_slice %arg2[%dma_start3A_9, %dma_start3A_10] : memref<4096x128xf32, #tpu.memory_space<hbm>> -> memref<4096x128xf32, #tpu.memory_space<hbm>>
    tpu.enqueue_indirect_dma source(%dma_start3A_11 : memref<4096x128xf32, #tpu.memory_space<hbm>>) target(%arg7 : memref<128x128xf32, #tpu.memory_space<vmem>>) offsets(%dma_start3A_8 : memref<128xi32, #tpu.memory_space<vmem>>) semaphore(%arg9 : memref<!tpu.dma_semaphore, #tpu.memory_space<semaphore_mem>>)
    %scan3A = arith.constant 0 : i32
    %scan3A_12 = arith.constant 0 : i32
    %scan3A_13 = arith.constant 10 : i32
    %scan3A_14 = arith.addi %scan3A_12, %scan3A_13 : i32
    %scan3A_15 = arith.constant 1 : i32
    scf.for %scan3A_17 = %scan3A_12 to %scan3A_14 step %scan3A_15  : i32 {
      %mul3A_18 = arith.constant 2 : i32
      %mul3A_19 = arith.muli %mul3A_18, %scan3A_17 : i32
      %mul3A_20 = arith.constant 128 : i32
      %mul3A_21 = arith.muli %mul3A_19, %mul3A_20 : i32
      %dma_wait3A = tpu.memref_slice %arg5[%mul3A_21] : memref<2560xi32, #tpu.memory_space<vmem>> -> memref<128xi32, #tpu.memory_space<vmem>>
      %dma_wait3A_22 = arith.constant 0 : i32
      %dma_wait3A_23 = arith.constant 0 : i32
      %dma_wait3A_24 = tpu.memref_slice %arg2[%dma_wait3A_22, %dma_wait3A_23] : memref<4096x128xf32, #tpu.memory_space<hbm>> -> memref<4096x128xf32, #tpu.memory_space<hbm>>
      tpu.wait_indirect_dma semaphore(%arg8 : memref<!tpu.dma_semaphore, #tpu.memory_space<semaphore_mem>>) src(%dma_wait3A_24 : memref<4096x128xf32, #tpu.memory_space<hbm>>) dst(%arg6 : memref<128x128xf32, #tpu.memory_space<vmem>>)
      %mul3A_25 = arith.constant 128 : i32
      %mul3A_26 = arith.muli %mul3A_19, %mul3A_25 : i32
      %add3A_27 = arith.addi %mul3A_2, %mul3A_26 : i32
      "tpu.region"() ({
        %run_scoped3A = tpu.sem_alloc : memref<!tpu.dma_semaphore, #tpu.memory_space<semaphore_mem>>
        %dma_start3A_52 = arith.constant 0 : i32
        %dma_start3A_53 = tpu.memref_slice %arg4[%add3A_27, %dma_start3A_52] : memref<81920x128xf32, #tpu.memory_space<hbm>> -> memref<128x128xf32, #tpu.memory_space<hbm>>
        %dma_start3A_54 = arith.constant 0 : i32
        %dma_start3A_55 = tpu.memref_slice %arg4[%add3A_27, %dma_start3A_54] : memref<81920x128xf32, #tpu.memory_space<hbm>> -> memref<128x128xf32, #tpu.memory_space<hbm>>
        tpu.enqueue_dma source(%arg6 : memref<128x128xf32, #tpu.memory_space<vmem>>) target(%dma_start3A_55 : memref<128x128xf32, #tpu.memory_space<hbm>>) target_semaphore(%run_scoped3A : memref<!tpu.dma_semaphore, #tpu.memory_space<semaphore_mem>>)
        %dma_wait3A_56 = arith.constant 0 : i32
        %dma_wait3A_57 = tpu.memref_slice %arg4[%add3A_27, %dma_wait3A_56] : memref<81920x128xf32, #tpu.memory_space<hbm>> -> memref<128x128xf32, #tpu.memory_space<hbm>>
        %dma_wait3A_58 = arith.constant 0 : i32
        %dma_wait3A_59 = tpu.memref_slice %arg4[%add3A_27, %dma_wait3A_58] : memref<81920x128xf32, #tpu.memory_space<hbm>> -> memref<128x128xf32, #tpu.memory_space<hbm>>
        tpu.wait_dma2 semaphore(%run_scoped3A : memref<!tpu.dma_semaphore, #tpu.memory_space<semaphore_mem>>) src(%arg6 : memref<128x128xf32, #tpu.memory_space<vmem>>) dst(%dma_wait3A_59 : memref<128x128xf32, #tpu.memory_space<hbm>>)
        tpu.yield
      }) : () -> ()
      %add3A_28 = arith.constant 2 : i32
      %add3A_29 = arith.addi %mul3A_19, %add3A_28 : i32
      %lt3A = arith.constant 20 : i32
      %lt3A_30 = arith.cmpi slt, %add3A_29, %lt3A : i32
      %convert_element_type3A = arith.extui %lt3A_30 : i1 to i32
      %cond3A = arith.constant 0 : i32
      %cond3A_31 = arith.cmpi ne, %convert_element_type3A, %cond3A : i32
      scf.if %cond3A_31 {
        %add3A_52 = arith.constant 2 : i32
        %add3A_53 = arith.addi %mul3A_19, %add3A_52 : i32
        %mul3A_54 = arith.constant 128 : i32
        %mul3A_55 = arith.muli %add3A_53, %mul3A_54 : i32
        %dma_start3A_56 = tpu.memref_slice %arg5[%mul3A_55] : memref<2560xi32, #tpu.memory_space<vmem>> -> memref<128xi32, #tpu.memory_space<vmem>>
        %dma_start3A_57 = arith.constant 0 : i32
        %dma_start3A_58 = arith.constant 0 : i32
        %dma_start3A_59 = tpu.memref_slice %arg2[%dma_start3A_57, %dma_start3A_58] : memref<4096x128xf32, #tpu.memory_space<hbm>> -> memref<4096x128xf32, #tpu.memory_space<hbm>>
        tpu.enqueue_indirect_dma source(%dma_start3A_59 : memref<4096x128xf32, #tpu.memory_space<hbm>>) target(%arg6 : memref<128x128xf32, #tpu.memory_space<vmem>>) offsets(%dma_start3A_56 : memref<128xi32, #tpu.memory_space<vmem>>) semaphore(%arg8 : memref<!tpu.dma_semaphore, #tpu.memory_space<semaphore_mem>>)
      } else {
      }
      %add3A_32 = arith.constant 1 : i32
      %add3A_33 = arith.addi %mul3A_19, %add3A_32 : i32
      %mul3A_34 = arith.constant 128 : i32
      %mul3A_35 = arith.muli %add3A_33, %mul3A_34 : i32
      %dma_wait3A_36 = tpu.memref_slice %arg5[%mul3A_35] : memref<2560xi32, #tpu.memory_space<vmem>> -> memref<128xi32, #tpu.memory_space<vmem>>
      %dma_wait3A_37 = arith.constant 0 : i32
      %dma_wait3A_38 = arith.constant 0 : i32
      %dma_wait3A_39 = tpu.memref_slice %arg2[%dma_wait3A_37, %dma_wait3A_38] : memref<4096x128xf32, #tpu.memory_space<hbm>> -> memref<4096x128xf32, #tpu.memory_space<hbm>>
      tpu.wait_indirect_dma semaphore(%arg9 : memref<!tpu.dma_semaphore, #tpu.memory_space<semaphore_mem>>) src(%dma_wait3A_39 : memref<4096x128xf32, #tpu.memory_space<hbm>>) dst(%arg7 : memref<128x128xf32, #tpu.memory_space<vmem>>)
      %add3A_40 = arith.constant 1 : i32
      %add3A_41 = arith.addi %mul3A_19, %add3A_40 : i32
      %mul3A_42 = arith.constant 128 : i32
      %mul3A_43 = arith.muli %add3A_41, %mul3A_42 : i32
      %add3A_44 = arith.addi %mul3A_2, %mul3A_43 : i32
      "tpu.region"() ({
        %run_scoped3A = tpu.sem_alloc : memref<!tpu.dma_semaphore, #tpu.memory_space<semaphore_mem>>
        %dma_start3A_52 = arith.constant 0 : i32
        %dma_start3A_53 = tpu.memref_slice %arg4[%add3A_44, %dma_start3A_52] : memref<81920x128xf32, #tpu.memory_space<hbm>> -> memref<128x128xf32, #tpu.memory_space<hbm>>
        %dma_start3A_54 = arith.constant 0 : i32
        %dma_start3A_55 = tpu.memref_slice %arg4[%add3A_44, %dma_start3A_54] : memref<81920x128xf32, #tpu.memory_space<hbm>> -> memref<128x128xf32, #tpu.memory_space<hbm>>
        tpu.enqueue_dma source(%arg7 : memref<128x128xf32, #tpu.memory_space<vmem>>) target(%dma_start3A_55 : memref<128x128xf32, #tpu.memory_space<hbm>>) target_semaphore(%run_scoped3A : memref<!tpu.dma_semaphore, #tpu.memory_space<semaphore_mem>>)
        %dma_wait3A_56 = arith.constant 0 : i32
        %dma_wait3A_57 = tpu.memref_slice %arg4[%add3A_44, %dma_wait3A_56] : memref<81920x128xf32, #tpu.memory_space<hbm>> -> memref<128x128xf32, #tpu.memory_space<hbm>>
        %dma_wait3A_58 = arith.constant 0 : i32
        %dma_wait3A_59 = tpu.memref_slice %arg4[%add3A_44, %dma_wait3A_58] : memref<81920x128xf32, #tpu.memory_space<hbm>> -> memref<128x128xf32, #tpu.memory_space<hbm>>
        tpu.wait_dma2 semaphore(%run_scoped3A : memref<!tpu.dma_semaphore, #tpu.memory_space<semaphore_mem>>) src(%arg7 : memref<128x128xf32, #tpu.memory_space<vmem>>) dst(%dma_wait3A_59 : memref<128x128xf32, #tpu.memory_space<hbm>>)
        tpu.yield
      }) : () -> ()
      %add3A_45 = arith.constant 3 : i32
      %add3A_46 = arith.addi %mul3A_19, %add3A_45 : i32
      %lt3A_47 = arith.constant 20 : i32
      %lt3A_48 = arith.cmpi slt, %add3A_46, %lt3A_47 : i32
      %convert_element_type3A_49 = arith.extui %lt3A_48 : i1 to i32
      %cond3A_50 = arith.constant 0 : i32
      %cond3A_51 = arith.cmpi ne, %convert_element_type3A_49, %cond3A_50 : i32
      scf.if %cond3A_51 {
        %add3A_52 = arith.constant 3 : i32
        %add3A_53 = arith.addi %mul3A_19, %add3A_52 : i32
        %mul3A_54 = arith.constant 128 : i32
        %mul3A_55 = arith.muli %add3A_53, %mul3A_54 : i32
        %dma_start3A_56 = tpu.memref_slice %arg5[%mul3A_55] : memref<2560xi32, #tpu.memory_space<vmem>> -> memref<128xi32, #tpu.memory_space<vmem>>
        %dma_start3A_57 = arith.constant 0 : i32
        %dma_start3A_58 = arith.constant 0 : i32
        %dma_start3A_59 = tpu.memref_slice %arg2[%dma_start3A_57, %dma_start3A_58] : memref<4096x128xf32, #tpu.memory_space<hbm>> -> memref<4096x128xf32, #tpu.memory_space<hbm>>
        tpu.enqueue_indirect_dma source(%dma_start3A_59 : memref<4096x128xf32, #tpu.memory_space<hbm>>) target(%arg7 : memref<128x128xf32, #tpu.memory_space<vmem>>) offsets(%dma_start3A_56 : memref<128xi32, #tpu.memory_space<vmem>>) semaphore(%arg9 : memref<!tpu.dma_semaphore, #tpu.memory_space<semaphore_mem>>)
      } else {
      }
    }
    %scan3A_16 = arith.constant 10 : i32
    return
  }
}

#map = affine_map<(d0, d1) -> (0, 0)>
#map1 = affine_map<(d0, d1) -> (0)>
module attributes {stable_mosaic.version = 14 : i64} {
  func.func @kb(%arg0: i32, %arg1: i32, %arg2: memref<4096x128xf32, #tpu.memory_space<hbm>>, %arg3: memref<81920xi32, #tpu.memory_space<hbm>>, %arg4: memref<81920x128xf32, #tpu.memory_space<hbm>>, %arg5: memref<2560xi32, #tpu.memory_space<vmem>>, %arg6: memref<128x128xf32, #tpu.memory_space<vmem>>, %arg7: memref<128x128xf32, #tpu.memory_space<vmem>>, %arg8: memref<!tpu.dma_semaphore, #tpu.memory_space<semaphore_mem>>, %arg9: memref<!tpu.dma_semaphore, #tpu.memory_space<semaphore_mem>>) attributes {dimension_semantics = [#tpu.dimension_semantics<core_parallel>, #tpu.dimension_semantics<subcore_parallel>], iteration_bounds = array<i64: 2, 16>, scalar_prefetch = 0 : i64, scratch_operands = 5 : i64, tpu.core_type = #tpu.core_type<sc_vector_subcore>, window_params = [{transform_indices = #map}, {transform_indices = #map1}, {transform_indices = #map}]} {
    %mul3A = arith.constant 2 : i32
    %mul3A_0 = arith.muli %arg1, %mul3A : i32
    %add3A = arith.addi %mul3A_0, %arg0 : i32
    %mul3A_1 = arith.constant 2560 : i32
    %mul3A_2 = arith.muli %add3A, %mul3A_1 : i32
    "tpu.region"() ({
      %run_scoped3A = tpu.sem_alloc : memref<!tpu.dma_semaphore, #tpu.memory_space<semaphore_mem>>
      %dma_start3A_17 = tpu.memref_slice %arg3[%mul3A_2] : memref<81920xi32, #tpu.memory_space<hbm>> -> memref<2560xi32, #tpu.memory_space<hbm>>
      %dma_start3A_18 = tpu.memref_slice %arg3[%mul3A_2] : memref<81920xi32, #tpu.memory_space<hbm>> -> memref<2560xi32, #tpu.memory_space<hbm>>
      tpu.enqueue_dma source(%dma_start3A_18 : memref<2560xi32, #tpu.memory_space<hbm>>) target(%arg5 : memref<2560xi32, #tpu.memory_space<vmem>>) target_semaphore(%run_scoped3A : memref<!tpu.dma_semaphore, #tpu.memory_space<semaphore_mem>>)
      %dma_wait3A = tpu.memref_slice %arg3[%mul3A_2] : memref<81920xi32, #tpu.memory_space<hbm>> -> memref<2560xi32, #tpu.memory_space<hbm>>
      %dma_wait3A_19 = tpu.memref_slice %arg3[%mul3A_2] : memref<81920xi32, #tpu.memory_space<hbm>> -> memref<2560xi32, #tpu.memory_space<hbm>>
      tpu.wait_dma2 semaphore(%run_scoped3A : memref<!tpu.dma_semaphore, #tpu.memory_space<semaphore_mem>>) src(%dma_wait3A_19 : memref<2560xi32, #tpu.memory_space<hbm>>) dst(%arg5 : memref<2560xi32, #tpu.memory_space<vmem>>)
      tpu.yield
    }) : () -> ()
    %dma_start3A = arith.constant 0 : i32
    %dma_start3A_3 = tpu.memref_slice %arg5[%dma_start3A] : memref<2560xi32, #tpu.memory_space<vmem>> -> memref<128xi32, #tpu.memory_space<vmem>>
    %dma_start3A_4 = arith.constant 0 : i32
    %dma_start3A_5 = arith.constant 0 : i32
    %dma_start3A_6 = tpu.memref_slice %arg2[%dma_start3A_4, %dma_start3A_5] : memref<4096x128xf32, #tpu.memory_space<hbm>> -> memref<4096x128xf32, #tpu.memory_space<hbm>>
    tpu.enqueue_indirect_dma source(%dma_start3A_6 : memref<4096x128xf32, #tpu.memory_space<hbm>>) target(%arg6 : memref<128x128xf32, #tpu.memory_space<vmem>>) offsets(%dma_start3A_3 : memref<128xi32, #tpu.memory_space<vmem>>) semaphore(%arg8 : memref<!tpu.dma_semaphore, #tpu.memory_space<semaphore_mem>>)
    %dma_start3A_7 = arith.constant 128 : i32
    %dma_start3A_8 = tpu.memref_slice %arg5[%dma_start3A_7] : memref<2560xi32, #tpu.memory_space<vmem>> -> memref<128xi32, #tpu.memory_space<vmem>>
    %dma_start3A_9 = arith.constant 0 : i32
    %dma_start3A_10 = arith.constant 0 : i32
    %dma_start3A_11 = tpu.memref_slice %arg2[%dma_start3A_9, %dma_start3A_10] : memref<4096x128xf32, #tpu.memory_space<hbm>> -> memref<4096x128xf32, #tpu.memory_space<hbm>>
    tpu.enqueue_indirect_dma source(%dma_start3A_11 : memref<4096x128xf32, #tpu.memory_space<hbm>>) target(%arg7 : memref<128x128xf32, #tpu.memory_space<vmem>>) offsets(%dma_start3A_8 : memref<128xi32, #tpu.memory_space<vmem>>) semaphore(%arg9 : memref<!tpu.dma_semaphore, #tpu.memory_space<semaphore_mem>>)
    %scan3A = arith.constant 0 : i32
    %scan3A_12 = arith.constant 0 : i32
    %scan3A_13 = arith.constant 10 : i32
    %scan3A_14 = arith.addi %scan3A_12, %scan3A_13 : i32
    %scan3A_15 = arith.constant 1 : i32
    scf.for %scan3A_17 = %scan3A_12 to %scan3A_14 step %scan3A_15  : i32 {
      %mul3A_18 = arith.constant 2 : i32
      %mul3A_19 = arith.muli %mul3A_18, %scan3A_17 : i32
      %mul3A_20 = arith.constant 128 : i32
      %mul3A_21 = arith.muli %mul3A_19, %mul3A_20 : i32
      %dma_wait3A = tpu.memref_slice %arg5[%mul3A_21] : memref<2560xi32, #tpu.memory_space<vmem>> -> memref<128xi32, #tpu.memory_space<vmem>>
      %dma_wait3A_22 = arith.constant 0 : i32
      %dma_wait3A_23 = arith.constant 0 : i32
      %dma_wait3A_24 = tpu.memref_slice %arg2[%dma_wait3A_22, %dma_wait3A_23] : memref<4096x128xf32, #tpu.memory_space<hbm>> -> memref<4096x128xf32, #tpu.memory_space<hbm>>
      tpu.wait_indirect_dma semaphore(%arg8 : memref<!tpu.dma_semaphore, #tpu.memory_space<semaphore_mem>>) src(%dma_wait3A_24 : memref<4096x128xf32, #tpu.memory_space<hbm>>) dst(%arg6 : memref<128x128xf32, #tpu.memory_space<vmem>>)
      %mul3A_25 = arith.constant 128 : i32
      %mul3A_26 = arith.muli %mul3A_19, %mul3A_25 : i32
      %add3A_27 = arith.addi %mul3A_2, %mul3A_26 : i32
      "tpu.region"() ({
        %run_scoped3A = tpu.sem_alloc : memref<!tpu.dma_semaphore, #tpu.memory_space<semaphore_mem>>
        %dma_start3A_52 = arith.constant 0 : i32
        %dma_start3A_53 = tpu.memref_slice %arg4[%add3A_27, %dma_start3A_52] : memref<81920x128xf32, #tpu.memory_space<hbm>> -> memref<128x128xf32, #tpu.memory_space<hbm>>
        %dma_start3A_54 = arith.constant 0 : i32
        %dma_start3A_55 = tpu.memref_slice %arg4[%add3A_27, %dma_start3A_54] : memref<81920x128xf32, #tpu.memory_space<hbm>> -> memref<128x128xf32, #tpu.memory_space<hbm>>
        tpu.enqueue_dma source(%arg6 : memref<128x128xf32, #tpu.memory_space<vmem>>) target(%dma_start3A_55 : memref<128x128xf32, #tpu.memory_space<hbm>>) target_semaphore(%run_scoped3A : memref<!tpu.dma_semaphore, #tpu.memory_space<semaphore_mem>>)
        %dma_wait3A_56 = arith.constant 0 : i32
        %dma_wait3A_57 = tpu.memref_slice %arg4[%add3A_27, %dma_wait3A_56] : memref<81920x128xf32, #tpu.memory_space<hbm>> -> memref<128x128xf32, #tpu.memory_space<hbm>>
        %dma_wait3A_58 = arith.constant 0 : i32
        %dma_wait3A_59 = tpu.memref_slice %arg4[%add3A_27, %dma_wait3A_58] : memref<81920x128xf32, #tpu.memory_space<hbm>> -> memref<128x128xf32, #tpu.memory_space<hbm>>
        tpu.wait_dma2 semaphore(%run_scoped3A : memref<!tpu.dma_semaphore, #tpu.memory_space<semaphore_mem>>) src(%arg6 : memref<128x128xf32, #tpu.memory_space<vmem>>) dst(%dma_wait3A_59 : memref<128x128xf32, #tpu.memory_space<hbm>>)
        tpu.yield
      }) : () -> ()
      %add3A_28 = arith.constant 2 : i32
      %add3A_29 = arith.addi %mul3A_19, %add3A_28 : i32
      %lt3A = arith.constant 20 : i32
      %lt3A_30 = arith.cmpi slt, %add3A_29, %lt3A : i32
      %convert_element_type3A = arith.extui %lt3A_30 : i1 to i32
      %cond3A = arith.constant 0 : i32
      %cond3A_31 = arith.cmpi ne, %convert_element_type3A, %cond3A : i32
      scf.if %cond3A_31 {
        %add3A_52 = arith.constant 2 : i32
        %add3A_53 = arith.addi %mul3A_19, %add3A_52 : i32
        %mul3A_54 = arith.constant 128 : i32
        %mul3A_55 = arith.muli %add3A_53, %mul3A_54 : i32
        %dma_start3A_56 = tpu.memref_slice %arg5[%mul3A_55] : memref<2560xi32, #tpu.memory_space<vmem>> -> memref<128xi32, #tpu.memory_space<vmem>>
        %dma_start3A_57 = arith.constant 0 : i32
        %dma_start3A_58 = arith.constant 0 : i32
        %dma_start3A_59 = tpu.memref_slice %arg2[%dma_start3A_57, %dma_start3A_58] : memref<4096x128xf32, #tpu.memory_space<hbm>> -> memref<4096x128xf32, #tpu.memory_space<hbm>>
        tpu.enqueue_indirect_dma source(%dma_start3A_59 : memref<4096x128xf32, #tpu.memory_space<hbm>>) target(%arg6 : memref<128x128xf32, #tpu.memory_space<vmem>>) offsets(%dma_start3A_56 : memref<128xi32, #tpu.memory_space<vmem>>) semaphore(%arg8 : memref<!tpu.dma_semaphore, #tpu.memory_space<semaphore_mem>>)
      } else {
      }
      %add3A_32 = arith.constant 1 : i32
      %add3A_33 = arith.addi %mul3A_19, %add3A_32 : i32
      %mul3A_34 = arith.constant 128 : i32
      %mul3A_35 = arith.muli %add3A_33, %mul3A_34 : i32
      %dma_wait3A_36 = tpu.memref_slice %arg5[%mul3A_35] : memref<2560xi32, #tpu.memory_space<vmem>> -> memref<128xi32, #tpu.memory_space<vmem>>
      %dma_wait3A_37 = arith.constant 0 : i32
      %dma_wait3A_38 = arith.constant 0 : i32
      %dma_wait3A_39 = tpu.memref_slice %arg2[%dma_wait3A_37, %dma_wait3A_38] : memref<4096x128xf32, #tpu.memory_space<hbm>> -> memref<4096x128xf32, #tpu.memory_space<hbm>>
      tpu.wait_indirect_dma semaphore(%arg9 : memref<!tpu.dma_semaphore, #tpu.memory_space<semaphore_mem>>) src(%dma_wait3A_39 : memref<4096x128xf32, #tpu.memory_space<hbm>>) dst(%arg7 : memref<128x128xf32, #tpu.memory_space<vmem>>)
      %add3A_40 = arith.constant 1 : i32
      %add3A_41 = arith.addi %mul3A_19, %add3A_40 : i32
      %mul3A_42 = arith.constant 128 : i32
      %mul3A_43 = arith.muli %add3A_41, %mul3A_42 : i32
      %add3A_44 = arith.addi %mul3A_2, %mul3A_43 : i32
      "tpu.region"() ({
        %run_scoped3A = tpu.sem_alloc : memref<!tpu.dma_semaphore, #tpu.memory_space<semaphore_mem>>
        %dma_start3A_52 = arith.constant 0 : i32
        %dma_start3A_53 = tpu.memref_slice %arg4[%add3A_44, %dma_start3A_52] : memref<81920x128xf32, #tpu.memory_space<hbm>> -> memref<128x128xf32, #tpu.memory_space<hbm>>
        %dma_start3A_54 = arith.constant 0 : i32
        %dma_start3A_55 = tpu.memref_slice %arg4[%add3A_44, %dma_start3A_54] : memref<81920x128xf32, #tpu.memory_space<hbm>> -> memref<128x128xf32, #tpu.memory_space<hbm>>
        tpu.enqueue_dma source(%arg7 : memref<128x128xf32, #tpu.memory_space<vmem>>) target(%dma_start3A_55 : memref<128x128xf32, #tpu.memory_space<hbm>>) target_semaphore(%run_scoped3A : memref<!tpu.dma_semaphore, #tpu.memory_space<semaphore_mem>>)
        %dma_wait3A_56 = arith.constant 0 : i32
        %dma_wait3A_57 = tpu.memref_slice %arg4[%add3A_44, %dma_wait3A_56] : memref<81920x128xf32, #tpu.memory_space<hbm>> -> memref<128x128xf32, #tpu.memory_space<hbm>>
        %dma_wait3A_58 = arith.constant 0 : i32
        %dma_wait3A_59 = tpu.memref_slice %arg4[%add3A_44, %dma_wait3A_58] : memref<81920x128xf32, #tpu.memory_space<hbm>> -> memref<128x128xf32, #tpu.memory_space<hbm>>
        tpu.wait_dma2 semaphore(%run_scoped3A : memref<!tpu.dma_semaphore, #tpu.memory_space<semaphore_mem>>) src(%arg7 : memref<128x128xf32, #tpu.memory_space<vmem>>) dst(%dma_wait3A_59 : memref<128x128xf32, #tpu.memory_space<hbm>>)
        tpu.yield
      }) : () -> ()
      %add3A_45 = arith.constant 3 : i32
      %add3A_46 = arith.addi %mul3A_19, %add3A_45 : i32
      %lt3A_47 = arith.constant 20 : i32
      %lt3A_48 = arith.cmpi slt, %add3A_46, %lt3A_47 : i32
      %convert_element_type3A_49 = arith.extui %lt3A_48 : i1 to i32
      %cond3A_50 = arith.constant 0 : i32
      %cond3A_51 = arith.cmpi ne, %convert_element_type3A_49, %cond3A_50 : i32
      scf.if %cond3A_51 {
        %add3A_52 = arith.constant 3 : i32
        %add3A_53 = arith.addi %mul3A_19, %add3A_52 : i32
        %mul3A_54 = arith.constant 128 : i32
        %mul3A_55 = arith.muli %add3A_53, %mul3A_54 : i32
        %dma_start3A_56 = tpu.memref_slice %arg5[%mul3A_55] : memref<2560xi32, #tpu.memory_space<vmem>> -> memref<128xi32, #tpu.memory_space<vmem>>
        %dma_start3A_57 = arith.constant 0 : i32
        %dma_start3A_58 = arith.constant 0 : i32
        %dma_start3A_59 = tpu.memref_slice %arg2[%dma_start3A_57, %dma_start3A_58] : memref<4096x128xf32, #tpu.memory_space<hbm>> -> memref<4096x128xf32, #tpu.memory_space<hbm>>
        tpu.enqueue_indirect_dma source(%dma_start3A_59 : memref<4096x128xf32, #tpu.memory_space<hbm>>) target(%arg7 : memref<128x128xf32, #tpu.memory_space<vmem>>) offsets(%dma_start3A_56 : memref<128xi32, #tpu.memory_space<vmem>>) semaphore(%arg9 : memref<!tpu.dma_semaphore, #tpu.memory_space<semaphore_mem>>)
      } else {
      }
    }
    %scan3A_16 = arith.constant 10 : i32
    return
  }
}

#map = affine_map<(d0, d1) -> (0, 0)>
#map1 = affine_map<(d0, d1) -> (0)>
module attributes {stable_mosaic.version = 14 : i64} {
  func.func @kb(%arg0: i32, %arg1: i32, %arg2: memref<4096x128xf32, #tpu.memory_space<hbm>>, %arg3: memref<81920xi32, #tpu.memory_space<hbm>>, %arg4: memref<81920x128xf32, #tpu.memory_space<hbm>>, %arg5: memref<2560xi32, #tpu.memory_space<vmem>>, %arg6: memref<128x128xf32, #tpu.memory_space<vmem>>, %arg7: memref<128x128xf32, #tpu.memory_space<vmem>>, %arg8: memref<!tpu.dma_semaphore, #tpu.memory_space<semaphore_mem>>, %arg9: memref<!tpu.dma_semaphore, #tpu.memory_space<semaphore_mem>>) attributes {dimension_semantics = [#tpu.dimension_semantics<core_parallel>, #tpu.dimension_semantics<subcore_parallel>], iteration_bounds = array<i64: 2, 16>, scalar_prefetch = 0 : i64, scratch_operands = 5 : i64, tpu.core_type = #tpu.core_type<sc_vector_subcore>, window_params = [{transform_indices = #map}, {transform_indices = #map1}, {transform_indices = #map}]} {
    %mul3A = arith.constant 2 : i32
    %mul3A_0 = arith.muli %arg1, %mul3A : i32
    %add3A = arith.addi %mul3A_0, %arg0 : i32
    %mul3A_1 = arith.constant 2560 : i32
    %mul3A_2 = arith.muli %add3A, %mul3A_1 : i32
    "tpu.region"() ({
      %run_scoped3A = tpu.sem_alloc : memref<!tpu.dma_semaphore, #tpu.memory_space<semaphore_mem>>
      %dma_start3A_17 = tpu.memref_slice %arg3[%mul3A_2] : memref<81920xi32, #tpu.memory_space<hbm>> -> memref<2560xi32, #tpu.memory_space<hbm>>
      %dma_start3A_18 = tpu.memref_slice %arg3[%mul3A_2] : memref<81920xi32, #tpu.memory_space<hbm>> -> memref<2560xi32, #tpu.memory_space<hbm>>
      tpu.enqueue_dma source(%dma_start3A_18 : memref<2560xi32, #tpu.memory_space<hbm>>) target(%arg5 : memref<2560xi32, #tpu.memory_space<vmem>>) target_semaphore(%run_scoped3A : memref<!tpu.dma_semaphore, #tpu.memory_space<semaphore_mem>>)
      %dma_wait3A = tpu.memref_slice %arg3[%mul3A_2] : memref<81920xi32, #tpu.memory_space<hbm>> -> memref<2560xi32, #tpu.memory_space<hbm>>
      %dma_wait3A_19 = tpu.memref_slice %arg3[%mul3A_2] : memref<81920xi32, #tpu.memory_space<hbm>> -> memref<2560xi32, #tpu.memory_space<hbm>>
      tpu.wait_dma2 semaphore(%run_scoped3A : memref<!tpu.dma_semaphore, #tpu.memory_space<semaphore_mem>>) src(%dma_wait3A_19 : memref<2560xi32, #tpu.memory_space<hbm>>) dst(%arg5 : memref<2560xi32, #tpu.memory_space<vmem>>)
      tpu.yield
    }) : () -> ()
    %dma_start3A = arith.constant 0 : i32
    %dma_start3A_3 = tpu.memref_slice %arg5[%dma_start3A] : memref<2560xi32, #tpu.memory_space<vmem>> -> memref<128xi32, #tpu.memory_space<vmem>>
    %dma_start3A_4 = arith.constant 0 : i32
    %dma_start3A_5 = arith.constant 0 : i32
    %dma_start3A_6 = tpu.memref_slice %arg2[%dma_start3A_4, %dma_start3A_5] : memref<4096x128xf32, #tpu.memory_space<hbm>> -> memref<4096x128xf32, #tpu.memory_space<hbm>>
    tpu.enqueue_indirect_dma source(%dma_start3A_6 : memref<4096x128xf32, #tpu.memory_space<hbm>>) target(%arg6 : memref<128x128xf32, #tpu.memory_space<vmem>>) offsets(%dma_start3A_3 : memref<128xi32, #tpu.memory_space<vmem>>) semaphore(%arg8 : memref<!tpu.dma_semaphore, #tpu.memory_space<semaphore_mem>>)
    %dma_start3A_7 = arith.constant 128 : i32
    %dma_start3A_8 = tpu.memref_slice %arg5[%dma_start3A_7] : memref<2560xi32, #tpu.memory_space<vmem>> -> memref<128xi32, #tpu.memory_space<vmem>>
    %dma_start3A_9 = arith.constant 0 : i32
    %dma_start3A_10 = arith.constant 0 : i32
    %dma_start3A_11 = tpu.memref_slice %arg2[%dma_start3A_9, %dma_start3A_10] : memref<4096x128xf32, #tpu.memory_space<hbm>> -> memref<4096x128xf32, #tpu.memory_space<hbm>>
    tpu.enqueue_indirect_dma source(%dma_start3A_11 : memref<4096x128xf32, #tpu.memory_space<hbm>>) target(%arg7 : memref<128x128xf32, #tpu.memory_space<vmem>>) offsets(%dma_start3A_8 : memref<128xi32, #tpu.memory_space<vmem>>) semaphore(%arg9 : memref<!tpu.dma_semaphore, #tpu.memory_space<semaphore_mem>>)
    %scan3A = arith.constant 0 : i32
    %scan3A_12 = arith.constant 0 : i32
    %scan3A_13 = arith.constant 10 : i32
    %scan3A_14 = arith.addi %scan3A_12, %scan3A_13 : i32
    %scan3A_15 = arith.constant 1 : i32
    scf.for %scan3A_17 = %scan3A_12 to %scan3A_14 step %scan3A_15  : i32 {
      %mul3A_18 = arith.constant 2 : i32
      %mul3A_19 = arith.muli %mul3A_18, %scan3A_17 : i32
      %mul3A_20 = arith.constant 128 : i32
      %mul3A_21 = arith.muli %mul3A_19, %mul3A_20 : i32
      %dma_wait3A = tpu.memref_slice %arg5[%mul3A_21] : memref<2560xi32, #tpu.memory_space<vmem>> -> memref<128xi32, #tpu.memory_space<vmem>>
      %dma_wait3A_22 = arith.constant 0 : i32
      %dma_wait3A_23 = arith.constant 0 : i32
      %dma_wait3A_24 = tpu.memref_slice %arg2[%dma_wait3A_22, %dma_wait3A_23] : memref<4096x128xf32, #tpu.memory_space<hbm>> -> memref<4096x128xf32, #tpu.memory_space<hbm>>
      tpu.wait_indirect_dma semaphore(%arg8 : memref<!tpu.dma_semaphore, #tpu.memory_space<semaphore_mem>>) src(%dma_wait3A_24 : memref<4096x128xf32, #tpu.memory_space<hbm>>) dst(%arg6 : memref<128x128xf32, #tpu.memory_space<vmem>>)
      %mul3A_25 = arith.constant 128 : i32
      %mul3A_26 = arith.muli %mul3A_19, %mul3A_25 : i32
      %add3A_27 = arith.addi %mul3A_2, %mul3A_26 : i32
      "tpu.region"() ({
        %run_scoped3A = tpu.sem_alloc : memref<!tpu.dma_semaphore, #tpu.memory_space<semaphore_mem>>
        %dma_start3A_52 = arith.constant 0 : i32
        %dma_start3A_53 = tpu.memref_slice %arg4[%add3A_27, %dma_start3A_52] : memref<81920x128xf32, #tpu.memory_space<hbm>> -> memref<128x128xf32, #tpu.memory_space<hbm>>
        %dma_start3A_54 = arith.constant 0 : i32
        %dma_start3A_55 = tpu.memref_slice %arg4[%add3A_27, %dma_start3A_54] : memref<81920x128xf32, #tpu.memory_space<hbm>> -> memref<128x128xf32, #tpu.memory_space<hbm>>
        tpu.enqueue_dma source(%arg6 : memref<128x128xf32, #tpu.memory_space<vmem>>) target(%dma_start3A_55 : memref<128x128xf32, #tpu.memory_space<hbm>>) target_semaphore(%run_scoped3A : memref<!tpu.dma_semaphore, #tpu.memory_space<semaphore_mem>>)
        %dma_wait3A_56 = arith.constant 0 : i32
        %dma_wait3A_57 = tpu.memref_slice %arg4[%add3A_27, %dma_wait3A_56] : memref<81920x128xf32, #tpu.memory_space<hbm>> -> memref<128x128xf32, #tpu.memory_space<hbm>>
        %dma_wait3A_58 = arith.constant 0 : i32
        %dma_wait3A_59 = tpu.memref_slice %arg4[%add3A_27, %dma_wait3A_58] : memref<81920x128xf32, #tpu.memory_space<hbm>> -> memref<128x128xf32, #tpu.memory_space<hbm>>
        tpu.wait_dma2 semaphore(%run_scoped3A : memref<!tpu.dma_semaphore, #tpu.memory_space<semaphore_mem>>) src(%arg6 : memref<128x128xf32, #tpu.memory_space<vmem>>) dst(%dma_wait3A_59 : memref<128x128xf32, #tpu.memory_space<hbm>>)
        tpu.yield
      }) : () -> ()
      %add3A_28 = arith.constant 2 : i32
      %add3A_29 = arith.addi %mul3A_19, %add3A_28 : i32
      %lt3A = arith.constant 20 : i32
      %lt3A_30 = arith.cmpi slt, %add3A_29, %lt3A : i32
      %convert_element_type3A = arith.extui %lt3A_30 : i1 to i32
      %cond3A = arith.constant 0 : i32
      %cond3A_31 = arith.cmpi ne, %convert_element_type3A, %cond3A : i32
      scf.if %cond3A_31 {
        %add3A_52 = arith.constant 2 : i32
        %add3A_53 = arith.addi %mul3A_19, %add3A_52 : i32
        %mul3A_54 = arith.constant 128 : i32
        %mul3A_55 = arith.muli %add3A_53, %mul3A_54 : i32
        %dma_start3A_56 = tpu.memref_slice %arg5[%mul3A_55] : memref<2560xi32, #tpu.memory_space<vmem>> -> memref<128xi32, #tpu.memory_space<vmem>>
        %dma_start3A_57 = arith.constant 0 : i32
        %dma_start3A_58 = arith.constant 0 : i32
        %dma_start3A_59 = tpu.memref_slice %arg2[%dma_start3A_57, %dma_start3A_58] : memref<4096x128xf32, #tpu.memory_space<hbm>> -> memref<4096x128xf32, #tpu.memory_space<hbm>>
        tpu.enqueue_indirect_dma source(%dma_start3A_59 : memref<4096x128xf32, #tpu.memory_space<hbm>>) target(%arg6 : memref<128x128xf32, #tpu.memory_space<vmem>>) offsets(%dma_start3A_56 : memref<128xi32, #tpu.memory_space<vmem>>) semaphore(%arg8 : memref<!tpu.dma_semaphore, #tpu.memory_space<semaphore_mem>>)
      } else {
      }
      %add3A_32 = arith.constant 1 : i32
      %add3A_33 = arith.addi %mul3A_19, %add3A_32 : i32
      %mul3A_34 = arith.constant 128 : i32
      %mul3A_35 = arith.muli %add3A_33, %mul3A_34 : i32
      %dma_wait3A_36 = tpu.memref_slice %arg5[%mul3A_35] : memref<2560xi32, #tpu.memory_space<vmem>> -> memref<128xi32, #tpu.memory_space<vmem>>
      %dma_wait3A_37 = arith.constant 0 : i32
      %dma_wait3A_38 = arith.constant 0 : i32
      %dma_wait3A_39 = tpu.memref_slice %arg2[%dma_wait3A_37, %dma_wait3A_38] : memref<4096x128xf32, #tpu.memory_space<hbm>> -> memref<4096x128xf32, #tpu.memory_space<hbm>>
      tpu.wait_indirect_dma semaphore(%arg9 : memref<!tpu.dma_semaphore, #tpu.memory_space<semaphore_mem>>) src(%dma_wait3A_39 : memref<4096x128xf32, #tpu.memory_space<hbm>>) dst(%arg7 : memref<128x128xf32, #tpu.memory_space<vmem>>)
      %add3A_40 = arith.constant 1 : i32
      %add3A_41 = arith.addi %mul3A_19, %add3A_40 : i32
      %mul3A_42 = arith.constant 128 : i32
      %mul3A_43 = arith.muli %add3A_41, %mul3A_42 : i32
      %add3A_44 = arith.addi %mul3A_2, %mul3A_43 : i32
      "tpu.region"() ({
        %run_scoped3A = tpu.sem_alloc : memref<!tpu.dma_semaphore, #tpu.memory_space<semaphore_mem>>
        %dma_start3A_52 = arith.constant 0 : i32
        %dma_start3A_53 = tpu.memref_slice %arg4[%add3A_44, %dma_start3A_52] : memref<81920x128xf32, #tpu.memory_space<hbm>> -> memref<128x128xf32, #tpu.memory_space<hbm>>
        %dma_start3A_54 = arith.constant 0 : i32
        %dma_start3A_55 = tpu.memref_slice %arg4[%add3A_44, %dma_start3A_54] : memref<81920x128xf32, #tpu.memory_space<hbm>> -> memref<128x128xf32, #tpu.memory_space<hbm>>
        tpu.enqueue_dma source(%arg7 : memref<128x128xf32, #tpu.memory_space<vmem>>) target(%dma_start3A_55 : memref<128x128xf32, #tpu.memory_space<hbm>>) target_semaphore(%run_scoped3A : memref<!tpu.dma_semaphore, #tpu.memory_space<semaphore_mem>>)
        %dma_wait3A_56 = arith.constant 0 : i32
        %dma_wait3A_57 = tpu.memref_slice %arg4[%add3A_44, %dma_wait3A_56] : memref<81920x128xf32, #tpu.memory_space<hbm>> -> memref<128x128xf32, #tpu.memory_space<hbm>>
        %dma_wait3A_58 = arith.constant 0 : i32
        %dma_wait3A_59 = tpu.memref_slice %arg4[%add3A_44, %dma_wait3A_58] : memref<81920x128xf32, #tpu.memory_space<hbm>> -> memref<128x128xf32, #tpu.memory_space<hbm>>
        tpu.wait_dma2 semaphore(%run_scoped3A : memref<!tpu.dma_semaphore, #tpu.memory_space<semaphore_mem>>) src(%arg7 : memref<128x128xf32, #tpu.memory_space<vmem>>) dst(%dma_wait3A_59 : memref<128x128xf32, #tpu.memory_space<hbm>>)
        tpu.yield
      }) : () -> ()
      %add3A_45 = arith.constant 3 : i32
      %add3A_46 = arith.addi %mul3A_19, %add3A_45 : i32
      %lt3A_47 = arith.constant 20 : i32
      %lt3A_48 = arith.cmpi slt, %add3A_46, %lt3A_47 : i32
      %convert_element_type3A_49 = arith.extui %lt3A_48 : i1 to i32
      %cond3A_50 = arith.constant 0 : i32
      %cond3A_51 = arith.cmpi ne, %convert_element_type3A_49, %cond3A_50 : i32
      scf.if %cond3A_51 {
        %add3A_52 = arith.constant 3 : i32
        %add3A_53 = arith.addi %mul3A_19, %add3A_52 : i32
        %mul3A_54 = arith.constant 128 : i32
        %mul3A_55 = arith.muli %add3A_53, %mul3A_54 : i32
        %dma_start3A_56 = tpu.memref_slice %arg5[%mul3A_55] : memref<2560xi32, #tpu.memory_space<vmem>> -> memref<128xi32, #tpu.memory_space<vmem>>
        %dma_start3A_57 = arith.constant 0 : i32
        %dma_start3A_58 = arith.constant 0 : i32
        %dma_start3A_59 = tpu.memref_slice %arg2[%dma_start3A_57, %dma_start3A_58] : memref<4096x128xf32, #tpu.memory_space<hbm>> -> memref<4096x128xf32, #tpu.memory_space<hbm>>
        tpu.enqueue_indirect_dma source(%dma_start3A_59 : memref<4096x128xf32, #tpu.memory_space<hbm>>) target(%arg7 : memref<128x128xf32, #tpu.memory_space<vmem>>) offsets(%dma_start3A_56 : memref<128xi32, #tpu.memory_space<vmem>>) semaphore(%arg9 : memref<!tpu.dma_semaphore, #tpu.memory_space<semaphore_mem>>)
      } else {
      }
    }
    %scan3A_16 = arith.constant 10 : i32
    return
  }
}

#map = affine_map<(d0, d1) -> (0, 0)>
#map1 = affine_map<(d0, d1) -> (0)>
module attributes {stable_mosaic.version = 14 : i64} {
  func.func @kb(%arg0: i32, %arg1: i32, %arg2: memref<4096x128xf32, #tpu.memory_space<hbm>>, %arg3: memref<81920xi32, #tpu.memory_space<hbm>>, %arg4: memref<81920x128xf32, #tpu.memory_space<hbm>>, %arg5: memref<2560xi32, #tpu.memory_space<vmem>>, %arg6: memref<128x128xf32, #tpu.memory_space<vmem>>, %arg7: memref<128x128xf32, #tpu.memory_space<vmem>>, %arg8: memref<!tpu.dma_semaphore, #tpu.memory_space<semaphore_mem>>, %arg9: memref<!tpu.dma_semaphore, #tpu.memory_space<semaphore_mem>>) attributes {dimension_semantics = [#tpu.dimension_semantics<core_parallel>, #tpu.dimension_semantics<subcore_parallel>], iteration_bounds = array<i64: 2, 16>, scalar_prefetch = 0 : i64, scratch_operands = 5 : i64, tpu.core_type = #tpu.core_type<sc_vector_subcore>, window_params = [{transform_indices = #map}, {transform_indices = #map1}, {transform_indices = #map}]} {
    %mul3A = arith.constant 2 : i32
    %mul3A_0 = arith.muli %arg1, %mul3A : i32
    %add3A = arith.addi %mul3A_0, %arg0 : i32
    %mul3A_1 = arith.constant 2560 : i32
    %mul3A_2 = arith.muli %add3A, %mul3A_1 : i32
    "tpu.region"() ({
      %run_scoped3A = tpu.sem_alloc : memref<!tpu.dma_semaphore, #tpu.memory_space<semaphore_mem>>
      %dma_start3A_17 = tpu.memref_slice %arg3[%mul3A_2] : memref<81920xi32, #tpu.memory_space<hbm>> -> memref<2560xi32, #tpu.memory_space<hbm>>
      %dma_start3A_18 = tpu.memref_slice %arg3[%mul3A_2] : memref<81920xi32, #tpu.memory_space<hbm>> -> memref<2560xi32, #tpu.memory_space<hbm>>
      tpu.enqueue_dma source(%dma_start3A_18 : memref<2560xi32, #tpu.memory_space<hbm>>) target(%arg5 : memref<2560xi32, #tpu.memory_space<vmem>>) target_semaphore(%run_scoped3A : memref<!tpu.dma_semaphore, #tpu.memory_space<semaphore_mem>>)
      %dma_wait3A = tpu.memref_slice %arg3[%mul3A_2] : memref<81920xi32, #tpu.memory_space<hbm>> -> memref<2560xi32, #tpu.memory_space<hbm>>
      %dma_wait3A_19 = tpu.memref_slice %arg3[%mul3A_2] : memref<81920xi32, #tpu.memory_space<hbm>> -> memref<2560xi32, #tpu.memory_space<hbm>>
      tpu.wait_dma2 semaphore(%run_scoped3A : memref<!tpu.dma_semaphore, #tpu.memory_space<semaphore_mem>>) src(%dma_wait3A_19 : memref<2560xi32, #tpu.memory_space<hbm>>) dst(%arg5 : memref<2560xi32, #tpu.memory_space<vmem>>)
      tpu.yield
    }) : () -> ()
    %dma_start3A = arith.constant 0 : i32
    %dma_start3A_3 = tpu.memref_slice %arg5[%dma_start3A] : memref<2560xi32, #tpu.memory_space<vmem>> -> memref<128xi32, #tpu.memory_space<vmem>>
    %dma_start3A_4 = arith.constant 0 : i32
    %dma_start3A_5 = arith.constant 0 : i32
    %dma_start3A_6 = tpu.memref_slice %arg2[%dma_start3A_4, %dma_start3A_5] : memref<4096x128xf32, #tpu.memory_space<hbm>> -> memref<4096x128xf32, #tpu.memory_space<hbm>>
    tpu.enqueue_indirect_dma source(%dma_start3A_6 : memref<4096x128xf32, #tpu.memory_space<hbm>>) target(%arg6 : memref<128x128xf32, #tpu.memory_space<vmem>>) offsets(%dma_start3A_3 : memref<128xi32, #tpu.memory_space<vmem>>) semaphore(%arg8 : memref<!tpu.dma_semaphore, #tpu.memory_space<semaphore_mem>>)
    %dma_start3A_7 = arith.constant 128 : i32
    %dma_start3A_8 = tpu.memref_slice %arg5[%dma_start3A_7] : memref<2560xi32, #tpu.memory_space<vmem>> -> memref<128xi32, #tpu.memory_space<vmem>>
    %dma_start3A_9 = arith.constant 0 : i32
    %dma_start3A_10 = arith.constant 0 : i32
    %dma_start3A_11 = tpu.memref_slice %arg2[%dma_start3A_9, %dma_start3A_10] : memref<4096x128xf32, #tpu.memory_space<hbm>> -> memref<4096x128xf32, #tpu.memory_space<hbm>>
    tpu.enqueue_indirect_dma source(%dma_start3A_11 : memref<4096x128xf32, #tpu.memory_space<hbm>>) target(%arg7 : memref<128x128xf32, #tpu.memory_space<vmem>>) offsets(%dma_start3A_8 : memref<128xi32, #tpu.memory_space<vmem>>) semaphore(%arg9 : memref<!tpu.dma_semaphore, #tpu.memory_space<semaphore_mem>>)
    %scan3A = arith.constant 0 : i32
    %scan3A_12 = arith.constant 0 : i32
    %scan3A_13 = arith.constant 10 : i32
    %scan3A_14 = arith.addi %scan3A_12, %scan3A_13 : i32
    %scan3A_15 = arith.constant 1 : i32
    scf.for %scan3A_17 = %scan3A_12 to %scan3A_14 step %scan3A_15  : i32 {
      %mul3A_18 = arith.constant 2 : i32
      %mul3A_19 = arith.muli %mul3A_18, %scan3A_17 : i32
      %mul3A_20 = arith.constant 128 : i32
      %mul3A_21 = arith.muli %mul3A_19, %mul3A_20 : i32
      %dma_wait3A = tpu.memref_slice %arg5[%mul3A_21] : memref<2560xi32, #tpu.memory_space<vmem>> -> memref<128xi32, #tpu.memory_space<vmem>>
      %dma_wait3A_22 = arith.constant 0 : i32
      %dma_wait3A_23 = arith.constant 0 : i32
      %dma_wait3A_24 = tpu.memref_slice %arg2[%dma_wait3A_22, %dma_wait3A_23] : memref<4096x128xf32, #tpu.memory_space<hbm>> -> memref<4096x128xf32, #tpu.memory_space<hbm>>
      tpu.wait_indirect_dma semaphore(%arg8 : memref<!tpu.dma_semaphore, #tpu.memory_space<semaphore_mem>>) src(%dma_wait3A_24 : memref<4096x128xf32, #tpu.memory_space<hbm>>) dst(%arg6 : memref<128x128xf32, #tpu.memory_space<vmem>>)
      %mul3A_25 = arith.constant 128 : i32
      %mul3A_26 = arith.muli %mul3A_19, %mul3A_25 : i32
      %add3A_27 = arith.addi %mul3A_2, %mul3A_26 : i32
      "tpu.region"() ({
        %run_scoped3A = tpu.sem_alloc : memref<!tpu.dma_semaphore, #tpu.memory_space<semaphore_mem>>
        %dma_start3A_52 = arith.constant 0 : i32
        %dma_start3A_53 = tpu.memref_slice %arg4[%add3A_27, %dma_start3A_52] : memref<81920x128xf32, #tpu.memory_space<hbm>> -> memref<128x128xf32, #tpu.memory_space<hbm>>
        %dma_start3A_54 = arith.constant 0 : i32
        %dma_start3A_55 = tpu.memref_slice %arg4[%add3A_27, %dma_start3A_54] : memref<81920x128xf32, #tpu.memory_space<hbm>> -> memref<128x128xf32, #tpu.memory_space<hbm>>
        tpu.enqueue_dma source(%arg6 : memref<128x128xf32, #tpu.memory_space<vmem>>) target(%dma_start3A_55 : memref<128x128xf32, #tpu.memory_space<hbm>>) target_semaphore(%run_scoped3A : memref<!tpu.dma_semaphore, #tpu.memory_space<semaphore_mem>>)
        %dma_wait3A_56 = arith.constant 0 : i32
        %dma_wait3A_57 = tpu.memref_slice %arg4[%add3A_27, %dma_wait3A_56] : memref<81920x128xf32, #tpu.memory_space<hbm>> -> memref<128x128xf32, #tpu.memory_space<hbm>>
        %dma_wait3A_58 = arith.constant 0 : i32
        %dma_wait3A_59 = tpu.memref_slice %arg4[%add3A_27, %dma_wait3A_58] : memref<81920x128xf32, #tpu.memory_space<hbm>> -> memref<128x128xf32, #tpu.memory_space<hbm>>
        tpu.wait_dma2 semaphore(%run_scoped3A : memref<!tpu.dma_semaphore, #tpu.memory_space<semaphore_mem>>) src(%arg6 : memref<128x128xf32, #tpu.memory_space<vmem>>) dst(%dma_wait3A_59 : memref<128x128xf32, #tpu.memory_space<hbm>>)
        tpu.yield
      }) : () -> ()
      %add3A_28 = arith.constant 2 : i32
      %add3A_29 = arith.addi %mul3A_19, %add3A_28 : i32
      %lt3A = arith.constant 20 : i32
      %lt3A_30 = arith.cmpi slt, %add3A_29, %lt3A : i32
      %convert_element_type3A = arith.extui %lt3A_30 : i1 to i32
      %cond3A = arith.constant 0 : i32
      %cond3A_31 = arith.cmpi ne, %convert_element_type3A, %cond3A : i32
      scf.if %cond3A_31 {
        %add3A_52 = arith.constant 2 : i32
        %add3A_53 = arith.addi %mul3A_19, %add3A_52 : i32
        %mul3A_54 = arith.constant 128 : i32
        %mul3A_55 = arith.muli %add3A_53, %mul3A_54 : i32
        %dma_start3A_56 = tpu.memref_slice %arg5[%mul3A_55] : memref<2560xi32, #tpu.memory_space<vmem>> -> memref<128xi32, #tpu.memory_space<vmem>>
        %dma_start3A_57 = arith.constant 0 : i32
        %dma_start3A_58 = arith.constant 0 : i32
        %dma_start3A_59 = tpu.memref_slice %arg2[%dma_start3A_57, %dma_start3A_58] : memref<4096x128xf32, #tpu.memory_space<hbm>> -> memref<4096x128xf32, #tpu.memory_space<hbm>>
        tpu.enqueue_indirect_dma source(%dma_start3A_59 : memref<4096x128xf32, #tpu.memory_space<hbm>>) target(%arg6 : memref<128x128xf32, #tpu.memory_space<vmem>>) offsets(%dma_start3A_56 : memref<128xi32, #tpu.memory_space<vmem>>) semaphore(%arg8 : memref<!tpu.dma_semaphore, #tpu.memory_space<semaphore_mem>>)
      } else {
      }
      %add3A_32 = arith.constant 1 : i32
      %add3A_33 = arith.addi %mul3A_19, %add3A_32 : i32
      %mul3A_34 = arith.constant 128 : i32
      %mul3A_35 = arith.muli %add3A_33, %mul3A_34 : i32
      %dma_wait3A_36 = tpu.memref_slice %arg5[%mul3A_35] : memref<2560xi32, #tpu.memory_space<vmem>> -> memref<128xi32, #tpu.memory_space<vmem>>
      %dma_wait3A_37 = arith.constant 0 : i32
      %dma_wait3A_38 = arith.constant 0 : i32
      %dma_wait3A_39 = tpu.memref_slice %arg2[%dma_wait3A_37, %dma_wait3A_38] : memref<4096x128xf32, #tpu.memory_space<hbm>> -> memref<4096x128xf32, #tpu.memory_space<hbm>>
      tpu.wait_indirect_dma semaphore(%arg9 : memref<!tpu.dma_semaphore, #tpu.memory_space<semaphore_mem>>) src(%dma_wait3A_39 : memref<4096x128xf32, #tpu.memory_space<hbm>>) dst(%arg7 : memref<128x128xf32, #tpu.memory_space<vmem>>)
      %add3A_40 = arith.constant 1 : i32
      %add3A_41 = arith.addi %mul3A_19, %add3A_40 : i32
      %mul3A_42 = arith.constant 128 : i32
      %mul3A_43 = arith.muli %add3A_41, %mul3A_42 : i32
      %add3A_44 = arith.addi %mul3A_2, %mul3A_43 : i32
      "tpu.region"() ({
        %run_scoped3A = tpu.sem_alloc : memref<!tpu.dma_semaphore, #tpu.memory_space<semaphore_mem>>
        %dma_start3A_52 = arith.constant 0 : i32
        %dma_start3A_53 = tpu.memref_slice %arg4[%add3A_44, %dma_start3A_52] : memref<81920x128xf32, #tpu.memory_space<hbm>> -> memref<128x128xf32, #tpu.memory_space<hbm>>
        %dma_start3A_54 = arith.constant 0 : i32
        %dma_start3A_55 = tpu.memref_slice %arg4[%add3A_44, %dma_start3A_54] : memref<81920x128xf32, #tpu.memory_space<hbm>> -> memref<128x128xf32, #tpu.memory_space<hbm>>
        tpu.enqueue_dma source(%arg7 : memref<128x128xf32, #tpu.memory_space<vmem>>) target(%dma_start3A_55 : memref<128x128xf32, #tpu.memory_space<hbm>>) target_semaphore(%run_scoped3A : memref<!tpu.dma_semaphore, #tpu.memory_space<semaphore_mem>>)
        %dma_wait3A_56 = arith.constant 0 : i32
        %dma_wait3A_57 = tpu.memref_slice %arg4[%add3A_44, %dma_wait3A_56] : memref<81920x128xf32, #tpu.memory_space<hbm>> -> memref<128x128xf32, #tpu.memory_space<hbm>>
        %dma_wait3A_58 = arith.constant 0 : i32
        %dma_wait3A_59 = tpu.memref_slice %arg4[%add3A_44, %dma_wait3A_58] : memref<81920x128xf32, #tpu.memory_space<hbm>> -> memref<128x128xf32, #tpu.memory_space<hbm>>
        tpu.wait_dma2 semaphore(%run_scoped3A : memref<!tpu.dma_semaphore, #tpu.memory_space<semaphore_mem>>) src(%arg7 : memref<128x128xf32, #tpu.memory_space<vmem>>) dst(%dma_wait3A_59 : memref<128x128xf32, #tpu.memory_space<hbm>>)
        tpu.yield
      }) : () -> ()
      %add3A_45 = arith.constant 3 : i32
      %add3A_46 = arith.addi %mul3A_19, %add3A_45 : i32
      %lt3A_47 = arith.constant 20 : i32
      %lt3A_48 = arith.cmpi slt, %add3A_46, %lt3A_47 : i32
      %convert_element_type3A_49 = arith.extui %lt3A_48 : i1 to i32
      %cond3A_50 = arith.constant 0 : i32
      %cond3A_51 = arith.cmpi ne, %convert_element_type3A_49, %cond3A_50 : i32
      scf.if %cond3A_51 {
        %add3A_52 = arith.constant 3 : i32
        %add3A_53 = arith.addi %mul3A_19, %add3A_52 : i32
        %mul3A_54 = arith.constant 128 : i32
        %mul3A_55 = arith.muli %add3A_53, %mul3A_54 : i32
        %dma_start3A_56 = tpu.memref_slice %arg5[%mul3A_55] : memref<2560xi32, #tpu.memory_space<vmem>> -> memref<128xi32, #tpu.memory_space<vmem>>
        %dma_start3A_57 = arith.constant 0 : i32
        %dma_start3A_58 = arith.constant 0 : i32
        %dma_start3A_59 = tpu.memref_slice %arg2[%dma_start3A_57, %dma_start3A_58] : memref<4096x128xf32, #tpu.memory_space<hbm>> -> memref<4096x128xf32, #tpu.memory_space<hbm>>
        tpu.enqueue_indirect_dma source(%dma_start3A_59 : memref<4096x128xf32, #tpu.memory_space<hbm>>) target(%arg7 : memref<128x128xf32, #tpu.memory_space<vmem>>) offsets(%dma_start3A_56 : memref<128xi32, #tpu.memory_space<vmem>>) semaphore(%arg9 : memref<!tpu.dma_semaphore, #tpu.memory_space<semaphore_mem>>)
      } else {
      }
    }
    %scan3A_16 = arith.constant 10 : i32
    return
  }
}

module attributes {stable_mosaic.version = 14 : i64} {
  func.func @_knn_body(%arg0: i32, %arg1: i32, %arg2: memref<1x4096x3xf32, #tpu.memory_space<vmem>>, %arg3: memref<1x256x3xf32, #tpu.memory_space<vmem>>, %arg4: memref<1x256x20xi32, #tpu.memory_space<vmem>>) attributes {dimension_semantics = [#tpu.dimension_semantics<arbitrary>, #tpu.dimension_semantics<arbitrary>], iteration_bounds = array<i64: 1, 16>, scalar_prefetch = 0 : i64, scratch_operands = 0 : i64, tpu.core_type = #tpu.core_type<tc>, window_params = [{transform_indices = @transform_0, window_bounds = array<i64: 1, 4096, 3>}, {transform_indices = @transform_1, window_bounds = array<i64: 1, 256, 3>}, {transform_indices = @transform_2, window_bounds = array<i64: 1, 256, 20>}]} {
    %get3A = arith.constant 0 : index
    %get3A_0 = arith.constant 0 : index
    %get3A_1 = arith.constant 0 : index
    %get3A_2 = vector.load %arg2[%get3A, %get3A_0, %get3A_1] : memref<1x4096x3xf32, #tpu.memory_space<vmem>>, vector<1x4096x3xf32>
    %get3A_3 = vector.shape_cast %get3A_2 : vector<1x4096x3xf32> to vector<4096x3xf32>
    %get3A_4 = arith.constant 0 : index
    %get3A_5 = arith.constant 0 : index
    %get3A_6 = arith.constant 0 : index
    %get3A_7 = vector.load %arg3[%get3A_4, %get3A_5, %get3A_6] : memref<1x256x3xf32, #tpu.memory_space<vmem>>, vector<1x256x3xf32>
    %get3A_8 = vector.shape_cast %get3A_7 : vector<1x256x3xf32> to vector<256x3xf32>
    %mul3A = arith.mulf %get3A_3, %get3A_3 : vector<4096x3xf32>
    %reduce_sum3A = arith.constant dense<0.000000e+00> : vector<4096xf32>
    %reduce_sum3A_9 = vector.multi_reduction <add>, %mul3A, %reduce_sum3A [1] : vector<4096x3xf32> to vector<4096xf32>
    %mul3A_10 = arith.mulf %get3A_8, %get3A_8 : vector<256x3xf32>
    %reduce_sum3A_11 = arith.constant dense<0.000000e+00> : vector<256xf32>
    %reduce_sum3A_12 = vector.multi_reduction <add>, %mul3A_10, %reduce_sum3A_11 [1] : vector<256x3xf32> to vector<256xf32>
    %dot_general3A = arith.constant dense<0.000000e+00> : vector<256x4096xf32>
    %dot_general3A_13 = tpu.matmul %get3A_8, %get3A_3, %dot_general3A {dimension_numbers = #tpu.dot_dimension_numbers<[1], [1], [0], [0], [0, 0, 1, 0], [], []>, transpose_lhs_hint = false} : vector<256x3xf32>, vector<4096x3xf32>, vector<256x4096xf32> -> vector<256x4096xf32>
    %mul3A_14 = arith.constant 2.000000e+00 : f32
    %mul3A_15 = vector.broadcast %mul3A_14 : f32 to vector<256x4096xf32>
    %mul3A_16 = arith.mulf %mul3A_15, %dot_general3A_13 : vector<256x4096xf32>
    %broadcast_in_dim3A = vector.shape_cast %reduce_sum3A_12 : vector<256xf32> to vector<256x1xf32>
    %sub3A = vector.broadcast %broadcast_in_dim3A : vector<256x1xf32> to vector<256x4096xf32>
    %sub3A_17 = arith.subf %mul3A_16, %sub3A : vector<256x4096xf32>
    %broadcast_in_dim3A_18 = vector.shape_cast %reduce_sum3A_9 : vector<4096xf32> to vector<1x4096xf32>
    %sub3A_19 = vector.broadcast %broadcast_in_dim3A_18 : vector<1x4096xf32> to vector<256x4096xf32>
    %sub3A_20 = arith.subf %sub3A_17, %sub3A_19 : vector<256x4096xf32>
    %iota3A = tpu.iota {dimensions = array<i32: 1>} : vector<256x4096xi32>
    %argmax3A = tpu.reduce_index %sub3A_20 {axis = 1 : i32, kind = #tpu.reduction_kind<arg_max>} : vector<256x4096xf32> -> vector<256xi32>
    %broadcast_in_dim3A_21 = vector.shape_cast %argmax3A : vector<256xi32> to vector<256x1xi32>
    %eq3A = vector.broadcast %broadcast_in_dim3A_21 : vector<256x1xi32> to vector<256x4096xi32>
    %eq3A_22 = arith.cmpi eq, %iota3A, %eq3A : vector<256x4096xi32>
    %jit3A = arith.constant 0xFF800000 : f32
    %broadcast_in_dim3A_23 = vector.broadcast %jit3A : f32 to vector<256x4096xf32>
    %select_n3A = arith.select %eq3A_22, %broadcast_in_dim3A_23, %sub3A_20 : vector<256x4096xi1>, vector<256x4096xf32>
    %argmax3A_24 = tpu.reduce_index %select_n3A {axis = 1 : i32, kind = #tpu.reduction_kind<arg_max>} : vector<256x4096xf32> -> vector<256xi32>
    %broadcast_in_dim3A_25 = vector.shape_cast %argmax3A_24 : vector<256xi32> to vector<256x1xi32>
    %eq3A_26 = vector.broadcast %broadcast_in_dim3A_25 : vector<256x1xi32> to vector<256x4096xi32>
    %eq3A_27 = arith.cmpi eq, %iota3A, %eq3A_26 : vector<256x4096xi32>
    %jit3A_28 = arith.constant 0xFF800000 : f32
    %broadcast_in_dim3A_29 = vector.broadcast %jit3A_28 : f32 to vector<256x4096xf32>
    %select_n3A_30 = arith.select %eq3A_27, %broadcast_in_dim3A_29, %select_n3A : vector<256x4096xi1>, vector<256x4096xf32>
    %argmax3A_31 = tpu.reduce_index %select_n3A_30 {axis = 1 : i32, kind = #tpu.reduction_kind<arg_max>} : vector<256x4096xf32> -> vector<256xi32>
    %broadcast_in_dim3A_32 = vector.shape_cast %argmax3A_31 : vector<256xi32> to vector<256x1xi32>
    %eq3A_33 = vector.broadcast %broadcast_in_dim3A_32 : vector<256x1xi32> to vector<256x4096xi32>
    %eq3A_34 = arith.cmpi eq, %iota3A, %eq3A_33 : vector<256x4096xi32>
    %jit3A_35 = arith.constant 0xFF800000 : f32
    %broadcast_in_dim3A_36 = vector.broadcast %jit3A_35 : f32 to vector<256x4096xf32>
    %select_n3A_37 = arith.select %eq3A_34, %broadcast_in_dim3A_36, %select_n3A_30 : vector<256x4096xi1>, vector<256x4096xf32>
    %argmax3A_38 = tpu.reduce_index %select_n3A_37 {axis = 1 : i32, kind = #tpu.reduction_kind<arg_max>} : vector<256x4096xf32> -> vector<256xi32>
    %broadcast_in_dim3A_39 = vector.shape_cast %argmax3A_38 : vector<256xi32> to vector<256x1xi32>
    %eq3A_40 = vector.broadcast %broadcast_in_dim3A_39 : vector<256x1xi32> to vector<256x4096xi32>
    %eq3A_41 = arith.cmpi eq, %iota3A, %eq3A_40 : vector<256x4096xi32>
    %jit3A_42 = arith.constant 0xFF800000 : f32
    %broadcast_in_dim3A_43 = vector.broadcast %jit3A_42 : f32 to vector<256x4096xf32>
    %select_n3A_44 = arith.select %eq3A_41, %broadcast_in_dim3A_43, %select_n3A_37 : vector<256x4096xi1>, vector<256x4096xf32>
    %argmax3A_45 = tpu.reduce_index %select_n3A_44 {axis = 1 : i32, kind = #tpu.reduction_kind<arg_max>} : vector<256x4096xf32> -> vector<256xi32>
    %broadcast_in_dim3A_46 = vector.shape_cast %argmax3A_45 : vector<256xi32> to vector<256x1xi32>
    %eq3A_47 = vector.broadcast %broadcast_in_dim3A_46 : vector<256x1xi32> to vector<256x4096xi32>
    %eq3A_48 = arith.cmpi eq, %iota3A, %eq3A_47 : vector<256x4096xi32>
    %jit3A_49 = arith.constant 0xFF800000 : f32
    %broadcast_in_dim3A_50 = vector.broadcast %jit3A_49 : f32 to vector<256x4096xf32>
    %select_n3A_51 = arith.select %eq3A_48, %broadcast_in_dim3A_50, %select_n3A_44 : vector<256x4096xi1>, vector<256x4096xf32>
    %argmax3A_52 = tpu.reduce_index %select_n3A_51 {axis = 1 : i32, kind = #tpu.reduction_kind<arg_max>} : vector<256x4096xf32> -> vector<256xi32>
    %broadcast_in_dim3A_53 = vector.shape_cast %argmax3A_52 : vector<256xi32> to vector<256x1xi32>
    %eq3A_54 = vector.broadcast %broadcast_in_dim3A_53 : vector<256x1xi32> to vector<256x4096xi32>
    %eq3A_55 = arith.cmpi eq, %iota3A, %eq3A_54 : vector<256x4096xi32>
    %jit3A_56 = arith.constant 0xFF800000 : f32
    %broadcast_in_dim3A_57 = vector.broadcast %jit3A_56 : f32 to vector<256x4096xf32>
    %select_n3A_58 = arith.select %eq3A_55, %broadcast_in_dim3A_57, %select_n3A_51 : vector<256x4096xi1>, vector<256x4096xf32>
    %argmax3A_59 = tpu.reduce_index %select_n3A_58 {axis = 1 : i32, kind = #tpu.reduction_kind<arg_max>} : vector<256x4096xf32> -> vector<256xi32>
    %broadcast_in_dim3A_60 = vector.shape_cast %argmax3A_59 : vector<256xi32> to vector<256x1xi32>
    %eq3A_61 = vector.broadcast %broadcast_in_dim3A_60 : vector<256x1xi32> to vector<256x4096xi32>
    %eq3A_62 = arith.cmpi eq, %iota3A, %eq3A_61 : vector<256x4096xi32>
    %jit3A_63 = arith.constant 0xFF800000 : f32
    %broadcast_in_dim3A_64 = vector.broadcast %jit3A_63 : f32 to vector<256x4096xf32>
    %select_n3A_65 = arith.select %eq3A_62, %broadcast_in_dim3A_64, %select_n3A_58 : vector<256x4096xi1>, vector<256x4096xf32>
    %argmax3A_66 = tpu.reduce_index %select_n3A_65 {axis = 1 : i32, kind = #tpu.reduction_kind<arg_max>} : vector<256x4096xf32> -> vector<256xi32>
    %broadcast_in_dim3A_67 = vector.shape_cast %argmax3A_66 : vector<256xi32> to vector<256x1xi32>
    %eq3A_68 = vector.broadcast %broadcast_in_dim3A_67 : vector<256x1xi32> to vector<256x4096xi32>
    %eq3A_69 = arith.cmpi eq, %iota3A, %eq3A_68 : vector<256x4096xi32>
    %jit3A_70 = arith.constant 0xFF800000 : f32
    %broadcast_in_dim3A_71 = vector.broadcast %jit3A_70 : f32 to vector<256x4096xf32>
    %select_n3A_72 = arith.select %eq3A_69, %broadcast_in_dim3A_71, %select_n3A_65 : vector<256x4096xi1>, vector<256x4096xf32>
    %argmax3A_73 = tpu.reduce_index %select_n3A_72 {axis = 1 : i32, kind = #tpu.reduction_kind<arg_max>} : vector<256x4096xf32> -> vector<256xi32>
    %broadcast_in_dim3A_74 = vector.shape_cast %argmax3A_73 : vector<256xi32> to vector<256x1xi32>
    %eq3A_75 = vector.broadcast %broadcast_in_dim3A_74 : vector<256x1xi32> to vector<256x4096xi32>
    %eq3A_76 = arith.cmpi eq, %iota3A, %eq3A_75 : vector<256x4096xi32>
    %jit3A_77 = arith.constant 0xFF800000 : f32
    %broadcast_in_dim3A_78 = vector.broadcast %jit3A_77 : f32 to vector<256x4096xf32>
    %select_n3A_79 = arith.select %eq3A_76, %broadcast_in_dim3A_78, %select_n3A_72 : vector<256x4096xi1>, vector<256x4096xf32>
    %argmax3A_80 = tpu.reduce_index %select_n3A_79 {axis = 1 : i32, kind = #tpu.reduction_kind<arg_max>} : vector<256x4096xf32> -> vector<256xi32>
    %broadcast_in_dim3A_81 = vector.shape_cast %argmax3A_80 : vector<256xi32> to vector<256x1xi32>
    %eq3A_82 = vector.broadcast %broadcast_in_dim3A_81 : vector<256x1xi32> to vector<256x4096xi32>
    %eq3A_83 = arith.cmpi eq, %iota3A, %eq3A_82 : vector<256x4096xi32>
    %jit3A_84 = arith.constant 0xFF800000 : f32
    %broadcast_in_dim3A_85 = vector.broadcast %jit3A_84 : f32 to vector<256x4096xf32>
    %select_n3A_86 = arith.select %eq3A_83, %broadcast_in_dim3A_85, %select_n3A_79 : vector<256x4096xi1>, vector<256x4096xf32>
    %argmax3A_87 = tpu.reduce_index %select_n3A_86 {axis = 1 : i32, kind = #tpu.reduction_kind<arg_max>} : vector<256x4096xf32> -> vector<256xi32>
    %broadcast_in_dim3A_88 = vector.shape_cast %argmax3A_87 : vector<256xi32> to vector<256x1xi32>
    %eq3A_89 = vector.broadcast %broadcast_in_dim3A_88 : vector<256x1xi32> to vector<256x4096xi32>
    %eq3A_90 = arith.cmpi eq, %iota3A, %eq3A_89 : vector<256x4096xi32>
    %jit3A_91 = arith.constant 0xFF800000 : f32
    %broadcast_in_dim3A_92 = vector.broadcast %jit3A_91 : f32 to vector<256x4096xf32>
    %select_n3A_93 = arith.select %eq3A_90, %broadcast_in_dim3A_92, %select_n3A_86 : vector<256x4096xi1>, vector<256x4096xf32>
    %argmax3A_94 = tpu.reduce_index %select_n3A_93 {axis = 1 : i32, kind = #tpu.reduction_kind<arg_max>} : vector<256x4096xf32> -> vector<256xi32>
    %broadcast_in_dim3A_95 = vector.shape_cast %argmax3A_94 : vector<256xi32> to vector<256x1xi32>
    %eq3A_96 = vector.broadcast %broadcast_in_dim3A_95 : vector<256x1xi32> to vector<256x4096xi32>
    %eq3A_97 = arith.cmpi eq, %iota3A, %eq3A_96 : vector<256x4096xi32>
    %jit3A_98 = arith.constant 0xFF800000 : f32
    %broadcast_in_dim3A_99 = vector.broadcast %jit3A_98 : f32 to vector<256x4096xf32>
    %select_n3A_100 = arith.select %eq3A_97, %broadcast_in_dim3A_99, %select_n3A_93 : vector<256x4096xi1>, vector<256x4096xf32>
    %argmax3A_101 = tpu.reduce_index %select_n3A_100 {axis = 1 : i32, kind = #tpu.reduction_kind<arg_max>} : vector<256x4096xf32> -> vector<256xi32>
    %broadcast_in_dim3A_102 = vector.shape_cast %argmax3A_101 : vector<256xi32> to vector<256x1xi32>
    %eq3A_103 = vector.broadcast %broadcast_in_dim3A_102 : vector<256x1xi32> to vector<256x4096xi32>
    %eq3A_104 = arith.cmpi eq, %iota3A, %eq3A_103 : vector<256x4096xi32>
    %jit3A_105 = arith.constant 0xFF800000 : f32
    %broadcast_in_dim3A_106 = vector.broadcast %jit3A_105 : f32 to vector<256x4096xf32>
    %select_n3A_107 = arith.select %eq3A_104, %broadcast_in_dim3A_106, %select_n3A_100 : vector<256x4096xi1>, vector<256x4096xf32>
    %argmax3A_108 = tpu.reduce_index %select_n3A_107 {axis = 1 : i32, kind = #tpu.reduction_kind<arg_max>} : vector<256x4096xf32> -> vector<256xi32>
    %broadcast_in_dim3A_109 = vector.shape_cast %argmax3A_108 : vector<256xi32> to vector<256x1xi32>
    %eq3A_110 = vector.broadcast %broadcast_in_dim3A_109 : vector<256x1xi32> to vector<256x4096xi32>
    %eq3A_111 = arith.cmpi eq, %iota3A, %eq3A_110 : vector<256x4096xi32>
    %jit3A_112 = arith.constant 0xFF800000 : f32
    %broadcast_in_dim3A_113 = vector.broadcast %jit3A_112 : f32 to vector<256x4096xf32>
    %select_n3A_114 = arith.select %eq3A_111, %broadcast_in_dim3A_113, %select_n3A_107 : vector<256x4096xi1>, vector<256x4096xf32>
    %argmax3A_115 = tpu.reduce_index %select_n3A_114 {axis = 1 : i32, kind = #tpu.reduction_kind<arg_max>} : vector<256x4096xf32> -> vector<256xi32>
    %broadcast_in_dim3A_116 = vector.shape_cast %argmax3A_115 : vector<256xi32> to vector<256x1xi32>
    %eq3A_117 = vector.broadcast %broadcast_in_dim3A_116 : vector<256x1xi32> to vector<256x4096xi32>
    %eq3A_118 = arith.cmpi eq, %iota3A, %eq3A_117 : vector<256x4096xi32>
    %jit3A_119 = arith.constant 0xFF800000 : f32
    %broadcast_in_dim3A_120 = vector.broadcast %jit3A_119 : f32 to vector<256x4096xf32>
    %select_n3A_121 = arith.select %eq3A_118, %broadcast_in_dim3A_120, %select_n3A_114 : vector<256x4096xi1>, vector<256x4096xf32>
    %argmax3A_122 = tpu.reduce_index %select_n3A_121 {axis = 1 : i32, kind = #tpu.reduction_kind<arg_max>} : vector<256x4096xf32> -> vector<256xi32>
    %broadcast_in_dim3A_123 = vector.shape_cast %argmax3A_122 : vector<256xi32> to vector<256x1xi32>
    %eq3A_124 = vector.broadcast %broadcast_in_dim3A_123 : vector<256x1xi32> to vector<256x4096xi32>
    %eq3A_125 = arith.cmpi eq, %iota3A, %eq3A_124 : vector<256x4096xi32>
    %jit3A_126 = arith.constant 0xFF800000 : f32
    %broadcast_in_dim3A_127 = vector.broadcast %jit3A_126 : f32 to vector<256x4096xf32>
    %select_n3A_128 = arith.select %eq3A_125, %broadcast_in_dim3A_127, %select_n3A_121 : vector<256x4096xi1>, vector<256x4096xf32>
    %argmax3A_129 = tpu.reduce_index %select_n3A_128 {axis = 1 : i32, kind = #tpu.reduction_kind<arg_max>} : vector<256x4096xf32> -> vector<256xi32>
    %broadcast_in_dim3A_130 = vector.shape_cast %argmax3A_129 : vector<256xi32> to vector<256x1xi32>
    %eq3A_131 = vector.broadcast %broadcast_in_dim3A_130 : vector<256x1xi32> to vector<256x4096xi32>
    %eq3A_132 = arith.cmpi eq, %iota3A, %eq3A_131 : vector<256x4096xi32>
    %jit3A_133 = arith.constant 0xFF800000 : f32
    %broadcast_in_dim3A_134 = vector.broadcast %jit3A_133 : f32 to vector<256x4096xf32>
    %select_n3A_135 = arith.select %eq3A_132, %broadcast_in_dim3A_134, %select_n3A_128 : vector<256x4096xi1>, vector<256x4096xf32>
    %argmax3A_136 = tpu.reduce_index %select_n3A_135 {axis = 1 : i32, kind = #tpu.reduction_kind<arg_max>} : vector<256x4096xf32> -> vector<256xi32>
    %broadcast_in_dim3A_137 = vector.shape_cast %argmax3A_136 : vector<256xi32> to vector<256x1xi32>
    %eq3A_138 = vector.broadcast %broadcast_in_dim3A_137 : vector<256x1xi32> to vector<256x4096xi32>
    %eq3A_139 = arith.cmpi eq, %iota3A, %eq3A_138 : vector<256x4096xi32>
    %jit3A_140 = arith.constant 0xFF800000 : f32
    %broadcast_in_dim3A_141 = vector.broadcast %jit3A_140 : f32 to vector<256x4096xf32>
    %select_n3A_142 = arith.select %eq3A_139, %broadcast_in_dim3A_141, %select_n3A_135 : vector<256x4096xi1>, vector<256x4096xf32>
    %argmax3A_143 = tpu.reduce_index %select_n3A_142 {axis = 1 : i32, kind = #tpu.reduction_kind<arg_max>} : vector<256x4096xf32> -> vector<256xi32>
    %broadcast_in_dim3A_144 = vector.shape_cast %argmax3A_143 : vector<256xi32> to vector<256x1xi32>
    %eq3A_145 = vector.broadcast %broadcast_in_dim3A_144 : vector<256x1xi32> to vector<256x4096xi32>
    %eq3A_146 = arith.cmpi eq, %iota3A, %eq3A_145 : vector<256x4096xi32>
    %jit3A_147 = arith.constant 0xFF800000 : f32
    %broadcast_in_dim3A_148 = vector.broadcast %jit3A_147 : f32 to vector<256x4096xf32>
    %select_n3A_149 = arith.select %eq3A_146, %broadcast_in_dim3A_148, %select_n3A_142 : vector<256x4096xi1>, vector<256x4096xf32>
    %argmax3A_150 = tpu.reduce_index %select_n3A_149 {axis = 1 : i32, kind = #tpu.reduction_kind<arg_max>} : vector<256x4096xf32> -> vector<256xi32>
    %broadcast_in_dim3A_151 = vector.shape_cast %argmax3A_150 : vector<256xi32> to vector<256x1xi32>
    %concatenate3A = tpu.concatenate %broadcast_in_dim3A_21, %broadcast_in_dim3A_25, %broadcast_in_dim3A_32, %broadcast_in_dim3A_39, %broadcast_in_dim3A_46, %broadcast_in_dim3A_53, %broadcast_in_dim3A_60, %broadcast_in_dim3A_67, %broadcast_in_dim3A_74, %broadcast_in_dim3A_81, %broadcast_in_dim3A_88, %broadcast_in_dim3A_95, %broadcast_in_dim3A_102, %broadcast_in_dim3A_109, %broadcast_in_dim3A_116, %broadcast_in_dim3A_123, %broadcast_in_dim3A_130, %broadcast_in_dim3A_137, %broadcast_in_dim3A_144, %broadcast_in_dim3A_151 in 1 : vector<256x1xi32>, vector<256x1xi32>, vector<256x1xi32>, vector<256x1xi32>, vector<256x1xi32>, vector<256x1xi32>, vector<256x1xi32>, vector<256x1xi32>, vector<256x1xi32>, vector<256x1xi32>, vector<256x1xi32>, vector<256x1xi32>, vector<256x1xi32>, vector<256x1xi32>, vector<256x1xi32>, vector<256x1xi32>, vector<256x1xi32>, vector<256x1xi32>, vector<256x1xi32>, vector<256x1xi32> -> vector<256x20xi32>
    %mul3A_152 = arith.constant 4096 : i32
    %mul3A_153 = arith.muli %arg0, %mul3A_152 : i32
    %add3A = vector.broadcast %mul3A_153 : i32 to vector<256x20xi32>
    %add3A_154 = arith.addi %concatenate3A, %add3A : vector<256x20xi32>
    %swap3A = arith.constant 0 : index
    %swap3A_155 = arith.constant 0 : index
    %swap3A_156 = arith.constant 0 : index
    %swap3A_157 = vector.load %arg4[%swap3A, %swap3A_155, %swap3A_156] : memref<1x256x20xi32, #tpu.memory_space<vmem>>, vector<1x256x20xi32>
    %swap3A_158 = vector.shape_cast %swap3A_157 : vector<1x256x20xi32> to vector<256x20xi32>
    %swap3A_159 = vector.shape_cast %add3A_154 : vector<256x20xi32> to vector<1x256x20xi32>
    tpu.vector_store %arg4[%swap3A, %swap3A_155, %swap3A_156], %swap3A_159 {strides = array<i32>} : memref<1x256x20xi32, #tpu.memory_space<vmem>>, vector<1x256x20xi32>,
    return
  }
  func.func @transform_0(%arg0: i32, %arg1: i32) -> (i32, i32, i32) {
    %c0_i32 = arith.constant 0 : i32
    %c0_i32_0 = arith.constant 0 : i32
    %c0_i32_1 = arith.constant 0 : i32
    return %arg0, %c0_i32, %c0_i32_0 : i32, i32, i32
  }
  func.func @transform_1(%arg0: i32, %arg1: i32) -> (i32, i32, i32) {
    %c0_i32 = arith.constant 0 : i32
    %c0_i32_0 = arith.constant 0 : i32
    return %arg0, %arg1, %c0_i32 : i32, i32, i32
  }
  func.func @transform_2(%arg0: i32, %arg1: i32) -> (i32, i32, i32) {
    %c0_i32 = arith.constant 0 : i32
    %c0_i32_0 = arith.constant 0 : i32
    return %arg0, %arg1, %c0_i32 : i32, i32, i32
  }
}

module attributes {stable_mosaic.version = 14 : i64} {
  func.func @_edge_body(%arg0: i32, %arg1: i32, %arg2: memref<1x256x3xf32, #tpu.memory_space<vmem>>, %arg3: memref<20x256x128xf32, #tpu.memory_space<vmem>>, %arg4: memref<64x6xf32, #tpu.memory_space<vmem>>, %arg5: memref<1x64xf32, #tpu.memory_space<vmem>>, %arg6: memref<1x64xf32, #tpu.memory_space<vmem>>, %arg7: memref<1x256x64xf32, #tpu.memory_space<vmem>>) attributes {dimension_semantics = [#tpu.dimension_semantics<arbitrary>, #tpu.dimension_semantics<arbitrary>], iteration_bounds = array<i64: 1, 16>, scalar_prefetch = 0 : i64, scratch_operands = 0 : i64, tpu.core_type = #tpu.core_type<tc>, window_params = [{transform_indices = @transform_0, window_bounds = array<i64: 1, 256, 3>}, {transform_indices = @transform_1, window_bounds = array<i64: 20, 256, 128>}, {pipeline_mode = #tpu.pipeline_mode<synchronous>, transform_indices = @transform_2, window_bounds = array<i64: 64, 6>}, {pipeline_mode = #tpu.pipeline_mode<synchronous>, transform_indices = @transform_3, window_bounds = array<i64: 1, 64>}, {pipeline_mode = #tpu.pipeline_mode<synchronous>, transform_indices = @transform_4, window_bounds = array<i64: 1, 64>}, {transform_indices = @transform_5, window_bounds = array<i64: 1, 256, 64>}]} {
    %get3A = arith.constant 0 : index
    %get3A_0 = arith.constant 0 : index
    %get3A_1 = arith.constant 0 : index
    %get3A_2 = vector.load %arg2[%get3A, %get3A_0, %get3A_1] : memref<1x256x3xf32, #tpu.memory_space<vmem>>, vector<1x256x3xf32>
    %get3A_3 = vector.shape_cast %get3A_2 : vector<1x256x3xf32> to vector<256x3xf32>
    %get3A_4 = arith.constant 0 : index
    %get3A_5 = arith.constant 0 : index
    %get3A_6 = arith.constant 0 : index
    %get3A_7 = vector.load %arg3[%get3A_4, %get3A_5, %get3A_6] : memref<20x256x128xf32, #tpu.memory_space<vmem>>, vector<1x256x128xf32>
    %get3A_8 = vector.shape_cast %get3A_7 : vector<1x256x128xf32> to vector<256x128xf32>
    %slice3A = vector.extract_strided_slice %get3A_8 {offsets = [0, 0], sizes = [256, 3], strides = [1, 1]} : vector<256x128xf32> to vector<256x3xf32>
    %sub3A = arith.subf %slice3A, %get3A_3 : vector<256x3xf32>
    %concatenate3A = tpu.concatenate %sub3A, %get3A_3 in 1 : vector<256x3xf32>, vector<256x3xf32> -> vector<256x6xf32>
    %get3A_9 = arith.constant 0 : index
    %get3A_10 = arith.constant 0 : index
    %get3A_11 = vector.load %arg4[%get3A_9, %get3A_10] : memref<64x6xf32, #tpu.memory_space<vmem>>, vector<64x6xf32>
    %dot_general3A = arith.constant dense<0.000000e+00> : vector<256x64xf32>
    %dot_general3A_12 = tpu.matmul %concatenate3A, %get3A_11, %dot_general3A {dimension_numbers = #tpu.dot_dimension_numbers<[1], [1], [0], [0], [0, 0, 1, 0], [], []>, transpose_lhs_hint = false} : vector<256x6xf32>, vector<64x6xf32>, vector<256x64xf32> -> vector<256x64xf32>
    %get3A_13 = arith.constant 1 : index
    %get3A_14 = arith.constant 0 : index
    %get3A_15 = arith.constant 0 : index
    %get3A_16 = vector.load %arg3[%get3A_13, %get3A_14, %get3A_15] : memref<20x256x128xf32, #tpu.memory_space<vmem>>, vector<1x256x128xf32>
    %get3A_17 = vector.shape_cast %get3A_16 : vector<1x256x128xf32> to vector<256x128xf32>
    %slice3A_18 = vector.extract_strided_slice %get3A_17 {offsets = [0, 0], sizes = [256, 3], strides = [1, 1]} : vector<256x128xf32> to vector<256x3xf32>
    %sub3A_19 = arith.subf %slice3A_18, %get3A_3 : vector<256x3xf32>
    %concatenate3A_20 = tpu.concatenate %sub3A_19, %get3A_3 in 1 : vector<256x3xf32>, vector<256x3xf32> -> vector<256x6xf32>
    %get3A_21 = arith.constant 0 : index
    %get3A_22 = arith.constant 0 : index
    %get3A_23 = vector.load %arg4[%get3A_21, %get3A_22] : memref<64x6xf32, #tpu.memory_space<vmem>>, vector<64x6xf32>
    %dot_general3A_24 = arith.constant dense<0.000000e+00> : vector<256x64xf32>
    %dot_general3A_25 = tpu.matmul %concatenate3A_20, %get3A_23, %dot_general3A_24 {dimension_numbers = #tpu.dot_dimension_numbers<[1], [1], [0], [0], [0, 0, 1, 0], [], []>, transpose_lhs_hint = false} : vector<256x6xf32>, vector<64x6xf32>, vector<256x64xf32> -> vector<256x64xf32>
    %max3A = arith.maximumf %dot_general3A_12, %dot_general3A_25 : vector<256x64xf32>
    %get3A_26 = arith.constant 2 : index
    %get3A_27 = arith.constant 0 : index
    %get3A_28 = arith.constant 0 : index
    %get3A_29 = vector.load %arg3[%get3A_26, %get3A_27, %get3A_28] : memref<20x256x128xf32, #tpu.memory_space<vmem>>, vector<1x256x128xf32>
    %get3A_30 = vector.shape_cast %get3A_29 : vector<1x256x128xf32> to vector<256x128xf32>
    %slice3A_31 = vector.extract_strided_slice %get3A_30 {offsets = [0, 0], sizes = [256, 3], strides = [1, 1]} : vector<256x128xf32> to vector<256x3xf32>
    %sub3A_32 = arith.subf %slice3A_31, %get3A_3 : vector<256x3xf32>
    %concatenate3A_33 = tpu.concatenate %sub3A_32, %get3A_3 in 1 : vector<256x3xf32>, vector<256x3xf32> -> vector<256x6xf32>
    %get3A_34 = arith.constant 0 : index
    %get3A_35 = arith.constant 0 : index
    %get3A_36 = vector.load %arg4[%get3A_34, %get3A_35] : memref<64x6xf32, #tpu.memory_space<vmem>>, vector<64x6xf32>
    %dot_general3A_37 = arith.constant dense<0.000000e+00> : vector<256x64xf32>
    %dot_general3A_38 = tpu.matmul %concatenate3A_33, %get3A_36, %dot_general3A_37 {dimension_numbers = #tpu.dot_dimension_numbers<[1], [1], [0], [0], [0, 0, 1, 0], [], []>, transpose_lhs_hint = false} : vector<256x6xf32>, vector<64x6xf32>, vector<256x64xf32> -> vector<256x64xf32>
    %max3A_39 = arith.maximumf %max3A, %dot_general3A_38 : vector<256x64xf32>
    %get3A_40 = arith.constant 3 : index
    %get3A_41 = arith.constant 0 : index
    %get3A_42 = arith.constant 0 : index
    %get3A_43 = vector.load %arg3[%get3A_40, %get3A_41, %get3A_42] : memref<20x256x128xf32, #tpu.memory_space<vmem>>, vector<1x256x128xf32>
    %get3A_44 = vector.shape_cast %get3A_43 : vector<1x256x128xf32> to vector<256x128xf32>
    %slice3A_45 = vector.extract_strided_slice %get3A_44 {offsets = [0, 0], sizes = [256, 3], strides = [1, 1]} : vector<256x128xf32> to vector<256x3xf32>
    %sub3A_46 = arith.subf %slice3A_45, %get3A_3 : vector<256x3xf32>
    %concatenate3A_47 = tpu.concatenate %sub3A_46, %get3A_3 in 1 : vector<256x3xf32>, vector<256x3xf32> -> vector<256x6xf32>
    %get3A_48 = arith.constant 0 : index
    %get3A_49 = arith.constant 0 : index
    %get3A_50 = vector.load %arg4[%get3A_48, %get3A_49] : memref<64x6xf32, #tpu.memory_space<vmem>>, vector<64x6xf32>
    %dot_general3A_51 = arith.constant dense<0.000000e+00> : vector<256x64xf32>
    %dot_general3A_52 = tpu.matmul %concatenate3A_47, %get3A_50, %dot_general3A_51 {dimension_numbers = #tpu.dot_dimension_numbers<[1], [1], [0], [0], [0, 0, 1, 0], [], []>, transpose_lhs_hint = false} : vector<256x6xf32>, vector<64x6xf32>, vector<256x64xf32> -> vector<256x64xf32>
    %max3A_53 = arith.maximumf %max3A_39, %dot_general3A_52 : vector<256x64xf32>
    %get3A_54 = arith.constant 4 : index
    %get3A_55 = arith.constant 0 : index
    %get3A_56 = arith.constant 0 : index
    %get3A_57 = vector.load %arg3[%get3A_54, %get3A_55, %get3A_56] : memref<20x256x128xf32, #tpu.memory_space<vmem>>, vector<1x256x128xf32>
    %get3A_58 = vector.shape_cast %get3A_57 : vector<1x256x128xf32> to vector<256x128xf32>
    %slice3A_59 = vector.extract_strided_slice %get3A_58 {offsets = [0, 0], sizes = [256, 3], strides = [1, 1]} : vector<256x128xf32> to vector<256x3xf32>
    %sub3A_60 = arith.subf %slice3A_59, %get3A_3 : vector<256x3xf32>
    %concatenate3A_61 = tpu.concatenate %sub3A_60, %get3A_3 in 1 : vector<256x3xf32>, vector<256x3xf32> -> vector<256x6xf32>
    %get3A_62 = arith.constant 0 : index
    %get3A_63 = arith.constant 0 : index
    %get3A_64 = vector.load %arg4[%get3A_62, %get3A_63] : memref<64x6xf32, #tpu.memory_space<vmem>>, vector<64x6xf32>
    %dot_general3A_65 = arith.constant dense<0.000000e+00> : vector<256x64xf32>
    %dot_general3A_66 = tpu.matmul %concatenate3A_61, %get3A_64, %dot_general3A_65 {dimension_numbers = #tpu.dot_dimension_numbers<[1], [1], [0], [0], [0, 0, 1, 0], [], []>, transpose_lhs_hint = false} : vector<256x6xf32>, vector<64x6xf32>, vector<256x64xf32> -> vector<256x64xf32>
    %max3A_67 = arith.maximumf %max3A_53, %dot_general3A_66 : vector<256x64xf32>
    %get3A_68 = arith.constant 5 : index
    %get3A_69 = arith.constant 0 : index
    %get3A_70 = arith.constant 0 : index
    %get3A_71 = vector.load %arg3[%get3A_68, %get3A_69, %get3A_70] : memref<20x256x128xf32, #tpu.memory_space<vmem>>, vector<1x256x128xf32>
    %get3A_72 = vector.shape_cast %get3A_71 : vector<1x256x128xf32> to vector<256x128xf32>
    %slice3A_73 = vector.extract_strided_slice %get3A_72 {offsets = [0, 0], sizes = [256, 3], strides = [1, 1]} : vector<256x128xf32> to vector<256x3xf32>
    %sub3A_74 = arith.subf %slice3A_73, %get3A_3 : vector<256x3xf32>
    %concatenate3A_75 = tpu.concatenate %sub3A_74, %get3A_3 in 1 : vector<256x3xf32>, vector<256x3xf32> -> vector<256x6xf32>
    %get3A_76 = arith.constant 0 : index
    %get3A_77 = arith.constant 0 : index
    %get3A_78 = vector.load %arg4[%get3A_76, %get3A_77] : memref<64x6xf32, #tpu.memory_space<vmem>>, vector<64x6xf32>
    %dot_general3A_79 = arith.constant dense<0.000000e+00> : vector<256x64xf32>
    %dot_general3A_80 = tpu.matmul %concatenate3A_75, %get3A_78, %dot_general3A_79 {dimension_numbers = #tpu.dot_dimension_numbers<[1], [1], [0], [0], [0, 0, 1, 0], [], []>, transpose_lhs_hint = false} : vector<256x6xf32>, vector<64x6xf32>, vector<256x64xf32> -> vector<256x64xf32>
    %max3A_81 = arith.maximumf %max3A_67, %dot_general3A_80 : vector<256x64xf32>
    %get3A_82 = arith.constant 6 : index
    %get3A_83 = arith.constant 0 : index
    %get3A_84 = arith.constant 0 : index
    %get3A_85 = vector.load %arg3[%get3A_82, %get3A_83, %get3A_84] : memref<20x256x128xf32, #tpu.memory_space<vmem>>, vector<1x256x128xf32>
    %get3A_86 = vector.shape_cast %get3A_85 : vector<1x256x128xf32> to vector<256x128xf32>
    %slice3A_87 = vector.extract_strided_slice %get3A_86 {offsets = [0, 0], sizes = [256, 3], strides = [1, 1]} : vector<256x128xf32> to vector<256x3xf32>
    %sub3A_88 = arith.subf %slice3A_87, %get3A_3 : vector<256x3xf32>
    %concatenate3A_89 = tpu.concatenate %sub3A_88, %get3A_3 in 1 : vector<256x3xf32>, vector<256x3xf32> -> vector<256x6xf32>
    %get3A_90 = arith.constant 0 : index
    %get3A_91 = arith.constant 0 : index
    %get3A_92 = vector.load %arg4[%get3A_90, %get3A_91] : memref<64x6xf32, #tpu.memory_space<vmem>>, vector<64x6xf32>
    %dot_general3A_93 = arith.constant dense<0.000000e+00> : vector<256x64xf32>
    %dot_general3A_94 = tpu.matmul %concatenate3A_89, %get3A_92, %dot_general3A_93 {dimension_numbers = #tpu.dot_dimension_numbers<[1], [1], [0], [0], [0, 0, 1, 0], [], []>, transpose_lhs_hint = false} : vector<256x6xf32>, vector<64x6xf32>, vector<256x64xf32> -> vector<256x64xf32>
    %max3A_95 = arith.maximumf %max3A_81, %dot_general3A_94 : vector<256x64xf32>
    %get3A_96 = arith.constant 7 : index
    %get3A_97 = arith.constant 0 : index
    %get3A_98 = arith.constant 0 : index
    %get3A_99 = vector.load %arg3[%get3A_96, %get3A_97, %get3A_98] : memref<20x256x128xf32, #tpu.memory_space<vmem>>, vector<1x256x128xf32>
    %get3A_100 = vector.shape_cast %get3A_99 : vector<1x256x128xf32> to vector<256x128xf32>
    %slice3A_101 = vector.extract_strided_slice %get3A_100 {offsets = [0, 0], sizes = [256, 3], strides = [1, 1]} : vector<256x128xf32> to vector<256x3xf32>
    %sub3A_102 = arith.subf %slice3A_101, %get3A_3 : vector<256x3xf32>
    %concatenate3A_103 = tpu.concatenate %sub3A_102, %get3A_3 in 1 : vector<256x3xf32>, vector<256x3xf32> -> vector<256x6xf32>
    %get3A_104 = arith.constant 0 : index
    %get3A_105 = arith.constant 0 : index
    %get3A_106 = vector.load %arg4[%get3A_104, %get3A_105] : memref<64x6xf32, #tpu.memory_space<vmem>>, vector<64x6xf32>
    %dot_general3A_107 = arith.constant dense<0.000000e+00> : vector<256x64xf32>
    %dot_general3A_108 = tpu.matmul %concatenate3A_103, %get3A_106, %dot_general3A_107 {dimension_numbers = #tpu.dot_dimension_numbers<[1], [1], [0], [0], [0, 0, 1, 0], [], []>, transpose_lhs_hint = false} : vector<256x6xf32>, vector<64x6xf32>, vector<256x64xf32> -> vector<256x64xf32>
    %max3A_109 = arith.maximumf %max3A_95, %dot_general3A_108 : vector<256x64xf32>
    %get3A_110 = arith.constant 8 : index
    %get3A_111 = arith.constant 0 : index
    %get3A_112 = arith.constant 0 : index
    %get3A_113 = vector.load %arg3[%get3A_110, %get3A_111, %get3A_112] : memref<20x256x128xf32, #tpu.memory_space<vmem>>, vector<1x256x128xf32>
    %get3A_114 = vector.shape_cast %get3A_113 : vector<1x256x128xf32> to vector<256x128xf32>
    %slice3A_115 = vector.extract_strided_slice %get3A_114 {offsets = [0, 0], sizes = [256, 3], strides = [1, 1]} : vector<256x128xf32> to vector<256x3xf32>
    %sub3A_116 = arith.subf %slice3A_115, %get3A_3 : vector<256x3xf32>
    %concatenate3A_117 = tpu.concatenate %sub3A_116, %get3A_3 in 1 : vector<256x3xf32>, vector<256x3xf32> -> vector<256x6xf32>
    %get3A_118 = arith.constant 0 : index
    %get3A_119 = arith.constant 0 : index
    %get3A_120 = vector.load %arg4[%get3A_118, %get3A_119] : memref<64x6xf32, #tpu.memory_space<vmem>>, vector<64x6xf32>
    %dot_general3A_121 = arith.constant dense<0.000000e+00> : vector<256x64xf32>
    %dot_general3A_122 = tpu.matmul %concatenate3A_117, %get3A_120, %dot_general3A_121 {dimension_numbers = #tpu.dot_dimension_numbers<[1], [1], [0], [0], [0, 0, 1, 0], [], []>, transpose_lhs_hint = false} : vector<256x6xf32>, vector<64x6xf32>, vector<256x64xf32> -> vector<256x64xf32>
    %max3A_123 = arith.maximumf %max3A_109, %dot_general3A_122 : vector<256x64xf32>
    %get3A_124 = arith.constant 9 : index
    %get3A_125 = arith.constant 0 : index
    %get3A_126 = arith.constant 0 : index
    %get3A_127 = vector.load %arg3[%get3A_124, %get3A_125, %get3A_126] : memref<20x256x128xf32, #tpu.memory_space<vmem>>, vector<1x256x128xf32>
    %get3A_128 = vector.shape_cast %get3A_127 : vector<1x256x128xf32> to vector<256x128xf32>
    %slice3A_129 = vector.extract_strided_slice %get3A_128 {offsets = [0, 0], sizes = [256, 3], strides = [1, 1]} : vector<256x128xf32> to vector<256x3xf32>
    %sub3A_130 = arith.subf %slice3A_129, %get3A_3 : vector<256x3xf32>
    %concatenate3A_131 = tpu.concatenate %sub3A_130, %get3A_3 in 1 : vector<256x3xf32>, vector<256x3xf32> -> vector<256x6xf32>
    %get3A_132 = arith.constant 0 : index
    %get3A_133 = arith.constant 0 : index
    %get3A_134 = vector.load %arg4[%get3A_132, %get3A_133] : memref<64x6xf32, #tpu.memory_space<vmem>>, vector<64x6xf32>
    %dot_general3A_135 = arith.constant dense<0.000000e+00> : vector<256x64xf32>
    %dot_general3A_136 = tpu.matmul %concatenate3A_131, %get3A_134, %dot_general3A_135 {dimension_numbers = #tpu.dot_dimension_numbers<[1], [1], [0], [0], [0, 0, 1, 0], [], []>, transpose_lhs_hint = false} : vector<256x6xf32>, vector<64x6xf32>, vector<256x64xf32> -> vector<256x64xf32>
    %max3A_137 = arith.maximumf %max3A_123, %dot_general3A_136 : vector<256x64xf32>
    %get3A_138 = arith.constant 10 : index
    %get3A_139 = arith.constant 0 : index
    %get3A_140 = arith.constant 0 : index
    %get3A_141 = vector.load %arg3[%get3A_138, %get3A_139, %get3A_140] : memref<20x256x128xf32, #tpu.memory_space<vmem>>, vector<1x256x128xf32>
    %get3A_142 = vector.shape_cast %get3A_141 : vector<1x256x128xf32> to vector<256x128xf32>
    %slice3A_143 = vector.extract_strided_slice %get3A_142 {offsets = [0, 0], sizes = [256, 3], strides = [1, 1]} : vector<256x128xf32> to vector<256x3xf32>
    %sub3A_144 = arith.subf %slice3A_143, %get3A_3 : vector<256x3xf32>
    %concatenate3A_145 = tpu.concatenate %sub3A_144, %get3A_3 in 1 : vector<256x3xf32>, vector<256x3xf32> -> vector<256x6xf32>
    %get3A_146 = arith.constant 0 : index
    %get3A_147 = arith.constant 0 : index
    %get3A_148 = vector.load %arg4[%get3A_146, %get3A_147] : memref<64x6xf32, #tpu.memory_space<vmem>>, vector<64x6xf32>
    %dot_general3A_149 = arith.constant dense<0.000000e+00> : vector<256x64xf32>
    %dot_general3A_150 = tpu.matmul %concatenate3A_145, %get3A_148, %dot_general3A_149 {dimension_numbers = #tpu.dot_dimension_numbers<[1], [1], [0], [0], [0, 0, 1, 0], [], []>, transpose_lhs_hint = false} : vector<256x6xf32>, vector<64x6xf32>, vector<256x64xf32> -> vector<256x64xf32>
    %max3A_151 = arith.maximumf %max3A_137, %dot_general3A_150 : vector<256x64xf32>
    %get3A_152 = arith.constant 11 : index
    %get3A_153 = arith.constant 0 : index
    %get3A_154 = arith.constant 0 : index
    %get3A_155 = vector.load %arg3[%get3A_152, %get3A_153, %get3A_154] : memref<20x256x128xf32, #tpu.memory_space<vmem>>, vector<1x256x128xf32>
    %get3A_156 = vector.shape_cast %get3A_155 : vector<1x256x128xf32> to vector<256x128xf32>
    %slice3A_157 = vector.extract_strided_slice %get3A_156 {offsets = [0, 0], sizes = [256, 3], strides = [1, 1]} : vector<256x128xf32> to vector<256x3xf32>
    %sub3A_158 = arith.subf %slice3A_157, %get3A_3 : vector<256x3xf32>
    %concatenate3A_159 = tpu.concatenate %sub3A_158, %get3A_3 in 1 : vector<256x3xf32>, vector<256x3xf32> -> vector<256x6xf32>
    %get3A_160 = arith.constant 0 : index
    %get3A_161 = arith.constant 0 : index
    %get3A_162 = vector.load %arg4[%get3A_160, %get3A_161] : memref<64x6xf32, #tpu.memory_space<vmem>>, vector<64x6xf32>
    %dot_general3A_163 = arith.constant dense<0.000000e+00> : vector<256x64xf32>
    %dot_general3A_164 = tpu.matmul %concatenate3A_159, %get3A_162, %dot_general3A_163 {dimension_numbers = #tpu.dot_dimension_numbers<[1], [1], [0], [0], [0, 0, 1, 0], [], []>, transpose_lhs_hint = false} : vector<256x6xf32>, vector<64x6xf32>, vector<256x64xf32> -> vector<256x64xf32>
    %max3A_165 = arith.maximumf %max3A_151, %dot_general3A_164 : vector<256x64xf32>
    %get3A_166 = arith.constant 12 : index
    %get3A_167 = arith.constant 0 : index
    %get3A_168 = arith.constant 0 : index
    %get3A_169 = vector.load %arg3[%get3A_166, %get3A_167, %get3A_168] : memref<20x256x128xf32, #tpu.memory_space<vmem>>, vector<1x256x128xf32>
    %get3A_170 = vector.shape_cast %get3A_169 : vector<1x256x128xf32> to vector<256x128xf32>
    %slice3A_171 = vector.extract_strided_slice %get3A_170 {offsets = [0, 0], sizes = [256, 3], strides = [1, 1]} : vector<256x128xf32> to vector<256x3xf32>
    %sub3A_172 = arith.subf %slice3A_171, %get3A_3 : vector<256x3xf32>
    %concatenate3A_173 = tpu.concatenate %sub3A_172, %get3A_3 in 1 : vector<256x3xf32>, vector<256x3xf32> -> vector<256x6xf32>
    %get3A_174 = arith.constant 0 : index
    %get3A_175 = arith.constant 0 : index
    %get3A_176 = vector.load %arg4[%get3A_174, %get3A_175] : memref<64x6xf32, #tpu.memory_space<vmem>>, vector<64x6xf32>
    %dot_general3A_177 = arith.constant dense<0.000000e+00> : vector<256x64xf32>
    %dot_general3A_178 = tpu.matmul %concatenate3A_173, %get3A_176, %dot_general3A_177 {dimension_numbers = #tpu.dot_dimension_numbers<[1], [1], [0], [0], [0, 0, 1, 0], [], []>, transpose_lhs_hint = false} : vector<256x6xf32>, vector<64x6xf32>, vector<256x64xf32> -> vector<256x64xf32>
    %max3A_179 = arith.maximumf %max3A_165, %dot_general3A_178 : vector<256x64xf32>
    %get3A_180 = arith.constant 13 : index
    %get3A_181 = arith.constant 0 : index
    %get3A_182 = arith.constant 0 : index
    %get3A_183 = vector.load %arg3[%get3A_180, %get3A_181, %get3A_182] : memref<20x256x128xf32, #tpu.memory_space<vmem>>, vector<1x256x128xf32>
    %get3A_184 = vector.shape_cast %get3A_183 : vector<1x256x128xf32> to vector<256x128xf32>
    %slice3A_185 = vector.extract_strided_slice %get3A_184 {offsets = [0, 0], sizes = [256, 3], strides = [1, 1]} : vector<256x128xf32> to vector<256x3xf32>
    %sub3A_186 = arith.subf %slice3A_185, %get3A_3 : vector<256x3xf32>
    %concatenate3A_187 = tpu.concatenate %sub3A_186, %get3A_3 in 1 : vector<256x3xf32>, vector<256x3xf32> -> vector<256x6xf32>
    %get3A_188 = arith.constant 0 : index
    %get3A_189 = arith.constant 0 : index
    %get3A_190 = vector.load %arg4[%get3A_188, %get3A_189] : memref<64x6xf32, #tpu.memory_space<vmem>>, vector<64x6xf32>
    %dot_general3A_191 = arith.constant dense<0.000000e+00> : vector<256x64xf32>
    %dot_general3A_192 = tpu.matmul %concatenate3A_187, %get3A_190, %dot_general3A_191 {dimension_numbers = #tpu.dot_dimension_numbers<[1], [1], [0], [0], [0, 0, 1, 0], [], []>, transpose_lhs_hint = false} : vector<256x6xf32>, vector<64x6xf32>, vector<256x64xf32> -> vector<256x64xf32>
    %max3A_193 = arith.maximumf %max3A_179, %dot_general3A_192 : vector<256x64xf32>
    %get3A_194 = arith.constant 14 : index
    %get3A_195 = arith.constant 0 : index
    %get3A_196 = arith.constant 0 : index
    %get3A_197 = vector.load %arg3[%get3A_194, %get3A_195, %get3A_196] : memref<20x256x128xf32, #tpu.memory_space<vmem>>, vector<1x256x128xf32>
    %get3A_198 = vector.shape_cast %get3A_197 : vector<1x256x128xf32> to vector<256x128xf32>
    %slice3A_199 = vector.extract_strided_slice %get3A_198 {offsets = [0, 0], sizes = [256, 3], strides = [1, 1]} : vector<256x128xf32> to vector<256x3xf32>
    %sub3A_200 = arith.subf %slice3A_199, %get3A_3 : vector<256x3xf32>
    %concatenate3A_201 = tpu.concatenate %sub3A_200, %get3A_3 in 1 : vector<256x3xf32>, vector<256x3xf32> -> vector<256x6xf32>
    %get3A_202 = arith.constant 0 : index
    %get3A_203 = arith.constant 0 : index
    %get3A_204 = vector.load %arg4[%get3A_202, %get3A_203] : memref<64x6xf32, #tpu.memory_space<vmem>>, vector<64x6xf32>
    %dot_general3A_205 = arith.constant dense<0.000000e+00> : vector<256x64xf32>
    %dot_general3A_206 = tpu.matmul %concatenate3A_201, %get3A_204, %dot_general3A_205 {dimension_numbers = #tpu.dot_dimension_numbers<[1], [1], [0], [0], [0, 0, 1, 0], [], []>, transpose_lhs_hint = false} : vector<256x6xf32>, vector<64x6xf32>, vector<256x64xf32> -> vector<256x64xf32>
    %max3A_207 = arith.maximumf %max3A_193, %dot_general3A_206 : vector<256x64xf32>
    %get3A_208 = arith.constant 15 : index
    %get3A_209 = arith.constant 0 : index
    %get3A_210 = arith.constant 0 : index
    %get3A_211 = vector.load %arg3[%get3A_208, %get3A_209, %get3A_210] : memref<20x256x128xf32, #tpu.memory_space<vmem>>, vector<1x256x128xf32>
    %get3A_212 = vector.shape_cast %get3A_211 : vector<1x256x128xf32> to vector<256x128xf32>
    %slice3A_213 = vector.extract_strided_slice %get3A_212 {offsets = [0, 0], sizes = [256, 3], strides = [1, 1]} : vector<256x128xf32> to vector<256x3xf32>
    %sub3A_214 = arith.subf %slice3A_213, %get3A_3 : vector<256x3xf32>
    %concatenate3A_215 = tpu.concatenate %sub3A_214, %get3A_3 in 1 : vector<256x3xf32>, vector<256x3xf32> -> vector<256x6xf32>
    %get3A_216 = arith.constant 0 : index
    %get3A_217 = arith.constant 0 : index
    %get3A_218 = vector.load %arg4[%get3A_216, %get3A_217] : memref<64x6xf32, #tpu.memory_space<vmem>>, vector<64x6xf32>
    %dot_general3A_219 = arith.constant dense<0.000000e+00> : vector<256x64xf32>
    %dot_general3A_220 = tpu.matmul %concatenate3A_215, %get3A_218, %dot_general3A_219 {dimension_numbers = #tpu.dot_dimension_numbers<[1], [1], [0], [0], [0, 0, 1, 0], [], []>, transpose_lhs_hint = false} : vector<256x6xf32>, vector<64x6xf32>, vector<256x64xf32> -> vector<256x64xf32>
    %max3A_221 = arith.maximumf %max3A_207, %dot_general3A_220 : vector<256x64xf32>
    %get3A_222 = arith.constant 16 : index
    %get3A_223 = arith.constant 0 : index
    %get3A_224 = arith.constant 0 : index
    %get3A_225 = vector.load %arg3[%get3A_222, %get3A_223, %get3A_224] : memref<20x256x128xf32, #tpu.memory_space<vmem>>, vector<1x256x128xf32>
    %get3A_226 = vector.shape_cast %get3A_225 : vector<1x256x128xf32> to vector<256x128xf32>
    %slice3A_227 = vector.extract_strided_slice %get3A_226 {offsets = [0, 0], sizes = [256, 3], strides = [1, 1]} : vector<256x128xf32> to vector<256x3xf32>
    %sub3A_228 = arith.subf %slice3A_227, %get3A_3 : vector<256x3xf32>
    %concatenate3A_229 = tpu.concatenate %sub3A_228, %get3A_3 in 1 : vector<256x3xf32>, vector<256x3xf32> -> vector<256x6xf32>
    %get3A_230 = arith.constant 0 : index
    %get3A_231 = arith.constant 0 : index
    %get3A_232 = vector.load %arg4[%get3A_230, %get3A_231] : memref<64x6xf32, #tpu.memory_space<vmem>>, vector<64x6xf32>
    %dot_general3A_233 = arith.constant dense<0.000000e+00> : vector<256x64xf32>
    %dot_general3A_234 = tpu.matmul %concatenate3A_229, %get3A_232, %dot_general3A_233 {dimension_numbers = #tpu.dot_dimension_numbers<[1], [1], [0], [0], [0, 0, 1, 0], [], []>, transpose_lhs_hint = false} : vector<256x6xf32>, vector<64x6xf32>, vector<256x64xf32> -> vector<256x64xf32>
    %max3A_235 = arith.maximumf %max3A_221, %dot_general3A_234 : vector<256x64xf32>
    %get3A_236 = arith.constant 17 : index
    %get3A_237 = arith.constant 0 : index
    %get3A_238 = arith.constant 0 : index
    %get3A_239 = vector.load %arg3[%get3A_236, %get3A_237, %get3A_238] : memref<20x256x128xf32, #tpu.memory_space<vmem>>, vector<1x256x128xf32>
    %get3A_240 = vector.shape_cast %get3A_239 : vector<1x256x128xf32> to vector<256x128xf32>
    %slice3A_241 = vector.extract_strided_slice %get3A_240 {offsets = [0, 0], sizes = [256, 3], strides = [1, 1]} : vector<256x128xf32> to vector<256x3xf32>
    %sub3A_242 = arith.subf %slice3A_241, %get3A_3 : vector<256x3xf32>
    %concatenate3A_243 = tpu.concatenate %sub3A_242, %get3A_3 in 1 : vector<256x3xf32>, vector<256x3xf32> -> vector<256x6xf32>
    %get3A_244 = arith.constant 0 : index
    %get3A_245 = arith.constant 0 : index
    %get3A_246 = vector.load %arg4[%get3A_244, %get3A_245] : memref<64x6xf32, #tpu.memory_space<vmem>>, vector<64x6xf32>
    %dot_general3A_247 = arith.constant dense<0.000000e+00> : vector<256x64xf32>
    %dot_general3A_248 = tpu.matmul %concatenate3A_243, %get3A_246, %dot_general3A_247 {dimension_numbers = #tpu.dot_dimension_numbers<[1], [1], [0], [0], [0, 0, 1, 0], [], []>, transpose_lhs_hint = false} : vector<256x6xf32>, vector<64x6xf32>, vector<256x64xf32> -> vector<256x64xf32>
    %max3A_249 = arith.maximumf %max3A_235, %dot_general3A_248 : vector<256x64xf32>
    %get3A_250 = arith.constant 18 : index
    %get3A_251 = arith.constant 0 : index
    %get3A_252 = arith.constant 0 : index
    %get3A_253 = vector.load %arg3[%get3A_250, %get3A_251, %get3A_252] : memref<20x256x128xf32, #tpu.memory_space<vmem>>, vector<1x256x128xf32>
    %get3A_254 = vector.shape_cast %get3A_253 : vector<1x256x128xf32> to vector<256x128xf32>
    %slice3A_255 = vector.extract_strided_slice %get3A_254 {offsets = [0, 0], sizes = [256, 3], strides = [1, 1]} : vector<256x128xf32> to vector<256x3xf32>
    %sub3A_256 = arith.subf %slice3A_255, %get3A_3 : vector<256x3xf32>
    %concatenate3A_257 = tpu.concatenate %sub3A_256, %get3A_3 in 1 : vector<256x3xf32>, vector<256x3xf32> -> vector<256x6xf32>
    %get3A_258 = arith.constant 0 : index
    %get3A_259 = arith.constant 0 : index
    %get3A_260 = vector.load %arg4[%get3A_258, %get3A_259] : memref<64x6xf32, #tpu.memory_space<vmem>>, vector<64x6xf32>
    %dot_general3A_261 = arith.constant dense<0.000000e+00> : vector<256x64xf32>
    %dot_general3A_262 = tpu.matmul %concatenate3A_257, %get3A_260, %dot_general3A_261 {dimension_numbers = #tpu.dot_dimension_numbers<[1], [1], [0], [0], [0, 0, 1, 0], [], []>, transpose_lhs_hint = false} : vector<256x6xf32>, vector<64x6xf32>, vector<256x64xf32> -> vector<256x64xf32>
    %max3A_263 = arith.maximumf %max3A_249, %dot_general3A_262 : vector<256x64xf32>
    %get3A_264 = arith.constant 19 : index
    %get3A_265 = arith.constant 0 : index
    %get3A_266 = arith.constant 0 : index
    %get3A_267 = vector.load %arg3[%get3A_264, %get3A_265, %get3A_266] : memref<20x256x128xf32, #tpu.memory_space<vmem>>, vector<1x256x128xf32>
    %get3A_268 = vector.shape_cast %get3A_267 : vector<1x256x128xf32> to vector<256x128xf32>
    %slice3A_269 = vector.extract_strided_slice %get3A_268 {offsets = [0, 0], sizes = [256, 3], strides = [1, 1]} : vector<256x128xf32> to vector<256x3xf32>
    %sub3A_270 = arith.subf %slice3A_269, %get3A_3 : vector<256x3xf32>
    %concatenate3A_271 = tpu.concatenate %sub3A_270, %get3A_3 in 1 : vector<256x3xf32>, vector<256x3xf32> -> vector<256x6xf32>
    %get3A_272 = arith.constant 0 : index
    %get3A_273 = arith.constant 0 : index
    %get3A_274 = vector.load %arg4[%get3A_272, %get3A_273] : memref<64x6xf32, #tpu.memory_space<vmem>>, vector<64x6xf32>
    %dot_general3A_275 = arith.constant dense<0.000000e+00> : vector<256x64xf32>
    %dot_general3A_276 = tpu.matmul %concatenate3A_271, %get3A_274, %dot_general3A_275 {dimension_numbers = #tpu.dot_dimension_numbers<[1], [1], [0], [0], [0, 0, 1, 0], [], []>, transpose_lhs_hint = false} : vector<256x6xf32>, vector<64x6xf32>, vector<256x64xf32> -> vector<256x64xf32>
    %max3A_277 = arith.maximumf %max3A_263, %dot_general3A_276 : vector<256x64xf32>
    %div3A = arith.constant 1.00000501 : f32
    %div3A_278 = vector.broadcast %div3A : f32 to vector<256x64xf32>
    %div3A_279 = arith.divf %max3A_277, %div3A_278 : vector<256x64xf32>
    %get3A_280 = arith.constant 0 : index
    %get3A_281 = arith.constant 0 : index
    %get3A_282 = vector.load %arg5[%get3A_280, %get3A_281] : memref<1x64xf32, #tpu.memory_space<vmem>>, vector<1x64xf32>
    %mul3A = vector.broadcast %get3A_282 : vector<1x64xf32> to vector<256x64xf32>
    %mul3A_283 = arith.mulf %div3A_279, %mul3A : vector<256x64xf32>
    %get3A_284 = arith.constant 0 : index
    %get3A_285 = arith.constant 0 : index
    %get3A_286 = vector.load %arg6[%get3A_284, %get3A_285] : memref<1x64xf32, #tpu.memory_space<vmem>>, vector<1x64xf32>
    %add3A = vector.broadcast %get3A_286 : vector<1x64xf32> to vector<256x64xf32>
    %add3A_287 = arith.addf %mul3A_283, %add3A : vector<256x64xf32>
    %ge3A = arith.constant 0.000000e+00 : f32
    %ge3A_288 = vector.broadcast %ge3A : f32 to vector<256x64xf32>
    %ge3A_289 = arith.cmpf oge, %add3A_287, %ge3A_288 : vector<256x64xf32>
    %mul3A_290 = arith.constant 2.000000e-01 : f32
    %mul3A_291 = vector.broadcast %mul3A_290 : f32 to vector<256x64xf32>
    %mul3A_292 = arith.mulf %add3A_287, %mul3A_291 : vector<256x64xf32>
    %select_n3A = arith.select %ge3A_289, %add3A_287, %mul3A_292 : vector<256x64xi1>, vector<256x64xf32>
    %swap3A = arith.constant 0 : index
    %swap3A_293 = arith.constant 0 : index
    %swap3A_294 = arith.constant 0 : index
    %swap3A_295 = vector.load %arg7[%swap3A, %swap3A_293, %swap3A_294] : memref<1x256x64xf32, #tpu.memory_space<vmem>>, vector<1x256x64xf32>
    %swap3A_296 = vector.shape_cast %swap3A_295 : vector<1x256x64xf32> to vector<256x64xf32>
    %swap3A_297 = vector.shape_cast %select_n3A : vector<256x64xf32> to vector<1x256x64xf32>
    tpu.vector_store %arg7[%swap3A, %swap3A_293, %swap3A_294], %swap3A_297 {strides = array<i32>} : memref<1x256x64xf32, #tpu.memory_space<vmem>>, vector<1x256x64xf32>,
    return
  }
  func.func @transform_0(%arg0: i32, %arg1: i32) -> (i32, i32, i32) {
    %c0_i32 = arith.constant 0 : i32
    %c0_i32_0 = arith.constant 0 : i32
    return %arg0, %arg1, %c0_i32 : i32, i32, i32
  }
  func.func @transform_1(%arg0: i32, %arg1: i32) -> (i32, i32, i32) {
    %mul3A = arith.constant 16 : i32
    %mul3A_0 = arith.muli %arg0, %mul3A : i32
    %add3A = arith.addi %mul3A_0, %arg1 : i32
    %c0_i32 = arith.constant 0 : i32
    %c0_i32_1 = arith.constant 0 : i32
    %c0_i32_2 = arith.constant 0 : i32
    return %c0_i32, %add3A, %c0_i32_1 : i32, i32, i32
  }
  func.func @transform_2(%arg0: i32, %arg1: i32) -> (i32, i32) {
    %c0_i32 = arith.constant 0 : i32
    %c0_i32_0 = arith.constant 0 : i32
    %c0_i32_1 = arith.constant 0 : i32
    return %c0_i32, %c0_i32_0 : i32, i32
  }
  func.func @transform_3(%arg0: i32, %arg1: i32) -> (i32, i32) {
    %c0_i32 = arith.constant 0 : i32
    %c0_i32_0 = arith.constant 0 : i32
    %c0_i32_1 = arith.constant 0 : i32
    return %c0_i32, %c0_i32_0 : i32, i32
  }
  func.func @transform_4(%arg0: i32, %arg1: i32) -> (i32, i32) {
    %c0_i32 = arith.constant 0 : i32
    %c0_i32_0 = arith.constant 0 : i32
    %c0_i32_1 = arith.constant 0 : i32
    return %c0_i32, %c0_i32_0 : i32, i32
  }
  func.func @transform_5(%arg0: i32, %arg1: i32) -> (i32, i32, i32) {
    %c0_i32 = arith.constant 0 : i32
    %c0_i32_0 = arith.constant 0 : i32
    return %arg0, %arg1, %c0_i32 : i32, i32, i32
  }
}

module attributes {stable_mosaic.version = 14 : i64} {
  func.func @_knn_body(%arg0: i32, %arg1: i32, %arg2: memref<1x4096x64xf32, #tpu.memory_space<vmem>>, %arg3: memref<1x256x64xf32, #tpu.memory_space<vmem>>, %arg4: memref<1x256x20xi32, #tpu.memory_space<vmem>>) attributes {dimension_semantics = [#tpu.dimension_semantics<arbitrary>, #tpu.dimension_semantics<arbitrary>], iteration_bounds = array<i64: 1, 16>, scalar_prefetch = 0 : i64, scratch_operands = 0 : i64, tpu.core_type = #tpu.core_type<tc>, window_params = [{transform_indices = @transform_0, window_bounds = array<i64: 1, 4096, 64>}, {transform_indices = @transform_1, window_bounds = array<i64: 1, 256, 64>}, {transform_indices = @transform_2, window_bounds = array<i64: 1, 256, 20>}]} {
    %get3A = arith.constant 0 : index
    %get3A_0 = arith.constant 0 : index
    %get3A_1 = arith.constant 0 : index
    %get3A_2 = vector.load %arg2[%get3A, %get3A_0, %get3A_1] : memref<1x4096x64xf32, #tpu.memory_space<vmem>>, vector<1x4096x64xf32>
    %get3A_3 = vector.shape_cast %get3A_2 : vector<1x4096x64xf32> to vector<4096x64xf32>
    %get3A_4 = arith.constant 0 : index
    %get3A_5 = arith.constant 0 : index
    %get3A_6 = arith.constant 0 : index
    %get3A_7 = vector.load %arg3[%get3A_4, %get3A_5, %get3A_6] : memref<1x256x64xf32, #tpu.memory_space<vmem>>, vector<1x256x64xf32>
    %get3A_8 = vector.shape_cast %get3A_7 : vector<1x256x64xf32> to vector<256x64xf32>
    %mul3A = arith.mulf %get3A_3, %get3A_3 : vector<4096x64xf32>
    %reduce_sum3A = arith.constant dense<0.000000e+00> : vector<4096xf32>
    %reduce_sum3A_9 = vector.multi_reduction <add>, %mul3A, %reduce_sum3A [1] : vector<4096x64xf32> to vector<4096xf32>
    %mul3A_10 = arith.mulf %get3A_8, %get3A_8 : vector<256x64xf32>
    %reduce_sum3A_11 = arith.constant dense<0.000000e+00> : vector<256xf32>
    %reduce_sum3A_12 = vector.multi_reduction <add>, %mul3A_10, %reduce_sum3A_11 [1] : vector<256x64xf32> to vector<256xf32>
    %dot_general3A = arith.constant dense<0.000000e+00> : vector<256x4096xf32>
    %dot_general3A_13 = tpu.matmul %get3A_8, %get3A_3, %dot_general3A {dimension_numbers = #tpu.dot_dimension_numbers<[1], [1], [0], [0], [0, 0, 1, 0], [], []>, transpose_lhs_hint = false} : vector<256x64xf32>, vector<4096x64xf32>, vector<256x4096xf32> -> vector<256x4096xf32>
    %mul3A_14 = arith.constant 2.000000e+00 : f32
    %mul3A_15 = vector.broadcast %mul3A_14 : f32 to vector<256x4096xf32>
    %mul3A_16 = arith.mulf %mul3A_15, %dot_general3A_13 : vector<256x4096xf32>
    %broadcast_in_dim3A = vector.shape_cast %reduce_sum3A_12 : vector<256xf32> to vector<256x1xf32>
    %sub3A = vector.broadcast %broadcast_in_dim3A : vector<256x1xf32> to vector<256x4096xf32>
    %sub3A_17 = arith.subf %mul3A_16, %sub3A : vector<256x4096xf32>
    %broadcast_in_dim3A_18 = vector.shape_cast %reduce_sum3A_9 : vector<4096xf32> to vector<1x4096xf32>
    %sub3A_19 = vector.broadcast %broadcast_in_dim3A_18 : vector<1x4096xf32> to vector<256x4096xf32>
    %sub3A_20 = arith.subf %sub3A_17, %sub3A_19 : vector<256x4096xf32>
    %iota3A = tpu.iota {dimensions = array<i32: 1>} : vector<256x4096xi32>
    %argmax3A = tpu.reduce_index %sub3A_20 {axis = 1 : i32, kind = #tpu.reduction_kind<arg_max>} : vector<256x4096xf32> -> vector<256xi32>
    %broadcast_in_dim3A_21 = vector.shape_cast %argmax3A : vector<256xi32> to vector<256x1xi32>
    %eq3A = vector.broadcast %broadcast_in_dim3A_21 : vector<256x1xi32> to vector<256x4096xi32>
    %eq3A_22 = arith.cmpi eq, %iota3A, %eq3A : vector<256x4096xi32>
    %jit3A = arith.constant 0xFF800000 : f32
    %broadcast_in_dim3A_23 = vector.broadcast %jit3A : f32 to vector<256x4096xf32>
    %select_n3A = arith.select %eq3A_22, %broadcast_in_dim3A_23, %sub3A_20 : vector<256x4096xi1>, vector<256x4096xf32>
    %argmax3A_24 = tpu.reduce_index %select_n3A {axis = 1 : i32, kind = #tpu.reduction_kind<arg_max>} : vector<256x4096xf32> -> vector<256xi32>
    %broadcast_in_dim3A_25 = vector.shape_cast %argmax3A_24 : vector<256xi32> to vector<256x1xi32>
    %eq3A_26 = vector.broadcast %broadcast_in_dim3A_25 : vector<256x1xi32> to vector<256x4096xi32>
    %eq3A_27 = arith.cmpi eq, %iota3A, %eq3A_26 : vector<256x4096xi32>
    %jit3A_28 = arith.constant 0xFF800000 : f32
    %broadcast_in_dim3A_29 = vector.broadcast %jit3A_28 : f32 to vector<256x4096xf32>
    %select_n3A_30 = arith.select %eq3A_27, %broadcast_in_dim3A_29, %select_n3A : vector<256x4096xi1>, vector<256x4096xf32>
    %argmax3A_31 = tpu.reduce_index %select_n3A_30 {axis = 1 : i32, kind = #tpu.reduction_kind<arg_max>} : vector<256x4096xf32> -> vector<256xi32>
    %broadcast_in_dim3A_32 = vector.shape_cast %argmax3A_31 : vector<256xi32> to vector<256x1xi32>
    %eq3A_33 = vector.broadcast %broadcast_in_dim3A_32 : vector<256x1xi32> to vector<256x4096xi32>
    %eq3A_34 = arith.cmpi eq, %iota3A, %eq3A_33 : vector<256x4096xi32>
    %jit3A_35 = arith.constant 0xFF800000 : f32
    %broadcast_in_dim3A_36 = vector.broadcast %jit3A_35 : f32 to vector<256x4096xf32>
    %select_n3A_37 = arith.select %eq3A_34, %broadcast_in_dim3A_36, %select_n3A_30 : vector<256x4096xi1>, vector<256x4096xf32>
    %argmax3A_38 = tpu.reduce_index %select_n3A_37 {axis = 1 : i32, kind = #tpu.reduction_kind<arg_max>} : vector<256x4096xf32> -> vector<256xi32>
    %broadcast_in_dim3A_39 = vector.shape_cast %argmax3A_38 : vector<256xi32> to vector<256x1xi32>
    %eq3A_40 = vector.broadcast %broadcast_in_dim3A_39 : vector<256x1xi32> to vector<256x4096xi32>
    %eq3A_41 = arith.cmpi eq, %iota3A, %eq3A_40 : vector<256x4096xi32>
    %jit3A_42 = arith.constant 0xFF800000 : f32
    %broadcast_in_dim3A_43 = vector.broadcast %jit3A_42 : f32 to vector<256x4096xf32>
    %select_n3A_44 = arith.select %eq3A_41, %broadcast_in_dim3A_43, %select_n3A_37 : vector<256x4096xi1>, vector<256x4096xf32>
    %argmax3A_45 = tpu.reduce_index %select_n3A_44 {axis = 1 : i32, kind = #tpu.reduction_kind<arg_max>} : vector<256x4096xf32> -> vector<256xi32>
    %broadcast_in_dim3A_46 = vector.shape_cast %argmax3A_45 : vector<256xi32> to vector<256x1xi32>
    %eq3A_47 = vector.broadcast %broadcast_in_dim3A_46 : vector<256x1xi32> to vector<256x4096xi32>
    %eq3A_48 = arith.cmpi eq, %iota3A, %eq3A_47 : vector<256x4096xi32>
    %jit3A_49 = arith.constant 0xFF800000 : f32
    %broadcast_in_dim3A_50 = vector.broadcast %jit3A_49 : f32 to vector<256x4096xf32>
    %select_n3A_51 = arith.select %eq3A_48, %broadcast_in_dim3A_50, %select_n3A_44 : vector<256x4096xi1>, vector<256x4096xf32>
    %argmax3A_52 = tpu.reduce_index %select_n3A_51 {axis = 1 : i32, kind = #tpu.reduction_kind<arg_max>} : vector<256x4096xf32> -> vector<256xi32>
    %broadcast_in_dim3A_53 = vector.shape_cast %argmax3A_52 : vector<256xi32> to vector<256x1xi32>
    %eq3A_54 = vector.broadcast %broadcast_in_dim3A_53 : vector<256x1xi32> to vector<256x4096xi32>
    %eq3A_55 = arith.cmpi eq, %iota3A, %eq3A_54 : vector<256x4096xi32>
    %jit3A_56 = arith.constant 0xFF800000 : f32
    %broadcast_in_dim3A_57 = vector.broadcast %jit3A_56 : f32 to vector<256x4096xf32>
    %select_n3A_58 = arith.select %eq3A_55, %broadcast_in_dim3A_57, %select_n3A_51 : vector<256x4096xi1>, vector<256x4096xf32>
    %argmax3A_59 = tpu.reduce_index %select_n3A_58 {axis = 1 : i32, kind = #tpu.reduction_kind<arg_max>} : vector<256x4096xf32> -> vector<256xi32>
    %broadcast_in_dim3A_60 = vector.shape_cast %argmax3A_59 : vector<256xi32> to vector<256x1xi32>
    %eq3A_61 = vector.broadcast %broadcast_in_dim3A_60 : vector<256x1xi32> to vector<256x4096xi32>
    %eq3A_62 = arith.cmpi eq, %iota3A, %eq3A_61 : vector<256x4096xi32>
    %jit3A_63 = arith.constant 0xFF800000 : f32
    %broadcast_in_dim3A_64 = vector.broadcast %jit3A_63 : f32 to vector<256x4096xf32>
    %select_n3A_65 = arith.select %eq3A_62, %broadcast_in_dim3A_64, %select_n3A_58 : vector<256x4096xi1>, vector<256x4096xf32>
    %argmax3A_66 = tpu.reduce_index %select_n3A_65 {axis = 1 : i32, kind = #tpu.reduction_kind<arg_max>} : vector<256x4096xf32> -> vector<256xi32>
    %broadcast_in_dim3A_67 = vector.shape_cast %argmax3A_66 : vector<256xi32> to vector<256x1xi32>
    %eq3A_68 = vector.broadcast %broadcast_in_dim3A_67 : vector<256x1xi32> to vector<256x4096xi32>
    %eq3A_69 = arith.cmpi eq, %iota3A, %eq3A_68 : vector<256x4096xi32>
    %jit3A_70 = arith.constant 0xFF800000 : f32
    %broadcast_in_dim3A_71 = vector.broadcast %jit3A_70 : f32 to vector<256x4096xf32>
    %select_n3A_72 = arith.select %eq3A_69, %broadcast_in_dim3A_71, %select_n3A_65 : vector<256x4096xi1>, vector<256x4096xf32>
    %argmax3A_73 = tpu.reduce_index %select_n3A_72 {axis = 1 : i32, kind = #tpu.reduction_kind<arg_max>} : vector<256x4096xf32> -> vector<256xi32>
    %broadcast_in_dim3A_74 = vector.shape_cast %argmax3A_73 : vector<256xi32> to vector<256x1xi32>
    %eq3A_75 = vector.broadcast %broadcast_in_dim3A_74 : vector<256x1xi32> to vector<256x4096xi32>
    %eq3A_76 = arith.cmpi eq, %iota3A, %eq3A_75 : vector<256x4096xi32>
    %jit3A_77 = arith.constant 0xFF800000 : f32
    %broadcast_in_dim3A_78 = vector.broadcast %jit3A_77 : f32 to vector<256x4096xf32>
    %select_n3A_79 = arith.select %eq3A_76, %broadcast_in_dim3A_78, %select_n3A_72 : vector<256x4096xi1>, vector<256x4096xf32>
    %argmax3A_80 = tpu.reduce_index %select_n3A_79 {axis = 1 : i32, kind = #tpu.reduction_kind<arg_max>} : vector<256x4096xf32> -> vector<256xi32>
    %broadcast_in_dim3A_81 = vector.shape_cast %argmax3A_80 : vector<256xi32> to vector<256x1xi32>
    %eq3A_82 = vector.broadcast %broadcast_in_dim3A_81 : vector<256x1xi32> to vector<256x4096xi32>
    %eq3A_83 = arith.cmpi eq, %iota3A, %eq3A_82 : vector<256x4096xi32>
    %jit3A_84 = arith.constant 0xFF800000 : f32
    %broadcast_in_dim3A_85 = vector.broadcast %jit3A_84 : f32 to vector<256x4096xf32>
    %select_n3A_86 = arith.select %eq3A_83, %broadcast_in_dim3A_85, %select_n3A_79 : vector<256x4096xi1>, vector<256x4096xf32>
    %argmax3A_87 = tpu.reduce_index %select_n3A_86 {axis = 1 : i32, kind = #tpu.reduction_kind<arg_max>} : vector<256x4096xf32> -> vector<256xi32>
    %broadcast_in_dim3A_88 = vector.shape_cast %argmax3A_87 : vector<256xi32> to vector<256x1xi32>
    %eq3A_89 = vector.broadcast %broadcast_in_dim3A_88 : vector<256x1xi32> to vector<256x4096xi32>
    %eq3A_90 = arith.cmpi eq, %iota3A, %eq3A_89 : vector<256x4096xi32>
    %jit3A_91 = arith.constant 0xFF800000 : f32
    %broadcast_in_dim3A_92 = vector.broadcast %jit3A_91 : f32 to vector<256x4096xf32>
    %select_n3A_93 = arith.select %eq3A_90, %broadcast_in_dim3A_92, %select_n3A_86 : vector<256x4096xi1>, vector<256x4096xf32>
    %argmax3A_94 = tpu.reduce_index %select_n3A_93 {axis = 1 : i32, kind = #tpu.reduction_kind<arg_max>} : vector<256x4096xf32> -> vector<256xi32>
    %broadcast_in_dim3A_95 = vector.shape_cast %argmax3A_94 : vector<256xi32> to vector<256x1xi32>
    %eq3A_96 = vector.broadcast %broadcast_in_dim3A_95 : vector<256x1xi32> to vector<256x4096xi32>
    %eq3A_97 = arith.cmpi eq, %iota3A, %eq3A_96 : vector<256x4096xi32>
    %jit3A_98 = arith.constant 0xFF800000 : f32
    %broadcast_in_dim3A_99 = vector.broadcast %jit3A_98 : f32 to vector<256x4096xf32>
    %select_n3A_100 = arith.select %eq3A_97, %broadcast_in_dim3A_99, %select_n3A_93 : vector<256x4096xi1>, vector<256x4096xf32>
    %argmax3A_101 = tpu.reduce_index %select_n3A_100 {axis = 1 : i32, kind = #tpu.reduction_kind<arg_max>} : vector<256x4096xf32> -> vector<256xi32>
    %broadcast_in_dim3A_102 = vector.shape_cast %argmax3A_101 : vector<256xi32> to vector<256x1xi32>
    %eq3A_103 = vector.broadcast %broadcast_in_dim3A_102 : vector<256x1xi32> to vector<256x4096xi32>
    %eq3A_104 = arith.cmpi eq, %iota3A, %eq3A_103 : vector<256x4096xi32>
    %jit3A_105 = arith.constant 0xFF800000 : f32
    %broadcast_in_dim3A_106 = vector.broadcast %jit3A_105 : f32 to vector<256x4096xf32>
    %select_n3A_107 = arith.select %eq3A_104, %broadcast_in_dim3A_106, %select_n3A_100 : vector<256x4096xi1>, vector<256x4096xf32>
    %argmax3A_108 = tpu.reduce_index %select_n3A_107 {axis = 1 : i32, kind = #tpu.reduction_kind<arg_max>} : vector<256x4096xf32> -> vector<256xi32>
    %broadcast_in_dim3A_109 = vector.shape_cast %argmax3A_108 : vector<256xi32> to vector<256x1xi32>
    %eq3A_110 = vector.broadcast %broadcast_in_dim3A_109 : vector<256x1xi32> to vector<256x4096xi32>
    %eq3A_111 = arith.cmpi eq, %iota3A, %eq3A_110 : vector<256x4096xi32>
    %jit3A_112 = arith.constant 0xFF800000 : f32
    %broadcast_in_dim3A_113 = vector.broadcast %jit3A_112 : f32 to vector<256x4096xf32>
    %select_n3A_114 = arith.select %eq3A_111, %broadcast_in_dim3A_113, %select_n3A_107 : vector<256x4096xi1>, vector<256x4096xf32>
    %argmax3A_115 = tpu.reduce_index %select_n3A_114 {axis = 1 : i32, kind = #tpu.reduction_kind<arg_max>} : vector<256x4096xf32> -> vector<256xi32>
    %broadcast_in_dim3A_116 = vector.shape_cast %argmax3A_115 : vector<256xi32> to vector<256x1xi32>
    %eq3A_117 = vector.broadcast %broadcast_in_dim3A_116 : vector<256x1xi32> to vector<256x4096xi32>
    %eq3A_118 = arith.cmpi eq, %iota3A, %eq3A_117 : vector<256x4096xi32>
    %jit3A_119 = arith.constant 0xFF800000 : f32
    %broadcast_in_dim3A_120 = vector.broadcast %jit3A_119 : f32 to vector<256x4096xf32>
    %select_n3A_121 = arith.select %eq3A_118, %broadcast_in_dim3A_120, %select_n3A_114 : vector<256x4096xi1>, vector<256x4096xf32>
    %argmax3A_122 = tpu.reduce_index %select_n3A_121 {axis = 1 : i32, kind = #tpu.reduction_kind<arg_max>} : vector<256x4096xf32> -> vector<256xi32>
    %broadcast_in_dim3A_123 = vector.shape_cast %argmax3A_122 : vector<256xi32> to vector<256x1xi32>
    %eq3A_124 = vector.broadcast %broadcast_in_dim3A_123 : vector<256x1xi32> to vector<256x4096xi32>
    %eq3A_125 = arith.cmpi eq, %iota3A, %eq3A_124 : vector<256x4096xi32>
    %jit3A_126 = arith.constant 0xFF800000 : f32
    %broadcast_in_dim3A_127 = vector.broadcast %jit3A_126 : f32 to vector<256x4096xf32>
    %select_n3A_128 = arith.select %eq3A_125, %broadcast_in_dim3A_127, %select_n3A_121 : vector<256x4096xi1>, vector<256x4096xf32>
    %argmax3A_129 = tpu.reduce_index %select_n3A_128 {axis = 1 : i32, kind = #tpu.reduction_kind<arg_max>} : vector<256x4096xf32> -> vector<256xi32>
    %broadcast_in_dim3A_130 = vector.shape_cast %argmax3A_129 : vector<256xi32> to vector<256x1xi32>
    %eq3A_131 = vector.broadcast %broadcast_in_dim3A_130 : vector<256x1xi32> to vector<256x4096xi32>
    %eq3A_132 = arith.cmpi eq, %iota3A, %eq3A_131 : vector<256x4096xi32>
    %jit3A_133 = arith.constant 0xFF800000 : f32
    %broadcast_in_dim3A_134 = vector.broadcast %jit3A_133 : f32 to vector<256x4096xf32>
    %select_n3A_135 = arith.select %eq3A_132, %broadcast_in_dim3A_134, %select_n3A_128 : vector<256x4096xi1>, vector<256x4096xf32>
    %argmax3A_136 = tpu.reduce_index %select_n3A_135 {axis = 1 : i32, kind = #tpu.reduction_kind<arg_max>} : vector<256x4096xf32> -> vector<256xi32>
    %broadcast_in_dim3A_137 = vector.shape_cast %argmax3A_136 : vector<256xi32> to vector<256x1xi32>
    %eq3A_138 = vector.broadcast %broadcast_in_dim3A_137 : vector<256x1xi32> to vector<256x4096xi32>
    %eq3A_139 = arith.cmpi eq, %iota3A, %eq3A_138 : vector<256x4096xi32>
    %jit3A_140 = arith.constant 0xFF800000 : f32
    %broadcast_in_dim3A_141 = vector.broadcast %jit3A_140 : f32 to vector<256x4096xf32>
    %select_n3A_142 = arith.select %eq3A_139, %broadcast_in_dim3A_141, %select_n3A_135 : vector<256x4096xi1>, vector<256x4096xf32>
    %argmax3A_143 = tpu.reduce_index %select_n3A_142 {axis = 1 : i32, kind = #tpu.reduction_kind<arg_max>} : vector<256x4096xf32> -> vector<256xi32>
    %broadcast_in_dim3A_144 = vector.shape_cast %argmax3A_143 : vector<256xi32> to vector<256x1xi32>
    %eq3A_145 = vector.broadcast %broadcast_in_dim3A_144 : vector<256x1xi32> to vector<256x4096xi32>
    %eq3A_146 = arith.cmpi eq, %iota3A, %eq3A_145 : vector<256x4096xi32>
    %jit3A_147 = arith.constant 0xFF800000 : f32
    %broadcast_in_dim3A_148 = vector.broadcast %jit3A_147 : f32 to vector<256x4096xf32>
    %select_n3A_149 = arith.select %eq3A_146, %broadcast_in_dim3A_148, %select_n3A_142 : vector<256x4096xi1>, vector<256x4096xf32>
    %argmax3A_150 = tpu.reduce_index %select_n3A_149 {axis = 1 : i32, kind = #tpu.reduction_kind<arg_max>} : vector<256x4096xf32> -> vector<256xi32>
    %broadcast_in_dim3A_151 = vector.shape_cast %argmax3A_150 : vector<256xi32> to vector<256x1xi32>
    %concatenate3A = tpu.concatenate %broadcast_in_dim3A_21, %broadcast_in_dim3A_25, %broadcast_in_dim3A_32, %broadcast_in_dim3A_39, %broadcast_in_dim3A_46, %broadcast_in_dim3A_53, %broadcast_in_dim3A_60, %broadcast_in_dim3A_67, %broadcast_in_dim3A_74, %broadcast_in_dim3A_81, %broadcast_in_dim3A_88, %broadcast_in_dim3A_95, %broadcast_in_dim3A_102, %broadcast_in_dim3A_109, %broadcast_in_dim3A_116, %broadcast_in_dim3A_123, %broadcast_in_dim3A_130, %broadcast_in_dim3A_137, %broadcast_in_dim3A_144, %broadcast_in_dim3A_151 in 1 : vector<256x1xi32>, vector<256x1xi32>, vector<256x1xi32>, vector<256x1xi32>, vector<256x1xi32>, vector<256x1xi32>, vector<256x1xi32>, vector<256x1xi32>, vector<256x1xi32>, vector<256x1xi32>, vector<256x1xi32>, vector<256x1xi32>, vector<256x1xi32>, vector<256x1xi32>, vector<256x1xi32>, vector<256x1xi32>, vector<256x1xi32>, vector<256x1xi32>, vector<256x1xi32>, vector<256x1xi32> -> vector<256x20xi32>
    %mul3A_152 = arith.constant 4096 : i32
    %mul3A_153 = arith.muli %arg0, %mul3A_152 : i32
    %add3A = vector.broadcast %mul3A_153 : i32 to vector<256x20xi32>
    %add3A_154 = arith.addi %concatenate3A, %add3A : vector<256x20xi32>
    %swap3A = arith.constant 0 : index
    %swap3A_155 = arith.constant 0 : index
    %swap3A_156 = arith.constant 0 : index
    %swap3A_157 = vector.load %arg4[%swap3A, %swap3A_155, %swap3A_156] : memref<1x256x20xi32, #tpu.memory_space<vmem>>, vector<1x256x20xi32>
    %swap3A_158 = vector.shape_cast %swap3A_157 : vector<1x256x20xi32> to vector<256x20xi32>
    %swap3A_159 = vector.shape_cast %add3A_154 : vector<256x20xi32> to vector<1x256x20xi32>
    tpu.vector_store %arg4[%swap3A, %swap3A_155, %swap3A_156], %swap3A_159 {strides = array<i32>} : memref<1x256x20xi32, #tpu.memory_space<vmem>>, vector<1x256x20xi32>,
    return
  }
  func.func @transform_0(%arg0: i32, %arg1: i32) -> (i32, i32, i32) {
    %c0_i32 = arith.constant 0 : i32
    %c0_i32_0 = arith.constant 0 : i32
    %c0_i32_1 = arith.constant 0 : i32
    return %arg0, %c0_i32, %c0_i32_0 : i32, i32, i32
  }
  func.func @transform_1(%arg0: i32, %arg1: i32) -> (i32, i32, i32) {
    %c0_i32 = arith.constant 0 : i32
    %c0_i32_0 = arith.constant 0 : i32
    return %arg0, %arg1, %c0_i32 : i32, i32, i32
  }
  func.func @transform_2(%arg0: i32, %arg1: i32) -> (i32, i32, i32) {
    %c0_i32 = arith.constant 0 : i32
    %c0_i32_0 = arith.constant 0 : i32
    return %arg0, %arg1, %c0_i32 : i32, i32, i32
  }
}

module attributes {stable_mosaic.version = 14 : i64} {
  func.func @_edge_body(%arg0: i32, %arg1: i32, %arg2: memref<1x256x64xf32, #tpu.memory_space<vmem>>, %arg3: memref<20x256x128xf32, #tpu.memory_space<vmem>>, %arg4: memref<64x128xf32, #tpu.memory_space<vmem>>, %arg5: memref<1x64xf32, #tpu.memory_space<vmem>>, %arg6: memref<1x64xf32, #tpu.memory_space<vmem>>, %arg7: memref<1x256x64xf32, #tpu.memory_space<vmem>>) attributes {dimension_semantics = [#tpu.dimension_semantics<arbitrary>, #tpu.dimension_semantics<arbitrary>], iteration_bounds = array<i64: 1, 16>, scalar_prefetch = 0 : i64, scratch_operands = 0 : i64, tpu.core_type = #tpu.core_type<tc>, window_params = [{transform_indices = @transform_0, window_bounds = array<i64: 1, 256, 64>}, {transform_indices = @transform_1, window_bounds = array<i64: 20, 256, 128>}, {pipeline_mode = #tpu.pipeline_mode<synchronous>, transform_indices = @transform_2, window_bounds = array<i64: 64, 128>}, {pipeline_mode = #tpu.pipeline_mode<synchronous>, transform_indices = @transform_3, window_bounds = array<i64: 1, 64>}, {pipeline_mode = #tpu.pipeline_mode<synchronous>, transform_indices = @transform_4, window_bounds = array<i64: 1, 64>}, {transform_indices = @transform_5, window_bounds = array<i64: 1, 256, 64>}]} {
    %get3A = arith.constant 0 : index
    %get3A_0 = arith.constant 0 : index
    %get3A_1 = arith.constant 0 : index
    %get3A_2 = vector.load %arg2[%get3A, %get3A_0, %get3A_1] : memref<1x256x64xf32, #tpu.memory_space<vmem>>, vector<1x256x64xf32>
    %get3A_3 = vector.shape_cast %get3A_2 : vector<1x256x64xf32> to vector<256x64xf32>
    %get3A_4 = arith.constant 0 : index
    %get3A_5 = arith.constant 0 : index
    %get3A_6 = arith.constant 0 : index
    %get3A_7 = vector.load %arg3[%get3A_4, %get3A_5, %get3A_6] : memref<20x256x128xf32, #tpu.memory_space<vmem>>, vector<1x256x128xf32>
    %get3A_8 = vector.shape_cast %get3A_7 : vector<1x256x128xf32> to vector<256x128xf32>
    %slice3A = vector.extract_strided_slice %get3A_8 {offsets = [0, 0], sizes = [256, 64], strides = [1, 1]} : vector<256x128xf32> to vector<256x64xf32>
    %sub3A = arith.subf %slice3A, %get3A_3 : vector<256x64xf32>
    %concatenate3A = tpu.concatenate %sub3A, %get3A_3 in 1 : vector<256x64xf32>, vector<256x64xf32> -> vector<256x128xf32>
    %get3A_9 = arith.constant 0 : index
    %get3A_10 = arith.constant 0 : index
    %get3A_11 = vector.load %arg4[%get3A_9, %get3A_10] : memref<64x128xf32, #tpu.memory_space<vmem>>, vector<64x128xf32>
    %dot_general3A = arith.constant dense<0.000000e+00> : vector<256x64xf32>
    %dot_general3A_12 = tpu.matmul %concatenate3A, %get3A_11, %dot_general3A {dimension_numbers = #tpu.dot_dimension_numbers<[1], [1], [0], [0], [0, 0, 1, 0], [], []>, transpose_lhs_hint = false} : vector<256x128xf32>, vector<64x128xf32>, vector<256x64xf32> -> vector<256x64xf32>
    %get3A_13 = arith.constant 1 : index
    %get3A_14 = arith.constant 0 : index
    %get3A_15 = arith.constant 0 : index
    %get3A_16 = vector.load %arg3[%get3A_13, %get3A_14, %get3A_15] : memref<20x256x128xf32, #tpu.memory_space<vmem>>, vector<1x256x128xf32>
    %get3A_17 = vector.shape_cast %get3A_16 : vector<1x256x128xf32> to vector<256x128xf32>
    %slice3A_18 = vector.extract_strided_slice %get3A_17 {offsets = [0, 0], sizes = [256, 64], strides = [1, 1]} : vector<256x128xf32> to vector<256x64xf32>
    %sub3A_19 = arith.subf %slice3A_18, %get3A_3 : vector<256x64xf32>
    %concatenate3A_20 = tpu.concatenate %sub3A_19, %get3A_3 in 1 : vector<256x64xf32>, vector<256x64xf32> -> vector<256x128xf32>
    %get3A_21 = arith.constant 0 : index
    %get3A_22 = arith.constant 0 : index
    %get3A_23 = vector.load %arg4[%get3A_21, %get3A_22] : memref<64x128xf32, #tpu.memory_space<vmem>>, vector<64x128xf32>
    %dot_general3A_24 = arith.constant dense<0.000000e+00> : vector<256x64xf32>
    %dot_general3A_25 = tpu.matmul %concatenate3A_20, %get3A_23, %dot_general3A_24 {dimension_numbers = #tpu.dot_dimension_numbers<[1], [1], [0], [0], [0, 0, 1, 0], [], []>, transpose_lhs_hint = false} : vector<256x128xf32>, vector<64x128xf32>, vector<256x64xf32> -> vector<256x64xf32>
    %max3A = arith.maximumf %dot_general3A_12, %dot_general3A_25 : vector<256x64xf32>
    %get3A_26 = arith.constant 2 : index
    %get3A_27 = arith.constant 0 : index
    %get3A_28 = arith.constant 0 : index
    %get3A_29 = vector.load %arg3[%get3A_26, %get3A_27, %get3A_28] : memref<20x256x128xf32, #tpu.memory_space<vmem>>, vector<1x256x128xf32>
    %get3A_30 = vector.shape_cast %get3A_29 : vector<1x256x128xf32> to vector<256x128xf32>
    %slice3A_31 = vector.extract_strided_slice %get3A_30 {offsets = [0, 0], sizes = [256, 64], strides = [1, 1]} : vector<256x128xf32> to vector<256x64xf32>
    %sub3A_32 = arith.subf %slice3A_31, %get3A_3 : vector<256x64xf32>
    %concatenate3A_33 = tpu.concatenate %sub3A_32, %get3A_3 in 1 : vector<256x64xf32>, vector<256x64xf32> -> vector<256x128xf32>
    %get3A_34 = arith.constant 0 : index
    %get3A_35 = arith.constant 0 : index
    %get3A_36 = vector.load %arg4[%get3A_34, %get3A_35] : memref<64x128xf32, #tpu.memory_space<vmem>>, vector<64x128xf32>
    %dot_general3A_37 = arith.constant dense<0.000000e+00> : vector<256x64xf32>
    %dot_general3A_38 = tpu.matmul %concatenate3A_33, %get3A_36, %dot_general3A_37 {dimension_numbers = #tpu.dot_dimension_numbers<[1], [1], [0], [0], [0, 0, 1, 0], [], []>, transpose_lhs_hint = false} : vector<256x128xf32>, vector<64x128xf32>, vector<256x64xf32> -> vector<256x64xf32>
    %max3A_39 = arith.maximumf %max3A, %dot_general3A_38 : vector<256x64xf32>
    %get3A_40 = arith.constant 3 : index
    %get3A_41 = arith.constant 0 : index
    %get3A_42 = arith.constant 0 : index
    %get3A_43 = vector.load %arg3[%get3A_40, %get3A_41, %get3A_42] : memref<20x256x128xf32, #tpu.memory_space<vmem>>, vector<1x256x128xf32>
    %get3A_44 = vector.shape_cast %get3A_43 : vector<1x256x128xf32> to vector<256x128xf32>
    %slice3A_45 = vector.extract_strided_slice %get3A_44 {offsets = [0, 0], sizes = [256, 64], strides = [1, 1]} : vector<256x128xf32> to vector<256x64xf32>
    %sub3A_46 = arith.subf %slice3A_45, %get3A_3 : vector<256x64xf32>
    %concatenate3A_47 = tpu.concatenate %sub3A_46, %get3A_3 in 1 : vector<256x64xf32>, vector<256x64xf32> -> vector<256x128xf32>
    %get3A_48 = arith.constant 0 : index
    %get3A_49 = arith.constant 0 : index
    %get3A_50 = vector.load %arg4[%get3A_48, %get3A_49] : memref<64x128xf32, #tpu.memory_space<vmem>>, vector<64x128xf32>
    %dot_general3A_51 = arith.constant dense<0.000000e+00> : vector<256x64xf32>
    %dot_general3A_52 = tpu.matmul %concatenate3A_47, %get3A_50, %dot_general3A_51 {dimension_numbers = #tpu.dot_dimension_numbers<[1], [1], [0], [0], [0, 0, 1, 0], [], []>, transpose_lhs_hint = false} : vector<256x128xf32>, vector<64x128xf32>, vector<256x64xf32> -> vector<256x64xf32>
    %max3A_53 = arith.maximumf %max3A_39, %dot_general3A_52 : vector<256x64xf32>
    %get3A_54 = arith.constant 4 : index
    %get3A_55 = arith.constant 0 : index
    %get3A_56 = arith.constant 0 : index
    %get3A_57 = vector.load %arg3[%get3A_54, %get3A_55, %get3A_56] : memref<20x256x128xf32, #tpu.memory_space<vmem>>, vector<1x256x128xf32>
    %get3A_58 = vector.shape_cast %get3A_57 : vector<1x256x128xf32> to vector<256x128xf32>
    %slice3A_59 = vector.extract_strided_slice %get3A_58 {offsets = [0, 0], sizes = [256, 64], strides = [1, 1]} : vector<256x128xf32> to vector<256x64xf32>
    %sub3A_60 = arith.subf %slice3A_59, %get3A_3 : vector<256x64xf32>
    %concatenate3A_61 = tpu.concatenate %sub3A_60, %get3A_3 in 1 : vector<256x64xf32>, vector<256x64xf32> -> vector<256x128xf32>
    %get3A_62 = arith.constant 0 : index
    %get3A_63 = arith.constant 0 : index
    %get3A_64 = vector.load %arg4[%get3A_62, %get3A_63] : memref<64x128xf32, #tpu.memory_space<vmem>>, vector<64x128xf32>
    %dot_general3A_65 = arith.constant dense<0.000000e+00> : vector<256x64xf32>
    %dot_general3A_66 = tpu.matmul %concatenate3A_61, %get3A_64, %dot_general3A_65 {dimension_numbers = #tpu.dot_dimension_numbers<[1], [1], [0], [0], [0, 0, 1, 0], [], []>, transpose_lhs_hint = false} : vector<256x128xf32>, vector<64x128xf32>, vector<256x64xf32> -> vector<256x64xf32>
    %max3A_67 = arith.maximumf %max3A_53, %dot_general3A_66 : vector<256x64xf32>
    %get3A_68 = arith.constant 5 : index
    %get3A_69 = arith.constant 0 : index
    %get3A_70 = arith.constant 0 : index
    %get3A_71 = vector.load %arg3[%get3A_68, %get3A_69, %get3A_70] : memref<20x256x128xf32, #tpu.memory_space<vmem>>, vector<1x256x128xf32>
    %get3A_72 = vector.shape_cast %get3A_71 : vector<1x256x128xf32> to vector<256x128xf32>
    %slice3A_73 = vector.extract_strided_slice %get3A_72 {offsets = [0, 0], sizes = [256, 64], strides = [1, 1]} : vector<256x128xf32> to vector<256x64xf32>
    %sub3A_74 = arith.subf %slice3A_73, %get3A_3 : vector<256x64xf32>
    %concatenate3A_75 = tpu.concatenate %sub3A_74, %get3A_3 in 1 : vector<256x64xf32>, vector<256x64xf32> -> vector<256x128xf32>
    %get3A_76 = arith.constant 0 : index
    %get3A_77 = arith.constant 0 : index
    %get3A_78 = vector.load %arg4[%get3A_76, %get3A_77] : memref<64x128xf32, #tpu.memory_space<vmem>>, vector<64x128xf32>
    %dot_general3A_79 = arith.constant dense<0.000000e+00> : vector<256x64xf32>
    %dot_general3A_80 = tpu.matmul %concatenate3A_75, %get3A_78, %dot_general3A_79 {dimension_numbers = #tpu.dot_dimension_numbers<[1], [1], [0], [0], [0, 0, 1, 0], [], []>, transpose_lhs_hint = false} : vector<256x128xf32>, vector<64x128xf32>, vector<256x64xf32> -> vector<256x64xf32>
    %max3A_81 = arith.maximumf %max3A_67, %dot_general3A_80 : vector<256x64xf32>
    %get3A_82 = arith.constant 6 : index
    %get3A_83 = arith.constant 0 : index
    %get3A_84 = arith.constant 0 : index
    %get3A_85 = vector.load %arg3[%get3A_82, %get3A_83, %get3A_84] : memref<20x256x128xf32, #tpu.memory_space<vmem>>, vector<1x256x128xf32>
    %get3A_86 = vector.shape_cast %get3A_85 : vector<1x256x128xf32> to vector<256x128xf32>
    %slice3A_87 = vector.extract_strided_slice %get3A_86 {offsets = [0, 0], sizes = [256, 64], strides = [1, 1]} : vector<256x128xf32> to vector<256x64xf32>
    %sub3A_88 = arith.subf %slice3A_87, %get3A_3 : vector<256x64xf32>
    %concatenate3A_89 = tpu.concatenate %sub3A_88, %get3A_3 in 1 : vector<256x64xf32>, vector<256x64xf32> -> vector<256x128xf32>
    %get3A_90 = arith.constant 0 : index
    %get3A_91 = arith.constant 0 : index
    %get3A_92 = vector.load %arg4[%get3A_90, %get3A_91] : memref<64x128xf32, #tpu.memory_space<vmem>>, vector<64x128xf32>
    %dot_general3A_93 = arith.constant dense<0.000000e+00> : vector<256x64xf32>
    %dot_general3A_94 = tpu.matmul %concatenate3A_89, %get3A_92, %dot_general3A_93 {dimension_numbers = #tpu.dot_dimension_numbers<[1], [1], [0], [0], [0, 0, 1, 0], [], []>, transpose_lhs_hint = false} : vector<256x128xf32>, vector<64x128xf32>, vector<256x64xf32> -> vector<256x64xf32>
    %max3A_95 = arith.maximumf %max3A_81, %dot_general3A_94 : vector<256x64xf32>
    %get3A_96 = arith.constant 7 : index
    %get3A_97 = arith.constant 0 : index
    %get3A_98 = arith.constant 0 : index
    %get3A_99 = vector.load %arg3[%get3A_96, %get3A_97, %get3A_98] : memref<20x256x128xf32, #tpu.memory_space<vmem>>, vector<1x256x128xf32>
    %get3A_100 = vector.shape_cast %get3A_99 : vector<1x256x128xf32> to vector<256x128xf32>
    %slice3A_101 = vector.extract_strided_slice %get3A_100 {offsets = [0, 0], sizes = [256, 64], strides = [1, 1]} : vector<256x128xf32> to vector<256x64xf32>
    %sub3A_102 = arith.subf %slice3A_101, %get3A_3 : vector<256x64xf32>
    %concatenate3A_103 = tpu.concatenate %sub3A_102, %get3A_3 in 1 : vector<256x64xf32>, vector<256x64xf32> -> vector<256x128xf32>
    %get3A_104 = arith.constant 0 : index
    %get3A_105 = arith.constant 0 : index
    %get3A_106 = vector.load %arg4[%get3A_104, %get3A_105] : memref<64x128xf32, #tpu.memory_space<vmem>>, vector<64x128xf32>
    %dot_general3A_107 = arith.constant dense<0.000000e+00> : vector<256x64xf32>
    %dot_general3A_108 = tpu.matmul %concatenate3A_103, %get3A_106, %dot_general3A_107 {dimension_numbers = #tpu.dot_dimension_numbers<[1], [1], [0], [0], [0, 0, 1, 0], [], []>, transpose_lhs_hint = false} : vector<256x128xf32>, vector<64x128xf32>, vector<256x64xf32> -> vector<256x64xf32>
    %max3A_109 = arith.maximumf %max3A_95, %dot_general3A_108 : vector<256x64xf32>
    %get3A_110 = arith.constant 8 : index
    %get3A_111 = arith.constant 0 : index
    %get3A_112 = arith.constant 0 : index
    %get3A_113 = vector.load %arg3[%get3A_110, %get3A_111, %get3A_112] : memref<20x256x128xf32, #tpu.memory_space<vmem>>, vector<1x256x128xf32>
    %get3A_114 = vector.shape_cast %get3A_113 : vector<1x256x128xf32> to vector<256x128xf32>
    %slice3A_115 = vector.extract_strided_slice %get3A_114 {offsets = [0, 0], sizes = [256, 64], strides = [1, 1]} : vector<256x128xf32> to vector<256x64xf32>
    %sub3A_116 = arith.subf %slice3A_115, %get3A_3 : vector<256x64xf32>
    %concatenate3A_117 = tpu.concatenate %sub3A_116, %get3A_3 in 1 : vector<256x64xf32>, vector<256x64xf32> -> vector<256x128xf32>
    %get3A_118 = arith.constant 0 : index
    %get3A_119 = arith.constant 0 : index
    %get3A_120 = vector.load %arg4[%get3A_118, %get3A_119] : memref<64x128xf32, #tpu.memory_space<vmem>>, vector<64x128xf32>
    %dot_general3A_121 = arith.constant dense<0.000000e+00> : vector<256x64xf32>
    %dot_general3A_122 = tpu.matmul %concatenate3A_117, %get3A_120, %dot_general3A_121 {dimension_numbers = #tpu.dot_dimension_numbers<[1], [1], [0], [0], [0, 0, 1, 0], [], []>, transpose_lhs_hint = false} : vector<256x128xf32>, vector<64x128xf32>, vector<256x64xf32> -> vector<256x64xf32>
    %max3A_123 = arith.maximumf %max3A_109, %dot_general3A_122 : vector<256x64xf32>
    %get3A_124 = arith.constant 9 : index
    %get3A_125 = arith.constant 0 : index
    %get3A_126 = arith.constant 0 : index
    %get3A_127 = vector.load %arg3[%get3A_124, %get3A_125, %get3A_126] : memref<20x256x128xf32, #tpu.memory_space<vmem>>, vector<1x256x128xf32>
    %get3A_128 = vector.shape_cast %get3A_127 : vector<1x256x128xf32> to vector<256x128xf32>
    %slice3A_129 = vector.extract_strided_slice %get3A_128 {offsets = [0, 0], sizes = [256, 64], strides = [1, 1]} : vector<256x128xf32> to vector<256x64xf32>
    %sub3A_130 = arith.subf %slice3A_129, %get3A_3 : vector<256x64xf32>
    %concatenate3A_131 = tpu.concatenate %sub3A_130, %get3A_3 in 1 : vector<256x64xf32>, vector<256x64xf32> -> vector<256x128xf32>
    %get3A_132 = arith.constant 0 : index
    %get3A_133 = arith.constant 0 : index
    %get3A_134 = vector.load %arg4[%get3A_132, %get3A_133] : memref<64x128xf32, #tpu.memory_space<vmem>>, vector<64x128xf32>
    %dot_general3A_135 = arith.constant dense<0.000000e+00> : vector<256x64xf32>
    %dot_general3A_136 = tpu.matmul %concatenate3A_131, %get3A_134, %dot_general3A_135 {dimension_numbers = #tpu.dot_dimension_numbers<[1], [1], [0], [0], [0, 0, 1, 0], [], []>, transpose_lhs_hint = false} : vector<256x128xf32>, vector<64x128xf32>, vector<256x64xf32> -> vector<256x64xf32>
    %max3A_137 = arith.maximumf %max3A_123, %dot_general3A_136 : vector<256x64xf32>
    %get3A_138 = arith.constant 10 : index
    %get3A_139 = arith.constant 0 : index
    %get3A_140 = arith.constant 0 : index
    %get3A_141 = vector.load %arg3[%get3A_138, %get3A_139, %get3A_140] : memref<20x256x128xf32, #tpu.memory_space<vmem>>, vector<1x256x128xf32>
    %get3A_142 = vector.shape_cast %get3A_141 : vector<1x256x128xf32> to vector<256x128xf32>
    %slice3A_143 = vector.extract_strided_slice %get3A_142 {offsets = [0, 0], sizes = [256, 64], strides = [1, 1]} : vector<256x128xf32> to vector<256x64xf32>
    %sub3A_144 = arith.subf %slice3A_143, %get3A_3 : vector<256x64xf32>
    %concatenate3A_145 = tpu.concatenate %sub3A_144, %get3A_3 in 1 : vector<256x64xf32>, vector<256x64xf32> -> vector<256x128xf32>
    %get3A_146 = arith.constant 0 : index
    %get3A_147 = arith.constant 0 : index
    %get3A_148 = vector.load %arg4[%get3A_146, %get3A_147] : memref<64x128xf32, #tpu.memory_space<vmem>>, vector<64x128xf32>
    %dot_general3A_149 = arith.constant dense<0.000000e+00> : vector<256x64xf32>
    %dot_general3A_150 = tpu.matmul %concatenate3A_145, %get3A_148, %dot_general3A_149 {dimension_numbers = #tpu.dot_dimension_numbers<[1], [1], [0], [0], [0, 0, 1, 0], [], []>, transpose_lhs_hint = false} : vector<256x128xf32>, vector<64x128xf32>, vector<256x64xf32> -> vector<256x64xf32>
    %max3A_151 = arith.maximumf %max3A_137, %dot_general3A_150 : vector<256x64xf32>
    %get3A_152 = arith.constant 11 : index
    %get3A_153 = arith.constant 0 : index
    %get3A_154 = arith.constant 0 : index
    %get3A_155 = vector.load %arg3[%get3A_152, %get3A_153, %get3A_154] : memref<20x256x128xf32, #tpu.memory_space<vmem>>, vector<1x256x128xf32>
    %get3A_156 = vector.shape_cast %get3A_155 : vector<1x256x128xf32> to vector<256x128xf32>
    %slice3A_157 = vector.extract_strided_slice %get3A_156 {offsets = [0, 0], sizes = [256, 64], strides = [1, 1]} : vector<256x128xf32> to vector<256x64xf32>
    %sub3A_158 = arith.subf %slice3A_157, %get3A_3 : vector<256x64xf32>
    %concatenate3A_159 = tpu.concatenate %sub3A_158, %get3A_3 in 1 : vector<256x64xf32>, vector<256x64xf32> -> vector<256x128xf32>
    %get3A_160 = arith.constant 0 : index
    %get3A_161 = arith.constant 0 : index
    %get3A_162 = vector.load %arg4[%get3A_160, %get3A_161] : memref<64x128xf32, #tpu.memory_space<vmem>>, vector<64x128xf32>
    %dot_general3A_163 = arith.constant dense<0.000000e+00> : vector<256x64xf32>
    %dot_general3A_164 = tpu.matmul %concatenate3A_159, %get3A_162, %dot_general3A_163 {dimension_numbers = #tpu.dot_dimension_numbers<[1], [1], [0], [0], [0, 0, 1, 0], [], []>, transpose_lhs_hint = false} : vector<256x128xf32>, vector<64x128xf32>, vector<256x64xf32> -> vector<256x64xf32>
    %max3A_165 = arith.maximumf %max3A_151, %dot_general3A_164 : vector<256x64xf32>
    %get3A_166 = arith.constant 12 : index
    %get3A_167 = arith.constant 0 : index
    %get3A_168 = arith.constant 0 : index
    %get3A_169 = vector.load %arg3[%get3A_166, %get3A_167, %get3A_168] : memref<20x256x128xf32, #tpu.memory_space<vmem>>, vector<1x256x128xf32>
    %get3A_170 = vector.shape_cast %get3A_169 : vector<1x256x128xf32> to vector<256x128xf32>
    %slice3A_171 = vector.extract_strided_slice %get3A_170 {offsets = [0, 0], sizes = [256, 64], strides = [1, 1]} : vector<256x128xf32> to vector<256x64xf32>
    %sub3A_172 = arith.subf %slice3A_171, %get3A_3 : vector<256x64xf32>
    %concatenate3A_173 = tpu.concatenate %sub3A_172, %get3A_3 in 1 : vector<256x64xf32>, vector<256x64xf32> -> vector<256x128xf32>
    %get3A_174 = arith.constant 0 : index
    %get3A_175 = arith.constant 0 : index
    %get3A_176 = vector.load %arg4[%get3A_174, %get3A_175] : memref<64x128xf32, #tpu.memory_space<vmem>>, vector<64x128xf32>
    %dot_general3A_177 = arith.constant dense<0.000000e+00> : vector<256x64xf32>
    %dot_general3A_178 = tpu.matmul %concatenate3A_173, %get3A_176, %dot_general3A_177 {dimension_numbers = #tpu.dot_dimension_numbers<[1], [1], [0], [0], [0, 0, 1, 0], [], []>, transpose_lhs_hint = false} : vector<256x128xf32>, vector<64x128xf32>, vector<256x64xf32> -> vector<256x64xf32>
    %max3A_179 = arith.maximumf %max3A_165, %dot_general3A_178 : vector<256x64xf32>
    %get3A_180 = arith.constant 13 : index
    %get3A_181 = arith.constant 0 : index
    %get3A_182 = arith.constant 0 : index
    %get3A_183 = vector.load %arg3[%get3A_180, %get3A_181, %get3A_182] : memref<20x256x128xf32, #tpu.memory_space<vmem>>, vector<1x256x128xf32>
    %get3A_184 = vector.shape_cast %get3A_183 : vector<1x256x128xf32> to vector<256x128xf32>
    %slice3A_185 = vector.extract_strided_slice %get3A_184 {offsets = [0, 0], sizes = [256, 64], strides = [1, 1]} : vector<256x128xf32> to vector<256x64xf32>
    %sub3A_186 = arith.subf %slice3A_185, %get3A_3 : vector<256x64xf32>
    %concatenate3A_187 = tpu.concatenate %sub3A_186, %get3A_3 in 1 : vector<256x64xf32>, vector<256x64xf32> -> vector<256x128xf32>
    %get3A_188 = arith.constant 0 : index
    %get3A_189 = arith.constant 0 : index
    %get3A_190 = vector.load %arg4[%get3A_188, %get3A_189] : memref<64x128xf32, #tpu.memory_space<vmem>>, vector<64x128xf32>
    %dot_general3A_191 = arith.constant dense<0.000000e+00> : vector<256x64xf32>
    %dot_general3A_192 = tpu.matmul %concatenate3A_187, %get3A_190, %dot_general3A_191 {dimension_numbers = #tpu.dot_dimension_numbers<[1], [1], [0], [0], [0, 0, 1, 0], [], []>, transpose_lhs_hint = false} : vector<256x128xf32>, vector<64x128xf32>, vector<256x64xf32> -> vector<256x64xf32>
    %max3A_193 = arith.maximumf %max3A_179, %dot_general3A_192 : vector<256x64xf32>
    %get3A_194 = arith.constant 14 : index
    %get3A_195 = arith.constant 0 : index
    %get3A_196 = arith.constant 0 : index
    %get3A_197 = vector.load %arg3[%get3A_194, %get3A_195, %get3A_196] : memref<20x256x128xf32, #tpu.memory_space<vmem>>, vector<1x256x128xf32>
    %get3A_198 = vector.shape_cast %get3A_197 : vector<1x256x128xf32> to vector<256x128xf32>
    %slice3A_199 = vector.extract_strided_slice %get3A_198 {offsets = [0, 0], sizes = [256, 64], strides = [1, 1]} : vector<256x128xf32> to vector<256x64xf32>
    %sub3A_200 = arith.subf %slice3A_199, %get3A_3 : vector<256x64xf32>
    %concatenate3A_201 = tpu.concatenate %sub3A_200, %get3A_3 in 1 : vector<256x64xf32>, vector<256x64xf32> -> vector<256x128xf32>
    %get3A_202 = arith.constant 0 : index
    %get3A_203 = arith.constant 0 : index
    %get3A_204 = vector.load %arg4[%get3A_202, %get3A_203] : memref<64x128xf32, #tpu.memory_space<vmem>>, vector<64x128xf32>
    %dot_general3A_205 = arith.constant dense<0.000000e+00> : vector<256x64xf32>
    %dot_general3A_206 = tpu.matmul %concatenate3A_201, %get3A_204, %dot_general3A_205 {dimension_numbers = #tpu.dot_dimension_numbers<[1], [1], [0], [0], [0, 0, 1, 0], [], []>, transpose_lhs_hint = false} : vector<256x128xf32>, vector<64x128xf32>, vector<256x64xf32> -> vector<256x64xf32>
    %max3A_207 = arith.maximumf %max3A_193, %dot_general3A_206 : vector<256x64xf32>
    %get3A_208 = arith.constant 15 : index
    %get3A_209 = arith.constant 0 : index
    %get3A_210 = arith.constant 0 : index
    %get3A_211 = vector.load %arg3[%get3A_208, %get3A_209, %get3A_210] : memref<20x256x128xf32, #tpu.memory_space<vmem>>, vector<1x256x128xf32>
    %get3A_212 = vector.shape_cast %get3A_211 : vector<1x256x128xf32> to vector<256x128xf32>
    %slice3A_213 = vector.extract_strided_slice %get3A_212 {offsets = [0, 0], sizes = [256, 64], strides = [1, 1]} : vector<256x128xf32> to vector<256x64xf32>
    %sub3A_214 = arith.subf %slice3A_213, %get3A_3 : vector<256x64xf32>
    %concatenate3A_215 = tpu.concatenate %sub3A_214, %get3A_3 in 1 : vector<256x64xf32>, vector<256x64xf32> -> vector<256x128xf32>
    %get3A_216 = arith.constant 0 : index
    %get3A_217 = arith.constant 0 : index
    %get3A_218 = vector.load %arg4[%get3A_216, %get3A_217] : memref<64x128xf32, #tpu.memory_space<vmem>>, vector<64x128xf32>
    %dot_general3A_219 = arith.constant dense<0.000000e+00> : vector<256x64xf32>
    %dot_general3A_220 = tpu.matmul %concatenate3A_215, %get3A_218, %dot_general3A_219 {dimension_numbers = #tpu.dot_dimension_numbers<[1], [1], [0], [0], [0, 0, 1, 0], [], []>, transpose_lhs_hint = false} : vector<256x128xf32>, vector<64x128xf32>, vector<256x64xf32> -> vector<256x64xf32>
    %max3A_221 = arith.maximumf %max3A_207, %dot_general3A_220 : vector<256x64xf32>
    %get3A_222 = arith.constant 16 : index
    %get3A_223 = arith.constant 0 : index
    %get3A_224 = arith.constant 0 : index
    %get3A_225 = vector.load %arg3[%get3A_222, %get3A_223, %get3A_224] : memref<20x256x128xf32, #tpu.memory_space<vmem>>, vector<1x256x128xf32>
    %get3A_226 = vector.shape_cast %get3A_225 : vector<1x256x128xf32> to vector<256x128xf32>
    %slice3A_227 = vector.extract_strided_slice %get3A_226 {offsets = [0, 0], sizes = [256, 64], strides = [1, 1]} : vector<256x128xf32> to vector<256x64xf32>
    %sub3A_228 = arith.subf %slice3A_227, %get3A_3 : vector<256x64xf32>
    %concatenate3A_229 = tpu.concatenate %sub3A_228, %get3A_3 in 1 : vector<256x64xf32>, vector<256x64xf32> -> vector<256x128xf32>
    %get3A_230 = arith.constant 0 : index
    %get3A_231 = arith.constant 0 : index
    %get3A_232 = vector.load %arg4[%get3A_230, %get3A_231] : memref<64x128xf32, #tpu.memory_space<vmem>>, vector<64x128xf32>
    %dot_general3A_233 = arith.constant dense<0.000000e+00> : vector<256x64xf32>
    %dot_general3A_234 = tpu.matmul %concatenate3A_229, %get3A_232, %dot_general3A_233 {dimension_numbers = #tpu.dot_dimension_numbers<[1], [1], [0], [0], [0, 0, 1, 0], [], []>, transpose_lhs_hint = false} : vector<256x128xf32>, vector<64x128xf32>, vector<256x64xf32> -> vector<256x64xf32>
    %max3A_235 = arith.maximumf %max3A_221, %dot_general3A_234 : vector<256x64xf32>
    %get3A_236 = arith.constant 17 : index
    %get3A_237 = arith.constant 0 : index
    %get3A_238 = arith.constant 0 : index
    %get3A_239 = vector.load %arg3[%get3A_236, %get3A_237, %get3A_238] : memref<20x256x128xf32, #tpu.memory_space<vmem>>, vector<1x256x128xf32>
    %get3A_240 = vector.shape_cast %get3A_239 : vector<1x256x128xf32> to vector<256x128xf32>
    %slice3A_241 = vector.extract_strided_slice %get3A_240 {offsets = [0, 0], sizes = [256, 64], strides = [1, 1]} : vector<256x128xf32> to vector<256x64xf32>
    %sub3A_242 = arith.subf %slice3A_241, %get3A_3 : vector<256x64xf32>
    %concatenate3A_243 = tpu.concatenate %sub3A_242, %get3A_3 in 1 : vector<256x64xf32>, vector<256x64xf32> -> vector<256x128xf32>
    %get3A_244 = arith.constant 0 : index
    %get3A_245 = arith.constant 0 : index
    %get3A_246 = vector.load %arg4[%get3A_244, %get3A_245] : memref<64x128xf32, #tpu.memory_space<vmem>>, vector<64x128xf32>
    %dot_general3A_247 = arith.constant dense<0.000000e+00> : vector<256x64xf32>
    %dot_general3A_248 = tpu.matmul %concatenate3A_243, %get3A_246, %dot_general3A_247 {dimension_numbers = #tpu.dot_dimension_numbers<[1], [1], [0], [0], [0, 0, 1, 0], [], []>, transpose_lhs_hint = false} : vector<256x128xf32>, vector<64x128xf32>, vector<256x64xf32> -> vector<256x64xf32>
    %max3A_249 = arith.maximumf %max3A_235, %dot_general3A_248 : vector<256x64xf32>
    %get3A_250 = arith.constant 18 : index
    %get3A_251 = arith.constant 0 : index
    %get3A_252 = arith.constant 0 : index
    %get3A_253 = vector.load %arg3[%get3A_250, %get3A_251, %get3A_252] : memref<20x256x128xf32, #tpu.memory_space<vmem>>, vector<1x256x128xf32>
    %get3A_254 = vector.shape_cast %get3A_253 : vector<1x256x128xf32> to vector<256x128xf32>
    %slice3A_255 = vector.extract_strided_slice %get3A_254 {offsets = [0, 0], sizes = [256, 64], strides = [1, 1]} : vector<256x128xf32> to vector<256x64xf32>
    %sub3A_256 = arith.subf %slice3A_255, %get3A_3 : vector<256x64xf32>
    %concatenate3A_257 = tpu.concatenate %sub3A_256, %get3A_3 in 1 : vector<256x64xf32>, vector<256x64xf32> -> vector<256x128xf32>
    %get3A_258 = arith.constant 0 : index
    %get3A_259 = arith.constant 0 : index
    %get3A_260 = vector.load %arg4[%get3A_258, %get3A_259] : memref<64x128xf32, #tpu.memory_space<vmem>>, vector<64x128xf32>
    %dot_general3A_261 = arith.constant dense<0.000000e+00> : vector<256x64xf32>
    %dot_general3A_262 = tpu.matmul %concatenate3A_257, %get3A_260, %dot_general3A_261 {dimension_numbers = #tpu.dot_dimension_numbers<[1], [1], [0], [0], [0, 0, 1, 0], [], []>, transpose_lhs_hint = false} : vector<256x128xf32>, vector<64x128xf32>, vector<256x64xf32> -> vector<256x64xf32>
    %max3A_263 = arith.maximumf %max3A_249, %dot_general3A_262 : vector<256x64xf32>
    %get3A_264 = arith.constant 19 : index
    %get3A_265 = arith.constant 0 : index
    %get3A_266 = arith.constant 0 : index
    %get3A_267 = vector.load %arg3[%get3A_264, %get3A_265, %get3A_266] : memref<20x256x128xf32, #tpu.memory_space<vmem>>, vector<1x256x128xf32>
    %get3A_268 = vector.shape_cast %get3A_267 : vector<1x256x128xf32> to vector<256x128xf32>
    %slice3A_269 = vector.extract_strided_slice %get3A_268 {offsets = [0, 0], sizes = [256, 64], strides = [1, 1]} : vector<256x128xf32> to vector<256x64xf32>
    %sub3A_270 = arith.subf %slice3A_269, %get3A_3 : vector<256x64xf32>
    %concatenate3A_271 = tpu.concatenate %sub3A_270, %get3A_3 in 1 : vector<256x64xf32>, vector<256x64xf32> -> vector<256x128xf32>
    %get3A_272 = arith.constant 0 : index
    %get3A_273 = arith.constant 0 : index
    %get3A_274 = vector.load %arg4[%get3A_272, %get3A_273] : memref<64x128xf32, #tpu.memory_space<vmem>>, vector<64x128xf32>
    %dot_general3A_275 = arith.constant dense<0.000000e+00> : vector<256x64xf32>
    %dot_general3A_276 = tpu.matmul %concatenate3A_271, %get3A_274, %dot_general3A_275 {dimension_numbers = #tpu.dot_dimension_numbers<[1], [1], [0], [0], [0, 0, 1, 0], [], []>, transpose_lhs_hint = false} : vector<256x128xf32>, vector<64x128xf32>, vector<256x64xf32> -> vector<256x64xf32>
    %max3A_277 = arith.maximumf %max3A_263, %dot_general3A_276 : vector<256x64xf32>
    %div3A = arith.constant 1.00000501 : f32
    %div3A_278 = vector.broadcast %div3A : f32 to vector<256x64xf32>
    %div3A_279 = arith.divf %max3A_277, %div3A_278 : vector<256x64xf32>
    %get3A_280 = arith.constant 0 : index
    %get3A_281 = arith.constant 0 : index
    %get3A_282 = vector.load %arg5[%get3A_280, %get3A_281] : memref<1x64xf32, #tpu.memory_space<vmem>>, vector<1x64xf32>
    %mul3A = vector.broadcast %get3A_282 : vector<1x64xf32> to vector<256x64xf32>
    %mul3A_283 = arith.mulf %div3A_279, %mul3A : vector<256x64xf32>
    %get3A_284 = arith.constant 0 : index
    %get3A_285 = arith.constant 0 : index
    %get3A_286 = vector.load %arg6[%get3A_284, %get3A_285] : memref<1x64xf32, #tpu.memory_space<vmem>>, vector<1x64xf32>
    %add3A = vector.broadcast %get3A_286 : vector<1x64xf32> to vector<256x64xf32>
    %add3A_287 = arith.addf %mul3A_283, %add3A : vector<256x64xf32>
    %ge3A = arith.constant 0.000000e+00 : f32
    %ge3A_288 = vector.broadcast %ge3A : f32 to vector<256x64xf32>
    %ge3A_289 = arith.cmpf oge, %add3A_287, %ge3A_288 : vector<256x64xf32>
    %mul3A_290 = arith.constant 2.000000e-01 : f32
    %mul3A_291 = vector.broadcast %mul3A_290 : f32 to vector<256x64xf32>
    %mul3A_292 = arith.mulf %add3A_287, %mul3A_291 : vector<256x64xf32>
    %select_n3A = arith.select %ge3A_289, %add3A_287, %mul3A_292 : vector<256x64xi1>, vector<256x64xf32>
    %swap3A = arith.constant 0 : index
    %swap3A_293 = arith.constant 0 : index
    %swap3A_294 = arith.constant 0 : index
    %swap3A_295 = vector.load %arg7[%swap3A, %swap3A_293, %swap3A_294] : memref<1x256x64xf32, #tpu.memory_space<vmem>>, vector<1x256x64xf32>
    %swap3A_296 = vector.shape_cast %swap3A_295 : vector<1x256x64xf32> to vector<256x64xf32>
    %swap3A_297 = vector.shape_cast %select_n3A : vector<256x64xf32> to vector<1x256x64xf32>
    tpu.vector_store %arg7[%swap3A, %swap3A_293, %swap3A_294], %swap3A_297 {strides = array<i32>} : memref<1x256x64xf32, #tpu.memory_space<vmem>>, vector<1x256x64xf32>,
    return
  }
  func.func @transform_0(%arg0: i32, %arg1: i32) -> (i32, i32, i32) {
    %c0_i32 = arith.constant 0 : i32
    %c0_i32_0 = arith.constant 0 : i32
    return %arg0, %arg1, %c0_i32 : i32, i32, i32
  }
  func.func @transform_1(%arg0: i32, %arg1: i32) -> (i32, i32, i32) {
    %mul3A = arith.constant 16 : i32
    %mul3A_0 = arith.muli %arg0, %mul3A : i32
    %add3A = arith.addi %mul3A_0, %arg1 : i32
    %c0_i32 = arith.constant 0 : i32
    %c0_i32_1 = arith.constant 0 : i32
    %c0_i32_2 = arith.constant 0 : i32
    return %c0_i32, %add3A, %c0_i32_1 : i32, i32, i32
  }
  func.func @transform_2(%arg0: i32, %arg1: i32) -> (i32, i32) {
    %c0_i32 = arith.constant 0 : i32
    %c0_i32_0 = arith.constant 0 : i32
    %c0_i32_1 = arith.constant 0 : i32
    return %c0_i32, %c0_i32_0 : i32, i32
  }
  func.func @transform_3(%arg0: i32, %arg1: i32) -> (i32, i32) {
    %c0_i32 = arith.constant 0 : i32
    %c0_i32_0 = arith.constant 0 : i32
    %c0_i32_1 = arith.constant 0 : i32
    return %c0_i32, %c0_i32_0 : i32, i32
  }
  func.func @transform_4(%arg0: i32, %arg1: i32) -> (i32, i32) {
    %c0_i32 = arith.constant 0 : i32
    %c0_i32_0 = arith.constant 0 : i32
    %c0_i32_1 = arith.constant 0 : i32
    return %c0_i32, %c0_i32_0 : i32, i32
  }
  func.func @transform_5(%arg0: i32, %arg1: i32) -> (i32, i32, i32) {
    %c0_i32 = arith.constant 0 : i32
    %c0_i32_0 = arith.constant 0 : i32
    return %arg0, %arg1, %c0_i32 : i32, i32, i32
  }
}

module attributes {stable_mosaic.version = 14 : i64} {
  func.func @_head_body(%arg0: i32, %arg1: i32, %arg2: memref<1x512x256xf32, #tpu.memory_space<vmem>>, %arg3: memref<512x256xf32, #tpu.memory_space<vmem>>, %arg4: memref<1x512xf32, #tpu.memory_space<vmem>>, %arg5: memref<1x512xf32, #tpu.memory_space<vmem>>, %arg6: memref<128x512xf32, #tpu.memory_space<vmem>>, %arg7: memref<1x1x128xf32, #tpu.memory_space<vmem>>, %arg8: memref<1x512xf32, #tpu.memory_space<vmem>>) attributes {dimension_semantics = [#tpu.dimension_semantics<arbitrary>, #tpu.dimension_semantics<arbitrary>], iteration_bounds = array<i64: 2, 8>, scalar_prefetch = 0 : i64, scratch_operands = 1 : i64, tpu.core_type = #tpu.core_type<tc>, window_params = [{transform_indices = @transform_0, window_bounds = array<i64: 1, 512, 256>}, {pipeline_mode = #tpu.pipeline_mode<synchronous>, transform_indices = @transform_1, window_bounds = array<i64: 512, 256>}, {pipeline_mode = #tpu.pipeline_mode<synchronous>, transform_indices = @transform_2, window_bounds = array<i64: 1, 512>}, {pipeline_mode = #tpu.pipeline_mode<synchronous>, transform_indices = @transform_3, window_bounds = array<i64: 1, 512>}, {pipeline_mode = #tpu.pipeline_mode<synchronous>, transform_indices = @transform_4, window_bounds = array<i64: 128, 512>}, {transform_indices = @transform_5, window_bounds = array<i64: 1, 1, 128>}]} {
    %get3A = arith.constant 0 : index
    %get3A_0 = arith.constant 0 : index
    %get3A_1 = arith.constant 0 : index
    %get3A_2 = vector.load %arg2[%get3A, %get3A_0, %get3A_1] : memref<1x512x256xf32, #tpu.memory_space<vmem>>, vector<1x512x256xf32>
    %get3A_3 = vector.shape_cast %get3A_2 : vector<1x512x256xf32> to vector<512x256xf32>
    %get3A_4 = arith.constant 0 : index
    %get3A_5 = arith.constant 0 : index
    %get3A_6 = vector.load %arg3[%get3A_4, %get3A_5] : memref<512x256xf32, #tpu.memory_space<vmem>>, vector<512x256xf32>
    %dot_general3A = arith.constant dense<0.000000e+00> : vector<512x512xf32>
    %dot_general3A_7 = tpu.matmul %get3A_3, %get3A_6, %dot_general3A {dimension_numbers = #tpu.dot_dimension_numbers<[1], [1], [0], [0], [0, 0, 1, 0], [], []>, transpose_lhs_hint = false} : vector<512x256xf32>, vector<512x256xf32>, vector<512x512xf32> -> vector<512x512xf32>
    %reduce_max3A = arith.constant dense<0xFF800000> : vector<512xf32>
    %reduce_max3A_8 = vector.multi_reduction <maximumf>, %dot_general3A_7, %reduce_max3A [0] : vector<512x512xf32> to vector<512xf32>
    %broadcast_in_dim3A = vector.shape_cast %reduce_max3A_8 : vector<512xf32> to vector<1x512xf32>
    %eq3A = arith.constant 0 : i32
    %eq3A_9 = arith.cmpi eq, %arg1, %eq3A : i32
    %convert_element_type3A = arith.extui %eq3A_9 : i1 to i32
    %cond3A = arith.constant 0 : i32
    %cond3A_10 = arith.cmpi ne, %convert_element_type3A, %cond3A : i32
    scf.if %cond3A_10 {
      %swap3A = arith.constant 0 : index
      %swap3A_20 = arith.constant 0 : index
      %swap3A_21 = vector.load %arg8[%swap3A, %swap3A_20] : memref<1x512xf32, #tpu.memory_space<vmem>>, vector<1x512xf32>
      tpu.vector_store %arg8[%swap3A, %swap3A_20], %broadcast_in_dim3A {strides = array<i32>} : memref<1x512xf32, #tpu.memory_space<vmem>>, vector<1x512xf32>,
    } else {
    }
    %gt3A = arith.constant 0 : i32
    %gt3A_11 = arith.cmpi sgt, %arg1, %gt3A : i32
    %convert_element_type3A_12 = arith.extui %gt3A_11 : i1 to i32
    %cond3A_13 = arith.constant 0 : i32
    %cond3A_14 = arith.cmpi ne, %convert_element_type3A_12, %cond3A_13 : i32
    scf.if %cond3A_14 {
      %get3A_20 = arith.constant 0 : index
      %get3A_21 = arith.constant 0 : index
      %get3A_22 = vector.load %arg8[%get3A_20, %get3A_21] : memref<1x512xf32, #tpu.memory_space<vmem>>, vector<1x512xf32>
      %max3A = arith.maximumf %get3A_22, %broadcast_in_dim3A : vector<1x512xf32>
      %swap3A = arith.constant 0 : index
      %swap3A_23 = arith.constant 0 : index
      %swap3A_24 = vector.load %arg8[%swap3A, %swap3A_23] : memref<1x512xf32, #tpu.memory_space<vmem>>, vector<1x512xf32>
      tpu.vector_store %arg8[%swap3A, %swap3A_23], %max3A {strides = array<i32>} : memref<1x512xf32, #tpu.memory_space<vmem>>, vector<1x512xf32>,
    } else {
    }
    %eq3A_15 = arith.constant 7 : i32
    %eq3A_16 = arith.cmpi eq, %arg1, %eq3A_15 : i32
    %convert_element_type3A_17 = arith.extui %eq3A_16 : i1 to i32
    %cond3A_18 = arith.constant 0 : i32
    %cond3A_19 = arith.cmpi ne, %convert_element_type3A_17, %cond3A_18 : i32
    scf.if %cond3A_19 {
      %get3A_20 = arith.constant 0 : index
      %get3A_21 = arith.constant 0 : index
      %get3A_22 = vector.load %arg8[%get3A_20, %get3A_21] : memref<1x512xf32, #tpu.memory_space<vmem>>, vector<1x512xf32>
      %div3A = arith.constant 1.00000501 : f32
      %div3A_23 = vector.broadcast %div3A : f32 to vector<1x512xf32>
      %div3A_24 = arith.divf %get3A_22, %div3A_23 : vector<1x512xf32>
      %get3A_25 = arith.constant 0 : index
      %get3A_26 = arith.constant 0 : index
      %get3A_27 = vector.load %arg4[%get3A_25, %get3A_26] : memref<1x512xf32, #tpu.memory_space<vmem>>, vector<1x512xf32>
      %mul3A = arith.mulf %div3A_24, %get3A_27 : vector<1x512xf32>
      %get3A_28 = arith.constant 0 : index
      %get3A_29 = arith.constant 0 : index
      %get3A_30 = vector.load %arg5[%get3A_28, %get3A_29] : memref<1x512xf32, #tpu.memory_space<vmem>>, vector<1x512xf32>
      %add3A = arith.addf %mul3A, %get3A_30 : vector<1x512xf32>
      %ge3A = arith.constant 0.000000e+00 : f32
      %ge3A_31 = vector.broadcast %ge3A : f32 to vector<1x512xf32>
      %ge3A_32 = arith.cmpf oge, %add3A, %ge3A_31 : vector<1x512xf32>
      %mul3A_33 = arith.constant 2.000000e-01 : f32
      %mul3A_34 = vector.broadcast %mul3A_33 : f32 to vector<1x512xf32>
      %mul3A_35 = arith.mulf %add3A, %mul3A_34 : vector<1x512xf32>
      %select_n3A = arith.select %ge3A_32, %add3A, %mul3A_35 : vector<1x512xi1>, vector<1x512xf32>
      %get3A_36 = arith.constant 0 : index
      %get3A_37 = arith.constant 0 : index
      %get3A_38 = vector.load %arg6[%get3A_36, %get3A_37] : memref<128x512xf32, #tpu.memory_space<vmem>>, vector<128x512xf32>
      %dot_general3A_39 = arith.constant dense<0.000000e+00> : vector<1x128xf32>
      %dot_general3A_40 = tpu.matmul %select_n3A, %get3A_38, %dot_general3A_39 {dimension_numbers = #tpu.dot_dimension_numbers<[1], [1], [0], [0], [0, 0, 1, 0], [], []>, transpose_lhs_hint = false} : vector<1x512xf32>, vector<128x512xf32>, vector<1x128xf32> -> vector<1x128xf32>
      %swap3A = arith.constant 0 : index
      %swap3A_41 = arith.constant 0 : index
      %swap3A_42 = arith.constant 0 : index
      %swap3A_43 = vector.load %arg7[%swap3A, %swap3A_41, %swap3A_42] : memref<1x1x128xf32, #tpu.memory_space<vmem>>, vector<1x1x128xf32>
      %swap3A_44 = vector.shape_cast %swap3A_43 : vector<1x1x128xf32> to vector<1x128xf32>
      %swap3A_45 = vector.shape_cast %dot_general3A_40 : vector<1x128xf32> to vector<1x1x128xf32>
      tpu.vector_store %arg7[%swap3A, %swap3A_41, %swap3A_42], %swap3A_45 {strides = array<i32>} : memref<1x1x128xf32, #tpu.memory_space<vmem>>, vector<1x1x128xf32>,
    } else {
    }
    return
  }
  func.func @transform_0(%arg0: i32, %arg1: i32) -> (i32, i32, i32) {
    %c0_i32 = arith.constant 0 : i32
    %c0_i32_0 = arith.constant 0 : i32
    return %arg0, %arg1, %c0_i32 : i32, i32, i32
  }
  func.func @transform_1(%arg0: i32, %arg1: i32) -> (i32, i32) {
    %c0_i32 = arith.constant 0 : i32
    %c0_i32_0 = arith.constant 0 : i32
    %c0_i32_1 = arith.constant 0 : i32
    return %c0_i32, %c0_i32_0 : i32, i32
  }
  func.func @transform_2(%arg0: i32, %arg1: i32) -> (i32, i32) {
    %c0_i32 = arith.constant 0 : i32
    %c0_i32_0 = arith.constant 0 : i32
    %c0_i32_1 = arith.constant 0 : i32
    return %c0_i32, %c0_i32_0 : i32, i32
  }
  func.func @transform_3(%arg0: i32, %arg1: i32) -> (i32, i32) {
    %c0_i32 = arith.constant 0 : i32
    %c0_i32_0 = arith.constant 0 : i32
    %c0_i32_1 = arith.constant 0 : i32
    return %c0_i32, %c0_i32_0 : i32, i32
  }
  func.func @transform_4(%arg0: i32, %arg1: i32) -> (i32, i32) {
    %c0_i32 = arith.constant 0 : i32
    %c0_i32_0 = arith.constant 0 : i32
    %c0_i32_1 = arith.constant 0 : i32
    return %c0_i32, %c0_i32_0 : i32, i32
  }
  func.func @transform_5(%arg0: i32, %arg1: i32) -> (i32, i32, i32) {
    %c0_i32 = arith.constant 0 : i32
    %c0_i32_0 = arith.constant 0 : i32
    %c0_i32_1 = arith.constant 0 : i32
    return %arg0, %c0_i32, %c0_i32_0 : i32, i32, i32
  }
}

</mosaic_0001>

<sc_bundles>
// kernel: kernel.27.cloned.1.call-start
scs
__scs_entry_jumppad:
0x0: {  	(pc) =	sbr.rel $0x88, $3  }
0x1: {  	(tag) =	ssettag $0x0;
	lr =	simm.s32 $0x1  }
0x2: {  	[smem:$0x3F90] =	sst lr;
	_ =	strace $0xD0000000  }
0x3: {  	_ = 	snop  }
0x4: {  	_ = 	snop  }
0x5: {  	_ = 	snop  }
0x6: {  	_ = 	snop  }
0x7: {  	_ = 	snop  }
__scs_overlays_trampoline_lowered:
0x8: {  	[smem:$0x3F9F] =	sst s0  }
0x9: {  	[smem:$0x3FA0] =	sst s1  }
0xa: {  	[smem:$0x3FA1] =	sst s2  }
0xb: {  	[smem:$0x3FA2] =	sst s3  }
0xc: {  	[smem:$0x3FA3] =	sst s4  }
0xd: {  	[smem:$0x3FA4] =	sst s5  }
0xe: {  	[smem:$0x3FA5] =	sst s6  }
0xf: {  	[smem:$0x3FA6] =	sst s7  }
0x10: {  	[smem:$0x3FA7] =	sst s8  }
0x11: {  	[smem:$0x3FA8] =	sst s9;
	s0 =	simm.s32 @!p0 $0x0  }
0x12: {  	s1 =	sld [smem:$0x3F8E];
	s0 =	simm.s32 @p0 $0x1  }
0x13: {  	[smem:$0x3FA9] =	sst s0;
	s0 =	simm.s32 @!p1 $0x0  }
0x14: {  	s2 =	sld [smem:$0x3F8D];
	s0 =	simm.s32 @p1 $0x1  }
0x15: {  	[smem:$0x3FAA] =	sst s0;
	s0 =	simm.s32 @!p2 $0x0  }
0x16: {  	s3 =	sld [smem:$0x3FDB];
	s0 =	simm.s32 @p2 $0x1  }
0x17: {  	s4 =	simm.s32 $0x1BF5;
	[smem:$0x3FAC] =	sst s0  }
0x18: {  	s0 =	sld [smem:$0x3F8F];
	_ =	swait.ge [sflag:s4], $0x0  }
0x19: {  	s7 =	sld [smem:$0x3F90]  }
0x1a: {  	s8 =	sadd.s32 $0xFFFFE003, lr  }
0x1b: {  	s9 =	sadd.s32 $0xFFFFFEF7, lr;
	s5 =	simm.s32 $0xFFFFFFFF;
	p2 =	slt.u32 s8, $0xFFFFF086  }
0x1c: {  	p1 =	slt.u32 s9, $0xF7A;
	s5 =	simm.s32 @!p2 $0x0  }
0x1d: {  	s5 =	simm.s32 @p1 $0x1;
	p0 =	seq.s32 s7, s2  }
0x1e: {  	s7 =	smul.u32 @!p0 $0xF7A, s2;
	p2 =	seq.s32 @!p0 s5, $0x0  }
0x1f: {  	s9 =	smul.u32 $0xF7A, s1;
	s8 =	simm.s32 @!p0 $0x1BF5;
	p2 =	por !p2, p0  }
0x20: {  	[sflag:s8] =	ssyncset.s32 @!p0 $0xFFFFF086;
	s6 =	sadd.s32 @!p0 s3, s7;
	s7 =	simm.s32 @!p0 $0x108  }
0x21: {  	s3 =	sadd.s32 s3, s9;
	s6 =	sadd.s32 @!p0 $0x88, s6;
	s7 =	simm.s32 @p2 $0x1082  }
0x22: {  	[simem:s7], [sflag:s8] =	dma.local @!p0 [hbm:s6], $0xF7A  }
0x23: {  	s9 =	sor.u32 $0xD0000000, s2;
	s6 =	simm.s32 $0x108;
	_ =	swait.ge @!p0 [sflag:s8], $0x0  }
0x24: {  	s3 =	sadd.s32 $0x88, s3;
	s6 =	simm.s32 @!p1 $0x1082;
	[sflag:s4] =	ssyncset.s32 $0xFFFFF086  }
0x25: {  	[simem:s6], [sflag:s4] =	dma.local [hbm:s3], $0xF7A  }
0x26: {  	[smem:$0x3F90] =	sst s1;
	(tag) =	ssettag s2;
	_ =	strace s9  }
0x27: {  	s1 =	sld [smem:$0x3FA0]  }
0x28: {  	s2 =	sld [smem:$0x3FA1]  }
0x29: {  	s4 =	sld [smem:$0x3FA3]  }
0x2a: {  	p0 =	seq.s32 s5, $0x0;
	s5 =	sld [smem:$0x3FA4]  }
0x2b: {  	s6 =	sld [smem:$0x3FA5]  }
0x2c: {  	s7 =	sld [smem:$0x3FA6]  }
0x2d: {  	s3 =	simm.s32 $0x108;
	s8 =	sld [smem:$0x3FA7]  }
0x2e: {  	s3 =	simm.s32 @!p0 $0x1082;
	s9 =	sld [smem:$0x3FA8]  }
0x2f: {  	lr =	sadd.s32 s0, s3;
	s0 =	sld [smem:$0x3F9F]  }
0x30: {  	s3 =	sld [smem:$0x3FA2]  }
0x31: {  	[smem:$0x3FAB] =	sst s10  }
0x32: {  	s10 =	sld [smem:$0x3FA9];
	_ =	sdelay $0x3  }
0x33: {  	p0 =	seq.s32 s10, $0x1;
	s10 =	sld [smem:$0x3FAB];
	_ =	sdelay $0x3  }
0x34: {  	[smem:$0x3FAB] =	sst s10  }
0x35: {  	s10 =	sld [smem:$0x3FAA];
	_ =	sdelay $0x3  }
0x36: {  	p1 =	seq.s32 s10, $0x1;
	s10 =	sld [smem:$0x3FAB];
	_ =	sdelay $0x3  }
0x37: {  	[smem:$0x3FAB] =	sst s10  }
0x38: {  	s10 =	sld [smem:$0x3FAC]  }
0x39: {  	_ = 	snop;
	(pc) =	sbr.ind lr, $3  }
0x3a: {  	_ = 	snop  }
0x3b: {  	_ = 	snop  }
0x3c: {  	p2 =	seq.s32 s10, $0x1;
	s10 =	sld [smem:$0x3FAB]  }
0x3d: {  	_ =	shalt  }
0x3e: {  	_ =	shalt  }
0x3f: {  	_ =	shalt  }
0x40: {  	_ =	shalt  }
0x41: {  	_ =	shalt  }
0x42: {  	_ =	shalt  }
0x43: {  	_ =	shalt  }
0x44: {  	_ =	shalt  }
0x45: {  	_ =	shalt  }
0x46: {  	_ =	shalt  }
0x47: {  	_ =	shalt  }
0x48: {  	_ =	shalt  }
0x49: {  	_ =	shalt  }
0x4a: {  	_ =	shalt  }
0x4b: {  	_ =	shalt  }
0x4c: {  	_ =	shalt  }
0x4d: {  	_ =	shalt  }
0x4e: {  	_ =	shalt  }
0x4f: {  	_ =	shalt  }
0x50: {  	_ =	shalt  }
0x51: {  	_ =	shalt  }
0x52: {  	_ =	shalt  }
0x53: {  	_ =	shalt  }
0x54: {  	_ =	shalt  }
0x55: {  	_ =	shalt  }
0x56: {  	_ =	shalt  }
0x57: {  	_ =	shalt  }
0x58: {  	_ =	shalt  }
0x59: {  	_ =	shalt  }
0x5a: {  	_ =	shalt  }
0x5b: {  	_ =	shalt  }
0x5c: {  	_ =	shalt  }
0x5d: {  	_ =	shalt  }
0x5e: {  	_ =	shalt  }
0x5f: {  	_ =	shalt  }
0x60: {  	_ =	shalt  }
0x61: {  	_ =	shalt  }
0x62: {  	_ =	shalt  }
0x63: {  	_ =	shalt  }
0x64: {  	_ =	shalt  }
0x65: {  	_ =	shalt  }
0x66: {  	_ =	shalt  }
0x67: {  	_ =	shalt  }
0x68: {  	_ =	shalt  }
0x69: {  	_ =	shalt  }
0x6a: {  	_ =	shalt  }
0x6b: {  	_ =	shalt  }
0x6c: {  	_ =	shalt  }
0x6d: {  	_ =	shalt  }
0x6e: {  	_ =	shalt  }
0x6f: {  	_ =	shalt  }
0x70: {  	_ =	shalt  }
0x71: {  	_ =	shalt  }
0x72: {  	_ =	shalt  }
0x73: {  	_ =	shalt  }
0x74: {  	_ =	shalt  }
0x75: {  	_ =	shalt  }
0x76: {  	_ =	shalt  }
0x77: {  	_ =	shalt  }
0x78: {  	_ =	shalt  }
0x79: {  	_ =	shalt  }
0x7a: {  	_ =	shalt  }
0x7b: {  	_ =	shalt  }
0x7c: {  	_ =	shalt  }
0x7d: {  	_ =	shalt  }
0x7e: {  	_ =	shalt  }
0x7f: {  	_ =	shalt  }
0x80: {  	_ =	shalt  }
0x81: {  	_ =	shalt  }
0x82: {  	_ =	shalt  }
0x83: {  	_ =	shalt  }
0x84: {  	_ =	shalt  }
0x85: {  	_ =	shalt  }
0x86: {  	_ =	shalt  }
0x87: {  	_ =	shalt  }
.Lfunc_end0:
.L_simem_size_0:
called_computation_lowered:
.L_overlay_start_0:
0x88: {  	s2 =	sld [smem:$0x3FD9]  }
0x89: {  	s3 =	sld [smem:$0x3FFE];
	_ =	sdelay $0x1  }
0x8a: {  	s1 =	srdreg.scid  }
0x8b: {  	s0 =	sand.u32 $0x1, s1  }
0x8c: {  	s16 =	sshll.u32 s0, $0xA;
	s2 =	sadd.s32 s3, s2  }
0x8d: {  	s2 =	sadd.s32 s2, s16  }
0x8e: {  	[smem:$0x3FB7] =	sst s2  }
0x8f: {  	_ = 	snop  }
0x90: {  	(tm) =	ssettm $0x1  }
0x91: {  	s17 =	sld [smem:$0x3FFB];
	_ =	sdelay $0x3  }
0x92: {  	_ =	strace s17  }
0x93: {  	s2 =	sld [smem:$0x3FFC];
	_ =	sdelay $0x3  }
0x94: {  	_ =	strace s2  }
0x95: {  	s2 =	sld [smem:$0x3FFD];
	_ =	sdelay $0x3  }
0x96: {  	_ =	strace s2  }
0x97: {  	_ =	strace $0x8FFFFFFF  }
0x98: {  	s18 =	sld [smem:$0x3FDB];
	_ =	sdelay $0x1  }
0x99: {  	s19 =	simm.s32 $_scs_section_size  }
0x9a: {  	s4 =	simm.s32 $_size__tile_overlayer_lowered;
	s5 =	simm.s32 $_tile_overlayer_lowered  }
0x9b: {  	s22 =	simm.s32 $0x1BFF;
	s21 =	sshll.u32 s5, $0x1;
	s2 =	sadd.s32 s19, s18  }
0x9c: {  	s6 =	simm.s32 $0x0;
	s20 =	sshll.u32 s4, $0x1;
	s4 =	sadd.s32 s21, s2  }
0x9d: {  	[timem:s6], [sflag:s22] =	dma.local [hbm:s4], s20  }
0x9e: {  	_ =	swait.ge [sflag:s22], s20  }
0x9f: {  	s3 =	ssub.s32 $0x0, s20;
	[sflag:s22] =	ssyncset.done $0x0  }
0xa0: {  	[sflag:s22] =	ssyncadd.s32 s3;
	_ =	sdelay $0x1  }
0xa1: {  	s23 =	simm.s32 $0x1B8B  }
0xa2: {  	_ =	swait.ge [sflag:s23], $0x1  }
0xa3: {  	[sflag:s23] =	ssyncset.done $0x0  }
0xa4: {  	s25 =	simm.s32 $0x1B8E;
	s24 =	sld [smem:$0x3FFE];
	[sflag:s23] =	ssyncadd.s32 $0xFFFFFFFF  }
0xa5: {  	s26 =	simm.s32 $execute0_lowered;
	[smem:$0x3FD2] =	sst s25  }
0xa6: {  	s4 =	sshll.u32 s26, $0x1;
	_ =	strace $0x80000046;
	[dreg:$0x1] =	wrdreg $0xFFFFFFFF  }
0xa7: {  	s28 =	simm.s32 $_size_execute0_lowered;
	s2 =	sadd.s32 s2, s4;
	[dreg:$0x0] =	wrdreg $0x0  }
0xa8: {  	s4 =	sshll.u32 s28, $0x1;
	[dreg:$0x2] =	wrdreg s2  }
0xa9: {  	[dreg:$0x3] =	wrdreg s4  }
0xaa: {  	[dreg:$0x4] =	wrdreg $0xC0  }
0xab: {  	_ =	task [dreg:s6], $0x5FFFF  }
0xac: {  	[dreg:$0x1] =	wrdreg $0xFFFFFFFF  }
0xad: {  	[dreg:$0x0] =	wrdreg $0x60  }
0xae: {  	[dreg:$0x2] =	wrdreg s24  }
0xaf: {  	[dreg:$0x3] =	wrdreg $0x9  }
0xb0: {  	_ =	task.clear_ibuf [dreg:s6], $0x4FFFF;
	_ =	strace $0x90000046  }
0xb1: {  	s29 =	simm.s32 $0x9;
	_ =	strace $0x80000048  }
0xb2: {  	_ =	swait.ge [sflag:s29], $0x1  }
0xb3: {  	[sflag:s29] =	ssyncadd.s32 $0xFFFFFFFF  }
0xb4: {  	_ =	strace $0x90000048  }
0xb5: {  	_ =	sfence  }
0xb6: {  	s30 =	sld [smem:$0x0];
	_ =	sdelay $0x2  }
0xb7: {  	s31 =	sshll.u32 s1, $0xD;
	s1 =	sshrl.u32 s1, $0x2  }
0xb8: {  	s3 =	sand.u32 $0x4000, s31;
	s1 =	sadd.s32 s1, s30  }
0xb9: {  	s0 =	sor.u32 s3, s0;
	s1 =	sshll.u32 s1, $0x11  }
0xba: {  	s0 =	sor.u32 s1, s0  }
0xbb: {  	s0 =	sadd.s32 $0x8F2B, s0  }
0xbc: {  	[sflag:s0] =	ssyncadd.remote.s32 $0x1  }
0xbd: {  	_ =	sfence.sel $0xFFFF  }
0xbe: {  	[dreg:$0x0] =	wrdreg $0xFFFFFFFF;
	(pc) =	sbr.abs _section_cstart, $3  }
0xbf: {  	[dreg:$0x1] =	wrdreg $0xFFFFFFFF  }
0xc0: {  	_ =	task.clear_ibuf [dreg:s6], $0x2FFFF;
	_ =	strace $0x9FFFFFFF  }
0xc1: {  	(tm) =	ssettm $0x7FFFFFFF  }
tec
execute0_lowered:
.L_overlay_start_1:
0x0: {  	(tag) =	ssettag $0x1  }
0x1: {  	s1 =	srdreg.scid  }
0x2: {  	s0 =	stileid.u32;
	s4 =	rddreg [dreg:$0x0];
	s2 =	simm.s32 $0x0  }
0x3: {  	s14 =	simm.s32 $0x1;
	s15 =	simm.s32 $0x2;
	s12 =	smul.u32 $0x14000, s0  }
0x4: {  	s16 =	simm.s32 $0x0;
	s7 =	sand.u32 $0x1, s1;
	s24 =	smul.u32 $0xA0000, s0  }
0x5: {  	s3 =	sshll.u32 s0, $0x1;
	s1 =	rddreg [dreg:$0x1];
	s26 =	smul.u32 $0x50000, s7  }
0x6: {  	[smem:$0x7FF] =	sst s2;
	s5 =	sor.u32 s7, s3;
	s13 =	smul.u32 $0xA000, s7  }
0x7: {  	s11 =	sadd.s32 $0x17200, s4;
	_ =	strace $0x80000047;
	s6 =	smul.u32 $0x140, s5  }
0x8: {  	s3 =	sadd.s32 $0x7200, s4;
	s9 =	ssub.s32 $0x2, s7;
	s8 =	smul.u32 $0x50000, s5  }
0x9: {  	s10 =	smul.u32 $0xA000, s5;
	s22 =	sshrl.u32 s9, $0x1;
	s29 =	sadd.s32 s12, s11  }
0xa: {  	s12 =	simm.s32 $0xA00;
	s23 =	ssub.s32 s9, s22;
	s30 =	sadd.s32 s13, s29  }
0xb: {  	s13 =	simm.s32 $0x4A00;
	s6 =	sadd.s32 s6, s4;
	s8 =	sshrl.u32 s8, $0x3  }
0xc: {  	s5 =	smax.u32 s23, $0x1;
	s28 =	sadd.s32 s10, s11;
	s10 =	simm.s32 $0x3  }
0xd: {  	s4 =	sadd.s32 $0x4A00, s6;
	s25 =	sadd.s32 s11, s8;
	s8 =	sadd.s32 s26, s24  }
0xe: {  	s7 =	sadd.s32 $0x9800, s28;
	s6 =	sadd.s32 $0x9000, s25;
	s31 =	sshrl.u32 s8, $0x3  }
0xf: {  	s8 =	sadd.s32 $0x800, s30;
	s9 =	sadd.s32 s31, s11;
	s11 =	simm.s32 $0x80  }
.LBB2_1:
0x10: {  	[tilespmem:s2], [sflag:$0x3] =	stream.linear.gather [hbm4b:s4+s2], $0xA00, $0x38;
	[tilespmem:$0x8A00] =	vst v63  }
0x11: {  	_ =	swait.ge [sflag:s10], $0xA00  }
0x12: {  	[sflag:s10] =	ssyncset.done $0x0  }
0x13: {  	[sflag:s10] =	ssyncadd.s32 $0xFFFFF600  }
0x14: {  	[tilespmem:s12], [sflag:$0x1] =	stream.indirect.gather [hbm4b:s3+s11], $0x80, s2, s11, $0xb8;
	[tilespmem:$0x8A00] =	vst v63  }
0x15: {  	_ = 	snop  }
0x16: {  	[tilespmem:s13], [sflag:$0x2] =	stream.indirect.gather [hbm4b:s3+s11], $0x80, s11, s11, $0xb8;
	[tilespmem:$0x8A00] =	vst v63  }
0x17: {  	_ =	swait.ge [sflag:s14], $0x4000  }
0x18: {  	[sflag:s14] =	ssyncset.done $0x0  }
0x19: {  	s17 =	sadd.s32 $0x0, s9;
	[sflag:s14] =	ssyncadd.s32 $0xFFFFC000  }
0x1a: {  	[hbm4b:s17+s2] =	stream.linear.scatter [tilespmem:s12], [sflag:$0x3], $0x4000, $0x38;
	[tilespmem:$0x8A00] =	vst v63  }
0x1b: {  	_ =	swait.ge [sflag:s10], $0x4000  }
0x1c: {  	[sflag:s10] =	ssyncset.done $0x0  }
0x1d: {  	s30 =	simm.s32 $0x100;
	[sflag:s10] =	ssyncadd.s32 $0xFFFFC000  }
0x1e: {  	[tilespmem:s12], [sflag:$0x1] =	stream.indirect.gather [hbm4b:s3+s11], $0x80, s30, s11, $0xb8;
	[tilespmem:$0x8A00] =	vst v63  }
0x1f: {  	_ =	swait.ge [sflag:s15], $0x4000  }
0x20: {  	[sflag:s15] =	ssyncset.done $0x0  }
0x21: {  	s31 =	sadd.s32 $0x0, s8;
	[sflag:s15] =	ssyncadd.s32 $0xFFFFC000  }
0x22: {  	[hbm4b:s31+s2] =	stream.linear.scatter [tilespmem:s13], [sflag:$0x3], $0x4000, $0x38;
	[tilespmem:$0x8A00] =	vst v63  }
0x23: {  	_ =	swait.ge [sflag:s10], $0x4000  }
0x24: {  	s18 =	simm.s32 $0x1000;
	[sflag:s10] =	ssyncset.done $0x0  }
0x25: {  	s19 =	simm.s32 $0x280;
	s17 =	simm.s32 $0x180;
	[sflag:s10] =	ssyncadd.s32 $0xFFFFC000  }
.LBB2_2:
0x26: {  	[tilespmem:s13], [sflag:$0x2] =	stream.indirect.gather [hbm4b:s3+s11], $0x80, s17, s11, $0xb8;
	[tilespmem:$0x8A00] =	vst v63  }
0x27: {  	s20 =	smov.u32 s18;
	s17 =	smov.u32 s19  }
0x28: {  	p0 =	sne.s32 s18, $0x8000;
	s18 =	sadd.s32 $0x1000, s18;
	_ =	swait.ge [sflag:s14], $0x4000  }
0x29: {  	[sflag:s14] =	ssyncset.done $0x0  }
0x2a: {  	s21 =	sadd.s32 s20, s9;
	[sflag:s14] =	ssyncadd.s32 $0xFFFFC000  }
0x2b: {  	[hbm4b:s21+s2] =	stream.linear.scatter [tilespmem:s12], [sflag:$0x3], $0x4000, $0x38;
	[tilespmem:$0x8A00] =	vst v63  }
0x2c: {  	_ =	swait.ge [sflag:s10], $0x4000  }
0x2d: {  	[sflag:s10] =	ssyncset.done $0x0  }
0x2e: {  	s21 =	sadd.s32 $0xFFFFFF80, s19;
	[sflag:s10] =	ssyncadd.s32 $0xFFFFC000  }
0x2f: {  	[tilespmem:s12], [sflag:$0x1] =	stream.indirect.gather [hbm4b:s3+s11], $0x80, s21, s11, $0xb8;
	[tilespmem:$0x8A00] =	vst v63  }
0x30: {  	_ =	swait.ge [sflag:s15], $0x4000  }
0x31: {  	[sflag:s15] =	ssyncset.done $0x0  }
.Ltmp0:
0x32: {  	s20 =	sadd.s32 s20, s8;
	[sflag:s15] =	ssyncadd.s32 $0xFFFFC000;
	(pc) =	sbr.rel @p0 .LBB2_2-.Ltmp0, $4  }
0x33: {  	[hbm4b:s20+s2] =	stream.linear.scatter [tilespmem:s13], [sflag:$0x3], $0x4000, $0x38;
	[tilespmem:$0x8A00] =	vst v63  }
0x34: {  	_ =	swait.ge [sflag:s10], $0x4000  }
0x35: {  	[sflag:s10] =	ssyncset.done $0x0  }
0x36: {  	s19 =	sadd.s32 $0x100, s19;
	[sflag:s10] =	ssyncadd.s32 $0xFFFFC000  }
0x37: {  	[tilespmem:s13], [sflag:$0x2] =	stream.indirect.gather [hbm4b:s3+s11], $0x80, s17, s11, $0xb8;
	[tilespmem:$0x8A00] =	vst v63  }
0x38: {  	_ =	swait.ge [sflag:s14], $0x4000  }
0x39: {  	[sflag:s14] =	ssyncset.done $0x0  }
0x3a: {  	[sflag:s14] =	ssyncadd.s32 $0xFFFFC000  }
0x3b: {  	[hbm4b:s6+s2] =	stream.linear.scatter [tilespmem:s12], [sflag:$0x3], $0x4000, $0x38;
	[tilespmem:$0x8A00] =	vst v63  }
0x3c: {  	_ =	swait.ge [sflag:s10], $0x4000  }
0x3d: {  	[sflag:s10] =	ssyncset.done $0x0  }
0x3e: {  	[sflag:s10] =	ssyncadd.s32 $0xFFFFC000  }
0x3f: {  	s16 =	sadd.s32 $0x1, s16;
	_ =	swait.ge [sflag:s15], $0x4000  }
0x40: {  	p0 =	sne.s32 s16, s5;
	[sflag:s15] =	ssyncset.done $0x0  }
.Ltmp1:
0x41: {  	[sflag:s15] =	ssyncadd.s32 $0xFFFFC000;
	(pc) =	sbr.rel @p0 .LBB2_1-.Ltmp1, $4  }
0x42: {  	[hbm4b:s7+s2] =	stream.linear.scatter [tilespmem:s13], [sflag:$0x3], $0x4000, $0x38;
	[tilespmem:$0x8A00] =	vst v63  }
0x43: {  	_ =	swait.ge [sflag:s10], $0x4000  }
0x44: {  	[sflag:s10] =	ssyncset.done $0x0  }
0x45: {  	[sflag:s10] =	ssyncadd.s32 $0xFFFFC000  }
0x46: {  	_ =	sfence.sel $0x180000  }
0x47: {  	[bflag:$0x0] =	sbarrier.arrive $0xFFFF  }
0x48: {  	p0 =	sne.s32 s0, $0x0;
	_ =	strace $0x90000047  }
0x49: {  	s0 =	sadd.s32 @!p0 $0x100000, s1;
	[bflag:$0x2] =	sbarrier.arrive $0xFFFF  }
0x4a: {  	[sflag:s0] =	ssyncadd.tile.s32 @!p0 $0x1;
	_ =	shalt  }
.Lfunc_end2:
_tile_overlayer_lowered:
.L_overlay_start_2:
0x4b: {  	(tag) =	ssettag $0x2  }
0x4c: {  	s0 =	rddreg [dreg:$0x0];
	s2 =	stileid.u32  }
0x4d: {  	s1 =	rddreg [dreg:$0x1];
	p0 =	sne.s32 s2, $0x0  }
0x4e: {  	s3 =	rddreg [dreg:$0x2];
	[bflag:$0x3] =	sbarrier.arrive $0xFFFF;
	s2 =	simm.s32 @!p0 $0x1C03  }
0x4f: {  	[timem:s3], [sflag:s2] =	dma.local @!p0 [hbm:s0], s1  }
0x50: {  	s0 =	simm.s32 @!p0 $0x3  }
0x51: {  	_ =	swait.ge @!p0 [sflag:s0], s1  }
0x52: {  	s1 =	ssub.s32 @!p0 $0x0, s1;
	[sflag:s0] =	ssyncset.done @!p0 $0x0  }
0x53: {  	[sflag:s0] =	ssyncadd.s32 @!p0 s1  }
0x54: {  	[bflag:$0x3] =	sbarrier.arrive $0xFFFF  }
0x55: {  	_ =	shalt  }

// kernel: kernel.30.cloned.1.call-start
scs
__scs_entry_jumppad:
0x0: {  	(pc) =	sbr.rel $0x88, $3  }
0x1: {  	(tag) =	ssettag $0x0;
	lr =	simm.s32 $0x1  }
0x2: {  	[smem:$0x3F90] =	sst lr;
	_ =	strace $0xD0000000  }
0x3: {  	_ = 	snop  }
0x4: {  	_ = 	snop  }
0x5: {  	_ = 	snop  }
0x6: {  	_ = 	snop  }
0x7: {  	_ = 	snop  }
__scs_overlays_trampoline_lowered:
0x8: {  	[smem:$0x3F9F] =	sst s0  }
0x9: {  	[smem:$0x3FA0] =	sst s1  }
0xa: {  	[smem:$0x3FA1] =	sst s2  }
0xb: {  	[smem:$0x3FA2] =	sst s3  }
0xc: {  	[smem:$0x3FA3] =	sst s4  }
0xd: {  	[smem:$0x3FA4] =	sst s5  }
0xe: {  	[smem:$0x3FA5] =	sst s6  }
0xf: {  	[smem:$0x3FA6] =	sst s7  }
0x10: {  	[smem:$0x3FA7] =	sst s8  }
0x11: {  	[smem:$0x3FA8] =	sst s9;
	s0 =	simm.s32 @!p0 $0x0  }
0x12: {  	s1 =	sld [smem:$0x3F8E];
	s0 =	simm.s32 @p0 $0x1  }
0x13: {  	[smem:$0x3FA9] =	sst s0;
	s0 =	simm.s32 @!p1 $0x0  }
0x14: {  	s2 =	sld [smem:$0x3F8D];
	s0 =	simm.s32 @p1 $0x1  }
0x15: {  	[smem:$0x3FAA] =	sst s0;
	s0 =	simm.s32 @!p2 $0x0  }
0x16: {  	s3 =	sld [smem:$0x3FDB];
	s0 =	simm.s32 @p2 $0x1  }
0x17: {  	s4 =	simm.s32 $0x1BF5;
	[smem:$0x3FAC] =	sst s0  }
0x18: {  	s0 =	sld [smem:$0x3F8F];
	_ =	swait.ge [sflag:s4], $0x0  }
0x19: {  	s7 =	sld [smem:$0x3F90]  }
0x1a: {  	s8 =	sadd.s32 $0xFFFFE003, lr  }
0x1b: {  	s9 =	sadd.s32 $0xFFFFFEF7, lr;
	s5 =	simm.s32 $0xFFFFFFFF;
	p2 =	slt.u32 s8, $0xFFFFF086  }
0x1c: {  	p1 =	slt.u32 s9, $0xF7A;
	s5 =	simm.s32 @!p2 $0x0  }
0x1d: {  	s5 =	simm.s32 @p1 $0x1;
	p0 =	seq.s32 s7, s2  }
0x1e: {  	s7 =	smul.u32 @!p0 $0xF7A, s2;
	p2 =	seq.s32 @!p0 s5, $0x0  }
0x1f: {  	s9 =	smul.u32 $0xF7A, s1;
	s8 =	simm.s32 @!p0 $0x1BF5;
	p2 =	por !p2, p0  }
0x20: {  	[sflag:s8] =	ssyncset.s32 @!p0 $0xFFFFF086;
	s6 =	sadd.s32 @!p0 s3, s7;
	s7 =	simm.s32 @!p0 $0x108  }
0x21: {  	s3 =	sadd.s32 s3, s9;
	s6 =	sadd.s32 @!p0 $0x88, s6;
	s7 =	simm.s32 @p2 $0x1082  }
0x22: {  	[simem:s7], [sflag:s8] =	dma.local @!p0 [hbm:s6], $0xF7A  }
0x23: {  	s9 =	sor.u32 $0xD0000000, s2;
	s6 =	simm.s32 $0x108;
	_ =	swait.ge @!p0 [sflag:s8], $0x0  }
0x24: {  	s3 =	sadd.s32 $0x88, s3;
	s6 =	simm.s32 @!p1 $0x1082;
	[sflag:s4] =	ssyncset.s32 $0xFFFFF086  }
0x25: {  	[simem:s6], [sflag:s4] =	dma.local [hbm:s3], $0xF7A  }
0x26: {  	[smem:$0x3F90] =	sst s1;
	(tag) =	ssettag s2;
	_ =	strace s9  }
0x27: {  	s1 =	sld [smem:$0x3FA0]  }
0x28: {  	s2 =	sld [smem:$0x3FA1]  }
0x29: {  	s4 =	sld [smem:$0x3FA3]  }
0x2a: {  	p0 =	seq.s32 s5, $0x0;
	s5 =	sld [smem:$0x3FA4]  }
0x2b: {  	s6 =	sld [smem:$0x3FA5]  }
0x2c: {  	s7 =	sld [smem:$0x3FA6]  }
0x2d: {  	s3 =	simm.s32 $0x108;
	s8 =	sld [smem:$0x3FA7]  }
0x2e: {  	s3 =	simm.s32 @!p0 $0x1082;
	s9 =	sld [smem:$0x3FA8]  }
0x2f: {  	lr =	sadd.s32 s0, s3;
	s0 =	sld [smem:$0x3F9F]  }
0x30: {  	s3 =	sld [smem:$0x3FA2]  }
0x31: {  	[smem:$0x3FAB] =	sst s10  }
0x32: {  	s10 =	sld [smem:$0x3FA9];
	_ =	sdelay $0x3  }
0x33: {  	p0 =	seq.s32 s10, $0x1;
	s10 =	sld [smem:$0x3FAB];
	_ =	sdelay $0x3  }
0x34: {  	[smem:$0x3FAB] =	sst s10  }
0x35: {  	s10 =	sld [smem:$0x3FAA];
	_ =	sdelay $0x3  }
0x36: {  	p1 =	seq.s32 s10, $0x1;
	s10 =	sld [smem:$0x3FAB];
	_ =	sdelay $0x3  }
0x37: {  	[smem:$0x3FAB] =	sst s10  }
0x38: {  	s10 =	sld [smem:$0x3FAC]  }
0x39: {  	_ = 	snop;
	(pc) =	sbr.ind lr, $3  }
0x3a: {  	_ = 	snop  }
0x3b: {  	_ = 	snop  }
0x3c: {  	p2 =	seq.s32 s10, $0x1;
	s10 =	sld [smem:$0x3FAB]  }
0x3d: {  	_ =	shalt  }
0x3e: {  	_ =	shalt  }
0x3f: {  	_ =	shalt  }
0x40: {  	_ =	shalt  }
0x41: {  	_ =	shalt  }
0x42: {  	_ =	shalt  }
0x43: {  	_ =	shalt  }
0x44: {  	_ =	shalt  }
0x45: {  	_ =	shalt  }
0x46: {  	_ =	shalt  }
0x47: {  	_ =	shalt  }
0x48: {  	_ =	shalt  }
0x49: {  	_ =	shalt  }
0x4a: {  	_ =	shalt  }
0x4b: {  	_ =	shalt  }
0x4c: {  	_ =	shalt  }
0x4d: {  	_ =	shalt  }
0x4e: {  	_ =	shalt  }
0x4f: {  	_ =	shalt  }
0x50: {  	_ =	shalt  }
0x51: {  	_ =	shalt  }
0x52: {  	_ =	shalt  }
0x53: {  	_ =	shalt  }
0x54: {  	_ =	shalt  }
0x55: {  	_ =	shalt  }
0x56: {  	_ =	shalt  }
0x57: {  	_ =	shalt  }
0x58: {  	_ =	shalt  }
0x59: {  	_ =	shalt  }
0x5a: {  	_ =	shalt  }
0x5b: {  	_ =	shalt  }
0x5c: {  	_ =	shalt  }
0x5d: {  	_ =	shalt  }
0x5e: {  	_ =	shalt  }
0x5f: {  	_ =	shalt  }
0x60: {  	_ =	shalt  }
0x61: {  	_ =	shalt  }
0x62: {  	_ =	shalt  }
0x63: {  	_ =	shalt  }
0x64: {  	_ =	shalt  }
0x65: {  	_ =	shalt  }
0x66: {  	_ =	shalt  }
0x67: {  	_ =	shalt  }
0x68: {  	_ =	shalt  }
0x69: {  	_ =	shalt  }
0x6a: {  	_ =	shalt  }
0x6b: {  	_ =	shalt  }
0x6c: {  	_ =	shalt  }
0x6d: {  	_ =	shalt  }
0x6e: {  	_ =	shalt  }
0x6f: {  	_ =	shalt  }
0x70: {  	_ =	shalt  }
0x71: {  	_ =	shalt  }
0x72: {  	_ =	shalt  }
0x73: {  	_ =	shalt  }
0x74: {  	_ =	shalt  }
0x75: {  	_ =	shalt  }
0x76: {  	_ =	shalt  }
0x77: {  	_ =	shalt  }
0x78: {  	_ =	shalt  }
0x79: {  	_ =	shalt  }
0x7a: {  	_ =	shalt  }
0x7b: {  	_ =	shalt  }
0x7c: {  	_ =	shalt  }
0x7d: {  	_ =	shalt  }
0x7e: {  	_ =	shalt  }
0x7f: {  	_ =	shalt  }
0x80: {  	_ =	shalt  }
0x81: {  	_ =	shalt  }
0x82: {  	_ =	shalt  }
0x83: {  	_ =	shalt  }
0x84: {  	_ =	shalt  }
0x85: {  	_ =	shalt  }
0x86: {  	_ =	shalt  }
0x87: {  	_ =	shalt  }
.Lfunc_end0:
.L_simem_size_0:
called_computation.1_lowered:
.L_overlay_start_0:
0x88: {  	s2 =	sld [smem:$0x3FD9]  }
0x89: {  	s3 =	sld [smem:$0x3FFE];
	_ =	sdelay $0x1  }
0x8a: {  	s1 =	srdreg.scid  }
0x8b: {  	s0 =	sand.u32 $0x1, s1  }
0x8c: {  	s17 =	sshll.u32 s0, $0xA;
	s2 =	sadd.s32 s3, s2  }
0x8d: {  	s2 =	sadd.s32 s2, s17  }
0x8e: {  	[smem:$0x3FB7] =	sst s2  }
0x8f: {  	_ = 	snop  }
0x90: {  	(tm) =	ssettm $0x1  }
0x91: {  	s18 =	sld [smem:$0x3FFB];
	_ =	sdelay $0x3  }
0x92: {  	_ =	strace s18  }
0x93: {  	s2 =	sld [smem:$0x3FFC];
	_ =	sdelay $0x3  }
0x94: {  	_ =	strace s2  }
0x95: {  	s2 =	sld [smem:$0x3FFD];
	_ =	sdelay $0x3  }
0x96: {  	_ =	strace s2  }
0x97: {  	_ =	strace $0x8FFFFFFF  }
0x98: {  	s19 =	sld [smem:$0x3FDB];
	_ =	sdelay $0x1  }
0x99: {  	s20 =	simm.s32 $_scs_section_size  }
0x9a: {  	s4 =	simm.s32 $_size__tile_overlayer_lowered;
	s5 =	simm.s32 $_tile_overlayer_lowered  }
0x9b: {  	s6 =	simm.s32 $0x1BFF;
	s21 =	sshll.u32 s5, $0x1;
	s3 =	sadd.s32 s20, s19  }
0x9c: {  	s22 =	simm.s32 $0x0;
	s4 =	sshll.u32 s4, $0x1;
	s5 =	sadd.s32 s21, s3  }
0x9d: {  	[timem:s22], [sflag:s6] =	dma.local [hbm:s5], s4  }
0x9e: {  	_ =	swait.ge [sflag:s6], s4  }
0x9f: {  	s4 =	ssub.s32 $0x0, s4;
	[sflag:s6] =	ssyncset.done $0x0  }
0xa0: {  	[sflag:s6] =	ssyncadd.s32 s4;
	_ =	sdelay $0x1  }
0xa1: {  	s23 =	simm.s32 $0x1B8B  }
0xa2: {  	_ =	swait.ge [sflag:s23], $0x1  }
0xa3: {  	[sflag:s23] =	ssyncset.done $0x0  }
0xa4: {  	[sflag:s23] =	ssyncadd.s32 $0xFFFFFFFF  }
0xa5: {  	s4 =	sld [smem:$0x0]  }
0xa6: {  	s5 =	sand.u32 $0xFFFFFFFE, s1  }
0xa7: {  	p0 =	sne.s32 s1, s5  }
0xa8: {  	s5 =	sshll.u32 @p0 s5, $0xE  }
0xa9: {  	s5 =	sadd.s32 @p0 $0x11B8D, s5;
	s6 =	sshll.u32 @p0 s4, $0x11  }
0xaa: {  	s5 =	sor.u32 @p0 s6, s5  }
0xab: {  	[sflag:s5] =	ssyncadd.remote.s32 @p0 $0x1;
	_ =	sdelay $0x1  }
0xac: {  	s5 =	simm.s32 @p0 $0x1B8D  }
0xad: {  	_ =	swait.eq @p0 [sflag:s5], $0x1  }
0xae: {  	[sflag:s5] =	ssyncadd.s32 @p0 $0xFFFFFFFF  }
0xaf: {  	s6 =	sshll.u32 @!p0 s1, $0xE  }
0xb0: {  	s6 =	sor.u32 @!p0 $0x4000, s6;
	s5 =	simm.s32 @!p0 $0x1B8D  }
0xb1: {  	s4 =	sshll.u32 @!p0 s4, $0x11;
	s6 =	sadd.s32 @!p0 $0x11B8D, s6;
	_ =	swait.eq @!p0 [sflag:s5], $0x1  }
0xb2: {  	s4 =	sor.u32 @!p0 s4, s6;
	[sflag:s5] =	ssyncadd.s32 @!p0 $0xFFFFFFFF  }
0xb3: {  	s25 =	simm.s32 $0x1B8E;
	s24 =	sld [smem:$0x3FFE];
	[sflag:s4] =	ssyncadd.remote.s32 @!p0 $0x1  }
0xb4: {  	s26 =	simm.s32 $execute0_lowered;
	[smem:$0x3FD2] =	sst s25  }
0xb5: {  	s5 =	sshll.u32 s26, $0x1;
	_ =	strace $0x8000004C;
	[dreg:$0x1] =	wrdreg $0xFFFFFFFF  }
0xb6: {  	s28 =	simm.s32 $_size_execute0_lowered;
	s3 =	sadd.s32 s3, s5;
	[dreg:$0x0] =	wrdreg $0x0  }
0xb7: {  	s5 =	sshll.u32 s28, $0x1;
	[dreg:$0x2] =	wrdreg s3  }
0xb8: {  	[dreg:$0x3] =	wrdreg s5  }
0xb9: {  	[dreg:$0x4] =	wrdreg $0xC0  }
0xba: {  	_ =	task [dreg:s22], $0x5FFFF  }
0xbb: {  	[dreg:$0x1] =	wrdreg $0xFFFFFFFF  }
0xbc: {  	[dreg:$0x0] =	wrdreg $0x60  }
0xbd: {  	[dreg:$0x2] =	wrdreg s24  }
0xbe: {  	[dreg:$0x3] =	wrdreg $0x9  }
0xbf: {  	_ =	task.clear_ibuf [dreg:s22], $0x4FFFF;
	_ =	strace $0x9000004C  }
0xc0: {  	s29 =	simm.s32 $0x9;
	_ =	strace $0x8000004E  }
0xc1: {  	_ =	swait.ge [sflag:s29], $0x1  }
0xc2: {  	[sflag:s29] =	ssyncadd.s32 $0xFFFFFFFF  }
0xc3: {  	_ =	strace $0x9000004E  }
0xc4: {  	_ =	sfence  }
0xc5: {  	s30 =	sld [smem:$0x0];
	_ =	sdelay $0x2  }
0xc6: {  	s31 =	sshll.u32 s1, $0xD;
	s1 =	sshrl.u32 s1, $0x2  }
0xc7: {  	s4 =	sand.u32 $0x4000, s31;
	s1 =	sadd.s32 s1, s30  }
0xc8: {  	s0 =	sor.u32 s4, s0;
	s1 =	sshll.u32 s1, $0x11  }
0xc9: {  	s0 =	sor.u32 s1, s0  }
0xca: {  	s0 =	sadd.s32 $0x8F2B, s0  }
0xcb: {  	[sflag:s0] =	ssyncadd.remote.s32 $0x1  }
0xcc: {  	_ =	sfence.sel $0xFFFF  }
0xcd: {  	[dreg:$0x0] =	wrdreg $0xFFFFFFFF;
	(pc) =	sbr.abs _section_cstart, $3  }
0xce: {  	[dreg:$0x1] =	wrdreg $0xFFFFFFFF  }
0xcf: {  	_ =	task.clear_ibuf [dreg:s22], $0x2FFFF;
	_ =	strace $0x9FFFFFFF  }
0xd0: {  	(tm) =	ssettm $0x7FFFFFFF  }
0xd1: {  	_ =	shalt  }
tec
execute0_lowered:
.L_overlay_start_1:
0x0: {  	(tag) =	ssettag $0x1  }
0x1: {  	s1 =	srdreg.scid  }
0x2: {  	s0 =	stileid.u32;
	s4 =	rddreg [dreg:$0x0];
	s2 =	simm.s32 $0x0  }
0x3: {  	s14 =	simm.s32 $0x1;
	s15 =	simm.s32 $0x2;
	s12 =	smul.u32 $0x14000, s0  }
0x4: {  	s16 =	simm.s32 $0x0;
	s7 =	sand.u32 $0x1, s1;
	s24 =	smul.u32 $0xA0000, s0  }
0x5: {  	s3 =	sshll.u32 s0, $0x1;
	[smem:$0x7FF] =	sst s2;
	s26 =	smul.u32 $0x50000, s7  }
0x6: {  	s11 =	sadd.s32 $0x2A9A00, s4;
	s5 =	sor.u32 s7, s3;
	s13 =	smul.u32 $0xA000, s7  }
0x7: {  	s1 =	rddreg [dreg:$0x1];
	_ =	strace $0x8000004D;
	s6 =	smul.u32 $0x140, s5  }
0x8: {  	s3 =	sadd.s32 $0x14A00, s4;
	s9 =	ssub.s32 $0x2, s7;
	s8 =	smul.u32 $0x50000, s5  }
0x9: {  	s10 =	smul.u32 $0xA000, s5;
	s22 =	sshrl.u32 s9, $0x1;
	s29 =	sadd.s32 s12, s11  }
0xa: {  	s12 =	simm.s32 $0xA00;
	s23 =	ssub.s32 s9, s22;
	s30 =	sadd.s32 s13, s29  }
0xb: {  	s13 =	simm.s32 $0x4A00;
	s6 =	sadd.s32 s6, s4;
	s8 =	sshrl.u32 s8, $0x3  }
0xc: {  	s5 =	smax.u32 s23, $0x1;
	s28 =	sadd.s32 s10, s11;
	s10 =	simm.s32 $0x3  }
0xd: {  	s4 =	sadd.s32 $0x24A00, s6;
	s25 =	sadd.s32 s11, s8;
	s8 =	sadd.s32 s26, s24  }
0xe: {  	s7 =	sadd.s32 $0x9800, s28;
	s6 =	sadd.s32 $0x9000, s25;
	s31 =	sshrl.u32 s8, $0x3  }
0xf: {  	s8 =	sadd.s32 $0x800, s30;
	s9 =	sadd.s32 s31, s11;
	s11 =	simm.s32 $0x80  }
.LBB2_1:
0x10: {  	[tilespmem:s2], [sflag:$0x3] =	stream.linear.gather [hbm4b:s4+s2], $0xA00, $0x38;
	[tilespmem:$0x8A00] =	vst v63  }
0x11: {  	_ =	swait.ge [sflag:s10], $0xA00  }
0x12: {  	[sflag:s10] =	ssyncset.done $0x0  }
0x13: {  	[sflag:s10] =	ssyncadd.s32 $0xFFFFF600  }
0x14: {  	[tilespmem:s12], [sflag:$0x1] =	stream.indirect.gather [hbm4b:s3+s11], $0x80, s2, s11, $0xb8;
	[tilespmem:$0x8A00] =	vst v63  }
0x15: {  	_ = 	snop  }
0x16: {  	[tilespmem:s13], [sflag:$0x2] =	stream.indirect.gather [hbm4b:s3+s11], $0x80, s11, s11, $0xb8;
	[tilespmem:$0x8A00] =	vst v63  }
0x17: {  	_ =	swait.ge [sflag:s14], $0x4000  }
0x18: {  	[sflag:s14] =	ssyncset.done $0x0  }
0x19: {  	s17 =	sadd.s32 $0x0, s9;
	[sflag:s14] =	ssyncadd.s32 $0xFFFFC000  }
0x1a: {  	[hbm4b:s17+s2] =	stream.linear.scatter [tilespmem:s12], [sflag:$0x3], $0x4000, $0x38;
	[tilespmem:$0x8A00] =	vst v63  }
0x1b: {  	_ =	swait.ge [sflag:s10], $0x4000  }
0x1c: {  	[sflag:s10] =	ssyncset.done $0x0  }
0x1d: {  	s30 =	simm.s32 $0x100;
	[sflag:s10] =	ssyncadd.s32 $0xFFFFC000  }
0x1e: {  	[tilespmem:s12], [sflag:$0x1] =	stream.indirect.gather [hbm4b:s3+s11], $0x80, s30, s11, $0xb8;
	[tilespmem:$0x8A00] =	vst v63  }
0x1f: {  	_ =	swait.ge [sflag:s15], $0x4000  }
0x20: {  	[sflag:s15] =	ssyncset.done $0x0  }
0x21: {  	s31 =	sadd.s32 $0x0, s8;
	[sflag:s15] =	ssyncadd.s32 $0xFFFFC000  }
0x22: {  	[hbm4b:s31+s2] =	stream.linear.scatter [tilespmem:s13], [sflag:$0x3], $0x4000, $0x38;
	[tilespmem:$0x8A00] =	vst v63  }
0x23: {  	_ =	swait.ge [sflag:s10], $0x4000  }
0x24: {  	s18 =	simm.s32 $0x1000;
	[sflag:s10] =	ssyncset.done $0x0  }
0x25: {  	s19 =	simm.s32 $0x280;
	s17 =	simm.s32 $0x180;
	[sflag:s10] =	ssyncadd.s32 $0xFFFFC000  }
.LBB2_2:
0x26: {  	[tilespmem:s13], [sflag:$0x2] =	stream.indirect.gather [hbm4b:s3+s11], $0x80, s17, s11, $0xb8;
	[tilespmem:$0x8A00] =	vst v63  }
0x27: {  	s20 =	smov.u32 s18;
	s17 =	smov.u32 s19  }
0x28: {  	p0 =	sne.s32 s18, $0x8000;
	s18 =	sadd.s32 $0x1000, s18;
	_ =	swait.ge [sflag:s14], $0x4000  }
0x29: {  	[sflag:s14] =	ssyncset.done $0x0  }
0x2a: {  	s21 =	sadd.s32 s20, s9;
	[sflag:s14] =	ssyncadd.s32 $0xFFFFC000  }
0x2b: {  	[hbm4b:s21+s2] =	stream.linear.scatter [tilespmem:s12], [sflag:$0x3], $0x4000, $0x38;
	[tilespmem:$0x8A00] =	vst v63  }
0x2c: {  	_ =	swait.ge [sflag:s10], $0x4000  }
0x2d: {  	[sflag:s10] =	ssyncset.done $0x0  }
0x2e: {  	s21 =	sadd.s32 $0xFFFFFF80, s19;
	[sflag:s10] =	ssyncadd.s32 $0xFFFFC000  }
0x2f: {  	[tilespmem:s12], [sflag:$0x1] =	stream.indirect.gather [hbm4b:s3+s11], $0x80, s21, s11, $0xb8;
	[tilespmem:$0x8A00] =	vst v63  }
0x30: {  	_ =	swait.ge [sflag:s15], $0x4000  }
0x31: {  	[sflag:s15] =	ssyncset.done $0x0  }
.Ltmp0:
0x32: {  	s20 =	sadd.s32 s20, s8;
	[sflag:s15] =	ssyncadd.s32 $0xFFFFC000;
	(pc) =	sbr.rel @p0 .LBB2_2-.Ltmp0, $4  }
0x33: {  	[hbm4b:s20+s2] =	stream.linear.scatter [tilespmem:s13], [sflag:$0x3], $0x4000, $0x38;
	[tilespmem:$0x8A00] =	vst v63  }
0x34: {  	_ =	swait.ge [sflag:s10], $0x4000  }
0x35: {  	[sflag:s10] =	ssyncset.done $0x0  }
0x36: {  	s19 =	sadd.s32 $0x100, s19;
	[sflag:s10] =	ssyncadd.s32 $0xFFFFC000  }
0x37: {  	[tilespmem:s13], [sflag:$0x2] =	stream.indirect.gather [hbm4b:s3+s11], $0x80, s17, s11, $0xb8;
	[tilespmem:$0x8A00] =	vst v63  }
0x38: {  	_ =	swait.ge [sflag:s14], $0x4000  }
0x39: {  	[sflag:s14] =	ssyncset.done $0x0  }
0x3a: {  	[sflag:s14] =	ssyncadd.s32 $0xFFFFC000  }
0x3b: {  	[hbm4b:s6+s2] =	stream.linear.scatter [tilespmem:s12], [sflag:$0x3], $0x4000, $0x38;
	[tilespmem:$0x8A00] =	vst v63  }
0x3c: {  	_ =	swait.ge [sflag:s10], $0x4000  }
0x3d: {  	[sflag:s10] =	ssyncset.done $0x0  }
0x3e: {  	[sflag:s10] =	ssyncadd.s32 $0xFFFFC000  }
0x3f: {  	s16 =	sadd.s32 $0x1, s16;
	_ =	swait.ge [sflag:s15], $0x4000  }
0x40: {  	p0 =	sne.s32 s16, s5;
	[sflag:s15] =	ssyncset.done $0x0  }
.Ltmp1:
0x41: {  	[sflag:s15] =	ssyncadd.s32 $0xFFFFC000;
	(pc) =	sbr.rel @p0 .LBB2_1-.Ltmp1, $4  }
0x42: {  	[hbm4b:s7+s2] =	stream.linear.scatter [tilespmem:s13], [sflag:$0x3], $0x4000, $0x38;
	[tilespmem:$0x8A00] =	vst v63  }
0x43: {  	_ =	swait.ge [sflag:s10], $0x4000  }
0x44: {  	[sflag:s10] =	ssyncset.done $0x0  }
0x45: {  	[sflag:s10] =	ssyncadd.s32 $0xFFFFC000  }
0x46: {  	_ =	sfence.sel $0x180000  }
0x47: {  	[bflag:$0x0] =	sbarrier.arrive $0xFFFF  }
0x48: {  	p0 =	sne.s32 s0, $0x0;
	_ =	strace $0x9000004D  }
0x49: {  	s0 =	sadd.s32 @!p0 $0x100000, s1;
	[bflag:$0x2] =	sbarrier.arrive $0xFFFF  }
0x4a: {  	[sflag:s0] =	ssyncadd.tile.s32 @!p0 $0x1;
	_ =	shalt  }
.Lfunc_end2:
_tile_overlayer_lowered:
.L_overlay_start_2:
0x4b: {  	(tag) =	ssettag $0x2  }
0x4c: {  	s0 =	rddreg [dreg:$0x0];
	s2 =	stileid.u32  }
0x4d: {  	s1 =	rddreg [dreg:$0x1];
	p0 =	sne.s32 s2, $0x0  }
0x4e: {  	s3 =	rddreg [dreg:$0x2];
	[bflag:$0x3] =	sbarrier.arrive $0xFFFF;
	s2 =	simm.s32 @!p0 $0x1C03  }
0x4f: {  	[timem:s3], [sflag:s2] =	dma.local @!p0 [hbm:s0], s1  }
0x50: {  	s0 =	simm.s32 @!p0 $0x3  }
0x51: {  	_ =	swait.ge @!p0 [sflag:s0], s1  }
0x52: {  	s1 =	ssub.s32 @!p0 $0x0, s1;
	[sflag:s0] =	ssyncset.done @!p0 $0x0  }
0x53: {  	[sflag:s0] =	ssyncadd.s32 @!p0 s1  }
0x54: {  	[bflag:$0x3] =	sbarrier.arrive $0xFFFF  }
0x55: {  	_ =	shalt  }

// kernel: kernel.33.cloned.1.call-start
scs
__scs_entry_jumppad:
0x0: {  	(pc) =	sbr.rel $0x88, $3  }
0x1: {  	(tag) =	ssettag $0x0;
	lr =	simm.s32 $0x1  }
0x2: {  	[smem:$0x3F90] =	sst lr;
	_ =	strace $0xD0000000  }
0x3: {  	_ = 	snop  }
0x4: {  	_ = 	snop  }
0x5: {  	_ = 	snop  }
0x6: {  	_ = 	snop  }
0x7: {  	_ = 	snop  }
__scs_overlays_trampoline_lowered:
0x8: {  	[smem:$0x3F9F] =	sst s0  }
0x9: {  	[smem:$0x3FA0] =	sst s1  }
0xa: {  	[smem:$0x3FA1] =	sst s2  }
0xb: {  	[smem:$0x3FA2] =	sst s3  }
0xc: {  	[smem:$0x3FA3] =	sst s4  }
0xd: {  	[smem:$0x3FA4] =	sst s5  }
0xe: {  	[smem:$0x3FA5] =	sst s6  }
0xf: {  	[smem:$0x3FA6] =	sst s7  }
0x10: {  	[smem:$0x3FA7] =	sst s8  }
0x11: {  	[smem:$0x3FA8] =	sst s9;
	s0 =	simm.s32 @!p0 $0x0  }
0x12: {  	s1 =	sld [smem:$0x3F8E];
	s0 =	simm.s32 @p0 $0x1  }
0x13: {  	[smem:$0x3FA9] =	sst s0;
	s0 =	simm.s32 @!p1 $0x0  }
0x14: {  	s2 =	sld [smem:$0x3F8D];
	s0 =	simm.s32 @p1 $0x1  }
0x15: {  	[smem:$0x3FAA] =	sst s0;
	s0 =	simm.s32 @!p2 $0x0  }
0x16: {  	s3 =	sld [smem:$0x3FDB];
	s0 =	simm.s32 @p2 $0x1  }
0x17: {  	s4 =	simm.s32 $0x1BF5;
	[smem:$0x3FAC] =	sst s0  }
0x18: {  	s0 =	sld [smem:$0x3F8F];
	_ =	swait.ge [sflag:s4], $0x0  }
0x19: {  	s7 =	sld [smem:$0x3F90]  }
0x1a: {  	s8 =	sadd.s32 $0xFFFFE003, lr  }
0x1b: {  	s9 =	sadd.s32 $0xFFFFFEF7, lr;
	s5 =	simm.s32 $0xFFFFFFFF;
	p2 =	slt.u32 s8, $0xFFFFF086  }
0x1c: {  	p1 =	slt.u32 s9, $0xF7A;
	s5 =	simm.s32 @!p2 $0x0  }
0x1d: {  	s5 =	simm.s32 @p1 $0x1;
	p0 =	seq.s32 s7, s2  }
0x1e: {  	s7 =	smul.u32 @!p0 $0xF7A, s2;
	p2 =	seq.s32 @!p0 s5, $0x0  }
0x1f: {  	s9 =	smul.u32 $0xF7A, s1;
	s8 =	simm.s32 @!p0 $0x1BF5;
	p2 =	por !p2, p0  }
0x20: {  	[sflag:s8] =	ssyncset.s32 @!p0 $0xFFFFF086;
	s6 =	sadd.s32 @!p0 s3, s7;
	s7 =	simm.s32 @!p0 $0x108  }
0x21: {  	s3 =	sadd.s32 s3, s9;
	s6 =	sadd.s32 @!p0 $0x88, s6;
	s7 =	simm.s32 @p2 $0x1082  }
0x22: {  	[simem:s7], [sflag:s8] =	dma.local @!p0 [hbm:s6], $0xF7A  }
0x23: {  	s9 =	sor.u32 $0xD0000000, s2;
	s6 =	simm.s32 $0x108;
	_ =	swait.ge @!p0 [sflag:s8], $0x0  }
0x24: {  	s3 =	sadd.s32 $0x88, s3;
	s6 =	simm.s32 @!p1 $0x1082;
	[sflag:s4] =	ssyncset.s32 $0xFFFFF086  }
0x25: {  	[simem:s6], [sflag:s4] =	dma.local [hbm:s3], $0xF7A  }
0x26: {  	[smem:$0x3F90] =	sst s1;
	(tag) =	ssettag s2;
	_ =	strace s9  }
0x27: {  	s1 =	sld [smem:$0x3FA0]  }
0x28: {  	s2 =	sld [smem:$0x3FA1]  }
0x29: {  	s4 =	sld [smem:$0x3FA3]  }
0x2a: {  	p0 =	seq.s32 s5, $0x0;
	s5 =	sld [smem:$0x3FA4]  }
0x2b: {  	s6 =	sld [smem:$0x3FA5]  }
0x2c: {  	s7 =	sld [smem:$0x3FA6]  }
0x2d: {  	s3 =	simm.s32 $0x108;
	s8 =	sld [smem:$0x3FA7]  }
0x2e: {  	s3 =	simm.s32 @!p0 $0x1082;
	s9 =	sld [smem:$0x3FA8]  }
0x2f: {  	lr =	sadd.s32 s0, s3;
	s0 =	sld [smem:$0x3F9F]  }
0x30: {  	s3 =	sld [smem:$0x3FA2]  }
0x31: {  	[smem:$0x3FAB] =	sst s10  }
0x32: {  	s10 =	sld [smem:$0x3FA9];
	_ =	sdelay $0x3  }
0x33: {  	p0 =	seq.s32 s10, $0x1;
	s10 =	sld [smem:$0x3FAB];
	_ =	sdelay $0x3  }
0x34: {  	[smem:$0x3FAB] =	sst s10  }
0x35: {  	s10 =	sld [smem:$0x3FAA];
	_ =	sdelay $0x3  }
0x36: {  	p1 =	seq.s32 s10, $0x1;
	s10 =	sld [smem:$0x3FAB];
	_ =	sdelay $0x3  }
0x37: {  	[smem:$0x3FAB] =	sst s10  }
0x38: {  	s10 =	sld [smem:$0x3FAC]  }
0x39: {  	_ = 	snop;
	(pc) =	sbr.ind lr, $3  }
0x3a: {  	_ = 	snop  }
0x3b: {  	_ = 	snop  }
0x3c: {  	p2 =	seq.s32 s10, $0x1;
	s10 =	sld [smem:$0x3FAB]  }
0x3d: {  	_ =	shalt  }
0x3e: {  	_ =	shalt  }
0x3f: {  	_ =	shalt  }
0x40: {  	_ =	shalt  }
0x41: {  	_ =	shalt  }
0x42: {  	_ =	shalt  }
0x43: {  	_ =	shalt  }
0x44: {  	_ =	shalt  }
0x45: {  	_ =	shalt  }
0x46: {  	_ =	shalt  }
0x47: {  	_ =	shalt  }
0x48: {  	_ =	shalt  }
0x49: {  	_ =	shalt  }
0x4a: {  	_ =	shalt  }
0x4b: {  	_ =	shalt  }
0x4c: {  	_ =	shalt  }
0x4d: {  	_ =	shalt  }
0x4e: {  	_ =	shalt  }
0x4f: {  	_ =	shalt  }
0x50: {  	_ =	shalt  }
0x51: {  	_ =	shalt  }
0x52: {  	_ =	shalt  }
0x53: {  	_ =	shalt  }
0x54: {  	_ =	shalt  }
0x55: {  	_ =	shalt  }
0x56: {  	_ =	shalt  }
0x57: {  	_ =	shalt  }
0x58: {  	_ =	shalt  }
0x59: {  	_ =	shalt  }
0x5a: {  	_ =	shalt  }
0x5b: {  	_ =	shalt  }
0x5c: {  	_ =	shalt  }
0x5d: {  	_ =	shalt  }
0x5e: {  	_ =	shalt  }
0x5f: {  	_ =	shalt  }
0x60: {  	_ =	shalt  }
0x61: {  	_ =	shalt  }
0x62: {  	_ =	shalt  }
0x63: {  	_ =	shalt  }
0x64: {  	_ =	shalt  }
0x65: {  	_ =	shalt  }
0x66: {  	_ =	shalt  }
0x67: {  	_ =	shalt  }
0x68: {  	_ =	shalt  }
0x69: {  	_ =	shalt  }
0x6a: {  	_ =	shalt  }
0x6b: {  	_ =	shalt  }
0x6c: {  	_ =	shalt  }
0x6d: {  	_ =	shalt  }
0x6e: {  	_ =	shalt  }
0x6f: {  	_ =	shalt  }
0x70: {  	_ =	shalt  }
0x71: {  	_ =	shalt  }
0x72: {  	_ =	shalt  }
0x73: {  	_ =	shalt  }
0x74: {  	_ =	shalt  }
0x75: {  	_ =	shalt  }
0x76: {  	_ =	shalt  }
0x77: {  	_ =	shalt  }
0x78: {  	_ =	shalt  }
0x79: {  	_ =	shalt  }
0x7a: {  	_ =	shalt  }
0x7b: {  	_ =	shalt  }
0x7c: {  	_ =	shalt  }
0x7d: {  	_ =	shalt  }
0x7e: {  	_ =	shalt  }
0x7f: {  	_ =	shalt  }
0x80: {  	_ =	shalt  }
0x81: {  	_ =	shalt  }
0x82: {  	_ =	shalt  }
0x83: {  	_ =	shalt  }
0x84: {  	_ =	shalt  }
0x85: {  	_ =	shalt  }
0x86: {  	_ =	shalt  }
0x87: {  	_ =	shalt  }
.Lfunc_end0:
.L_simem_size_0:
called_computation.2_lowered:
.L_overlay_start_0:
0x88: {  	s2 =	sld [smem:$0x3FD9]  }
0x89: {  	s3 =	sld [smem:$0x3FFE];
	_ =	sdelay $0x1  }
0x8a: {  	s1 =	srdreg.scid  }
0x8b: {  	s0 =	sand.u32 $0x1, s1  }
0x8c: {  	s17 =	sshll.u32 s0, $0xA;
	s2 =	sadd.s32 s3, s2  }
0x8d: {  	s2 =	sadd.s32 s2, s17  }
0x8e: {  	[smem:$0x3FB7] =	sst s2  }
0x8f: {  	_ = 	snop  }
0x90: {  	(tm) =	ssettm $0x1  }
0x91: {  	s18 =	sld [smem:$0x3FFB];
	_ =	sdelay $0x3  }
0x92: {  	_ =	strace s18  }
0x93: {  	s2 =	sld [smem:$0x3FFC];
	_ =	sdelay $0x3  }
0x94: {  	_ =	strace s2  }
0x95: {  	s2 =	sld [smem:$0x3FFD];
	_ =	sdelay $0x3  }
0x96: {  	_ =	strace s2  }
0x97: {  	_ =	strace $0x8FFFFFFF  }
0x98: {  	s19 =	sld [smem:$0x3FDB];
	_ =	sdelay $0x1  }
0x99: {  	s20 =	simm.s32 $_scs_section_size  }
0x9a: {  	s4 =	simm.s32 $_size__tile_overlayer_lowered;
	s5 =	simm.s32 $_tile_overlayer_lowered  }
0x9b: {  	s6 =	simm.s32 $0x1BFF;
	s21 =	sshll.u32 s5, $0x1;
	s3 =	sadd.s32 s20, s19  }
0x9c: {  	s22 =	simm.s32 $0x0;
	s4 =	sshll.u32 s4, $0x1;
	s5 =	sadd.s32 s21, s3  }
0x9d: {  	[timem:s22], [sflag:s6] =	dma.local [hbm:s5], s4  }
0x9e: {  	_ =	swait.ge [sflag:s6], s4  }
0x9f: {  	s4 =	ssub.s32 $0x0, s4;
	[sflag:s6] =	ssyncset.done $0x0  }
0xa0: {  	[sflag:s6] =	ssyncadd.s32 s4;
	_ =	sdelay $0x1  }
0xa1: {  	s23 =	simm.s32 $0x1B8B  }
0xa2: {  	_ =	swait.ge [sflag:s23], $0x1  }
0xa3: {  	[sflag:s23] =	ssyncset.done $0x0  }
0xa4: {  	[sflag:s23] =	ssyncadd.s32 $0xFFFFFFFF  }
0xa5: {  	s4 =	sld [smem:$0x0]  }
0xa6: {  	s5 =	sand.u32 $0xFFFFFFFE, s1  }
0xa7: {  	p0 =	sne.s32 s1, s5  }
0xa8: {  	s5 =	sshll.u32 @p0 s5, $0xE  }
0xa9: {  	s5 =	sadd.s32 @p0 $0x11B8D, s5;
	s6 =	sshll.u32 @p0 s4, $0x11  }
0xaa: {  	s5 =	sor.u32 @p0 s6, s5  }
0xab: {  	[sflag:s5] =	ssyncadd.remote.s32 @p0 $0x1;
	_ =	sdelay $0x1  }
0xac: {  	s5 =	simm.s32 @p0 $0x1B8D  }
0xad: {  	_ =	swait.eq @p0 [sflag:s5], $0x1  }
0xae: {  	[sflag:s5] =	ssyncadd.s32 @p0 $0xFFFFFFFF  }
0xaf: {  	s6 =	sshll.u32 @!p0 s1, $0xE  }
0xb0: {  	s6 =	sor.u32 @!p0 $0x4000, s6;
	s5 =	simm.s32 @!p0 $0x1B8D  }
0xb1: {  	s4 =	sshll.u32 @!p0 s4, $0x11;
	s6 =	sadd.s32 @!p0 $0x11B8D, s6;
	_ =	swait.eq @!p0 [sflag:s5], $0x1  }
0xb2: {  	s4 =	sor.u32 @!p0 s4, s6;
	[sflag:s5] =	ssyncadd.s32 @!p0 $0xFFFFFFFF  }
0xb3: {  	s25 =	simm.s32 $0x1B8E;
	s24 =	sld [smem:$0x3FFE];
	[sflag:s4] =	ssyncadd.remote.s32 @!p0 $0x1  }
0xb4: {  	s26 =	simm.s32 $execute0_lowered;
	[smem:$0x3FD2] =	sst s25  }
0xb5: {  	s5 =	sshll.u32 s26, $0x1;
	_ =	strace $0x80000052;
	[dreg:$0x1] =	wrdreg $0xFFFFFFFF  }
0xb6: {  	s28 =	simm.s32 $_size_execute0_lowered;
	s3 =	sadd.s32 s3, s5;
	[dreg:$0x0] =	wrdreg $0x0  }
0xb7: {  	s5 =	sshll.u32 s28, $0x1;
	[dreg:$0x2] =	wrdreg s3  }
0xb8: {  	[dreg:$0x3] =	wrdreg s5  }
0xb9: {  	[dreg:$0x4] =	wrdreg $0xC0  }
0xba: {  	_ =	task [dreg:s22], $0x5FFFF  }
0xbb: {  	[dreg:$0x1] =	wrdreg $0xFFFFFFFF  }
0xbc: {  	[dreg:$0x0] =	wrdreg $0x60  }
0xbd: {  	[dreg:$0x2] =	wrdreg s24  }
0xbe: {  	[dreg:$0x3] =	wrdreg $0x9  }
0xbf: {  	_ =	task.clear_ibuf [dreg:s22], $0x4FFFF;
	_ =	strace $0x90000052  }
0xc0: {  	s29 =	simm.s32 $0x9;
	_ =	strace $0x80000054  }
0xc1: {  	_ =	swait.ge [sflag:s29], $0x1  }
0xc2: {  	[sflag:s29] =	ssyncadd.s32 $0xFFFFFFFF  }
0xc3: {  	_ =	strace $0x90000054  }
0xc4: {  	_ =	sfence  }
0xc5: {  	s30 =	sld [smem:$0x0];
	_ =	sdelay $0x2  }
0xc6: {  	s31 =	sshll.u32 s1, $0xD;
	s1 =	sshrl.u32 s1, $0x2  }
0xc7: {  	s4 =	sand.u32 $0x4000, s31;
	s1 =	sadd.s32 s1, s30  }
0xc8: {  	s0 =	sor.u32 s4, s0;
	s1 =	sshll.u32 s1, $0x11  }
0xc9: {  	s0 =	sor.u32 s1, s0  }
0xca: {  	s0 =	sadd.s32 $0x8F2B, s0  }
0xcb: {  	[sflag:s0] =	ssyncadd.remote.s32 $0x1  }
0xcc: {  	_ =	sfence.sel $0xFFFF  }
0xcd: {  	[dreg:$0x0] =	wrdreg $0xFFFFFFFF;
	(pc) =	sbr.abs _section_cstart, $3  }
0xce: {  	[dreg:$0x1] =	wrdreg $0xFFFFFFFF  }
0xcf: {  	_ =	task.clear_ibuf [dreg:s22], $0x2FFFF;
	_ =	strace $0x9FFFFFFF  }
0xd0: {  	(tm) =	ssettm $0x7FFFFFFF  }
0xd1: {  	_ =	shalt  }
tec
execute0_lowered:
.L_overlay_start_1:
0x0: {  	(tag) =	ssettag $0x1  }
0x1: {  	s1 =	srdreg.scid  }
0x2: {  	s0 =	stileid.u32;
	s4 =	rddreg [dreg:$0x0];
	s2 =	simm.s32 $0x0  }
0x3: {  	s14 =	simm.s32 $0x1;
	s15 =	simm.s32 $0x2;
	s12 =	smul.u32 $0x14000, s0  }
0x4: {  	s16 =	simm.s32 $0x0;
	s7 =	sand.u32 $0x1, s1;
	s24 =	smul.u32 $0xA0000, s0  }
0x5: {  	s3 =	sshll.u32 s0, $0x1;
	[smem:$0x7FF] =	sst s2;
	s26 =	smul.u32 $0x50000, s7  }
0x6: {  	s11 =	sadd.s32 $0x189A00, s4;
	s5 =	sor.u32 s7, s3;
	s13 =	smul.u32 $0xA000, s7  }
0x7: {  	s1 =	rddreg [dreg:$0x1];
	_ =	strace $0x80000053;
	s6 =	smul.u32 $0x140, s5  }
0x8: {  	s3 =	sadd.s32 $0x14A00, s4;
	s9 =	ssub.s32 $0x2, s7;
	s8 =	smul.u32 $0x50000, s5  }
0x9: {  	s10 =	smul.u32 $0xA000, s5;
	s22 =	sshrl.u32 s9, $0x1;
	s29 =	sadd.s32 s12, s11  }
0xa: {  	s12 =	simm.s32 $0xA00;
	s23 =	ssub.s32 s9, s22;
	s30 =	sadd.s32 s13, s29  }
0xb: {  	s13 =	simm.s32 $0x4A00;
	s6 =	sadd.s32 s6, s4;
	s8 =	sshrl.u32 s8, $0x3  }
0xc: {  	s5 =	smax.u32 s23, $0x1;
	s28 =	sadd.s32 s10, s11;
	s10 =	simm.s32 $0x3  }
0xd: {  	s4 =	sadd.s32 $0x24A00, s6;
	s25 =	sadd.s32 s11, s8;
	s8 =	sadd.s32 s26, s24  }
0xe: {  	s7 =	sadd.s32 $0x9800, s28;
	s6 =	sadd.s32 $0x9000, s25;
	s31 =	sshrl.u32 s8, $0x3  }
0xf: {  	s8 =	sadd.s32 $0x800, s30;
	s9 =	sadd.s32 s31, s11;
	s11 =	simm.s32 $0x80  }
.LBB2_1:
0x10: {  	[tilespmem:s2], [sflag:$0x3] =	stream.linear.gather [hbm4b:s4+s2], $0xA00, $0x38;
	[tilespmem:$0x8A00] =	vst v63  }
0x11: {  	_ =	swait.ge [sflag:s10], $0xA00  }
0x12: {  	[sflag:s10] =	ssyncset.done $0x0  }
0x13: {  	[sflag:s10] =	ssyncadd.s32 $0xFFFFF600  }
0x14: {  	[tilespmem:s12], [sflag:$0x1] =	stream.indirect.gather [hbm4b:s3+s11], $0x80, s2, s11, $0xb8;
	[tilespmem:$0x8A00] =	vst v63  }
0x15: {  	_ = 	snop  }
0x16: {  	[tilespmem:s13], [sflag:$0x2] =	stream.indirect.gather [hbm4b:s3+s11], $0x80, s11, s11, $0xb8;
	[tilespmem:$0x8A00] =	vst v63  }
0x17: {  	_ =	swait.ge [sflag:s14], $0x4000  }
0x18: {  	[sflag:s14] =	ssyncset.done $0x0  }
0x19: {  	s17 =	sadd.s32 $0x0, s9;
	[sflag:s14] =	ssyncadd.s32 $0xFFFFC000  }
0x1a: {  	[hbm4b:s17+s2] =	stream.linear.scatter [tilespmem:s12], [sflag:$0x3], $0x4000, $0x38;
	[tilespmem:$0x8A00] =	vst v63  }
0x1b: {  	_ =	swait.ge [sflag:s10], $0x4000  }
0x1c: {  	[sflag:s10] =	ssyncset.done $0x0  }
0x1d: {  	s30 =	simm.s32 $0x100;
	[sflag:s10] =	ssyncadd.s32 $0xFFFFC000  }
0x1e: {  	[tilespmem:s12], [sflag:$0x1] =	stream.indirect.gather [hbm4b:s3+s11], $0x80, s30, s11, $0xb8;
	[tilespmem:$0x8A00] =	vst v63  }
0x1f: {  	_ =	swait.ge [sflag:s15], $0x4000  }
0x20: {  	[sflag:s15] =	ssyncset.done $0x0  }
0x21: {  	s31 =	sadd.s32 $0x0, s8;
	[sflag:s15] =	ssyncadd.s32 $0xFFFFC000  }
0x22: {  	[hbm4b:s31+s2] =	stream.linear.scatter [tilespmem:s13], [sflag:$0x3], $0x4000, $0x38;
	[tilespmem:$0x8A00] =	vst v63  }
0x23: {  	_ =	swait.ge [sflag:s10], $0x4000  }
0x24: {  	s18 =	simm.s32 $0x1000;
	[sflag:s10] =	ssyncset.done $0x0  }
0x25: {  	s19 =	simm.s32 $0x280;
	s17 =	simm.s32 $0x180;
	[sflag:s10] =	ssyncadd.s32 $0xFFFFC000  }
.LBB2_2:
0x26: {  	[tilespmem:s13], [sflag:$0x2] =	stream.indirect.gather [hbm4b:s3+s11], $0x80, s17, s11, $0xb8;
	[tilespmem:$0x8A00] =	vst v63  }
0x27: {  	s20 =	smov.u32 s18;
	s17 =	smov.u32 s19  }
0x28: {  	p0 =	sne.s32 s18, $0x8000;
	s18 =	sadd.s32 $0x1000, s18;
	_ =	swait.ge [sflag:s14], $0x4000  }
0x29: {  	[sflag:s14] =	ssyncset.done $0x0  }
0x2a: {  	s21 =	sadd.s32 s20, s9;
	[sflag:s14] =	ssyncadd.s32 $0xFFFFC000  }
0x2b: {  	[hbm4b:s21+s2] =	stream.linear.scatter [tilespmem:s12], [sflag:$0x3], $0x4000, $0x38;
	[tilespmem:$0x8A00] =	vst v63  }
0x2c: {  	_ =	swait.ge [sflag:s10], $0x4000  }
0x2d: {  	[sflag:s10] =	ssyncset.done $0x0  }
0x2e: {  	s21 =	sadd.s32 $0xFFFFFF80, s19;
	[sflag:s10] =	ssyncadd.s32 $0xFFFFC000  }
0x2f: {  	[tilespmem:s12], [sflag:$0x1] =	stream.indirect.gather [hbm4b:s3+s11], $0x80, s21, s11, $0xb8;
	[tilespmem:$0x8A00] =	vst v63  }
0x30: {  	_ =	swait.ge [sflag:s15], $0x4000  }
0x31: {  	[sflag:s15] =	ssyncset.done $0x0  }
.Ltmp0:
0x32: {  	s20 =	sadd.s32 s20, s8;
	[sflag:s15] =	ssyncadd.s32 $0xFFFFC000;
	(pc) =	sbr.rel @p0 .LBB2_2-.Ltmp0, $4  }
0x33: {  	[hbm4b:s20+s2] =	stream.linear.scatter [tilespmem:s13], [sflag:$0x3], $0x4000, $0x38;
	[tilespmem:$0x8A00] =	vst v63  }
0x34: {  	_ =	swait.ge [sflag:s10], $0x4000  }
0x35: {  	[sflag:s10] =	ssyncset.done $0x0  }
0x36: {  	s19 =	sadd.s32 $0x100, s19;
	[sflag:s10] =	ssyncadd.s32 $0xFFFFC000  }
0x37: {  	[tilespmem:s13], [sflag:$0x2] =	stream.indirect.gather [hbm4b:s3+s11], $0x80, s17, s11, $0xb8;
	[tilespmem:$0x8A00] =	vst v63  }
0x38: {  	_ =	swait.ge [sflag:s14], $0x4000  }
0x39: {  	[sflag:s14] =	ssyncset.done $0x0  }
0x3a: {  	[sflag:s14] =	ssyncadd.s32 $0xFFFFC000  }
0x3b: {  	[hbm4b:s6+s2] =	stream.linear.scatter [tilespmem:s12], [sflag:$0x3], $0x4000, $0x38;
	[tilespmem:$0x8A00] =	vst v63  }
0x3c: {  	_ =	swait.ge [sflag:s10], $0x4000  }
0x3d: {  	[sflag:s10] =	ssyncset.done $0x0  }
0x3e: {  	[sflag:s10] =	ssyncadd.s32 $0xFFFFC000  }
0x3f: {  	s16 =	sadd.s32 $0x1, s16;
	_ =	swait.ge [sflag:s15], $0x4000  }
0x40: {  	p0 =	sne.s32 s16, s5;
	[sflag:s15] =	ssyncset.done $0x0  }
.Ltmp1:
0x41: {  	[sflag:s15] =	ssyncadd.s32 $0xFFFFC000;
	(pc) =	sbr.rel @p0 .LBB2_1-.Ltmp1, $4  }
0x42: {  	[hbm4b:s7+s2] =	stream.linear.scatter [tilespmem:s13], [sflag:$0x3], $0x4000, $0x38;
	[tilespmem:$0x8A00] =	vst v63  }
0x43: {  	_ =	swait.ge [sflag:s10], $0x4000  }
0x44: {  	[sflag:s10] =	ssyncset.done $0x0  }
0x45: {  	[sflag:s10] =	ssyncadd.s32 $0xFFFFC000  }
0x46: {  	_ =	sfence.sel $0x180000  }
0x47: {  	[bflag:$0x0] =	sbarrier.arrive $0xFFFF  }
0x48: {  	p0 =	sne.s32 s0, $0x0;
	_ =	strace $0x90000053  }
0x49: {  	s0 =	sadd.s32 @!p0 $0x100000, s1;
	[bflag:$0x2] =	sbarrier.arrive $0xFFFF  }
0x4a: {  	[sflag:s0] =	ssyncadd.tile.s32 @!p0 $0x1;
	_ =	shalt  }
.Lfunc_end2:
_tile_overlayer_lowered:
.L_overlay_start_2:
0x4b: {  	(tag) =	ssettag $0x2  }
0x4c: {  	s0 =	rddreg [dreg:$0x0];
	s2 =	stileid.u32  }
0x4d: {  	s1 =	rddreg [dreg:$0x1];
	p0 =	sne.s32 s2, $0x0  }
0x4e: {  	s3 =	rddreg [dreg:$0x2];
	[bflag:$0x3] =	sbarrier.arrive $0xFFFF;
	s2 =	simm.s32 @!p0 $0x1C03  }
0x4f: {  	[timem:s3], [sflag:s2] =	dma.local @!p0 [hbm:s0], s1  }
0x50: {  	s0 =	simm.s32 @!p0 $0x3  }
0x51: {  	_ =	swait.ge @!p0 [sflag:s0], s1  }
0x52: {  	s1 =	ssub.s32 @!p0 $0x0, s1;
	[sflag:s0] =	ssyncset.done @!p0 $0x0  }
0x53: {  	[sflag:s0] =	ssyncadd.s32 @!p0 s1  }
0x54: {  	[bflag:$0x3] =	sbarrier.arrive $0xFFFF  }
0x55: {  	_ =	shalt  }

// kernel: kernel.36.cloned.1.call-start
scs
__scs_entry_jumppad:
0x0: {  	(pc) =	sbr.rel $0x88, $3  }
0x1: {  	(tag) =	ssettag $0x0;
	lr =	simm.s32 $0x1  }
0x2: {  	[smem:$0x3F90] =	sst lr;
	_ =	strace $0xD0000000  }
0x3: {  	_ = 	snop  }
0x4: {  	_ = 	snop  }
0x5: {  	_ = 	snop  }
0x6: {  	_ = 	snop  }
0x7: {  	_ = 	snop  }
__scs_overlays_trampoline_lowered:
0x8: {  	[smem:$0x3F9F] =	sst s0  }
0x9: {  	[smem:$0x3FA0] =	sst s1  }
0xa: {  	[smem:$0x3FA1] =	sst s2  }
0xb: {  	[smem:$0x3FA2] =	sst s3  }
0xc: {  	[smem:$0x3FA3] =	sst s4  }
0xd: {  	[smem:$0x3FA4] =	sst s5  }
0xe: {  	[smem:$0x3FA5] =	sst s6  }
0xf: {  	[smem:$0x3FA6] =	sst s7  }
0x10: {  	[smem:$0x3FA7] =	sst s8  }
0x11: {  	[smem:$0x3FA8] =	sst s9;
	s0 =	simm.s32 @!p0 $0x0  }
0x12: {  	s1 =	sld [smem:$0x3F8E];
	s0 =	simm.s32 @p0 $0x1  }
0x13: {  	[smem:$0x3FA9] =	sst s0;
	s0 =	simm.s32 @!p1 $0x0  }
0x14: {  	s2 =	sld [smem:$0x3F8D];
	s0 =	simm.s32 @p1 $0x1  }
0x15: {  	[smem:$0x3FAA] =	sst s0;
	s0 =	simm.s32 @!p2 $0x0  }
0x16: {  	s3 =	sld [smem:$0x3FDB];
	s0 =	simm.s32 @p2 $0x1  }
0x17: {  	s4 =	simm.s32 $0x1BF5;
	[smem:$0x3FAC] =	sst s0  }
0x18: {  	s0 =	sld [smem:$0x3F8F];
	_ =	swait.ge [sflag:s4], $0x0  }
0x19: {  	s7 =	sld [smem:$0x3F90]  }
0x1a: {  	s8 =	sadd.s32 $0xFFFFE003, lr  }
0x1b: {  	s9 =	sadd.s32 $0xFFFFFEF7, lr;
	s5 =	simm.s32 $0xFFFFFFFF;
	p2 =	slt.u32 s8, $0xFFFFF086  }
0x1c: {  	p1 =	slt.u32 s9, $0xF7A;
	s5 =	simm.s32 @!p2 $0x0  }
0x1d: {  	s5 =	simm.s32 @p1 $0x1;
	p0 =	seq.s32 s7, s2  }
0x1e: {  	s7 =	smul.u32 @!p0 $0xF7A, s2;
	p2 =	seq.s32 @!p0 s5, $0x0  }
0x1f: {  	s9 =	smul.u32 $0xF7A, s1;
	s8 =	simm.s32 @!p0 $0x1BF5;
	p2 =	por !p2, p0  }
0x20: {  	[sflag:s8] =	ssyncset.s32 @!p0 $0xFFFFF086;
	s6 =	sadd.s32 @!p0 s3, s7;
	s7 =	simm.s32 @!p0 $0x108  }
0x21: {  	s3 =	sadd.s32 s3, s9;
	s6 =	sadd.s32 @!p0 $0x88, s6;
	s7 =	simm.s32 @p2 $0x1082  }
0x22: {  	[simem:s7], [sflag:s8] =	dma.local @!p0 [hbm:s6], $0xF7A  }
0x23: {  	s9 =	sor.u32 $0xD0000000, s2;
	s6 =	simm.s32 $0x108;
	_ =	swait.ge @!p0 [sflag:s8], $0x0  }
0x24: {  	s3 =	sadd.s32 $0x88, s3;
	s6 =	simm.s32 @!p1 $0x1082;
	[sflag:s4] =	ssyncset.s32 $0xFFFFF086  }
0x25: {  	[simem:s6], [sflag:s4] =	dma.local [hbm:s3], $0xF7A  }
0x26: {  	[smem:$0x3F90] =	sst s1;
	(tag) =	ssettag s2;
	_ =	strace s9  }
0x27: {  	s1 =	sld [smem:$0x3FA0]  }
0x28: {  	s2 =	sld [smem:$0x3FA1]  }
0x29: {  	s4 =	sld [smem:$0x3FA3]  }
0x2a: {  	p0 =	seq.s32 s5, $0x0;
	s5 =	sld [smem:$0x3FA4]  }
0x2b: {  	s6 =	sld [smem:$0x3FA5]  }
0x2c: {  	s7 =	sld [smem:$0x3FA6]  }
0x2d: {  	s3 =	simm.s32 $0x108;
	s8 =	sld [smem:$0x3FA7]  }
0x2e: {  	s3 =	simm.s32 @!p0 $0x1082;
	s9 =	sld [smem:$0x3FA8]  }
0x2f: {  	lr =	sadd.s32 s0, s3;
	s0 =	sld [smem:$0x3F9F]  }
0x30: {  	s3 =	sld [smem:$0x3FA2]  }
0x31: {  	[smem:$0x3FAB] =	sst s10  }
0x32: {  	s10 =	sld [smem:$0x3FA9];
	_ =	sdelay $0x3  }
0x33: {  	p0 =	seq.s32 s10, $0x1;
	s10 =	sld [smem:$0x3FAB];
	_ =	sdelay $0x3  }
0x34: {  	[smem:$0x3FAB] =	sst s10  }
0x35: {  	s10 =	sld [smem:$0x3FAA];
	_ =	sdelay $0x3  }
0x36: {  	p1 =	seq.s32 s10, $0x1;
	s10 =	sld [smem:$0x3FAB];
	_ =	sdelay $0x3  }
0x37: {  	[smem:$0x3FAB] =	sst s10  }
0x38: {  	s10 =	sld [smem:$0x3FAC]  }
0x39: {  	_ = 	snop;
	(pc) =	sbr.ind lr, $3  }
0x3a: {  	_ = 	snop  }
0x3b: {  	_ = 	snop  }
0x3c: {  	p2 =	seq.s32 s10, $0x1;
	s10 =	sld [smem:$0x3FAB]  }
0x3d: {  	_ =	shalt  }
0x3e: {  	_ =	shalt  }
0x3f: {  	_ =	shalt  }
0x40: {  	_ =	shalt  }
0x41: {  	_ =	shalt  }
0x42: {  	_ =	shalt  }
0x43: {  	_ =	shalt  }
0x44: {  	_ =	shalt  }
0x45: {  	_ =	shalt  }
0x46: {  	_ =	shalt  }
0x47: {  	_ =	shalt  }
0x48: {  	_ =	shalt  }
0x49: {  	_ =	shalt  }
0x4a: {  	_ =	shalt  }
0x4b: {  	_ =	shalt  }
0x4c: {  	_ =	shalt  }
0x4d: {  	_ =	shalt  }
0x4e: {  	_ =	shalt  }
0x4f: {  	_ =	shalt  }
0x50: {  	_ =	shalt  }
0x51: {  	_ =	shalt  }
0x52: {  	_ =	shalt  }
0x53: {  	_ =	shalt  }
0x54: {  	_ =	shalt  }
0x55: {  	_ =	shalt  }
0x56: {  	_ =	shalt  }
0x57: {  	_ =	shalt  }
0x58: {  	_ =	shalt  }
0x59: {  	_ =	shalt  }
0x5a: {  	_ =	shalt  }
0x5b: {  	_ =	shalt  }
0x5c: {  	_ =	shalt  }
0x5d: {  	_ =	shalt  }
0x5e: {  	_ =	shalt  }
0x5f: {  	_ =	shalt  }
0x60: {  	_ =	shalt  }
0x61: {  	_ =	shalt  }
0x62: {  	_ =	shalt  }
0x63: {  	_ =	shalt  }
0x64: {  	_ =	shalt  }
0x65: {  	_ =	shalt  }
0x66: {  	_ =	shalt  }
0x67: {  	_ =	shalt  }
0x68: {  	_ =	shalt  }
0x69: {  	_ =	shalt  }
0x6a: {  	_ =	shalt  }
0x6b: {  	_ =	shalt  }
0x6c: {  	_ =	shalt  }
0x6d: {  	_ =	shalt  }
0x6e: {  	_ =	shalt  }
0x6f: {  	_ =	shalt  }
0x70: {  	_ =	shalt  }
0x71: {  	_ =	shalt  }
0x72: {  	_ =	shalt  }
0x73: {  	_ =	shalt  }
0x74: {  	_ =	shalt  }
0x75: {  	_ =	shalt  }
0x76: {  	_ =	shalt  }
0x77: {  	_ =	shalt  }
0x78: {  	_ =	shalt  }
0x79: {  	_ =	shalt  }
0x7a: {  	_ =	shalt  }
0x7b: {  	_ =	shalt  }
0x7c: {  	_ =	shalt  }
0x7d: {  	_ =	shalt  }
0x7e: {  	_ =	shalt  }
0x7f: {  	_ =	shalt  }
0x80: {  	_ =	shalt  }
0x81: {  	_ =	shalt  }
0x82: {  	_ =	shalt  }
0x83: {  	_ =	shalt  }
0x84: {  	_ =	shalt  }
0x85: {  	_ =	shalt  }
0x86: {  	_ =	shalt  }
0x87: {  	_ =	shalt  }
.Lfunc_end0:
.L_simem_size_0:
called_computation.3_lowered:
.L_overlay_start_0:
0x88: {  	s2 =	sld [smem:$0x3FD9]  }
0x89: {  	s3 =	sld [smem:$0x3FFE];
	_ =	sdelay $0x1  }
0x8a: {  	s1 =	srdreg.scid  }
0x8b: {  	s0 =	sand.u32 $0x1, s1  }
0x8c: {  	s17 =	sshll.u32 s0, $0xA;
	s2 =	sadd.s32 s3, s2  }
0x8d: {  	s2 =	sadd.s32 s2, s17  }
0x8e: {  	[smem:$0x3FB7] =	sst s2  }
0x8f: {  	_ = 	snop  }
0x90: {  	(tm) =	ssettm $0x1  }
0x91: {  	s18 =	sld [smem:$0x3FFB];
	_ =	sdelay $0x3  }
0x92: {  	_ =	strace s18  }
0x93: {  	s2 =	sld [smem:$0x3FFC];
	_ =	sdelay $0x3  }
0x94: {  	_ =	strace s2  }
0x95: {  	s2 =	sld [smem:$0x3FFD];
	_ =	sdelay $0x3  }
0x96: {  	_ =	strace s2  }
0x97: {  	_ =	strace $0x8FFFFFFF  }
0x98: {  	s19 =	sld [smem:$0x3FDB];
	_ =	sdelay $0x1  }
0x99: {  	s20 =	simm.s32 $_scs_section_size  }
0x9a: {  	s4 =	simm.s32 $_size__tile_overlayer_lowered;
	s5 =	simm.s32 $_tile_overlayer_lowered  }
0x9b: {  	s6 =	simm.s32 $0x1BFF;
	s21 =	sshll.u32 s5, $0x1;
	s3 =	sadd.s32 s20, s19  }
0x9c: {  	s22 =	simm.s32 $0x0;
	s4 =	sshll.u32 s4, $0x1;
	s5 =	sadd.s32 s21, s3  }
0x9d: {  	[timem:s22], [sflag:s6] =	dma.local [hbm:s5], s4  }
0x9e: {  	_ =	swait.ge [sflag:s6], s4  }
0x9f: {  	s4 =	ssub.s32 $0x0, s4;
	[sflag:s6] =	ssyncset.done $0x0  }
0xa0: {  	[sflag:s6] =	ssyncadd.s32 s4;
	_ =	sdelay $0x1  }
0xa1: {  	s23 =	simm.s32 $0x1B8B  }
0xa2: {  	_ =	swait.ge [sflag:s23], $0x1  }
0xa3: {  	[sflag:s23] =	ssyncset.done $0x0  }
0xa4: {  	[sflag:s23] =	ssyncadd.s32 $0xFFFFFFFF  }
0xa5: {  	s4 =	sld [smem:$0x0]  }
0xa6: {  	s5 =	sand.u32 $0xFFFFFFFE, s1  }
0xa7: {  	p0 =	sne.s32 s1, s5  }
0xa8: {  	s5 =	sshll.u32 @p0 s5, $0xE  }
0xa9: {  	s5 =	sadd.s32 @p0 $0x11B8D, s5;
	s6 =	sshll.u32 @p0 s4, $0x11  }
0xaa: {  	s5 =	sor.u32 @p0 s6, s5  }
0xab: {  	[sflag:s5] =	ssyncadd.remote.s32 @p0 $0x1;
	_ =	sdelay $0x1  }
0xac: {  	s5 =	simm.s32 @p0 $0x1B8D  }
0xad: {  	_ =	swait.eq @p0 [sflag:s5], $0x1  }
0xae: {  	[sflag:s5] =	ssyncadd.s32 @p0 $0xFFFFFFFF  }
0xaf: {  	s6 =	sshll.u32 @!p0 s1, $0xE  }
0xb0: {  	s6 =	sor.u32 @!p0 $0x4000, s6;
	s5 =	simm.s32 @!p0 $0x1B8D  }
0xb1: {  	s4 =	sshll.u32 @!p0 s4, $0x11;
	s6 =	sadd.s32 @!p0 $0x11B8D, s6;
	_ =	swait.eq @!p0 [sflag:s5], $0x1  }
0xb2: {  	s4 =	sor.u32 @!p0 s4, s6;
	[sflag:s5] =	ssyncadd.s32 @!p0 $0xFFFFFFFF  }
0xb3: {  	s25 =	simm.s32 $0x1B8E;
	s24 =	sld [smem:$0x3FFE];
	[sflag:s4] =	ssyncadd.remote.s32 @!p0 $0x1  }
0xb4: {  	s26 =	simm.s32 $execute0_lowered;
	[smem:$0x3FD2] =	sst s25  }
0xb5: {  	s5 =	sshll.u32 s26, $0x1;
	_ =	strace $0x80000058;
	[dreg:$0x1] =	wrdreg $0xFFFFFFFF  }
0xb6: {  	s28 =	simm.s32 $_size_execute0_lowered;
	s3 =	sadd.s32 s3, s5;
	[dreg:$0x0] =	wrdreg $0x0  }
0xb7: {  	s5 =	sshll.u32 s28, $0x1;
	[dreg:$0x2] =	wrdreg s3  }
0xb8: {  	[dreg:$0x3] =	wrdreg s5  }
0xb9: {  	[dreg:$0x4] =	wrdreg $0xC0  }
0xba: {  	_ =	task [dreg:s22], $0x5FFFF  }
0xbb: {  	[dreg:$0x1] =	wrdreg $0xFFFFFFFF  }
0xbc: {  	[dreg:$0x0] =	wrdreg $0x60  }
0xbd: {  	[dreg:$0x2] =	wrdreg s24  }
0xbe: {  	[dreg:$0x3] =	wrdreg $0x9  }
0xbf: {  	_ =	task.clear_ibuf [dreg:s22], $0x4FFFF;
	_ =	strace $0x90000058  }
0xc0: {  	s29 =	simm.s32 $0x9;
	_ =	strace $0x8000005A  }
0xc1: {  	_ =	swait.ge [sflag:s29], $0x1  }
0xc2: {  	[sflag:s29] =	ssyncadd.s32 $0xFFFFFFFF  }
0xc3: {  	_ =	strace $0x9000005A  }
0xc4: {  	_ =	sfence  }
0xc5: {  	s30 =	sld [smem:$0x0];
	_ =	sdelay $0x2  }
0xc6: {  	s31 =	sshll.u32 s1, $0xD;
	s1 =	sshrl.u32 s1, $0x2  }
0xc7: {  	s4 =	sand.u32 $0x4000, s31;
	s1 =	sadd.s32 s1, s30  }
0xc8: {  	s0 =	sor.u32 s4, s0;
	s1 =	sshll.u32 s1, $0x11  }
0xc9: {  	s0 =	sor.u32 s1, s0  }
0xca: {  	s0 =	sadd.s32 $0x8F2B, s0  }
0xcb: {  	[sflag:s0] =	ssyncadd.remote.s32 $0x1  }
0xcc: {  	_ =	sfence.sel $0xFFFF  }
0xcd: {  	[dreg:$0x0] =	wrdreg $0xFFFFFFFF;
	(pc) =	sbr.abs _section_cstart, $3  }
0xce: {  	[dreg:$0x1] =	wrdreg $0xFFFFFFFF  }
0xcf: {  	_ =	task.clear_ibuf [dreg:s22], $0x2FFFF;
	_ =	strace $0x9FFFFFFF  }
0xd0: {  	(tm) =	ssettm $0x7FFFFFFF  }
0xd1: {  	_ =	shalt  }
tec
execute0_lowered:
.L_overlay_start_1:
0x0: {  	(tag) =	ssettag $0x1  }
0x1: {  	s1 =	srdreg.scid  }
0x2: {  	s0 =	stileid.u32;
	s4 =	rddreg [dreg:$0x0];
	s2 =	simm.s32 $0x0  }
0x3: {  	s14 =	simm.s32 $0x1;
	s15 =	simm.s32 $0x2;
	s12 =	smul.u32 $0x14000, s0  }
0x4: {  	s16 =	simm.s32 $0x0;
	s7 =	sand.u32 $0x1, s1;
	s24 =	smul.u32 $0xA0000, s0  }
0x5: {  	s3 =	sshll.u32 s0, $0x1;
	[smem:$0x7FF] =	sst s2;
	s26 =	smul.u32 $0x50000, s7  }
0x6: {  	s11 =	sadd.s32 $0x189A00, s4;
	s5 =	sor.u32 s7, s3;
	s13 =	smul.u32 $0xA000, s7  }
0x7: {  	s1 =	rddreg [dreg:$0x1];
	_ =	strace $0x80000059;
	s6 =	smul.u32 $0x140, s5  }
0x8: {  	s3 =	sadd.s32 $0x14A00, s4;
	s9 =	ssub.s32 $0x2, s7;
	s8 =	smul.u32 $0x50000, s5  }
0x9: {  	s10 =	smul.u32 $0xA000, s5;
	s22 =	sshrl.u32 s9, $0x1;
	s29 =	sadd.s32 s12, s11  }
0xa: {  	s12 =	simm.s32 $0xA00;
	s23 =	ssub.s32 s9, s22;
	s30 =	sadd.s32 s13, s29  }
0xb: {  	s13 =	simm.s32 $0x4A00;
	s6 =	sadd.s32 s6, s4;
	s8 =	sshrl.u32 s8, $0x3  }
0xc: {  	s5 =	smax.u32 s23, $0x1;
	s28 =	sadd.s32 s10, s11;
	s10 =	simm.s32 $0x3  }
0xd: {  	s4 =	sadd.s32 $0x24A00, s6;
	s25 =	sadd.s32 s11, s8;
	s8 =	sadd.s32 s26, s24  }
0xe: {  	s7 =	sadd.s32 $0x9800, s28;
	s6 =	sadd.s32 $0x9000, s25;
	s31 =	sshrl.u32 s8, $0x3  }
0xf: {  	s8 =	sadd.s32 $0x800, s30;
	s9 =	sadd.s32 s31, s11;
	s11 =	simm.s32 $0x80  }
.LBB2_1:
0x10: {  	[tilespmem:s2], [sflag:$0x3] =	stream.linear.gather [hbm4b:s4+s2], $0xA00, $0x38;
	[tilespmem:$0x8A00] =	vst v63  }
0x11: {  	_ =	swait.ge [sflag:s10], $0xA00  }
0x12: {  	[sflag:s10] =	ssyncset.done $0x0  }
0x13: {  	[sflag:s10] =	ssyncadd.s32 $0xFFFFF600  }
0x14: {  	[tilespmem:s12], [sflag:$0x1] =	stream.indirect.gather [hbm4b:s3+s11], $0x80, s2, s11, $0xb8;
	[tilespmem:$0x8A00] =	vst v63  }
0x15: {  	_ = 	snop  }
0x16: {  	[tilespmem:s13], [sflag:$0x2] =	stream.indirect.gather [hbm4b:s3+s11], $0x80, s11, s11, $0xb8;
	[tilespmem:$0x8A00] =	vst v63  }
0x17: {  	_ =	swait.ge [sflag:s14], $0x4000  }
0x18: {  	[sflag:s14] =	ssyncset.done $0x0  }
0x19: {  	s17 =	sadd.s32 $0x0, s9;
	[sflag:s14] =	ssyncadd.s32 $0xFFFFC000  }
0x1a: {  	[hbm4b:s17+s2] =	stream.linear.scatter [tilespmem:s12], [sflag:$0x3], $0x4000, $0x38;
	[tilespmem:$0x8A00] =	vst v63  }
0x1b: {  	_ =	swait.ge [sflag:s10], $0x4000  }
0x1c: {  	[sflag:s10] =	ssyncset.done $0x0  }
0x1d: {  	s30 =	simm.s32 $0x100;
	[sflag:s10] =	ssyncadd.s32 $0xFFFFC000  }
0x1e: {  	[tilespmem:s12], [sflag:$0x1] =	stream.indirect.gather [hbm4b:s3+s11], $0x80, s30, s11, $0xb8;
	[tilespmem:$0x8A00] =	vst v63  }
0x1f: {  	_ =	swait.ge [sflag:s15], $0x4000  }
0x20: {  	[sflag:s15] =	ssyncset.done $0x0  }
0x21: {  	s31 =	sadd.s32 $0x0, s8;
	[sflag:s15] =	ssyncadd.s32 $0xFFFFC000  }
0x22: {  	[hbm4b:s31+s2] =	stream.linear.scatter [tilespmem:s13], [sflag:$0x3], $0x4000, $0x38;
	[tilespmem:$0x8A00] =	vst v63  }
0x23: {  	_ =	swait.ge [sflag:s10], $0x4000  }
0x24: {  	s18 =	simm.s32 $0x1000;
	[sflag:s10] =	ssyncset.done $0x0  }
0x25: {  	s19 =	simm.s32 $0x280;
	s17 =	simm.s32 $0x180;
	[sflag:s10] =	ssyncadd.s32 $0xFFFFC000  }
.LBB2_2:
0x26: {  	[tilespmem:s13], [sflag:$0x2] =	stream.indirect.gather [hbm4b:s3+s11], $0x80, s17, s11, $0xb8;
	[tilespmem:$0x8A00] =	vst v63  }
0x27: {  	s20 =	smov.u32 s18;
	s17 =	smov.u32 s19  }
0x28: {  	p0 =	sne.s32 s18, $0x8000;
	s18 =	sadd.s32 $0x1000, s18;
	_ =	swait.ge [sflag:s14], $0x4000  }
0x29: {  	[sflag:s14] =	ssyncset.done $0x0  }
0x2a: {  	s21 =	sadd.s32 s20, s9;
	[sflag:s14] =	ssyncadd.s32 $0xFFFFC000  }
0x2b: {  	[hbm4b:s21+s2] =	stream.linear.scatter [tilespmem:s12], [sflag:$0x3], $0x4000, $0x38;
	[tilespmem:$0x8A00] =	vst v63  }
0x2c: {  	_ =	swait.ge [sflag:s10], $0x4000  }
0x2d: {  	[sflag:s10] =	ssyncset.done $0x0  }
0x2e: {  	s21 =	sadd.s32 $0xFFFFFF80, s19;
	[sflag:s10] =	ssyncadd.s32 $0xFFFFC000  }
0x2f: {  	[tilespmem:s12], [sflag:$0x1] =	stream.indirect.gather [hbm4b:s3+s11], $0x80, s21, s11, $0xb8;
	[tilespmem:$0x8A00] =	vst v63  }
0x30: {  	_ =	swait.ge [sflag:s15], $0x4000  }
0x31: {  	[sflag:s15] =	ssyncset.done $0x0  }
.Ltmp0:
0x32: {  	s20 =	sadd.s32 s20, s8;
	[sflag:s15] =	ssyncadd.s32 $0xFFFFC000;
	(pc) =	sbr.rel @p0 .LBB2_2-.Ltmp0, $4  }
0x33: {  	[hbm4b:s20+s2] =	stream.linear.scatter [tilespmem:s13], [sflag:$0x3], $0x4000, $0x38;
	[tilespmem:$0x8A00] =	vst v63  }
0x34: {  	_ =	swait.ge [sflag:s10], $0x4000  }
0x35: {  	[sflag:s10] =	ssyncset.done $0x0  }
0x36: {  	s19 =	sadd.s32 $0x100, s19;
	[sflag:s10] =	ssyncadd.s32 $0xFFFFC000  }
0x37: {  	[tilespmem:s13], [sflag:$0x2] =	stream.indirect.gather [hbm4b:s3+s11], $0x80, s17, s11, $0xb8;
	[tilespmem:$0x8A00] =	vst v63  }
0x38: {  	_ =	swait.ge [sflag:s14], $0x4000  }
0x39: {  	[sflag:s14] =	ssyncset.done $0x0  }
0x3a: {  	[sflag:s14] =	ssyncadd.s32 $0xFFFFC000  }
0x3b: {  	[hbm4b:s6+s2] =	stream.linear.scatter [tilespmem:s12], [sflag:$0x3], $0x4000, $0x38;
	[tilespmem:$0x8A00] =	vst v63  }
0x3c: {  	_ =	swait.ge [sflag:s10], $0x4000  }
0x3d: {  	[sflag:s10] =	ssyncset.done $0x0  }
0x3e: {  	[sflag:s10] =	ssyncadd.s32 $0xFFFFC000  }
0x3f: {  	s16 =	sadd.s32 $0x1, s16;
	_ =	swait.ge [sflag:s15], $0x4000  }
0x40: {  	p0 =	sne.s32 s16, s5;
	[sflag:s15] =	ssyncset.done $0x0  }
.Ltmp1:
0x41: {  	[sflag:s15] =	ssyncadd.s32 $0xFFFFC000;
	(pc) =	sbr.rel @p0 .LBB2_1-.Ltmp1, $4  }
0x42: {  	[hbm4b:s7+s2] =	stream.linear.scatter [tilespmem:s13], [sflag:$0x3], $0x4000, $0x38;
	[tilespmem:$0x8A00] =	vst v63  }
0x43: {  	_ =	swait.ge [sflag:s10], $0x4000  }
0x44: {  	[sflag:s10] =	ssyncset.done $0x0  }
0x45: {  	[sflag:s10] =	ssyncadd.s32 $0xFFFFC000  }
0x46: {  	_ =	sfence.sel $0x180000  }
0x47: {  	[bflag:$0x0] =	sbarrier.arrive $0xFFFF  }
0x48: {  	p0 =	sne.s32 s0, $0x0;
	_ =	strace $0x90000059  }
0x49: {  	s0 =	sadd.s32 @!p0 $0x100000, s1;
	[bflag:$0x2] =	sbarrier.arrive $0xFFFF  }
0x4a: {  	[sflag:s0] =	ssyncadd.tile.s32 @!p0 $0x1;
	_ =	shalt  }
.Lfunc_end2:
_tile_overlayer_lowered:
.L_overlay_start_2:
0x4b: {  	(tag) =	ssettag $0x2  }
0x4c: {  	s0 =	rddreg [dreg:$0x0];
	s2 =	stileid.u32  }
0x4d: {  	s1 =	rddreg [dreg:$0x1];
	p0 =	sne.s32 s2, $0x0  }
0x4e: {  	s3 =	rddreg [dreg:$0x2];
	[bflag:$0x3] =	sbarrier.arrive $0xFFFF;
	s2 =	simm.s32 @!p0 $0x1C03  }
0x4f: {  	[timem:s3], [sflag:s2] =	dma.local @!p0 [hbm:s0], s1  }
0x50: {  	s0 =	simm.s32 @!p0 $0x3  }
0x51: {  	_ =	swait.ge @!p0 [sflag:s0], s1  }
0x52: {  	s1 =	ssub.s32 @!p0 $0x0, s1;
	[sflag:s0] =	ssyncset.done @!p0 $0x0  }
0x53: {  	[sflag:s0] =	ssyncadd.s32 @!p0 s1  }
0x54: {  	[bflag:$0x3] =	sbarrier.arrive $0xFFFF  }
0x55: {  	_ =	shalt  }

// kernel: kernel.39.cloned.1.call-start
scs
__scs_entry_jumppad:
0x0: {  	(pc) =	sbr.rel $0x88, $3  }
0x1: {  	(tag) =	ssettag $0x0;
	lr =	simm.s32 $0x1  }
0x2: {  	[smem:$0x3F90] =	sst lr;
	_ =	strace $0xD0000000  }
0x3: {  	_ = 	snop  }
0x4: {  	_ = 	snop  }
0x5: {  	_ = 	snop  }
0x6: {  	_ = 	snop  }
0x7: {  	_ = 	snop  }
__scs_overlays_trampoline_lowered:
0x8: {  	[smem:$0x3F9F] =	sst s0  }
0x9: {  	[smem:$0x3FA0] =	sst s1  }
0xa: {  	[smem:$0x3FA1] =	sst s2  }
0xb: {  	[smem:$0x3FA2] =	sst s3  }
0xc: {  	[smem:$0x3FA3] =	sst s4  }
0xd: {  	[smem:$0x3FA4] =	sst s5  }
0xe: {  	[smem:$0x3FA5] =	sst s6  }
0xf: {  	[smem:$0x3FA6] =	sst s7  }
0x10: {  	[smem:$0x3FA7] =	sst s8  }
0x11: {  	[smem:$0x3FA8] =	sst s9;
	s0 =	simm.s32 @!p0 $0x0  }
0x12: {  	s1 =	sld [smem:$0x3F8E];
	s0 =	simm.s32 @p0 $0x1  }
0x13: {  	[smem:$0x3FA9] =	sst s0;
	s0 =	simm.s32 @!p1 $0x0  }
0x14: {  	s2 =	sld [smem:$0x3F8D];
	s0 =	simm.s32 @p1 $0x1  }
0x15: {  	[smem:$0x3FAA] =	sst s0;
	s0 =	simm.s32 @!p2 $0x0  }
0x16: {  	s3 =	sld [smem:$0x3FDB];
	s0 =	simm.s32 @p2 $0x1  }
0x17: {  	s4 =	simm.s32 $0x1BF5;
	[smem:$0x3FAC] =	sst s0  }
0x18: {  	s0 =	sld [smem:$0x3F8F];
	_ =	swait.ge [sflag:s4], $0x0  }
0x19: {  	s7 =	sld [smem:$0x3F90]  }
0x1a: {  	s8 =	sadd.s32 $0xFFFFE003, lr  }
0x1b: {  	s9 =	sadd.s32 $0xFFFFFEF7, lr;
	s5 =	simm.s32 $0xFFFFFFFF;
	p2 =	slt.u32 s8, $0xFFFFF086  }
0x1c: {  	p1 =	slt.u32 s9, $0xF7A;
	s5 =	simm.s32 @!p2 $0x0  }
0x1d: {  	s5 =	simm.s32 @p1 $0x1;
	p0 =	seq.s32 s7, s2  }
0x1e: {  	s7 =	smul.u32 @!p0 $0xF7A, s2;
	p2 =	seq.s32 @!p0 s5, $0x0  }
0x1f: {  	s9 =	smul.u32 $0xF7A, s1;
	s8 =	simm.s32 @!p0 $0x1BF5;
	p2 =	por !p2, p0  }
0x20: {  	[sflag:s8] =	ssyncset.s32 @!p0 $0xFFFFF086;
	s6 =	sadd.s32 @!p0 s3, s7;
	s7 =	simm.s32 @!p0 $0x108  }
0x21: {  	s3 =	sadd.s32 s3, s9;
	s6 =	sadd.s32 @!p0 $0x88, s6;
	s7 =	simm.s32 @p2 $0x1082  }
0x22: {  	[simem:s7], [sflag:s8] =	dma.local @!p0 [hbm:s6], $0xF7A  }
0x23: {  	s9 =	sor.u32 $0xD0000000, s2;
	s6 =	simm.s32 $0x108;
	_ =	swait.ge @!p0 [sflag:s8], $0x0  }
0x24: {  	s3 =	sadd.s32 $0x88, s3;
	s6 =	simm.s32 @!p1 $0x1082;
	[sflag:s4] =	ssyncset.s32 $0xFFFFF086  }
0x25: {  	[simem:s6], [sflag:s4] =	dma.local [hbm:s3], $0xF7A  }
0x26: {  	[smem:$0x3F90] =	sst s1;
	(tag) =	ssettag s2;
	_ =	strace s9  }
0x27: {  	s1 =	sld [smem:$0x3FA0]  }
0x28: {  	s2 =	sld [smem:$0x3FA1]  }
0x29: {  	s4 =	sld [smem:$0x3FA3]  }
0x2a: {  	p0 =	seq.s32 s5, $0x0;
	s5 =	sld [smem:$0x3FA4]  }
0x2b: {  	s6 =	sld [smem:$0x3FA5]  }
0x2c: {  	s7 =	sld [smem:$0x3FA6]  }
0x2d: {  	s3 =	simm.s32 $0x108;
	s8 =	sld [smem:$0x3FA7]  }
0x2e: {  	s3 =	simm.s32 @!p0 $0x1082;
	s9 =	sld [smem:$0x3FA8]  }
0x2f: {  	lr =	sadd.s32 s0, s3;
	s0 =	sld [smem:$0x3F9F]  }
0x30: {  	s3 =	sld [smem:$0x3FA2]  }
0x31: {  	[smem:$0x3FAB] =	sst s10  }
0x32: {  	s10 =	sld [smem:$0x3FA9];
	_ =	sdelay $0x3  }
0x33: {  	p0 =	seq.s32 s10, $0x1;
	s10 =	sld [smem:$0x3FAB];
	_ =	sdelay $0x3  }
0x34: {  	[smem:$0x3FAB] =	sst s10  }
0x35: {  	s10 =	sld [smem:$0x3FAA];
	_ =	sdelay $0x3  }
0x36: {  	p1 =	seq.s32 s10, $0x1;
	s10 =	sld [smem:$0x3FAB];
	_ =	sdelay $0x3  }
0x37: {  	[smem:$0x3FAB] =	sst s10  }
0x38: {  	s10 =	sld [smem:$0x3FAC]  }
0x39: {  	_ = 	snop;
	(pc) =	sbr.ind lr, $3  }
0x3a: {  	_ = 	snop  }
0x3b: {  	_ = 	snop  }
0x3c: {  	p2 =	seq.s32 s10, $0x1;
	s10 =	sld [smem:$0x3FAB]  }
0x3d: {  	_ =	shalt  }
0x3e: {  	_ =	shalt  }
0x3f: {  	_ =	shalt  }
0x40: {  	_ =	shalt  }
0x41: {  	_ =	shalt  }
0x42: {  	_ =	shalt  }
0x43: {  	_ =	shalt  }
0x44: {  	_ =	shalt  }
0x45: {  	_ =	shalt  }
0x46: {  	_ =	shalt  }
0x47: {  	_ =	shalt  }
0x48: {  	_ =	shalt  }
0x49: {  	_ =	shalt  }
0x4a: {  	_ =	shalt  }
0x4b: {  	_ =	shalt  }
0x4c: {  	_ =	shalt  }
0x4d: {  	_ =	shalt  }
0x4e: {  	_ =	shalt  }
0x4f: {  	_ =	shalt  }
0x50: {  	_ =	shalt  }
0x51: {  	_ =	shalt  }
0x52: {  	_ =	shalt  }
0x53: {  	_ =	shalt  }
0x54: {  	_ =	shalt  }
0x55: {  	_ =	shalt  }
0x56: {  	_ =	shalt  }
0x57: {  	_ =	shalt  }
0x58: {  	_ =	shalt  }
0x59: {  	_ =	shalt  }
0x5a: {  	_ =	shalt  }
0x5b: {  	_ =	shalt  }
0x5c: {  	_ =	shalt  }
0x5d: {  	_ =	shalt  }
0x5e: {  	_ =	shalt  }
0x5f: {  	_ =	shalt  }
0x60: {  	_ =	shalt  }
0x61: {  	_ =	shalt  }
0x62: {  	_ =	shalt  }
0x63: {  	_ =	shalt  }
0x64: {  	_ =	shalt  }
0x65: {  	_ =	shalt  }
0x66: {  	_ =	shalt  }
0x67: {  	_ =	shalt  }
0x68: {  	_ =	shalt  }
0x69: {  	_ =	shalt  }
0x6a: {  	_ =	shalt  }
0x6b: {  	_ =	shalt  }
0x6c: {  	_ =	shalt  }
0x6d: {  	_ =	shalt  }
0x6e: {  	_ =	shalt  }
0x6f: {  	_ =	shalt  }
0x70: {  	_ =	shalt  }
0x71: {  	_ =	shalt  }
0x72: {  	_ =	shalt  }
0x73: {  	_ =	shalt  }
0x74: {  	_ =	shalt  }
0x75: {  	_ =	shalt  }
0x76: {  	_ =	shalt  }
0x77: {  	_ =	shalt  }
0x78: {  	_ =	shalt  }
0x79: {  	_ =	shalt  }
0x7a: {  	_ =	shalt  }
0x7b: {  	_ =	shalt  }
0x7c: {  	_ =	shalt  }
0x7d: {  	_ =	shalt  }
0x7e: {  	_ =	shalt  }
0x7f: {  	_ =	shalt  }
0x80: {  	_ =	shalt  }
0x81: {  	_ =	shalt  }
0x82: {  	_ =	shalt  }
0x83: {  	_ =	shalt  }
0x84: {  	_ =	shalt  }
0x85: {  	_ =	shalt  }
0x86: {  	_ =	shalt  }
0x87: {  	_ =	shalt  }
.Lfunc_end0:
.L_simem_size_0:
called_computation.4_lowered:
.L_overlay_start_0:
0x88: {  	s2 =	sld [smem:$0x3FD9]  }
0x89: {  	s3 =	sld [smem:$0x3FFE];
	_ =	sdelay $0x1  }
0x8a: {  	s1 =	srdreg.scid  }
0x8b: {  	s0 =	sand.u32 $0x1, s1  }
0x8c: {  	s17 =	sshll.u32 s0, $0xA;
	s2 =	sadd.s32 s3, s2  }
0x8d: {  	s2 =	sadd.s32 s2, s17  }
0x8e: {  	[smem:$0x3FB7] =	sst s2  }
0x8f: {  	_ = 	snop  }
0x90: {  	(tm) =	ssettm $0x1  }
0x91: {  	s18 =	sld [smem:$0x3FFB];
	_ =	sdelay $0x3  }
0x92: {  	_ =	strace s18  }
0x93: {  	s2 =	sld [smem:$0x3FFC];
	_ =	sdelay $0x3  }
0x94: {  	_ =	strace s2  }
0x95: {  	s2 =	sld [smem:$0x3FFD];
	_ =	sdelay $0x3  }
0x96: {  	_ =	strace s2  }
0x97: {  	_ =	strace $0x8FFFFFFF  }
0x98: {  	s19 =	sld [smem:$0x3FDB];
	_ =	sdelay $0x1  }
0x99: {  	s20 =	simm.s32 $_scs_section_size  }
0x9a: {  	s4 =	simm.s32 $_size__tile_overlayer_lowered;
	s5 =	simm.s32 $_tile_overlayer_lowered  }
0x9b: {  	s6 =	simm.s32 $0x1BFF;
	s21 =	sshll.u32 s5, $0x1;
	s3 =	sadd.s32 s20, s19  }
0x9c: {  	s22 =	simm.s32 $0x0;
	s4 =	sshll.u32 s4, $0x1;
	s5 =	sadd.s32 s21, s3  }
0x9d: {  	[timem:s22], [sflag:s6] =	dma.local [hbm:s5], s4  }
0x9e: {  	_ =	swait.ge [sflag:s6], s4  }
0x9f: {  	s4 =	ssub.s32 $0x0, s4;
	[sflag:s6] =	ssyncset.done $0x0  }
0xa0: {  	[sflag:s6] =	ssyncadd.s32 s4;
	_ =	sdelay $0x1  }
0xa1: {  	s23 =	simm.s32 $0x1B8B  }
0xa2: {  	_ =	swait.ge [sflag:s23], $0x1  }
0xa3: {  	[sflag:s23] =	ssyncset.done $0x0  }
0xa4: {  	[sflag:s23] =	ssyncadd.s32 $0xFFFFFFFF  }
0xa5: {  	s4 =	sld [smem:$0x0]  }
0xa6: {  	s5 =	sand.u32 $0xFFFFFFFE, s1  }
0xa7: {  	p0 =	sne.s32 s1, s5  }
0xa8: {  	s5 =	sshll.u32 @p0 s5, $0xE  }
0xa9: {  	s5 =	sadd.s32 @p0 $0x11B8D, s5;
	s6 =	sshll.u32 @p0 s4, $0x11  }
0xaa: {  	s5 =	sor.u32 @p0 s6, s5  }
0xab: {  	[sflag:s5] =	ssyncadd.remote.s32 @p0 $0x1;
	_ =	sdelay $0x1  }
0xac: {  	s5 =	simm.s32 @p0 $0x1B8D  }
0xad: {  	_ =	swait.eq @p0 [sflag:s5], $0x1  }
0xae: {  	[sflag:s5] =	ssyncadd.s32 @p0 $0xFFFFFFFF  }
0xaf: {  	s6 =	sshll.u32 @!p0 s1, $0xE  }
0xb0: {  	s6 =	sor.u32 @!p0 $0x4000, s6;
	s5 =	simm.s32 @!p0 $0x1B8D  }
0xb1: {  	s4 =	sshll.u32 @!p0 s4, $0x11;
	s6 =	sadd.s32 @!p0 $0x11B8D, s6;
	_ =	swait.eq @!p0 [sflag:s5], $0x1  }
0xb2: {  	s4 =	sor.u32 @!p0 s4, s6;
	[sflag:s5] =	ssyncadd.s32 @!p0 $0xFFFFFFFF  }
0xb3: {  	s25 =	simm.s32 $0x1B8E;
	s24 =	sld [smem:$0x3FFE];
	[sflag:s4] =	ssyncadd.remote.s32 @!p0 $0x1  }
0xb4: {  	s26 =	simm.s32 $execute0_lowered;
	[smem:$0x3FD2] =	sst s25  }
0xb5: {  	s5 =	sshll.u32 s26, $0x1;
	_ =	strace $0x80000049;
	[dreg:$0x1] =	wrdreg $0xFFFFFFFF  }
0xb6: {  	s28 =	simm.s32 $_size_execute0_lowered;
	s3 =	sadd.s32 s3, s5;
	[dreg:$0x0] =	wrdreg $0x0  }
0xb7: {  	s5 =	sshll.u32 s28, $0x1;
	[dreg:$0x2] =	wrdreg s3  }
0xb8: {  	[dreg:$0x3] =	wrdreg s5  }
0xb9: {  	[dreg:$0x4] =	wrdreg $0xC0  }
0xba: {  	_ =	task [dreg:s22], $0x5FFFF  }
0xbb: {  	[dreg:$0x1] =	wrdreg $0xFFFFFFFF  }
0xbc: {  	[dreg:$0x0] =	wrdreg $0x60  }
0xbd: {  	[dreg:$0x2] =	wrdreg s24  }
0xbe: {  	[dreg:$0x3] =	wrdreg $0xA  }
0xbf: {  	_ =	task.clear_ibuf [dreg:s22], $0x4FFFF;
	_ =	strace $0x90000049  }
0xc0: {  	s29 =	simm.s32 $0xA;
	_ =	strace $0x8000004B  }
0xc1: {  	_ =	swait.ge [sflag:s29], $0x1  }
0xc2: {  	[sflag:s29] =	ssyncadd.s32 $0xFFFFFFFF  }
0xc3: {  	_ =	strace $0x9000004B  }
0xc4: {  	_ =	sfence  }
0xc5: {  	s30 =	sld [smem:$0x0];
	_ =	sdelay $0x2  }
0xc6: {  	s31 =	sshll.u32 s1, $0xD;
	s1 =	sshrl.u32 s1, $0x2  }
0xc7: {  	s4 =	sand.u32 $0x4000, s31;
	s1 =	sadd.s32 s1, s30  }
0xc8: {  	s0 =	sor.u32 s4, s0;
	s1 =	sshll.u32 s1, $0x11  }
0xc9: {  	s0 =	sor.u32 s1, s0  }
0xca: {  	s0 =	sadd.s32 $0x8F2B, s0  }
0xcb: {  	[sflag:s0] =	ssyncadd.remote.s32 $0x1  }
0xcc: {  	_ =	sfence.sel $0xFFFF  }
0xcd: {  	[dreg:$0x0] =	wrdreg $0xFFFFFFFF;
	(pc) =	sbr.abs _section_cstart, $3  }
0xce: {  	[dreg:$0x1] =	wrdreg $0xFFFFFFFF  }
0xcf: {  	_ =	task.clear_ibuf [dreg:s22], $0x2FFFF;
	_ =	strace $0x9FFFFFFF  }
0xd0: {  	(tm) =	ssettm $0x7FFFFFFF  }
0xd1: {  	_ =	shalt  }
tec
execute0_lowered:
.L_overlay_start_1:
0x0: {  	(tag) =	ssettag $0x1  }
0x1: {  	s4 =	rddreg [dreg:$0x0]  }
0x2: {  	s0 =	rddreg [dreg:$0x1]  }
0x3: {  	s3 =	srdreg.scid;
	s1 =	stileid.u32  }
0x4: {  	s2 =	simm.s32 $0x0;
	s14 =	simm.s32 $0x1;
	s12 =	smul.u32 $0x14000, s1  }
0x5: {  	s15 =	simm.s32 $0x2;
	s7 =	sand.u32 $0x1, s3;
	s24 =	smul.u32 $0xA0000, s1  }
0x6: {  	s16 =	simm.s32 $0x0;
	s21 =	sshll.u32 s1, $0x1;
	s26 =	smul.u32 $0x50000, s7  }
0x7: {  	s3 =	sadd.s32 $0x157200, s4;
	s5 =	sor.u32 s7, s21;
	s13 =	smul.u32 $0xA000, s7  }
0x8: {  	[smem:$0x7FF] =	sst s2;
	s11 =	sadd.s32 $0x169A00, s4;
	s6 =	smul.u32 $0x140, s5  }
0x9: {  	_ =	strace $0x8000004A;
	s9 =	ssub.s32 $0x2, s7;
	s8 =	smul.u32 $0x50000, s5  }
0xa: {  	s10 =	smul.u32 $0xA000, s5;
	s22 =	sshrl.u32 s9, $0x1;
	s29 =	sadd.s32 s12, s11  }
0xb: {  	s12 =	simm.s32 $0xA00;
	s23 =	ssub.s32 s9, s22;
	s30 =	sadd.s32 s13, s29  }
0xc: {  	s13 =	simm.s32 $0x4A00;
	s6 =	sadd.s32 s6, s4;
	s8 =	sshrl.u32 s8, $0x3  }
0xd: {  	s5 =	smax.u32 s23, $0x1;
	s28 =	sadd.s32 s10, s11;
	s10 =	simm.s32 $0x3  }
0xe: {  	s4 =	sadd.s32 $0x167200, s6;
	s25 =	sadd.s32 s11, s8;
	s8 =	sadd.s32 s26, s24  }
0xf: {  	s7 =	sadd.s32 $0x9800, s28;
	s6 =	sadd.s32 $0x9000, s25;
	s31 =	sshrl.u32 s8, $0x3  }
0x10: {  	s8 =	sadd.s32 $0x800, s30;
	s9 =	sadd.s32 s31, s11;
	s11 =	simm.s32 $0x80  }
.LBB2_1:
0x11: {  	[tilespmem:s2], [sflag:$0x3] =	stream.linear.gather [hbm4b:s4+s2], $0xA00, $0x38;
	[tilespmem:$0x8A00] =	vst v63  }
0x12: {  	_ =	swait.ge [sflag:s10], $0xA00  }
0x13: {  	[sflag:s10] =	ssyncset.done $0x0  }
0x14: {  	[sflag:s10] =	ssyncadd.s32 $0xFFFFF600  }
0x15: {  	[tilespmem:s12], [sflag:$0x1] =	stream.indirect.gather [hbm4b:s3+s11], $0x80, s2, s11, $0xb8;
	[tilespmem:$0x8A00] =	vst v63  }
0x16: {  	_ = 	snop  }
0x17: {  	[tilespmem:s13], [sflag:$0x2] =	stream.indirect.gather [hbm4b:s3+s11], $0x80, s11, s11, $0xb8;
	[tilespmem:$0x8A00] =	vst v63  }
0x18: {  	_ =	swait.ge [sflag:s14], $0x4000  }
0x19: {  	[sflag:s14] =	ssyncset.done $0x0  }
0x1a: {  	s17 =	sadd.s32 $0x0, s9;
	[sflag:s14] =	ssyncadd.s32 $0xFFFFC000  }
0x1b: {  	[hbm4b:s17+s2] =	stream.linear.scatter [tilespmem:s12], [sflag:$0x3], $0x4000, $0x38;
	[tilespmem:$0x8A00] =	vst v63  }
0x1c: {  	_ =	swait.ge [sflag:s10], $0x4000  }
0x1d: {  	[sflag:s10] =	ssyncset.done $0x0  }
0x1e: {  	s30 =	simm.s32 $0x100;
	[sflag:s10] =	ssyncadd.s32 $0xFFFFC000  }
0x1f: {  	[tilespmem:s12], [sflag:$0x1] =	stream.indirect.gather [hbm4b:s3+s11], $0x80, s30, s11, $0xb8;
	[tilespmem:$0x8A00] =	vst v63  }
0x20: {  	_ =	swait.ge [sflag:s15], $0x4000  }
0x21: {  	[sflag:s15] =	ssyncset.done $0x0  }
0x22: {  	s31 =	sadd.s32 $0x0, s8;
	[sflag:s15] =	ssyncadd.s32 $0xFFFFC000  }
0x23: {  	[hbm4b:s31+s2] =	stream.linear.scatter [tilespmem:s13], [sflag:$0x3], $0x4000, $0x38;
	[tilespmem:$0x8A00] =	vst v63  }
0x24: {  	_ =	swait.ge [sflag:s10], $0x4000  }
0x25: {  	s18 =	simm.s32 $0x1000;
	[sflag:s10] =	ssyncset.done $0x0  }
0x26: {  	s19 =	simm.s32 $0x280;
	s17 =	simm.s32 $0x180;
	[sflag:s10] =	ssyncadd.s32 $0xFFFFC000  }
.LBB2_2:
0x27: {  	[tilespmem:s13], [sflag:$0x2] =	stream.indirect.gather [hbm4b:s3+s11], $0x80, s17, s11, $0xb8;
	[tilespmem:$0x8A00] =	vst v63  }
0x28: {  	s20 =	smov.u32 s18;
	s17 =	smov.u32 s19  }
0x29: {  	p0 =	sne.s32 s18, $0x8000;
	s18 =	sadd.s32 $0x1000, s18;
	_ =	swait.ge [sflag:s14], $0x4000  }
0x2a: {  	[sflag:s14] =	ssyncset.done $0x0  }
0x2b: {  	s21 =	sadd.s32 s20, s9;
	[sflag:s14] =	ssyncadd.s32 $0xFFFFC000  }
0x2c: {  	[hbm4b:s21+s2] =	stream.linear.scatter [tilespmem:s12], [sflag:$0x3], $0x4000, $0x38;
	[tilespmem:$0x8A00] =	vst v63  }
0x2d: {  	_ =	swait.ge [sflag:s10], $0x4000  }
0x2e: {  	[sflag:s10] =	ssyncset.done $0x0  }
0x2f: {  	s21 =	sadd.s32 $0xFFFFFF80, s19;
	[sflag:s10] =	ssyncadd.s32 $0xFFFFC000  }
0x30: {  	[tilespmem:s12], [sflag:$0x1] =	stream.indirect.gather [hbm4b:s3+s11], $0x80, s21, s11, $0xb8;
	[tilespmem:$0x8A00] =	vst v63  }
0x31: {  	_ =	swait.ge [sflag:s15], $0x4000  }
0x32: {  	[sflag:s15] =	ssyncset.done $0x0  }
.Ltmp0:
0x33: {  	s20 =	sadd.s32 s20, s8;
	[sflag:s15] =	ssyncadd.s32 $0xFFFFC000;
	(pc) =	sbr.rel @p0 .LBB2_2-.Ltmp0, $4  }
0x34: {  	[hbm4b:s20+s2] =	stream.linear.scatter [tilespmem:s13], [sflag:$0x3], $0x4000, $0x38;
	[tilespmem:$0x8A00] =	vst v63  }
0x35: {  	_ =	swait.ge [sflag:s10], $0x4000  }
0x36: {  	[sflag:s10] =	ssyncset.done $0x0  }
0x37: {  	s19 =	sadd.s32 $0x100, s19;
	[sflag:s10] =	ssyncadd.s32 $0xFFFFC000  }
0x38: {  	[tilespmem:s13], [sflag:$0x2] =	stream.indirect.gather [hbm4b:s3+s11], $0x80, s17, s11, $0xb8;
	[tilespmem:$0x8A00] =	vst v63  }
0x39: {  	_ =	swait.ge [sflag:s14], $0x4000  }
0x3a: {  	[sflag:s14] =	ssyncset.done $0x0  }
0x3b: {  	[sflag:s14] =	ssyncadd.s32 $0xFFFFC000  }
0x3c: {  	[hbm4b:s6+s2] =	stream.linear.scatter [tilespmem:s12], [sflag:$0x3], $0x4000, $0x38;
	[tilespmem:$0x8A00] =	vst v63  }
0x3d: {  	_ =	swait.ge [sflag:s10], $0x4000  }
0x3e: {  	[sflag:s10] =	ssyncset.done $0x0  }
0x3f: {  	[sflag:s10] =	ssyncadd.s32 $0xFFFFC000  }
0x40: {  	s16 =	sadd.s32 $0x1, s16;
	_ =	swait.ge [sflag:s15], $0x4000  }
0x41: {  	p0 =	sne.s32 s16, s5;
	[sflag:s15] =	ssyncset.done $0x0  }
.Ltmp1:
0x42: {  	[sflag:s15] =	ssyncadd.s32 $0xFFFFC000;
	(pc) =	sbr.rel @p0 .LBB2_1-.Ltmp1, $4  }
0x43: {  	[hbm4b:s7+s2] =	stream.linear.scatter [tilespmem:s13], [sflag:$0x3], $0x4000, $0x38;
	[tilespmem:$0x8A00] =	vst v63  }
0x44: {  	_ =	swait.ge [sflag:s10], $0x4000  }
0x45: {  	[sflag:s10] =	ssyncset.done $0x0  }
0x46: {  	[sflag:s10] =	ssyncadd.s32 $0xFFFFC000  }
0x47: {  	_ =	sfence.sel $0x180000  }
0x48: {  	[bflag:$0x0] =	sbarrier.arrive $0xFFFF  }
0x49: {  	p0 =	sne.s32 s1, $0x0;
	_ =	strace $0x9000004A  }
0x4a: {  	s0 =	sadd.s32 @!p0 $0x100000, s0;
	[bflag:$0x2] =	sbarrier.arrive $0xFFFF  }
0x4b: {  	[sflag:s0] =	ssyncadd.tile.s32 @!p0 $0x1;
	_ =	shalt  }
.Lfunc_end2:
_tile_overlayer_lowered:
.L_overlay_start_2:
0x4c: {  	(tag) =	ssettag $0x2  }
0x4d: {  	s0 =	rddreg [dreg:$0x0];
	s2 =	stileid.u32  }
0x4e: {  	s1 =	rddreg [dreg:$0x1];
	p0 =	sne.s32 s2, $0x0  }
0x4f: {  	s3 =	rddreg [dreg:$0x2];
	[bflag:$0x3] =	sbarrier.arrive $0xFFFF;
	s2 =	simm.s32 @!p0 $0x1C03  }
0x50: {  	[timem:s3], [sflag:s2] =	dma.local @!p0 [hbm:s0], s1  }
0x51: {  	s0 =	simm.s32 @!p0 $0x3  }
0x52: {  	_ =	swait.ge @!p0 [sflag:s0], s1  }
0x53: {  	s1 =	ssub.s32 @!p0 $0x0, s1;
	[sflag:s0] =	ssyncset.done @!p0 $0x0  }
0x54: {  	[sflag:s0] =	ssyncadd.s32 @!p0 s1  }
0x55: {  	[bflag:$0x3] =	sbarrier.arrive $0xFFFF  }
0x56: {  	_ =	shalt  }

// kernel: kernel.42.cloned.1.call-start
scs
__scs_entry_jumppad:
0x0: {  	(pc) =	sbr.rel $0x88, $3  }
0x1: {  	(tag) =	ssettag $0x0;
	lr =	simm.s32 $0x1  }
0x2: {  	[smem:$0x3F90] =	sst lr;
	_ =	strace $0xD0000000  }
0x3: {  	_ = 	snop  }
0x4: {  	_ = 	snop  }
0x5: {  	_ = 	snop  }
0x6: {  	_ = 	snop  }
0x7: {  	_ = 	snop  }
__scs_overlays_trampoline_lowered:
0x8: {  	[smem:$0x3F9F] =	sst s0  }
0x9: {  	[smem:$0x3FA0] =	sst s1  }
0xa: {  	[smem:$0x3FA1] =	sst s2  }
0xb: {  	[smem:$0x3FA2] =	sst s3  }
0xc: {  	[smem:$0x3FA3] =	sst s4  }
0xd: {  	[smem:$0x3FA4] =	sst s5  }
0xe: {  	[smem:$0x3FA5] =	sst s6  }
0xf: {  	[smem:$0x3FA6] =	sst s7  }
0x10: {  	[smem:$0x3FA7] =	sst s8  }
0x11: {  	[smem:$0x3FA8] =	sst s9;
	s0 =	simm.s32 @!p0 $0x0  }
0x12: {  	s1 =	sld [smem:$0x3F8E];
	s0 =	simm.s32 @p0 $0x1  }
0x13: {  	[smem:$0x3FA9] =	sst s0;
	s0 =	simm.s32 @!p1 $0x0  }
0x14: {  	s2 =	sld [smem:$0x3F8D];
	s0 =	simm.s32 @p1 $0x1  }
0x15: {  	[smem:$0x3FAA] =	sst s0;
	s0 =	simm.s32 @!p2 $0x0  }
0x16: {  	s3 =	sld [smem:$0x3FDB];
	s0 =	simm.s32 @p2 $0x1  }
0x17: {  	s4 =	simm.s32 $0x1BF5;
	[smem:$0x3FAC] =	sst s0  }
0x18: {  	s0 =	sld [smem:$0x3F8F];
	_ =	swait.ge [sflag:s4], $0x0  }
0x19: {  	s7 =	sld [smem:$0x3F90]  }
0x1a: {  	s8 =	sadd.s32 $0xFFFFE003, lr  }
0x1b: {  	s9 =	sadd.s32 $0xFFFFFEF7, lr;
	s5 =	simm.s32 $0xFFFFFFFF;
	p2 =	slt.u32 s8, $0xFFFFF086  }
0x1c: {  	p1 =	slt.u32 s9, $0xF7A;
	s5 =	simm.s32 @!p2 $0x0  }
0x1d: {  	s5 =	simm.s32 @p1 $0x1;
	p0 =	seq.s32 s7, s2  }
0x1e: {  	s7 =	smul.u32 @!p0 $0xF7A, s2;
	p2 =	seq.s32 @!p0 s5, $0x0  }
0x1f: {  	s9 =	smul.u32 $0xF7A, s1;
	s8 =	simm.s32 @!p0 $0x1BF5;
	p2 =	por !p2, p0  }
0x20: {  	[sflag:s8] =	ssyncset.s32 @!p0 $0xFFFFF086;
	s6 =	sadd.s32 @!p0 s3, s7;
	s7 =	simm.s32 @!p0 $0x108  }
0x21: {  	s3 =	sadd.s32 s3, s9;
	s6 =	sadd.s32 @!p0 $0x88, s6;
	s7 =	simm.s32 @p2 $0x1082  }
0x22: {  	[simem:s7], [sflag:s8] =	dma.local @!p0 [hbm:s6], $0xF7A  }
0x23: {  	s9 =	sor.u32 $0xD0000000, s2;
	s6 =	simm.s32 $0x108;
	_ =	swait.ge @!p0 [sflag:s8], $0x0  }
0x24: {  	s3 =	sadd.s32 $0x88, s3;
	s6 =	simm.s32 @!p1 $0x1082;
	[sflag:s4] =	ssyncset.s32 $0xFFFFF086  }
0x25: {  	[simem:s6], [sflag:s4] =	dma.local [hbm:s3], $0xF7A  }
0x26: {  	[smem:$0x3F90] =	sst s1;
	(tag) =	ssettag s2;
	_ =	strace s9  }
0x27: {  	s1 =	sld [smem:$0x3FA0]  }
0x28: {  	s2 =	sld [smem:$0x3FA1]  }
0x29: {  	s4 =	sld [smem:$0x3FA3]  }
0x2a: {  	p0 =	seq.s32 s5, $0x0;
	s5 =	sld [smem:$0x3FA4]  }
0x2b: {  	s6 =	sld [smem:$0x3FA5]  }
0x2c: {  	s7 =	sld [smem:$0x3FA6]  }
0x2d: {  	s3 =	simm.s32 $0x108;
	s8 =	sld [smem:$0x3FA7]  }
0x2e: {  	s3 =	simm.s32 @!p0 $0x1082;
	s9 =	sld [smem:$0x3FA8]  }
0x2f: {  	lr =	sadd.s32 s0, s3;
	s0 =	sld [smem:$0x3F9F]  }
0x30: {  	s3 =	sld [smem:$0x3FA2]  }
0x31: {  	[smem:$0x3FAB] =	sst s10  }
0x32: {  	s10 =	sld [smem:$0x3FA9];
	_ =	sdelay $0x3  }
0x33: {  	p0 =	seq.s32 s10, $0x1;
	s10 =	sld [smem:$0x3FAB];
	_ =	sdelay $0x3  }
0x34: {  	[smem:$0x3FAB] =	sst s10  }
0x35: {  	s10 =	sld [smem:$0x3FAA];
	_ =	sdelay $0x3  }
0x36: {  	p1 =	seq.s32 s10, $0x1;
	s10 =	sld [smem:$0x3FAB];
	_ =	sdelay $0x3  }
0x37: {  	[smem:$0x3FAB] =	sst s10  }
0x38: {  	s10 =	sld [smem:$0x3FAC]  }
0x39: {  	_ = 	snop;
	(pc) =	sbr.ind lr, $3  }
0x3a: {  	_ = 	snop  }
0x3b: {  	_ = 	snop  }
0x3c: {  	p2 =	seq.s32 s10, $0x1;
	s10 =	sld [smem:$0x3FAB]  }
0x3d: {  	_ =	shalt  }
0x3e: {  	_ =	shalt  }
0x3f: {  	_ =	shalt  }
0x40: {  	_ =	shalt  }
0x41: {  	_ =	shalt  }
0x42: {  	_ =	shalt  }
0x43: {  	_ =	shalt  }
0x44: {  	_ =	shalt  }
0x45: {  	_ =	shalt  }
0x46: {  	_ =	shalt  }
0x47: {  	_ =	shalt  }
0x48: {  	_ =	shalt  }
0x49: {  	_ =	shalt  }
0x4a: {  	_ =	shalt  }
0x4b: {  	_ =	shalt  }
0x4c: {  	_ =	shalt  }
0x4d: {  	_ =	shalt  }
0x4e: {  	_ =	shalt  }
0x4f: {  	_ =	shalt  }
0x50: {  	_ =	shalt  }
0x51: {  	_ =	shalt  }
0x52: {  	_ =	shalt  }
0x53: {  	_ =	shalt  }
0x54: {  	_ =	shalt  }
0x55: {  	_ =	shalt  }
0x56: {  	_ =	shalt  }
0x57: {  	_ =	shalt  }
0x58: {  	_ =	shalt  }
0x59: {  	_ =	shalt  }
0x5a: {  	_ =	shalt  }
0x5b: {  	_ =	shalt  }
0x5c: {  	_ =	shalt  }
0x5d: {  	_ =	shalt  }
0x5e: {  	_ =	shalt  }
0x5f: {  	_ =	shalt  }
0x60: {  	_ =	shalt  }
0x61: {  	_ =	shalt  }
0x62: {  	_ =	shalt  }
0x63: {  	_ =	shalt  }
0x64: {  	_ =	shalt  }
0x65: {  	_ =	shalt  }
0x66: {  	_ =	shalt  }
0x67: {  	_ =	shalt  }
0x68: {  	_ =	shalt  }
0x69: {  	_ =	shalt  }
0x6a: {  	_ =	shalt  }
0x6b: {  	_ =	shalt  }
0x6c: {  	_ =	shalt  }
0x6d: {  	_ =	shalt  }
0x6e: {  	_ =	shalt  }
0x6f: {  	_ =	shalt  }
0x70: {  	_ =	shalt  }
0x71: {  	_ =	shalt  }
0x72: {  	_ =	shalt  }
0x73: {  	_ =	shalt  }
0x74: {  	_ =	shalt  }
0x75: {  	_ =	shalt  }
0x76: {  	_ =	shalt  }
0x77: {  	_ =	shalt  }
0x78: {  	_ =	shalt  }
0x79: {  	_ =	shalt  }
0x7a: {  	_ =	shalt  }
0x7b: {  	_ =	shalt  }
0x7c: {  	_ =	shalt  }
0x7d: {  	_ =	shalt  }
0x7e: {  	_ =	shalt  }
0x7f: {  	_ =	shalt  }
0x80: {  	_ =	shalt  }
0x81: {  	_ =	shalt  }
0x82: {  	_ =	shalt  }
0x83: {  	_ =	shalt  }
0x84: {  	_ =	shalt  }
0x85: {  	_ =	shalt  }
0x86: {  	_ =	shalt  }
0x87: {  	_ =	shalt  }
.Lfunc_end0:
.L_simem_size_0:
called_computation.5_lowered:
.L_overlay_start_0:
0x88: {  	s2 =	sld [smem:$0x3FD9]  }
0x89: {  	s3 =	sld [smem:$0x3FFE];
	_ =	sdelay $0x1  }
0x8a: {  	s1 =	srdreg.scid  }
0x8b: {  	s0 =	sand.u32 $0x1, s1  }
0x8c: {  	s17 =	sshll.u32 s0, $0xA;
	s2 =	sadd.s32 s3, s2  }
0x8d: {  	s2 =	sadd.s32 s2, s17  }
0x8e: {  	[smem:$0x3FB7] =	sst s2  }
0x8f: {  	_ = 	snop  }
0x90: {  	(tm) =	ssettm $0x1  }
0x91: {  	s18 =	sld [smem:$0x3FFB];
	_ =	sdelay $0x3  }
0x92: {  	_ =	strace s18  }
0x93: {  	s2 =	sld [smem:$0x3FFC];
	_ =	sdelay $0x3  }
0x94: {  	_ =	strace s2  }
0x95: {  	s2 =	sld [smem:$0x3FFD];
	_ =	sdelay $0x3  }
0x96: {  	_ =	strace s2  }
0x97: {  	_ =	strace $0x8FFFFFFF  }
0x98: {  	s19 =	sld [smem:$0x3FDB];
	_ =	sdelay $0x1  }
0x99: {  	s20 =	simm.s32 $_scs_section_size  }
0x9a: {  	s4 =	simm.s32 $_size__tile_overlayer_lowered;
	s5 =	simm.s32 $_tile_overlayer_lowered  }
0x9b: {  	s6 =	simm.s32 $0x1BFF;
	s21 =	sshll.u32 s5, $0x1;
	s3 =	sadd.s32 s20, s19  }
0x9c: {  	s22 =	simm.s32 $0x0;
	s4 =	sshll.u32 s4, $0x1;
	s5 =	sadd.s32 s21, s3  }
0x9d: {  	[timem:s22], [sflag:s6] =	dma.local [hbm:s5], s4  }
0x9e: {  	_ =	swait.ge [sflag:s6], s4  }
0x9f: {  	s4 =	ssub.s32 $0x0, s4;
	[sflag:s6] =	ssyncset.done $0x0  }
0xa0: {  	[sflag:s6] =	ssyncadd.s32 s4;
	_ =	sdelay $0x1  }
0xa1: {  	s23 =	simm.s32 $0x1B8B  }
0xa2: {  	_ =	swait.ge [sflag:s23], $0x1  }
0xa3: {  	[sflag:s23] =	ssyncset.done $0x0  }
0xa4: {  	[sflag:s23] =	ssyncadd.s32 $0xFFFFFFFF  }
0xa5: {  	s4 =	sld [smem:$0x0]  }
0xa6: {  	s5 =	sand.u32 $0xFFFFFFFE, s1  }
0xa7: {  	p0 =	sne.s32 s1, s5  }
0xa8: {  	s5 =	sshll.u32 @p0 s5, $0xE  }
0xa9: {  	s5 =	sadd.s32 @p0 $0x11B8D, s5;
	s6 =	sshll.u32 @p0 s4, $0x11  }
0xaa: {  	s5 =	sor.u32 @p0 s6, s5  }
0xab: {  	[sflag:s5] =	ssyncadd.remote.s32 @p0 $0x1;
	_ =	sdelay $0x1  }
0xac: {  	s5 =	simm.s32 @p0 $0x1B8D  }
0xad: {  	_ =	swait.eq @p0 [sflag:s5], $0x1  }
0xae: {  	[sflag:s5] =	ssyncadd.s32 @p0 $0xFFFFFFFF  }
0xaf: {  	s6 =	sshll.u32 @!p0 s1, $0xE  }
0xb0: {  	s6 =	sor.u32 @!p0 $0x4000, s6;
	s5 =	simm.s32 @!p0 $0x1B8D  }
0xb1: {  	s4 =	sshll.u32 @!p0 s4, $0x11;
	s6 =	sadd.s32 @!p0 $0x11B8D, s6;
	_ =	swait.eq @!p0 [sflag:s5], $0x1  }
0xb2: {  	s4 =	sor.u32 @!p0 s4, s6;
	[sflag:s5] =	ssyncadd.s32 @!p0 $0xFFFFFFFF  }
0xb3: {  	s25 =	simm.s32 $0x1B8E;
	s24 =	sld [smem:$0x3FFE];
	[sflag:s4] =	ssyncadd.remote.s32 @!p0 $0x1  }
0xb4: {  	s26 =	simm.s32 $execute0_lowered;
	[smem:$0x3FD2] =	sst s25  }
0xb5: {  	s5 =	sshll.u32 s26, $0x1;
	_ =	strace $0x8000004F;
	[dreg:$0x1] =	wrdreg $0xFFFFFFFF  }
0xb6: {  	s28 =	simm.s32 $_size_execute0_lowered;
	s3 =	sadd.s32 s3, s5;
	[dreg:$0x0] =	wrdreg $0x0  }
0xb7: {  	s5 =	sshll.u32 s28, $0x1;
	[dreg:$0x2] =	wrdreg s3  }
0xb8: {  	[dreg:$0x3] =	wrdreg s5  }
0xb9: {  	[dreg:$0x4] =	wrdreg $0xC0  }
0xba: {  	_ =	task [dreg:s22], $0x5FFFF  }
0xbb: {  	[dreg:$0x1] =	wrdreg $0xFFFFFFFF  }
0xbc: {  	[dreg:$0x0] =	wrdreg $0x60  }
0xbd: {  	[dreg:$0x2] =	wrdreg s24  }
0xbe: {  	[dreg:$0x3] =	wrdreg $0xA  }
0xbf: {  	_ =	task.clear_ibuf [dreg:s22], $0x4FFFF;
	_ =	strace $0x9000004F  }
0xc0: {  	s29 =	simm.s32 $0xA;
	_ =	strace $0x80000051  }
0xc1: {  	_ =	swait.ge [sflag:s29], $0x1  }
0xc2: {  	[sflag:s29] =	ssyncadd.s32 $0xFFFFFFFF  }
0xc3: {  	_ =	strace $0x90000051  }
0xc4: {  	_ =	sfence  }
0xc5: {  	s30 =	sld [smem:$0x0];
	_ =	sdelay $0x2  }
0xc6: {  	s31 =	sshll.u32 s1, $0xD;
	s1 =	sshrl.u32 s1, $0x2  }
0xc7: {  	s4 =	sand.u32 $0x4000, s31;
	s1 =	sadd.s32 s1, s30  }
0xc8: {  	s0 =	sor.u32 s4, s0;
	s1 =	sshll.u32 s1, $0x11  }
0xc9: {  	s0 =	sor.u32 s1, s0  }
0xca: {  	s0 =	sadd.s32 $0x8F2B, s0  }
0xcb: {  	[sflag:s0] =	ssyncadd.remote.s32 $0x1  }
0xcc: {  	_ =	sfence.sel $0xFFFF  }
0xcd: {  	[dreg:$0x0] =	wrdreg $0xFFFFFFFF;
	(pc) =	sbr.abs _section_cstart, $3  }
0xce: {  	[dreg:$0x1] =	wrdreg $0xFFFFFFFF  }
0xcf: {  	_ =	task.clear_ibuf [dreg:s22], $0x2FFFF;
	_ =	strace $0x9FFFFFFF  }
0xd0: {  	(tm) =	ssettm $0x7FFFFFFF  }
0xd1: {  	_ =	shalt  }
tec
execute0_lowered:
.L_overlay_start_1:
0x0: {  	(tag) =	ssettag $0x1  }
0x1: {  	s1 =	srdreg.scid  }
0x2: {  	s0 =	stileid.u32;
	s4 =	rddreg [dreg:$0x0];
	s2 =	simm.s32 $0x0  }
0x3: {  	s14 =	simm.s32 $0x1;
	s15 =	simm.s32 $0x2;
	s12 =	smul.u32 $0x14000, s0  }
0x4: {  	s16 =	simm.s32 $0x0;
	s7 =	sand.u32 $0x1, s1;
	s24 =	smul.u32 $0xA0000, s0  }
0x5: {  	s3 =	sshll.u32 s0, $0x1;
	s1 =	rddreg [dreg:$0x1];
	s26 =	smul.u32 $0x50000, s7  }
0x6: {  	[smem:$0x7FF] =	sst s2;
	s5 =	sor.u32 s7, s3;
	s13 =	smul.u32 $0xA000, s7  }
0x7: {  	s11 =	sadd.s32 $0x49A00, s4;
	_ =	strace $0x80000050;
	s6 =	smul.u32 $0x140, s5  }
0x8: {  	s3 =	sadd.s32 $0x37200, s4;
	s9 =	ssub.s32 $0x2, s7;
	s8 =	smul.u32 $0x50000, s5  }
0x9: {  	s10 =	smul.u32 $0xA000, s5;
	s22 =	sshrl.u32 s9, $0x1;
	s29 =	sadd.s32 s12, s11  }
0xa: {  	s12 =	simm.s32 $0xA00;
	s23 =	ssub.s32 s9, s22;
	s30 =	sadd.s32 s13, s29  }
0xb: {  	s13 =	simm.s32 $0x4A00;
	s6 =	sadd.s32 s6, s4;
	s8 =	sshrl.u32 s8, $0x3  }
0xc: {  	s5 =	smax.u32 s23, $0x1;
	s28 =	sadd.s32 s10, s11;
	s10 =	simm.s32 $0x3  }
0xd: {  	s4 =	sadd.s32 $0x47200, s6;
	s25 =	sadd.s32 s11, s8;
	s8 =	sadd.s32 s26, s24  }
0xe: {  	s7 =	sadd.s32 $0x9800, s28;
	s6 =	sadd.s32 $0x9000, s25;
	s31 =	sshrl.u32 s8, $0x3  }
0xf: {  	s8 =	sadd.s32 $0x800, s30;
	s9 =	sadd.s32 s31, s11;
	s11 =	simm.s32 $0x80  }
.LBB2_1:
0x10: {  	[tilespmem:s2], [sflag:$0x3] =	stream.linear.gather [hbm4b:s4+s2], $0xA00, $0x38;
	[tilespmem:$0x8A00] =	vst v63  }
0x11: {  	_ =	swait.ge [sflag:s10], $0xA00  }
0x12: {  	[sflag:s10] =	ssyncset.done $0x0  }
0x13: {  	[sflag:s10] =	ssyncadd.s32 $0xFFFFF600  }
0x14: {  	[tilespmem:s12], [sflag:$0x1] =	stream.indirect.gather [hbm4b:s3+s11], $0x80, s2, s11, $0xb8;
	[tilespmem:$0x8A00] =	vst v63  }
0x15: {  	_ = 	snop  }
0x16: {  	[tilespmem:s13], [sflag:$0x2] =	stream.indirect.gather [hbm4b:s3+s11], $0x80, s11, s11, $0xb8;
	[tilespmem:$0x8A00] =	vst v63  }
0x17: {  	_ =	swait.ge [sflag:s14], $0x4000  }
0x18: {  	[sflag:s14] =	ssyncset.done $0x0  }
0x19: {  	s17 =	sadd.s32 $0x0, s9;
	[sflag:s14] =	ssyncadd.s32 $0xFFFFC000  }
0x1a: {  	[hbm4b:s17+s2] =	stream.linear.scatter [tilespmem:s12], [sflag:$0x3], $0x4000, $0x38;
	[tilespmem:$0x8A00] =	vst v63  }
0x1b: {  	_ =	swait.ge [sflag:s10], $0x4000  }
0x1c: {  	[sflag:s10] =	ssyncset.done $0x0  }
0x1d: {  	s30 =	simm.s32 $0x100;
	[sflag:s10] =	ssyncadd.s32 $0xFFFFC000  }
0x1e: {  	[tilespmem:s12], [sflag:$0x1] =	stream.indirect.gather [hbm4b:s3+s11], $0x80, s30, s11, $0xb8;
	[tilespmem:$0x8A00] =	vst v63  }
0x1f: {  	_ =	swait.ge [sflag:s15], $0x4000  }
0x20: {  	[sflag:s15] =	ssyncset.done $0x0  }
0x21: {  	s31 =	sadd.s32 $0x0, s8;
	[sflag:s15] =	ssyncadd.s32 $0xFFFFC000  }
0x22: {  	[hbm4b:s31+s2] =	stream.linear.scatter [tilespmem:s13], [sflag:$0x3], $0x4000, $0x38;
	[tilespmem:$0x8A00] =	vst v63  }
0x23: {  	_ =	swait.ge [sflag:s10], $0x4000  }
0x24: {  	s18 =	simm.s32 $0x1000;
	[sflag:s10] =	ssyncset.done $0x0  }
0x25: {  	s19 =	simm.s32 $0x280;
	s17 =	simm.s32 $0x180;
	[sflag:s10] =	ssyncadd.s32 $0xFFFFC000  }
.LBB2_2:
0x26: {  	[tilespmem:s13], [sflag:$0x2] =	stream.indirect.gather [hbm4b:s3+s11], $0x80, s17, s11, $0xb8;
	[tilespmem:$0x8A00] =	vst v63  }
0x27: {  	s20 =	smov.u32 s18;
	s17 =	smov.u32 s19  }
0x28: {  	p0 =	sne.s32 s18, $0x8000;
	s18 =	sadd.s32 $0x1000, s18;
	_ =	swait.ge [sflag:s14], $0x4000  }
0x29: {  	[sflag:s14] =	ssyncset.done $0x0  }
0x2a: {  	s21 =	sadd.s32 s20, s9;
	[sflag:s14] =	ssyncadd.s32 $0xFFFFC000  }
0x2b: {  	[hbm4b:s21+s2] =	stream.linear.scatter [tilespmem:s12], [sflag:$0x3], $0x4000, $0x38;
	[tilespmem:$0x8A00] =	vst v63  }
0x2c: {  	_ =	swait.ge [sflag:s10], $0x4000  }
0x2d: {  	[sflag:s10] =	ssyncset.done $0x0  }
0x2e: {  	s21 =	sadd.s32 $0xFFFFFF80, s19;
	[sflag:s10] =	ssyncadd.s32 $0xFFFFC000  }
0x2f: {  	[tilespmem:s12], [sflag:$0x1] =	stream.indirect.gather [hbm4b:s3+s11], $0x80, s21, s11, $0xb8;
	[tilespmem:$0x8A00] =	vst v63  }
0x30: {  	_ =	swait.ge [sflag:s15], $0x4000  }
0x31: {  	[sflag:s15] =	ssyncset.done $0x0  }
.Ltmp0:
0x32: {  	s20 =	sadd.s32 s20, s8;
	[sflag:s15] =	ssyncadd.s32 $0xFFFFC000;
	(pc) =	sbr.rel @p0 .LBB2_2-.Ltmp0, $4  }
0x33: {  	[hbm4b:s20+s2] =	stream.linear.scatter [tilespmem:s13], [sflag:$0x3], $0x4000, $0x38;
	[tilespmem:$0x8A00] =	vst v63  }
0x34: {  	_ =	swait.ge [sflag:s10], $0x4000  }
0x35: {  	[sflag:s10] =	ssyncset.done $0x0  }
0x36: {  	s19 =	sadd.s32 $0x100, s19;
	[sflag:s10] =	ssyncadd.s32 $0xFFFFC000  }
0x37: {  	[tilespmem:s13], [sflag:$0x2] =	stream.indirect.gather [hbm4b:s3+s11], $0x80, s17, s11, $0xb8;
	[tilespmem:$0x8A00] =	vst v63  }
0x38: {  	_ =	swait.ge [sflag:s14], $0x4000  }
0x39: {  	[sflag:s14] =	ssyncset.done $0x0  }
0x3a: {  	[sflag:s14] =	ssyncadd.s32 $0xFFFFC000  }
0x3b: {  	[hbm4b:s6+s2] =	stream.linear.scatter [tilespmem:s12], [sflag:$0x3], $0x4000, $0x38;
	[tilespmem:$0x8A00] =	vst v63  }
0x3c: {  	_ =	swait.ge [sflag:s10], $0x4000  }
0x3d: {  	[sflag:s10] =	ssyncset.done $0x0  }
0x3e: {  	[sflag:s10] =	ssyncadd.s32 $0xFFFFC000  }
0x3f: {  	s16 =	sadd.s32 $0x1, s16;
	_ =	swait.ge [sflag:s15], $0x4000  }
0x40: {  	p0 =	sne.s32 s16, s5;
	[sflag:s15] =	ssyncset.done $0x0  }
.Ltmp1:
0x41: {  	[sflag:s15] =	ssyncadd.s32 $0xFFFFC000;
	(pc) =	sbr.rel @p0 .LBB2_1-.Ltmp1, $4  }
0x42: {  	[hbm4b:s7+s2] =	stream.linear.scatter [tilespmem:s13], [sflag:$0x3], $0x4000, $0x38;
	[tilespmem:$0x8A00] =	vst v63  }
0x43: {  	_ =	swait.ge [sflag:s10], $0x4000  }
0x44: {  	[sflag:s10] =	ssyncset.done $0x0  }
0x45: {  	[sflag:s10] =	ssyncadd.s32 $0xFFFFC000  }
0x46: {  	_ =	sfence.sel $0x180000  }
0x47: {  	[bflag:$0x0] =	sbarrier.arrive $0xFFFF  }
0x48: {  	p0 =	sne.s32 s0, $0x0;
	_ =	strace $0x90000050  }
0x49: {  	s0 =	sadd.s32 @!p0 $0x100000, s1;
	[bflag:$0x2] =	sbarrier.arrive $0xFFFF  }
0x4a: {  	[sflag:s0] =	ssyncadd.tile.s32 @!p0 $0x1;
	_ =	shalt  }
.Lfunc_end2:
_tile_overlayer_lowered:
.L_overlay_start_2:
0x4b: {  	(tag) =	ssettag $0x2  }
0x4c: {  	s0 =	rddreg [dreg:$0x0];
	s2 =	stileid.u32  }
0x4d: {  	s1 =	rddreg [dreg:$0x1];
	p0 =	sne.s32 s2, $0x0  }
0x4e: {  	s3 =	rddreg [dreg:$0x2];
	[bflag:$0x3] =	sbarrier.arrive $0xFFFF;
	s2 =	simm.s32 @!p0 $0x1C03  }
0x4f: {  	[timem:s3], [sflag:s2] =	dma.local @!p0 [hbm:s0], s1  }
0x50: {  	s0 =	simm.s32 @!p0 $0x3  }
0x51: {  	_ =	swait.ge @!p0 [sflag:s0], s1  }
0x52: {  	s1 =	ssub.s32 @!p0 $0x0, s1;
	[sflag:s0] =	ssyncset.done @!p0 $0x0  }
0x53: {  	[sflag:s0] =	ssyncadd.s32 @!p0 s1  }
0x54: {  	[bflag:$0x3] =	sbarrier.arrive $0xFFFF  }
0x55: {  	_ =	shalt  }

// kernel: kernel.45.cloned.1.call-start
scs
__scs_entry_jumppad:
0x0: {  	(pc) =	sbr.rel $0x88, $3  }
0x1: {  	(tag) =	ssettag $0x0;
	lr =	simm.s32 $0x1  }
0x2: {  	[smem:$0x3F90] =	sst lr;
	_ =	strace $0xD0000000  }
0x3: {  	_ = 	snop  }
0x4: {  	_ = 	snop  }
0x5: {  	_ = 	snop  }
0x6: {  	_ = 	snop  }
0x7: {  	_ = 	snop  }
__scs_overlays_trampoline_lowered:
0x8: {  	[smem:$0x3F9F] =	sst s0  }
0x9: {  	[smem:$0x3FA0] =	sst s1  }
0xa: {  	[smem:$0x3FA1] =	sst s2  }
0xb: {  	[smem:$0x3FA2] =	sst s3  }
0xc: {  	[smem:$0x3FA3] =	sst s4  }
0xd: {  	[smem:$0x3FA4] =	sst s5  }
0xe: {  	[smem:$0x3FA5] =	sst s6  }
0xf: {  	[smem:$0x3FA6] =	sst s7  }
0x10: {  	[smem:$0x3FA7] =	sst s8  }
0x11: {  	[smem:$0x3FA8] =	sst s9;
	s0 =	simm.s32 @!p0 $0x0  }
0x12: {  	s1 =	sld [smem:$0x3F8E];
	s0 =	simm.s32 @p0 $0x1  }
0x13: {  	[smem:$0x3FA9] =	sst s0;
	s0 =	simm.s32 @!p1 $0x0  }
0x14: {  	s2 =	sld [smem:$0x3F8D];
	s0 =	simm.s32 @p1 $0x1  }
0x15: {  	[smem:$0x3FAA] =	sst s0;
	s0 =	simm.s32 @!p2 $0x0  }
0x16: {  	s3 =	sld [smem:$0x3FDB];
	s0 =	simm.s32 @p2 $0x1  }
0x17: {  	s4 =	simm.s32 $0x1BF5;
	[smem:$0x3FAC] =	sst s0  }
0x18: {  	s0 =	sld [smem:$0x3F8F];
	_ =	swait.ge [sflag:s4], $0x0  }
0x19: {  	s7 =	sld [smem:$0x3F90]  }
0x1a: {  	s8 =	sadd.s32 $0xFFFFE003, lr  }
0x1b: {  	s9 =	sadd.s32 $0xFFFFFEF7, lr;
	s5 =	simm.s32 $0xFFFFFFFF;
	p2 =	slt.u32 s8, $0xFFFFF086  }
0x1c: {  	p1 =	slt.u32 s9, $0xF7A;
	s5 =	simm.s32 @!p2 $0x0  }
0x1d: {  	s5 =	simm.s32 @p1 $0x1;
	p0 =	seq.s32 s7, s2  }
0x1e: {  	s7 =	smul.u32 @!p0 $0xF7A, s2;
	p2 =	seq.s32 @!p0 s5, $0x0  }
0x1f: {  	s9 =	smul.u32 $0xF7A, s1;
	s8 =	simm.s32 @!p0 $0x1BF5;
	p2 =	por !p2, p0  }
0x20: {  	[sflag:s8] =	ssyncset.s32 @!p0 $0xFFFFF086;
	s6 =	sadd.s32 @!p0 s3, s7;
	s7 =	simm.s32 @!p0 $0x108  }
0x21: {  	s3 =	sadd.s32 s3, s9;
	s6 =	sadd.s32 @!p0 $0x88, s6;
	s7 =	simm.s32 @p2 $0x1082  }
0x22: {  	[simem:s7], [sflag:s8] =	dma.local @!p0 [hbm:s6], $0xF7A  }
0x23: {  	s9 =	sor.u32 $0xD0000000, s2;
	s6 =	simm.s32 $0x108;
	_ =	swait.ge @!p0 [sflag:s8], $0x0  }
0x24: {  	s3 =	sadd.s32 $0x88, s3;
	s6 =	simm.s32 @!p1 $0x1082;
	[sflag:s4] =	ssyncset.s32 $0xFFFFF086  }
0x25: {  	[simem:s6], [sflag:s4] =	dma.local [hbm:s3], $0xF7A  }
0x26: {  	[smem:$0x3F90] =	sst s1;
	(tag) =	ssettag s2;
	_ =	strace s9  }
0x27: {  	s1 =	sld [smem:$0x3FA0]  }
0x28: {  	s2 =	sld [smem:$0x3FA1]  }
0x29: {  	s4 =	sld [smem:$0x3FA3]  }
0x2a: {  	p0 =	seq.s32 s5, $0x0;
	s5 =	sld [smem:$0x3FA4]  }
0x2b: {  	s6 =	sld [smem:$0x3FA5]  }
0x2c: {  	s7 =	sld [smem:$0x3FA6]  }
0x2d: {  	s3 =	simm.s32 $0x108;
	s8 =	sld [smem:$0x3FA7]  }
0x2e: {  	s3 =	simm.s32 @!p0 $0x1082;
	s9 =	sld [smem:$0x3FA8]  }
0x2f: {  	lr =	sadd.s32 s0, s3;
	s0 =	sld [smem:$0x3F9F]  }
0x30: {  	s3 =	sld [smem:$0x3FA2]  }
0x31: {  	[smem:$0x3FAB] =	sst s10  }
0x32: {  	s10 =	sld [smem:$0x3FA9];
	_ =	sdelay $0x3  }
0x33: {  	p0 =	seq.s32 s10, $0x1;
	s10 =	sld [smem:$0x3FAB];
	_ =	sdelay $0x3  }
0x34: {  	[smem:$0x3FAB] =	sst s10  }
0x35: {  	s10 =	sld [smem:$0x3FAA];
	_ =	sdelay $0x3  }
0x36: {  	p1 =	seq.s32 s10, $0x1;
	s10 =	sld [smem:$0x3FAB];
	_ =	sdelay $0x3  }
0x37: {  	[smem:$0x3FAB] =	sst s10  }
0x38: {  	s10 =	sld [smem:$0x3FAC]  }
0x39: {  	_ = 	snop;
	(pc) =	sbr.ind lr, $3  }
0x3a: {  	_ = 	snop  }
0x3b: {  	_ = 	snop  }
0x3c: {  	p2 =	seq.s32 s10, $0x1;
	s10 =	sld [smem:$0x3FAB]  }
0x3d: {  	_ =	shalt  }
0x3e: {  	_ =	shalt  }
0x3f: {  	_ =	shalt  }
0x40: {  	_ =	shalt  }
0x41: {  	_ =	shalt  }
0x42: {  	_ =	shalt  }
0x43: {  	_ =	shalt  }
0x44: {  	_ =	shalt  }
0x45: {  	_ =	shalt  }
0x46: {  	_ =	shalt  }
0x47: {  	_ =	shalt  }
0x48: {  	_ =	shalt  }
0x49: {  	_ =	shalt  }
0x4a: {  	_ =	shalt  }
0x4b: {  	_ =	shalt  }
0x4c: {  	_ =	shalt  }
0x4d: {  	_ =	shalt  }
0x4e: {  	_ =	shalt  }
0x4f: {  	_ =	shalt  }
0x50: {  	_ =	shalt  }
0x51: {  	_ =	shalt  }
0x52: {  	_ =	shalt  }
0x53: {  	_ =	shalt  }
0x54: {  	_ =	shalt  }
0x55: {  	_ =	shalt  }
0x56: {  	_ =	shalt  }
0x57: {  	_ =	shalt  }
0x58: {  	_ =	shalt  }
0x59: {  	_ =	shalt  }
0x5a: {  	_ =	shalt  }
0x5b: {  	_ =	shalt  }
0x5c: {  	_ =	shalt  }
0x5d: {  	_ =	shalt  }
0x5e: {  	_ =	shalt  }
0x5f: {  	_ =	shalt  }
0x60: {  	_ =	shalt  }
0x61: {  	_ =	shalt  }
0x62: {  	_ =	shalt  }
0x63: {  	_ =	shalt  }
0x64: {  	_ =	shalt  }
0x65: {  	_ =	shalt  }
0x66: {  	_ =	shalt  }
0x67: {  	_ =	shalt  }
0x68: {  	_ =	shalt  }
0x69: {  	_ =	shalt  }
0x6a: {  	_ =	shalt  }
0x6b: {  	_ =	shalt  }
0x6c: {  	_ =	shalt  }
0x6d: {  	_ =	shalt  }
0x6e: {  	_ =	shalt  }
0x6f: {  	_ =	shalt  }
0x70: {  	_ =	shalt  }
0x71: {  	_ =	shalt  }
0x72: {  	_ =	shalt  }
0x73: {  	_ =	shalt  }
0x74: {  	_ =	shalt  }
0x75: {  	_ =	shalt  }
0x76: {  	_ =	shalt  }
0x77: {  	_ =	shalt  }
0x78: {  	_ =	shalt  }
0x79: {  	_ =	shalt  }
0x7a: {  	_ =	shalt  }
0x7b: {  	_ =	shalt  }
0x7c: {  	_ =	shalt  }
0x7d: {  	_ =	shalt  }
0x7e: {  	_ =	shalt  }
0x7f: {  	_ =	shalt  }
0x80: {  	_ =	shalt  }
0x81: {  	_ =	shalt  }
0x82: {  	_ =	shalt  }
0x83: {  	_ =	shalt  }
0x84: {  	_ =	shalt  }
0x85: {  	_ =	shalt  }
0x86: {  	_ =	shalt  }
0x87: {  	_ =	shalt  }
.Lfunc_end0:
.L_simem_size_0:
called_computation.6_lowered:
.L_overlay_start_0:
0x88: {  	s2 =	sld [smem:$0x3FD9]  }
0x89: {  	s3 =	sld [smem:$0x3FFE];
	_ =	sdelay $0x1  }
0x8a: {  	s1 =	srdreg.scid  }
0x8b: {  	s0 =	sand.u32 $0x1, s1  }
0x8c: {  	s17 =	sshll.u32 s0, $0xA;
	s2 =	sadd.s32 s3, s2  }
0x8d: {  	s2 =	sadd.s32 s2, s17  }
0x8e: {  	[smem:$0x3FB7] =	sst s2  }
0x8f: {  	_ = 	snop  }
0x90: {  	(tm) =	ssettm $0x1  }
0x91: {  	s18 =	sld [smem:$0x3FFB];
	_ =	sdelay $0x3  }
0x92: {  	_ =	strace s18  }
0x93: {  	s2 =	sld [smem:$0x3FFC];
	_ =	sdelay $0x3  }
0x94: {  	_ =	strace s2  }
0x95: {  	s2 =	sld [smem:$0x3FFD];
	_ =	sdelay $0x3  }
0x96: {  	_ =	strace s2  }
0x97: {  	_ =	strace $0x8FFFFFFF  }
0x98: {  	s19 =	sld [smem:$0x3FDB];
	_ =	sdelay $0x1  }
0x99: {  	s20 =	simm.s32 $_scs_section_size  }
0x9a: {  	s4 =	simm.s32 $_size__tile_overlayer_lowered;
	s5 =	simm.s32 $_tile_overlayer_lowered  }
0x9b: {  	s6 =	simm.s32 $0x1BFF;
	s21 =	sshll.u32 s5, $0x1;
	s3 =	sadd.s32 s20, s19  }
0x9c: {  	s22 =	simm.s32 $0x0;
	s4 =	sshll.u32 s4, $0x1;
	s5 =	sadd.s32 s21, s3  }
0x9d: {  	[timem:s22], [sflag:s6] =	dma.local [hbm:s5], s4  }
0x9e: {  	_ =	swait.ge [sflag:s6], s4  }
0x9f: {  	s4 =	ssub.s32 $0x0, s4;
	[sflag:s6] =	ssyncset.done $0x0  }
0xa0: {  	[sflag:s6] =	ssyncadd.s32 s4;
	_ =	sdelay $0x1  }
0xa1: {  	s23 =	simm.s32 $0x1B8B  }
0xa2: {  	_ =	swait.ge [sflag:s23], $0x1  }
0xa3: {  	[sflag:s23] =	ssyncset.done $0x0  }
0xa4: {  	[sflag:s23] =	ssyncadd.s32 $0xFFFFFFFF  }
0xa5: {  	s4 =	sld [smem:$0x0]  }
0xa6: {  	s5 =	sand.u32 $0xFFFFFFFE, s1  }
0xa7: {  	p0 =	sne.s32 s1, s5  }
0xa8: {  	s5 =	sshll.u32 @p0 s5, $0xE  }
0xa9: {  	s5 =	sadd.s32 @p0 $0x11B8D, s5;
	s6 =	sshll.u32 @p0 s4, $0x11  }
0xaa: {  	s5 =	sor.u32 @p0 s6, s5  }
0xab: {  	[sflag:s5] =	ssyncadd.remote.s32 @p0 $0x1;
	_ =	sdelay $0x1  }
0xac: {  	s5 =	simm.s32 @p0 $0x1B8D  }
0xad: {  	_ =	swait.eq @p0 [sflag:s5], $0x1  }
0xae: {  	[sflag:s5] =	ssyncadd.s32 @p0 $0xFFFFFFFF  }
0xaf: {  	s6 =	sshll.u32 @!p0 s1, $0xE  }
0xb0: {  	s6 =	sor.u32 @!p0 $0x4000, s6;
	s5 =	simm.s32 @!p0 $0x1B8D  }
0xb1: {  	s4 =	sshll.u32 @!p0 s4, $0x11;
	s6 =	sadd.s32 @!p0 $0x11B8D, s6;
	_ =	swait.eq @!p0 [sflag:s5], $0x1  }
0xb2: {  	s4 =	sor.u32 @!p0 s4, s6;
	[sflag:s5] =	ssyncadd.s32 @!p0 $0xFFFFFFFF  }
0xb3: {  	s25 =	simm.s32 $0x1B8E;
	s24 =	sld [smem:$0x3FFE];
	[sflag:s4] =	ssyncadd.remote.s32 @!p0 $0x1  }
0xb4: {  	s26 =	simm.s32 $execute0_lowered;
	[smem:$0x3FD2] =	sst s25  }
0xb5: {  	s5 =	sshll.u32 s26, $0x1;
	_ =	strace $0x80000055;
	[dreg:$0x1] =	wrdreg $0xFFFFFFFF  }
0xb6: {  	s28 =	simm.s32 $_size_execute0_lowered;
	s3 =	sadd.s32 s3, s5;
	[dreg:$0x0] =	wrdreg $0x0  }
0xb7: {  	s5 =	sshll.u32 s28, $0x1;
	[dreg:$0x2] =	wrdreg s3  }
0xb8: {  	[dreg:$0x3] =	wrdreg s5  }
0xb9: {  	[dreg:$0x4] =	wrdreg $0xC0  }
0xba: {  	_ =	task [dreg:s22], $0x5FFFF  }
0xbb: {  	[dreg:$0x1] =	wrdreg $0xFFFFFFFF  }
0xbc: {  	[dreg:$0x0] =	wrdreg $0x60  }
0xbd: {  	[dreg:$0x2] =	wrdreg s24  }
0xbe: {  	[dreg:$0x3] =	wrdreg $0xA  }
0xbf: {  	_ =	task.clear_ibuf [dreg:s22], $0x4FFFF;
	_ =	strace $0x90000055  }
0xc0: {  	s29 =	simm.s32 $0xA;
	_ =	strace $0x80000057  }
0xc1: {  	_ =	swait.ge [sflag:s29], $0x1  }
0xc2: {  	[sflag:s29] =	ssyncadd.s32 $0xFFFFFFFF  }
0xc3: {  	_ =	strace $0x90000057  }
0xc4: {  	_ =	sfence  }
0xc5: {  	s30 =	sld [smem:$0x0];
	_ =	sdelay $0x2  }
0xc6: {  	s31 =	sshll.u32 s1, $0xD;
	s1 =	sshrl.u32 s1, $0x2  }
0xc7: {  	s4 =	sand.u32 $0x4000, s31;
	s1 =	sadd.s32 s1, s30  }
0xc8: {  	s0 =	sor.u32 s4, s0;
	s1 =	sshll.u32 s1, $0x11  }
0xc9: {  	s0 =	sor.u32 s1, s0  }
0xca: {  	s0 =	sadd.s32 $0x8F2B, s0  }
0xcb: {  	[sflag:s0] =	ssyncadd.remote.s32 $0x1  }
0xcc: {  	_ =	sfence.sel $0xFFFF  }
0xcd: {  	[dreg:$0x0] =	wrdreg $0xFFFFFFFF;
	(pc) =	sbr.abs _section_cstart, $3  }
0xce: {  	[dreg:$0x1] =	wrdreg $0xFFFFFFFF  }
0xcf: {  	_ =	task.clear_ibuf [dreg:s22], $0x2FFFF;
	_ =	strace $0x9FFFFFFF  }
0xd0: {  	(tm) =	ssettm $0x7FFFFFFF  }
0xd1: {  	_ =	shalt  }
tec
execute0_lowered:
.L_overlay_start_1:
0x0: {  	(tag) =	ssettag $0x1  }
0x1: {  	s1 =	srdreg.scid  }
0x2: {  	s0 =	stileid.u32;
	s4 =	rddreg [dreg:$0x0];
	s2 =	simm.s32 $0x0  }
0x3: {  	s14 =	simm.s32 $0x1;
	s15 =	simm.s32 $0x2;
	s12 =	smul.u32 $0x14000, s0  }
0x4: {  	s16 =	simm.s32 $0x0;
	s7 =	sand.u32 $0x1, s1;
	s24 =	smul.u32 $0xA0000, s0  }
0x5: {  	s3 =	sshll.u32 s0, $0x1;
	s1 =	rddreg [dreg:$0x1];
	s26 =	smul.u32 $0x50000, s7  }
0x6: {  	[smem:$0x7FF] =	sst s2;
	s5 =	sor.u32 s7, s3;
	s13 =	smul.u32 $0xA000, s7  }
0x7: {  	s11 =	sadd.s32 $0x49A00, s4;
	_ =	strace $0x80000056;
	s6 =	smul.u32 $0x140, s5  }
0x8: {  	s3 =	sadd.s32 $0x37200, s4;
	s9 =	ssub.s32 $0x2, s7;
	s8 =	smul.u32 $0x50000, s5  }
0x9: {  	s10 =	smul.u32 $0xA000, s5;
	s22 =	sshrl.u32 s9, $0x1;
	s29 =	sadd.s32 s12, s11  }
0xa: {  	s12 =	simm.s32 $0xA00;
	s23 =	ssub.s32 s9, s22;
	s30 =	sadd.s32 s13, s29  }
0xb: {  	s13 =	simm.s32 $0x4A00;
	s6 =	sadd.s32 s6, s4;
	s8 =	sshrl.u32 s8, $0x3  }
0xc: {  	s5 =	smax.u32 s23, $0x1;
	s28 =	sadd.s32 s10, s11;
	s10 =	simm.s32 $0x3  }
0xd: {  	s4 =	sadd.s32 $0x47200, s6;
	s25 =	sadd.s32 s11, s8;
	s8 =	sadd.s32 s26, s24  }
0xe: {  	s7 =	sadd.s32 $0x9800, s28;
	s6 =	sadd.s32 $0x9000, s25;
	s31 =	sshrl.u32 s8, $0x3  }
0xf: {  	s8 =	sadd.s32 $0x800, s30;
	s9 =	sadd.s32 s31, s11;
	s11 =	simm.s32 $0x80  }
.LBB2_1:
0x10: {  	[tilespmem:s2], [sflag:$0x3] =	stream.linear.gather [hbm4b:s4+s2], $0xA00, $0x38;
	[tilespmem:$0x8A00] =	vst v63  }
0x11: {  	_ =	swait.ge [sflag:s10], $0xA00  }
0x12: {  	[sflag:s10] =	ssyncset.done $0x0  }
0x13: {  	[sflag:s10] =	ssyncadd.s32 $0xFFFFF600  }
0x14: {  	[tilespmem:s12], [sflag:$0x1] =	stream.indirect.gather [hbm4b:s3+s11], $0x80, s2, s11, $0xb8;
	[tilespmem:$0x8A00] =	vst v63  }
0x15: {  	_ = 	snop  }
0x16: {  	[tilespmem:s13], [sflag:$0x2] =	stream.indirect.gather [hbm4b:s3+s11], $0x80, s11, s11, $0xb8;
	[tilespmem:$0x8A00] =	vst v63  }
0x17: {  	_ =	swait.ge [sflag:s14], $0x4000  }
0x18: {  	[sflag:s14] =	ssyncset.done $0x0  }
0x19: {  	s17 =	sadd.s32 $0x0, s9;
	[sflag:s14] =	ssyncadd.s32 $0xFFFFC000  }
0x1a: {  	[hbm4b:s17+s2] =	stream.linear.scatter [tilespmem:s12], [sflag:$0x3], $0x4000, $0x38;
	[tilespmem:$0x8A00] =	vst v63  }
0x1b: {  	_ =	swait.ge [sflag:s10], $0x4000  }
0x1c: {  	[sflag:s10] =	ssyncset.done $0x0  }
0x1d: {  	s30 =	simm.s32 $0x100;
	[sflag:s10] =	ssyncadd.s32 $0xFFFFC000  }
0x1e: {  	[tilespmem:s12], [sflag:$0x1] =	stream.indirect.gather [hbm4b:s3+s11], $0x80, s30, s11, $0xb8;
	[tilespmem:$0x8A00] =	vst v63  }
0x1f: {  	_ =	swait.ge [sflag:s15], $0x4000  }
0x20: {  	[sflag:s15] =	ssyncset.done $0x0  }
0x21: {  	s31 =	sadd.s32 $0x0, s8;
	[sflag:s15] =	ssyncadd.s32 $0xFFFFC000  }
0x22: {  	[hbm4b:s31+s2] =	stream.linear.scatter [tilespmem:s13], [sflag:$0x3], $0x4000, $0x38;
	[tilespmem:$0x8A00] =	vst v63  }
0x23: {  	_ =	swait.ge [sflag:s10], $0x4000  }
0x24: {  	s18 =	simm.s32 $0x1000;
	[sflag:s10] =	ssyncset.done $0x0  }
0x25: {  	s19 =	simm.s32 $0x280;
	s17 =	simm.s32 $0x180;
	[sflag:s10] =	ssyncadd.s32 $0xFFFFC000  }
.LBB2_2:
0x26: {  	[tilespmem:s13], [sflag:$0x2] =	stream.indirect.gather [hbm4b:s3+s11], $0x80, s17, s11, $0xb8;
	[tilespmem:$0x8A00] =	vst v63  }
0x27: {  	s20 =	smov.u32 s18;
	s17 =	smov.u32 s19  }
0x28: {  	p0 =	sne.s32 s18, $0x8000;
	s18 =	sadd.s32 $0x1000, s18;
	_ =	swait.ge [sflag:s14], $0x4000  }
0x29: {  	[sflag:s14] =	ssyncset.done $0x0  }
0x2a: {  	s21 =	sadd.s32 s20, s9;
	[sflag:s14] =	ssyncadd.s32 $0xFFFFC000  }
0x2b: {  	[hbm4b:s21+s2] =	stream.linear.scatter [tilespmem:s12], [sflag:$0x3], $0x4000, $0x38;
	[tilespmem:$0x8A00] =	vst v63  }
0x2c: {  	_ =	swait.ge [sflag:s10], $0x4000  }
0x2d: {  	[sflag:s10] =	ssyncset.done $0x0  }
0x2e: {  	s21 =	sadd.s32 $0xFFFFFF80, s19;
	[sflag:s10] =	ssyncadd.s32 $0xFFFFC000  }
0x2f: {  	[tilespmem:s12], [sflag:$0x1] =	stream.indirect.gather [hbm4b:s3+s11], $0x80, s21, s11, $0xb8;
	[tilespmem:$0x8A00] =	vst v63  }
0x30: {  	_ =	swait.ge [sflag:s15], $0x4000  }
0x31: {  	[sflag:s15] =	ssyncset.done $0x0  }
.Ltmp0:
0x32: {  	s20 =	sadd.s32 s20, s8;
	[sflag:s15] =	ssyncadd.s32 $0xFFFFC000;
	(pc) =	sbr.rel @p0 .LBB2_2-.Ltmp0, $4  }
0x33: {  	[hbm4b:s20+s2] =	stream.linear.scatter [tilespmem:s13], [sflag:$0x3], $0x4000, $0x38;
	[tilespmem:$0x8A00] =	vst v63  }
0x34: {  	_ =	swait.ge [sflag:s10], $0x4000  }
0x35: {  	[sflag:s10] =	ssyncset.done $0x0  }
0x36: {  	s19 =	sadd.s32 $0x100, s19;
	[sflag:s10] =	ssyncadd.s32 $0xFFFFC000  }
0x37: {  	[tilespmem:s13], [sflag:$0x2] =	stream.indirect.gather [hbm4b:s3+s11], $0x80, s17, s11, $0xb8;
	[tilespmem:$0x8A00] =	vst v63  }
0x38: {  	_ =	swait.ge [sflag:s14], $0x4000  }
0x39: {  	[sflag:s14] =	ssyncset.done $0x0  }
0x3a: {  	[sflag:s14] =	ssyncadd.s32 $0xFFFFC000  }
0x3b: {  	[hbm4b:s6+s2] =	stream.linear.scatter [tilespmem:s12], [sflag:$0x3], $0x4000, $0x38;
	[tilespmem:$0x8A00] =	vst v63  }
0x3c: {  	_ =	swait.ge [sflag:s10], $0x4000  }
0x3d: {  	[sflag:s10] =	ssyncset.done $0x0  }
0x3e: {  	[sflag:s10] =	ssyncadd.s32 $0xFFFFC000  }
0x3f: {  	s16 =	sadd.s32 $0x1, s16;
	_ =	swait.ge [sflag:s15], $0x4000  }
0x40: {  	p0 =	sne.s32 s16, s5;
	[sflag:s15] =	ssyncset.done $0x0  }
.Ltmp1:
0x41: {  	[sflag:s15] =	ssyncadd.s32 $0xFFFFC000;
	(pc) =	sbr.rel @p0 .LBB2_1-.Ltmp1, $4  }
0x42: {  	[hbm4b:s7+s2] =	stream.linear.scatter [tilespmem:s13], [sflag:$0x3], $0x4000, $0x38;
	[tilespmem:$0x8A00] =	vst v63  }
0x43: {  	_ =	swait.ge [sflag:s10], $0x4000  }
0x44: {  	[sflag:s10] =	ssyncset.done $0x0  }
0x45: {  	[sflag:s10] =	ssyncadd.s32 $0xFFFFC000  }
0x46: {  	_ =	sfence.sel $0x180000  }
0x47: {  	[bflag:$0x0] =	sbarrier.arrive $0xFFFF  }
0x48: {  	p0 =	sne.s32 s0, $0x0;
	_ =	strace $0x90000056  }
0x49: {  	s0 =	sadd.s32 @!p0 $0x100000, s1;
	[bflag:$0x2] =	sbarrier.arrive $0xFFFF  }
0x4a: {  	[sflag:s0] =	ssyncadd.tile.s32 @!p0 $0x1;
	_ =	shalt  }
.Lfunc_end2:
_tile_overlayer_lowered:
.L_overlay_start_2:
0x4b: {  	(tag) =	ssettag $0x2  }
0x4c: {  	s0 =	rddreg [dreg:$0x0];
	s2 =	stileid.u32  }
0x4d: {  	s1 =	rddreg [dreg:$0x1];
	p0 =	sne.s32 s2, $0x0  }
0x4e: {  	s3 =	rddreg [dreg:$0x2];
	[bflag:$0x3] =	sbarrier.arrive $0xFFFF;
	s2 =	simm.s32 @!p0 $0x1C03  }
0x4f: {  	[timem:s3], [sflag:s2] =	dma.local @!p0 [hbm:s0], s1  }
0x50: {  	s0 =	simm.s32 @!p0 $0x3  }
0x51: {  	_ =	swait.ge @!p0 [sflag:s0], s1  }
0x52: {  	s1 =	ssub.s32 @!p0 $0x0, s1;
	[sflag:s0] =	ssyncset.done @!p0 $0x0  }
0x53: {  	[sflag:s0] =	ssyncadd.s32 @!p0 s1  }
0x54: {  	[bflag:$0x3] =	sbarrier.arrive $0xFFFF  }
0x55: {  	_ =	shalt  }

// kernel: kernel.48.cloned.1.call-start
scs
__scs_entry_jumppad:
0x0: {  	(pc) =	sbr.rel $0x88, $3  }
0x1: {  	(tag) =	ssettag $0x0;
	lr =	simm.s32 $0x1  }
0x2: {  	[smem:$0x3F90] =	sst lr;
	_ =	strace $0xD0000000  }
0x3: {  	_ = 	snop  }
0x4: {  	_ = 	snop  }
0x5: {  	_ = 	snop  }
0x6: {  	_ = 	snop  }
0x7: {  	_ = 	snop  }
__scs_overlays_trampoline_lowered:
0x8: {  	[smem:$0x3F9F] =	sst s0  }
0x9: {  	[smem:$0x3FA0] =	sst s1  }
0xa: {  	[smem:$0x3FA1] =	sst s2  }
0xb: {  	[smem:$0x3FA2] =	sst s3  }
0xc: {  	[smem:$0x3FA3] =	sst s4  }
0xd: {  	[smem:$0x3FA4] =	sst s5  }
0xe: {  	[smem:$0x3FA5] =	sst s6  }
0xf: {  	[smem:$0x3FA6] =	sst s7  }
0x10: {  	[smem:$0x3FA7] =	sst s8  }
0x11: {  	[smem:$0x3FA8] =	sst s9;
	s0 =	simm.s32 @!p0 $0x0  }
0x12: {  	s1 =	sld [smem:$0x3F8E];
	s0 =	simm.s32 @p0 $0x1  }
0x13: {  	[smem:$0x3FA9] =	sst s0;
	s0 =	simm.s32 @!p1 $0x0  }
0x14: {  	s2 =	sld [smem:$0x3F8D];
	s0 =	simm.s32 @p1 $0x1  }
0x15: {  	[smem:$0x3FAA] =	sst s0;
	s0 =	simm.s32 @!p2 $0x0  }
0x16: {  	s3 =	sld [smem:$0x3FDB];
	s0 =	simm.s32 @p2 $0x1  }
0x17: {  	s4 =	simm.s32 $0x1BF5;
	[smem:$0x3FAC] =	sst s0  }
0x18: {  	s0 =	sld [smem:$0x3F8F];
	_ =	swait.ge [sflag:s4], $0x0  }
0x19: {  	s7 =	sld [smem:$0x3F90]  }
0x1a: {  	s8 =	sadd.s32 $0xFFFFE003, lr  }
0x1b: {  	s9 =	sadd.s32 $0xFFFFFEF7, lr;
	s5 =	simm.s32 $0xFFFFFFFF;
	p2 =	slt.u32 s8, $0xFFFFF086  }
0x1c: {  	p1 =	slt.u32 s9, $0xF7A;
	s5 =	simm.s32 @!p2 $0x0  }
0x1d: {  	s5 =	simm.s32 @p1 $0x1;
	p0 =	seq.s32 s7, s2  }
0x1e: {  	s7 =	smul.u32 @!p0 $0xF7A, s2;
	p2 =	seq.s32 @!p0 s5, $0x0  }
0x1f: {  	s9 =	smul.u32 $0xF7A, s1;
	s8 =	simm.s32 @!p0 $0x1BF5;
	p2 =	por !p2, p0  }
0x20: {  	[sflag:s8] =	ssyncset.s32 @!p0 $0xFFFFF086;
	s6 =	sadd.s32 @!p0 s3, s7;
	s7 =	simm.s32 @!p0 $0x108  }
0x21: {  	s3 =	sadd.s32 s3, s9;
	s6 =	sadd.s32 @!p0 $0x88, s6;
	s7 =	simm.s32 @p2 $0x1082  }
0x22: {  	[simem:s7], [sflag:s8] =	dma.local @!p0 [hbm:s6], $0xF7A  }
0x23: {  	s9 =	sor.u32 $0xD0000000, s2;
	s6 =	simm.s32 $0x108;
	_ =	swait.ge @!p0 [sflag:s8], $0x0  }
0x24: {  	s3 =	sadd.s32 $0x88, s3;
	s6 =	simm.s32 @!p1 $0x1082;
	[sflag:s4] =	ssyncset.s32 $0xFFFFF086  }
0x25: {  	[simem:s6], [sflag:s4] =	dma.local [hbm:s3], $0xF7A  }
0x26: {  	[smem:$0x3F90] =	sst s1;
	(tag) =	ssettag s2;
	_ =	strace s9  }
0x27: {  	s1 =	sld [smem:$0x3FA0]  }
0x28: {  	s2 =	sld [smem:$0x3FA1]  }
0x29: {  	s4 =	sld [smem:$0x3FA3]  }
0x2a: {  	p0 =	seq.s32 s5, $0x0;
	s5 =	sld [smem:$0x3FA4]  }
0x2b: {  	s6 =	sld [smem:$0x3FA5]  }
0x2c: {  	s7 =	sld [smem:$0x3FA6]  }
0x2d: {  	s3 =	simm.s32 $0x108;
	s8 =	sld [smem:$0x3FA7]  }
0x2e: {  	s3 =	simm.s32 @!p0 $0x1082;
	s9 =	sld [smem:$0x3FA8]  }
0x2f: {  	lr =	sadd.s32 s0, s3;
	s0 =	sld [smem:$0x3F9F]  }
0x30: {  	s3 =	sld [smem:$0x3FA2]  }
0x31: {  	[smem:$0x3FAB] =	sst s10  }
0x32: {  	s10 =	sld [smem:$0x3FA9];
	_ =	sdelay $0x3  }
0x33: {  	p0 =	seq.s32 s10, $0x1;
	s10 =	sld [smem:$0x3FAB];
	_ =	sdelay $0x3  }
0x34: {  	[smem:$0x3FAB] =	sst s10  }
0x35: {  	s10 =	sld [smem:$0x3FAA];
	_ =	sdelay $0x3  }
0x36: {  	p1 =	seq.s32 s10, $0x1;
	s10 =	sld [smem:$0x3FAB];
	_ =	sdelay $0x3  }
0x37: {  	[smem:$0x3FAB] =	sst s10  }
0x38: {  	s10 =	sld [smem:$0x3FAC]  }
0x39: {  	_ = 	snop;
	(pc) =	sbr.ind lr, $3  }
0x3a: {  	_ = 	snop  }
0x3b: {  	_ = 	snop  }
0x3c: {  	p2 =	seq.s32 s10, $0x1;
	s10 =	sld [smem:$0x3FAB]  }
0x3d: {  	_ =	shalt  }
0x3e: {  	_ =	shalt  }
0x3f: {  	_ =	shalt  }
0x40: {  	_ =	shalt  }
0x41: {  	_ =	shalt  }
0x42: {  	_ =	shalt  }
0x43: {  	_ =	shalt  }
0x44: {  	_ =	shalt  }
0x45: {  	_ =	shalt  }
0x46: {  	_ =	shalt  }
0x47: {  	_ =	shalt  }
0x48: {  	_ =	shalt  }
0x49: {  	_ =	shalt  }
0x4a: {  	_ =	shalt  }
0x4b: {  	_ =	shalt  }
0x4c: {  	_ =	shalt  }
0x4d: {  	_ =	shalt  }
0x4e: {  	_ =	shalt  }
0x4f: {  	_ =	shalt  }
0x50: {  	_ =	shalt  }
0x51: {  	_ =	shalt  }
0x52: {  	_ =	shalt  }
0x53: {  	_ =	shalt  }
0x54: {  	_ =	shalt  }
0x55: {  	_ =	shalt  }
0x56: {  	_ =	shalt  }
0x57: {  	_ =	shalt  }
0x58: {  	_ =	shalt  }
0x59: {  	_ =	shalt  }
0x5a: {  	_ =	shalt  }
0x5b: {  	_ =	shalt  }
0x5c: {  	_ =	shalt  }
0x5d: {  	_ =	shalt  }
0x5e: {  	_ =	shalt  }
0x5f: {  	_ =	shalt  }
0x60: {  	_ =	shalt  }
0x61: {  	_ =	shalt  }
0x62: {  	_ =	shalt  }
0x63: {  	_ =	shalt  }
0x64: {  	_ =	shalt  }
0x65: {  	_ =	shalt  }
0x66: {  	_ =	shalt  }
0x67: {  	_ =	shalt  }
0x68: {  	_ =	shalt  }
0x69: {  	_ =	shalt  }
0x6a: {  	_ =	shalt  }
0x6b: {  	_ =	shalt  }
0x6c: {  	_ =	shalt  }
0x6d: {  	_ =	shalt  }
0x6e: {  	_ =	shalt  }
0x6f: {  	_ =	shalt  }
0x70: {  	_ =	shalt  }
0x71: {  	_ =	shalt  }
0x72: {  	_ =	shalt  }
0x73: {  	_ =	shalt  }
0x74: {  	_ =	shalt  }
0x75: {  	_ =	shalt  }
0x76: {  	_ =	shalt  }
0x77: {  	_ =	shalt  }
0x78: {  	_ =	shalt  }
0x79: {  	_ =	shalt  }
0x7a: {  	_ =	shalt  }
0x7b: {  	_ =	shalt  }
0x7c: {  	_ =	shalt  }
0x7d: {  	_ =	shalt  }
0x7e: {  	_ =	shalt  }
0x7f: {  	_ =	shalt  }
0x80: {  	_ =	shalt  }
0x81: {  	_ =	shalt  }
0x82: {  	_ =	shalt  }
0x83: {  	_ =	shalt  }
0x84: {  	_ =	shalt  }
0x85: {  	_ =	shalt  }
0x86: {  	_ =	shalt  }
0x87: {  	_ =	shalt  }
.Lfunc_end0:
.L_simem_size_0:
called_computation.7_lowered:
.L_overlay_start_0:
0x88: {  	s2 =	sld [smem:$0x3FD9]  }
0x89: {  	s3 =	sld [smem:$0x3FFE];
	_ =	sdelay $0x1  }
0x8a: {  	s1 =	srdreg.scid  }
0x8b: {  	s0 =	sand.u32 $0x1, s1  }
0x8c: {  	s17 =	sshll.u32 s0, $0xA;
	s2 =	sadd.s32 s3, s2  }
0x8d: {  	s2 =	sadd.s32 s2, s17  }
0x8e: {  	[smem:$0x3FB7] =	sst s2  }
0x8f: {  	_ = 	snop  }
0x90: {  	(tm) =	ssettm $0x1  }
0x91: {  	s18 =	sld [smem:$0x3FFB];
	_ =	sdelay $0x3  }
0x92: {  	_ =	strace s18  }
0x93: {  	s2 =	sld [smem:$0x3FFC];
	_ =	sdelay $0x3  }
0x94: {  	_ =	strace s2  }
0x95: {  	s2 =	sld [smem:$0x3FFD];
	_ =	sdelay $0x3  }
0x96: {  	_ =	strace s2  }
0x97: {  	_ =	strace $0x8FFFFFFF  }
0x98: {  	s19 =	sld [smem:$0x3FDB];
	_ =	sdelay $0x1  }
0x99: {  	s20 =	simm.s32 $_scs_section_size  }
0x9a: {  	s4 =	simm.s32 $_size__tile_overlayer_lowered;
	s5 =	simm.s32 $_tile_overlayer_lowered  }
0x9b: {  	s6 =	simm.s32 $0x1BFF;
	s21 =	sshll.u32 s5, $0x1;
	s3 =	sadd.s32 s20, s19  }
0x9c: {  	s22 =	simm.s32 $0x0;
	s4 =	sshll.u32 s4, $0x1;
	s5 =	sadd.s32 s21, s3  }
0x9d: {  	[timem:s22], [sflag:s6] =	dma.local [hbm:s5], s4  }
0x9e: {  	_ =	swait.ge [sflag:s6], s4  }
0x9f: {  	s4 =	ssub.s32 $0x0, s4;
	[sflag:s6] =	ssyncset.done $0x0  }
0xa0: {  	[sflag:s6] =	ssyncadd.s32 s4;
	_ =	sdelay $0x1  }
0xa1: {  	s23 =	simm.s32 $0x1B8B  }
0xa2: {  	_ =	swait.ge [sflag:s23], $0x1  }
0xa3: {  	[sflag:s23] =	ssyncset.done $0x0  }
0xa4: {  	[sflag:s23] =	ssyncadd.s32 $0xFFFFFFFF  }
0xa5: {  	s4 =	sld [smem:$0x0]  }
0xa6: {  	s5 =	sand.u32 $0xFFFFFFFE, s1  }
0xa7: {  	p0 =	sne.s32 s1, s5  }
0xa8: {  	s5 =	sshll.u32 @p0 s5, $0xE  }
0xa9: {  	s5 =	sadd.s32 @p0 $0x11B8D, s5;
	s6 =	sshll.u32 @p0 s4, $0x11  }
0xaa: {  	s5 =	sor.u32 @p0 s6, s5  }
0xab: {  	[sflag:s5] =	ssyncadd.remote.s32 @p0 $0x1;
	_ =	sdelay $0x1  }
0xac: {  	s5 =	simm.s32 @p0 $0x1B8D  }
0xad: {  	_ =	swait.eq @p0 [sflag:s5], $0x1  }
0xae: {  	[sflag:s5] =	ssyncadd.s32 @p0 $0xFFFFFFFF  }
0xaf: {  	s6 =	sshll.u32 @!p0 s1, $0xE  }
0xb0: {  	s6 =	sor.u32 @!p0 $0x4000, s6;
	s5 =	simm.s32 @!p0 $0x1B8D  }
0xb1: {  	s4 =	sshll.u32 @!p0 s4, $0x11;
	s6 =	sadd.s32 @!p0 $0x11B8D, s6;
	_ =	swait.eq @!p0 [sflag:s5], $0x1  }
0xb2: {  	s4 =	sor.u32 @!p0 s4, s6;
	[sflag:s5] =	ssyncadd.s32 @!p0 $0xFFFFFFFF  }
0xb3: {  	s25 =	simm.s32 $0x1B8E;
	s24 =	sld [smem:$0x3FFE];
	[sflag:s4] =	ssyncadd.remote.s32 @!p0 $0x1  }
0xb4: {  	s26 =	simm.s32 $execute0_lowered;
	[smem:$0x3FD2] =	sst s25  }
0xb5: {  	s5 =	sshll.u32 s26, $0x1;
	_ =	strace $0x8000005B;
	[dreg:$0x1] =	wrdreg $0xFFFFFFFF  }
0xb6: {  	s28 =	simm.s32 $_size_execute0_lowered;
	s3 =	sadd.s32 s3, s5;
	[dreg:$0x0] =	wrdreg $0x0  }
0xb7: {  	s5 =	sshll.u32 s28, $0x1;
	[dreg:$0x2] =	wrdreg s3  }
0xb8: {  	[dreg:$0x3] =	wrdreg s5  }
0xb9: {  	[dreg:$0x4] =	wrdreg $0xC0  }
0xba: {  	_ =	task [dreg:s22], $0x5FFFF  }
0xbb: {  	[dreg:$0x1] =	wrdreg $0xFFFFFFFF  }
0xbc: {  	[dreg:$0x0] =	wrdreg $0x60  }
0xbd: {  	[dreg:$0x2] =	wrdreg s24  }
0xbe: {  	[dreg:$0x3] =	wrdreg $0xA  }
0xbf: {  	_ =	task.clear_ibuf [dreg:s22], $0x4FFFF;
	_ =	strace $0x9000005B  }
0xc0: {  	s29 =	simm.s32 $0xA;
	_ =	strace $0x8000005D  }
0xc1: {  	_ =	swait.ge [sflag:s29], $0x1  }
0xc2: {  	[sflag:s29] =	ssyncadd.s32 $0xFFFFFFFF  }
0xc3: {  	_ =	strace $0x9000005D  }
0xc4: {  	_ =	sfence  }
0xc5: {  	s30 =	sld [smem:$0x0];
	_ =	sdelay $0x2  }
0xc6: {  	s31 =	sshll.u32 s1, $0xD;
	s1 =	sshrl.u32 s1, $0x2  }
0xc7: {  	s4 =	sand.u32 $0x4000, s31;
	s1 =	sadd.s32 s1, s30  }
0xc8: {  	s0 =	sor.u32 s4, s0;
	s1 =	sshll.u32 s1, $0x11  }
0xc9: {  	s0 =	sor.u32 s1, s0  }
0xca: {  	s0 =	sadd.s32 $0x8F2B, s0  }
0xcb: {  	[sflag:s0] =	ssyncadd.remote.s32 $0x1  }
0xcc: {  	_ =	sfence.sel $0xFFFF  }
0xcd: {  	[dreg:$0x0] =	wrdreg $0xFFFFFFFF;
	(pc) =	sbr.abs _section_cstart, $3  }
0xce: {  	[dreg:$0x1] =	wrdreg $0xFFFFFFFF  }
0xcf: {  	_ =	task.clear_ibuf [dreg:s22], $0x2FFFF;
	_ =	strace $0x9FFFFFFF  }
0xd0: {  	(tm) =	ssettm $0x7FFFFFFF  }
0xd1: {  	_ =	shalt  }
tec
execute0_lowered:
.L_overlay_start_1:
0x0: {  	(tag) =	ssettag $0x1  }
0x1: {  	s1 =	srdreg.scid  }
0x2: {  	s0 =	stileid.u32;
	s4 =	rddreg [dreg:$0x0];
	s2 =	simm.s32 $0x0  }
0x3: {  	s14 =	simm.s32 $0x1;
	s15 =	simm.s32 $0x2;
	s12 =	smul.u32 $0x14000, s0  }
0x4: {  	s16 =	simm.s32 $0x0;
	s7 =	sand.u32 $0x1, s1;
	s24 =	smul.u32 $0xA0000, s0  }
0x5: {  	s3 =	sshll.u32 s0, $0x1;
	s1 =	rddreg [dreg:$0x1];
	s26 =	smul.u32 $0x50000, s7  }
0x6: {  	[smem:$0x7FF] =	sst s2;
	s5 =	sor.u32 s7, s3;
	s13 =	smul.u32 $0xA000, s7  }
0x7: {  	s11 =	sadd.s32 $0x49A00, s4;
	_ =	strace $0x8000005C;
	s6 =	smul.u32 $0x140, s5  }
0x8: {  	s3 =	sadd.s32 $0x37200, s4;
	s9 =	ssub.s32 $0x2, s7;
	s8 =	smul.u32 $0x50000, s5  }
0x9: {  	s10 =	smul.u32 $0xA000, s5;
	s22 =	sshrl.u32 s9, $0x1;
	s29 =	sadd.s32 s12, s11  }
0xa: {  	s12 =	simm.s32 $0xA00;
	s23 =	ssub.s32 s9, s22;
	s30 =	sadd.s32 s13, s29  }
0xb: {  	s13 =	simm.s32 $0x4A00;
	s6 =	sadd.s32 s6, s4;
	s8 =	sshrl.u32 s8, $0x3  }
0xc: {  	s5 =	smax.u32 s23, $0x1;
	s28 =	sadd.s32 s10, s11;
	s10 =	simm.s32 $0x3  }
0xd: {  	s4 =	sadd.s32 $0x47200, s6;
	s25 =	sadd.s32 s11, s8;
	s8 =	sadd.s32 s26, s24  }
0xe: {  	s7 =	sadd.s32 $0x9800, s28;
	s6 =	sadd.s32 $0x9000, s25;
	s31 =	sshrl.u32 s8, $0x3  }
0xf: {  	s8 =	sadd.s32 $0x800, s30;
	s9 =	sadd.s32 s31, s11;
	s11 =	simm.s32 $0x80  }
.LBB2_1:
0x10: {  	[tilespmem:s2], [sflag:$0x3] =	stream.linear.gather [hbm4b:s4+s2], $0xA00, $0x38;
	[tilespmem:$0x8A00] =	vst v63  }
0x11: {  	_ =	swait.ge [sflag:s10], $0xA00  }
0x12: {  	[sflag:s10] =	ssyncset.done $0x0  }
0x13: {  	[sflag:s10] =	ssyncadd.s32 $0xFFFFF600  }
0x14: {  	[tilespmem:s12], [sflag:$0x1] =	stream.indirect.gather [hbm4b:s3+s11], $0x80, s2, s11, $0xb8;
	[tilespmem:$0x8A00] =	vst v63  }
0x15: {  	_ = 	snop  }
0x16: {  	[tilespmem:s13], [sflag:$0x2] =	stream.indirect.gather [hbm4b:s3+s11], $0x80, s11, s11, $0xb8;
	[tilespmem:$0x8A00] =	vst v63  }
0x17: {  	_ =	swait.ge [sflag:s14], $0x4000  }
0x18: {  	[sflag:s14] =	ssyncset.done $0x0  }
0x19: {  	s17 =	sadd.s32 $0x0, s9;
	[sflag:s14] =	ssyncadd.s32 $0xFFFFC000  }
0x1a: {  	[hbm4b:s17+s2] =	stream.linear.scatter [tilespmem:s12], [sflag:$0x3], $0x4000, $0x38;
	[tilespmem:$0x8A00] =	vst v63  }
0x1b: {  	_ =	swait.ge [sflag:s10], $0x4000  }
0x1c: {  	[sflag:s10] =	ssyncset.done $0x0  }
0x1d: {  	s30 =	simm.s32 $0x100;
	[sflag:s10] =	ssyncadd.s32 $0xFFFFC000  }
0x1e: {  	[tilespmem:s12], [sflag:$0x1] =	stream.indirect.gather [hbm4b:s3+s11], $0x80, s30, s11, $0xb8;
	[tilespmem:$0x8A00] =	vst v63  }
0x1f: {  	_ =	swait.ge [sflag:s15], $0x4000  }
0x20: {  	[sflag:s15] =	ssyncset.done $0x0  }
0x21: {  	s31 =	sadd.s32 $0x0, s8;
	[sflag:s15] =	ssyncadd.s32 $0xFFFFC000  }
0x22: {  	[hbm4b:s31+s2] =	stream.linear.scatter [tilespmem:s13], [sflag:$0x3], $0x4000, $0x38;
	[tilespmem:$0x8A00] =	vst v63  }
0x23: {  	_ =	swait.ge [sflag:s10], $0x4000  }
0x24: {  	s18 =	simm.s32 $0x1000;
	[sflag:s10] =	ssyncset.done $0x0  }
0x25: {  	s19 =	simm.s32 $0x280;
	s17 =	simm.s32 $0x180;
	[sflag:s10] =	ssyncadd.s32 $0xFFFFC000  }
.LBB2_2:
0x26: {  	[tilespmem:s13], [sflag:$0x2] =	stream.indirect.gather [hbm4b:s3+s11], $0x80, s17, s11, $0xb8;
	[tilespmem:$0x8A00] =	vst v63  }
0x27: {  	s20 =	smov.u32 s18;
	s17 =	smov.u32 s19  }
0x28: {  	p0 =	sne.s32 s18, $0x8000;
	s18 =	sadd.s32 $0x1000, s18;
	_ =	swait.ge [sflag:s14], $0x4000  }
0x29: {  	[sflag:s14] =	ssyncset.done $0x0  }
0x2a: {  	s21 =	sadd.s32 s20, s9;
	[sflag:s14] =	ssyncadd.s32 $0xFFFFC000  }
0x2b: {  	[hbm4b:s21+s2] =	stream.linear.scatter [tilespmem:s12], [sflag:$0x3], $0x4000, $0x38;
	[tilespmem:$0x8A00] =	vst v63  }
0x2c: {  	_ =	swait.ge [sflag:s10], $0x4000  }
0x2d: {  	[sflag:s10] =	ssyncset.done $0x0  }
0x2e: {  	s21 =	sadd.s32 $0xFFFFFF80, s19;
	[sflag:s10] =	ssyncadd.s32 $0xFFFFC000  }
0x2f: {  	[tilespmem:s12], [sflag:$0x1] =	stream.indirect.gather [hbm4b:s3+s11], $0x80, s21, s11, $0xb8;
	[tilespmem:$0x8A00] =	vst v63  }
0x30: {  	_ =	swait.ge [sflag:s15], $0x4000  }
0x31: {  	[sflag:s15] =	ssyncset.done $0x0  }
.Ltmp0:
0x32: {  	s20 =	sadd.s32 s20, s8;
	[sflag:s15] =	ssyncadd.s32 $0xFFFFC000;
	(pc) =	sbr.rel @p0 .LBB2_2-.Ltmp0, $4  }
0x33: {  	[hbm4b:s20+s2] =	stream.linear.scatter [tilespmem:s13], [sflag:$0x3], $0x4000, $0x38;
	[tilespmem:$0x8A00] =	vst v63  }
0x34: {  	_ =	swait.ge [sflag:s10], $0x4000  }
0x35: {  	[sflag:s10] =	ssyncset.done $0x0  }
0x36: {  	s19 =	sadd.s32 $0x100, s19;
	[sflag:s10] =	ssyncadd.s32 $0xFFFFC000  }
0x37: {  	[tilespmem:s13], [sflag:$0x2] =	stream.indirect.gather [hbm4b:s3+s11], $0x80, s17, s11, $0xb8;
	[tilespmem:$0x8A00] =	vst v63  }
0x38: {  	_ =	swait.ge [sflag:s14], $0x4000  }
0x39: {  	[sflag:s14] =	ssyncset.done $0x0  }
0x3a: {  	[sflag:s14] =	ssyncadd.s32 $0xFFFFC000  }
0x3b: {  	[hbm4b:s6+s2] =	stream.linear.scatter [tilespmem:s12], [sflag:$0x3], $0x4000, $0x38;
	[tilespmem:$0x8A00] =	vst v63  }
0x3c: {  	_ =	swait.ge [sflag:s10], $0x4000  }
0x3d: {  	[sflag:s10] =	ssyncset.done $0x0  }
0x3e: {  	[sflag:s10] =	ssyncadd.s32 $0xFFFFC000  }
0x3f: {  	s16 =	sadd.s32 $0x1, s16;
	_ =	swait.ge [sflag:s15], $0x4000  }
0x40: {  	p0 =	sne.s32 s16, s5;
	[sflag:s15] =	ssyncset.done $0x0  }
.Ltmp1:
0x41: {  	[sflag:s15] =	ssyncadd.s32 $0xFFFFC000;
	(pc) =	sbr.rel @p0 .LBB2_1-.Ltmp1, $4  }
0x42: {  	[hbm4b:s7+s2] =	stream.linear.scatter [tilespmem:s13], [sflag:$0x3], $0x4000, $0x38;
	[tilespmem:$0x8A00] =	vst v63  }
0x43: {  	_ =	swait.ge [sflag:s10], $0x4000  }
0x44: {  	[sflag:s10] =	ssyncset.done $0x0  }
0x45: {  	[sflag:s10] =	ssyncadd.s32 $0xFFFFC000  }
0x46: {  	_ =	sfence.sel $0x180000  }
0x47: {  	[bflag:$0x0] =	sbarrier.arrive $0xFFFF  }
0x48: {  	p0 =	sne.s32 s0, $0x0;
	_ =	strace $0x9000005C  }
0x49: {  	s0 =	sadd.s32 @!p0 $0x100000, s1;
	[bflag:$0x2] =	sbarrier.arrive $0xFFFF  }
0x4a: {  	[sflag:s0] =	ssyncadd.tile.s32 @!p0 $0x1;
	_ =	shalt  }
.Lfunc_end2:
_tile_overlayer_lowered:
.L_overlay_start_2:
0x4b: {  	(tag) =	ssettag $0x2  }
0x4c: {  	s0 =	rddreg [dreg:$0x0];
	s2 =	stileid.u32  }
0x4d: {  	s1 =	rddreg [dreg:$0x1];
	p0 =	sne.s32 s2, $0x0  }
0x4e: {  	s3 =	rddreg [dreg:$0x2];
	[bflag:$0x3] =	sbarrier.arrive $0xFFFF;
	s2 =	simm.s32 @!p0 $0x1C03  }
0x4f: {  	[timem:s3], [sflag:s2] =	dma.local @!p0 [hbm:s0], s1  }
0x50: {  	s0 =	simm.s32 @!p0 $0x3  }
0x51: {  	_ =	swait.ge @!p0 [sflag:s0], s1  }
0x52: {  	s1 =	ssub.s32 @!p0 $0x0, s1;
	[sflag:s0] =	ssyncset.done @!p0 $0x0  }
0x53: {  	[sflag:s0] =	ssyncadd.s32 @!p0 s1  }
0x54: {  	[bflag:$0x3] =	sbarrier.arrive $0xFFFF  }
0x55: {  	_ =	shalt  }

</sc_bundles>
